<compile_context>
chip_gen: v7x
topology: tpu7x:2x2x1
jax: 0.10.2.dev20260603
libtpu: 0.0.44.dev20260713+nightly
codegen_flags: <defaults>
</compile_context>

<pallas_src>
import functools

import jax
import jax.numpy as jnp
from jax import lax
from jax.experimental import pallas as pl
from jax.experimental.pallas import tpu as pltpu
from jax.experimental.pallas import tpu_sc as plsc

H = 512
HW = H // 2
NV = 6
NT = NV * NV * NV
NC = 2
NS = 16
NW = NC * NS
B = 16
XW = 16
MSK = -65536


def _sc_encode(x_pad, t012_pk, t345_pk):
    n = x_pad.shape[0] // XW
    nchunks = n // B
    rem = nchunks % NW
    pairs = (nchunks // NW + (1 if rem else 0) + 1) // 2
    mesh = plsc.VectorSubcoreMesh(
        core_axis_name="c", subcore_axis_name="s", num_cores=NC, num_subcores=NS
    )

    @functools.partial(
        pl.kernel,
        out_type=jax.ShapeDtypeStruct((n, H), jnp.float32),
        mesh=mesh,
        scratch_types=[
            pltpu.VMEM((B * XW,), jnp.int32),
            pltpu.VMEM((B * XW,), jnp.int32),
            pltpu.VMEM((NT * HW,), jnp.int32),
            pltpu.VMEM((NT * HW,), jnp.int32),
            pltpu.VMEM((B, H), jnp.float32),
            pltpu.VMEM((B, H), jnp.float32),
            pltpu.SemaphoreType.DMA,
            pltpu.SemaphoreType.DMA,
            pltpu.SemaphoreType.DMA,
            pltpu.SemaphoreType.DMA,
        ],
    )
    def k(x_hbm, ta_hbm, tb_hbm, out_hbm,
          xs0, xs1, ta, tb, ob0, ob1, xm0, xm1, om0, om1):
        cid = lax.axis_index("c")
        sid = lax.axis_index("s")
        wid = sid * NC + cid
        nct = jnp.where(wid < rem, nchunks // NW + 1, nchunks // NW)

        pltpu.sync_copy(ta_hbm, ta)
        pltpu.sync_copy(tb_hbm, tb)

        def xslice(t):
            return x_hbm.at[pl.ds(((t * NW + wid) * B) * XW, B * XW)]

        def oslice(t):
            return out_hbm.at[pl.ds((t * NW + wid) * B, B), :]

        pltpu.async_copy(xslice(0), xs0, xm0)
        pltpu.async_copy(xslice(1), xs1, xm1)

        def compute(xs, obuf):
            @plsc.parallel_loop(0, B, unroll=2)
            def _sample(si):
                v = xs[pl.ds(si * XW, 16)]
                p012 = ((v[0] * NV + v[1]) * NV + v[2]) * HW
                p345 = ((v[3] * NV + v[4]) * NV + v[5]) * HW
                for j in range(HW // 16):
                    w0 = ta[pl.ds(p012 + j * 16, 16)]
                    w1 = tb[pl.ds(p345 + j * 16, 16)]
                    bc = lambda z: jax.lax.bitcast_convert_type(z, jnp.float32)
                    lo = bc(w0 << 16) + bc(w1 << 16)
                    hi = bc(w0 & MSK) + bc(w1 & MSK)
                    obuf[si, pl.ds(j * 32, 16)] = lo
                    obuf[si, pl.ds(j * 32 + 16, 16)] = hi

        def half(t2, t, xs, obuf, xm, om):
            @pl.when(t < nct)
            def _():
                pltpu.make_async_copy(xslice(t), xs, xm).wait()

                @pl.when(t2 > 0)
                def _():
                    pltpu.make_async_copy(obuf, oslice(t), om).wait()

                compute(xs, obuf)
                pltpu.async_copy(obuf, oslice(t), om)

                @pl.when(t + 2 < nct)
                def _():
                    pltpu.async_copy(xslice(t + 2), xs, xm)

        @pl.loop(0, pairs)
        def _pair(t2):
            half(t2, 2 * t2, xs0, ob0, xm0, om0)
            half(t2, 2 * t2 + 1, xs1, ob1, xm1, om1)

        pltpu.make_async_copy(ob0, oslice(0), om0).wait()
        pltpu.make_async_copy(ob1, oslice(1), om1).wait()

    return k(x_pad, t012_pk, t345_pk)


def _pack_bf16_words(t):
    u = jax.lax.bitcast_convert_type(t, jnp.uint32)
    rne = (u + 0x7FFF + ((u >> 16) & 1)) >> 16
    g = rne.reshape(t.shape[0], HW // 16, 2, 16)
    w = g[:, :, 0, :] | (g[:, :, 1, :] << 16)
    return jax.lax.bitcast_convert_type(w.reshape(-1), jnp.int32)


@jax.jit
def kernel(x, emb):
    if x.ndim == 1:
        x = x[:, None]
    n = x.shape[0]
    assert n % (2 * B) == 0 and n // B >= 2 * NW
    x_pad = jnp.zeros((n, XW), jnp.int32).at[:, : x.shape[1]].set(x).reshape(-1)
    t012 = (
        emb[0][:, None, None] + emb[1][None, :, None] + emb[2][None, None, :]
    ).reshape(NT, H)
    t345 = (
        emb[3][:, None, None] + emb[4][None, :, None] + emb[5][None, None, :]
    ).reshape(NT, H)
    return _sc_encode(x_pad, _pack_bf16_words(t012), _pack_bf16_words(t345))

# --- scband reference (transcript-rebuilt; emitter-appended) ---
"""Pipeline reference for scband-discrete-encoder-53644141527053 (READ-ONLY COPY).

The authoritative reference and input builder live on the scoring server;
editing this copy changes nothing except your own understanding.
"""

import jax, jax.numpy as jnp
import numpy as np

N = 100000
NUM_FEATURES = 6
NUM_VALUES = 6
HIDDEN = 512


def setup_inputs(seed: int = 0) -> dict:
    key = jax.random.key(seed)
    kx, ke = jax.random.split(key)
    x = jax.random.randint(kx, (N, NUM_FEATURES), 0, NUM_VALUES, dtype=jnp.int32)
    # One embedding table per feature, stacked: [num_features, num_values, hidden]
    emb = jax.random.normal(ke, (NUM_FEATURES, NUM_VALUES, HIDDEN), dtype=jnp.float32)
    return {"x": x, "emb": emb}


def reference(x, emb):
    # Faithful translation of DiscreteEncoder.forward:
    # out = sum_i embeddings[i](x[:, i])
    if x.ndim == 1:
        x = x[:, None]
    out = jnp.zeros((x.shape[0], HIDDEN), dtype=jnp.float32)
    for i in range(x.shape[1]):
        out = out + jnp.take(emb[i], x[:, i], axis=0)
    return out

if __name__ == "__main__":
    import jax
    _d = setup_inputs()
    print(jax.jit(kernel)(*tuple(_d.values())))

</pallas_src>

<mosaic_0001>
#map = affine_map<(d0, d1) -> (0)>
#map1 = affine_map<(d0, d1) -> (0, 0)>
module attributes {stable_mosaic.version = 14 : i64} {
  func.func @k(%arg0: i32, %arg1: i32, %arg2: memref<1600000xi32, #tpu.memory_space<hbm>>, %arg3: memref<55296xi32, #tpu.memory_space<hbm>>, %arg4: memref<55296xi32, #tpu.memory_space<hbm>>, %arg5: memref<100000x512xf32, #tpu.memory_space<hbm>>, %arg6: memref<256xi32, #tpu.memory_space<vmem>>, %arg7: memref<256xi32, #tpu.memory_space<vmem>>, %arg8: memref<55296xi32, #tpu.memory_space<vmem>>, %arg9: memref<55296xi32, #tpu.memory_space<vmem>>, %arg10: memref<16x512xf32, #tpu.memory_space<vmem>>, %arg11: memref<16x512xf32, #tpu.memory_space<vmem>>, %arg12: memref<!tpu.dma_semaphore, #tpu.memory_space<semaphore_mem>>, %arg13: memref<!tpu.dma_semaphore, #tpu.memory_space<semaphore_mem>>, %arg14: memref<!tpu.dma_semaphore, #tpu.memory_space<semaphore_mem>>, %arg15: memref<!tpu.dma_semaphore, #tpu.memory_space<semaphore_mem>>) attributes {dimension_semantics = [#tpu.dimension_semantics<core_parallel>, #tpu.dimension_semantics<subcore_parallel>], iteration_bounds = array<i64: 2, 16>, scalar_prefetch = 0 : i64, scratch_operands = 10 : i64, tpu.core_type = #tpu.core_type<sc_vector_subcore>, window_params = [{transform_indices = #map}, {transform_indices = #map}, {transform_indices = #map}, {transform_indices = #map1}]} {
    %mul3A = arith.constant 2 : i32
    %mul3A_0 = arith.muli %arg1, %mul3A : i32
    %add3A = arith.addi %mul3A_0, %arg0 : i32
    %lt3A = arith.constant 10 : i32
    %lt3A_1 = arith.cmpi slt, %add3A, %lt3A : i32
    %jit3A = arith.constant 196 : i32
    %jit3A_2 = arith.constant 195 : i32
    %select_n3A = arith.select %lt3A_1, %jit3A, %jit3A_2 : i32
    "tpu.region"() ({
      %run_scoped3A = tpu.sem_alloc : memref<!tpu.dma_semaphore, #tpu.memory_space<semaphore_mem>>
      tpu.enqueue_dma source(%arg3 : memref<55296xi32, #tpu.memory_space<hbm>>) target(%arg8 : memref<55296xi32, #tpu.memory_space<vmem>>) target_semaphore(%run_scoped3A : memref<!tpu.dma_semaphore, #tpu.memory_space<semaphore_mem>>)
      tpu.wait_dma2 semaphore(%run_scoped3A : memref<!tpu.dma_semaphore, #tpu.memory_space<semaphore_mem>>) src(%arg3 : memref<55296xi32, #tpu.memory_space<hbm>>) dst(%arg8 : memref<55296xi32, #tpu.memory_space<vmem>>)
      tpu.yield
    }) : () -> ()
    "tpu.region"() ({
      %run_scoped3A = tpu.sem_alloc : memref<!tpu.dma_semaphore, #tpu.memory_space<semaphore_mem>>
      tpu.enqueue_dma source(%arg4 : memref<55296xi32, #tpu.memory_space<hbm>>) target(%arg9 : memref<55296xi32, #tpu.memory_space<vmem>>) target_semaphore(%run_scoped3A : memref<!tpu.dma_semaphore, #tpu.memory_space<semaphore_mem>>)
      tpu.wait_dma2 semaphore(%run_scoped3A : memref<!tpu.dma_semaphore, #tpu.memory_space<semaphore_mem>>) src(%arg4 : memref<55296xi32, #tpu.memory_space<hbm>>) dst(%arg9 : memref<55296xi32, #tpu.memory_space<vmem>>)
      tpu.yield
    }) : () -> ()
    %add3A_3 = arith.constant 0 : i32
    %add3A_4 = arith.addi %add3A_3, %add3A : i32
    %mul3A_5 = arith.constant 16 : i32
    %mul3A_6 = arith.muli %add3A_4, %mul3A_5 : i32
    %mul3A_7 = arith.constant 16 : i32
    %mul3A_8 = arith.muli %mul3A_6, %mul3A_7 : i32
    %dma_start3A = tpu.memref_slice %arg2[%mul3A_8] : memref<1600000xi32, #tpu.memory_space<hbm>> -> memref<256xi32, #tpu.memory_space<hbm>>
    %dma_start3A_9 = tpu.memref_slice %arg2[%mul3A_8] : memref<1600000xi32, #tpu.memory_space<hbm>> -> memref<256xi32, #tpu.memory_space<hbm>>
    tpu.enqueue_dma source(%dma_start3A_9 : memref<256xi32, #tpu.memory_space<hbm>>) target(%arg6 : memref<256xi32, #tpu.memory_space<vmem>>) target_semaphore(%arg12 : memref<!tpu.dma_semaphore, #tpu.memory_space<semaphore_mem>>)
    %add3A_10 = arith.constant 32 : i32
    %add3A_11 = arith.addi %add3A_10, %add3A : i32
    %mul3A_12 = arith.constant 16 : i32
    %mul3A_13 = arith.muli %add3A_11, %mul3A_12 : i32
    %mul3A_14 = arith.constant 16 : i32
    %mul3A_15 = arith.muli %mul3A_13, %mul3A_14 : i32
    %dma_start3A_16 = tpu.memref_slice %arg2[%mul3A_15] : memref<1600000xi32, #tpu.memory_space<hbm>> -> memref<256xi32, #tpu.memory_space<hbm>>
    %dma_start3A_17 = tpu.memref_slice %arg2[%mul3A_15] : memref<1600000xi32, #tpu.memory_space<hbm>> -> memref<256xi32, #tpu.memory_space<hbm>>
    tpu.enqueue_dma source(%dma_start3A_17 : memref<256xi32, #tpu.memory_space<hbm>>) target(%arg7 : memref<256xi32, #tpu.memory_space<vmem>>) target_semaphore(%arg13 : memref<!tpu.dma_semaphore, #tpu.memory_space<semaphore_mem>>)
    %scan3A = arith.constant 0 : i32
    %scan3A_18 = arith.constant 98 : i32
    %scan3A_19 = arith.addi %scan3A, %scan3A_18 : i32
    %scan3A_20 = arith.constant 1 : i32
    scf.for %scan3A_37 = %scan3A to %scan3A_19 step %scan3A_20  : i32 {
      %mul3A_38 = arith.constant 1 : i32
      %mul3A_39 = arith.muli %scan3A_37, %mul3A_38 : i32
      %add3A_40 = arith.constant 0 : i32
      %add3A_41 = arith.addi %add3A_40, %mul3A_39 : i32
      %mul3A_42 = arith.constant 2 : i32
      %mul3A_43 = arith.muli %mul3A_42, %add3A_41 : i32
      %lt3A_44 = arith.cmpi slt, %mul3A_43, %select_n3A : i32
      %convert_element_type3A = arith.extui %lt3A_44 : i1 to i32
      %cond3A = arith.constant 0 : i32
      %cond3A_45 = arith.cmpi ne, %convert_element_type3A, %cond3A : i32
      scf.if %cond3A_45 {
        %mul3A_54 = arith.constant 32 : i32
        %mul3A_55 = arith.muli %mul3A_43, %mul3A_54 : i32
        %add3A_56 = arith.addi %mul3A_55, %add3A : i32
        %mul3A_57 = arith.constant 16 : i32
        %mul3A_58 = arith.muli %add3A_56, %mul3A_57 : i32
        %mul3A_59 = arith.constant 16 : i32
        %mul3A_60 = arith.muli %mul3A_58, %mul3A_59 : i32
        %dma_wait3A_61 = tpu.memref_slice %arg2[%mul3A_60] : memref<1600000xi32, #tpu.memory_space<hbm>> -> memref<256xi32, #tpu.memory_space<hbm>>
        %dma_wait3A_62 = tpu.memref_slice %arg2[%mul3A_60] : memref<1600000xi32, #tpu.memory_space<hbm>> -> memref<256xi32, #tpu.memory_space<hbm>>
        tpu.wait_dma2 semaphore(%arg12 : memref<!tpu.dma_semaphore, #tpu.memory_space<semaphore_mem>>) src(%dma_wait3A_62 : memref<256xi32, #tpu.memory_space<hbm>>) dst(%arg6 : memref<256xi32, #tpu.memory_space<vmem>>)
        %gt3A = arith.constant 0 : i32
        %gt3A_63 = arith.cmpi sgt, %add3A_41, %gt3A : i32
        %convert_element_type3A_64 = arith.extui %gt3A_63 : i1 to i32
        %cond3A_65 = arith.constant 0 : i32
        %cond3A_66 = arith.cmpi ne, %convert_element_type3A_64, %cond3A_65 : i32
        scf.if %cond3A_66 {
          %mul3A_84 = arith.constant 32 : i32
          %mul3A_85 = arith.muli %mul3A_43, %mul3A_84 : i32
          %add3A_86 = arith.addi %mul3A_85, %add3A : i32
          %mul3A_87 = arith.constant 16 : i32
          %mul3A_88 = arith.muli %add3A_86, %mul3A_87 : i32
          %dma_wait3A_89 = arith.constant 0 : i32
          %dma_wait3A_90 = tpu.memref_slice %arg5[%mul3A_88, %dma_wait3A_89] : memref<100000x512xf32, #tpu.memory_space<hbm>> -> memref<16x512xf32, #tpu.memory_space<hbm>>
          %dma_wait3A_91 = arith.constant 0 : i32
          %dma_wait3A_92 = tpu.memref_slice %arg5[%mul3A_88, %dma_wait3A_91] : memref<100000x512xf32, #tpu.memory_space<hbm>> -> memref<16x512xf32, #tpu.memory_space<hbm>>
          tpu.wait_dma2 semaphore(%arg14 : memref<!tpu.dma_semaphore, #tpu.memory_space<semaphore_mem>>) src(%arg10 : memref<16x512xf32, #tpu.memory_space<vmem>>) dst(%dma_wait3A_92 : memref<16x512xf32, #tpu.memory_space<hbm>>)
        } else {
        }
        %parallel_loop3A = arith.constant 0 : i32
        %parallel_loop3A_67 = arith.constant 16 : i32
        %parallel_loop3A_68 = arith.constant 1 : i32
        scf.for %parallel_loop3A_84 = %parallel_loop3A to %parallel_loop3A_67 step %parallel_loop3A_68  : i32 {
          %parallel_loop3A_85 = arith.constant 16 : i32
          %parallel_loop3A_86 = arith.muli %parallel_loop3A_84, %parallel_loop3A_85 : i32
          %parallel_loop3A_87 = arith.index_cast %parallel_loop3A_86 : i32 to index
          %parallel_loop3A_88 = tpu.vector_load %arg6[%parallel_loop3A_87] {strides = array<i32>} : memref<256xi32, #tpu.memory_space<vmem>>, vector<16xi32>,
          %parallel_loop3A_89 = vector.shape_cast %parallel_loop3A_88 : vector<16xi32> to vector<16xi32>
          %parallel_loop3A_90 = vector.extract_strided_slice %parallel_loop3A_89 {offsets = [0], sizes = [1], strides = [1]} : vector<16xi32> to vector<1xi32>
          %parallel_loop3A_91 = vector.extract %parallel_loop3A_90[0] : i32 from vector<1xi32>
          %parallel_loop3A_92 = arith.constant 6 : i32
          %parallel_loop3A_93 = arith.muli %parallel_loop3A_91, %parallel_loop3A_92 : i32
          %parallel_loop3A_94 = vector.extract_strided_slice %parallel_loop3A_89 {offsets = [1], sizes = [1], strides = [1]} : vector<16xi32> to vector<1xi32>
          %parallel_loop3A_95 = vector.extract %parallel_loop3A_94[0] : i32 from vector<1xi32>
          %parallel_loop3A_96 = arith.addi %parallel_loop3A_93, %parallel_loop3A_95 : i32
          %parallel_loop3A_97 = arith.constant 6 : i32
          %parallel_loop3A_98 = arith.muli %parallel_loop3A_96, %parallel_loop3A_97 : i32
          %parallel_loop3A_99 = vector.extract_strided_slice %parallel_loop3A_89 {offsets = [2], sizes = [1], strides = [1]} : vector<16xi32> to vector<1xi32>
          %parallel_loop3A_100 = vector.extract %parallel_loop3A_99[0] : i32 from vector<1xi32>
          %parallel_loop3A_101 = arith.addi %parallel_loop3A_98, %parallel_loop3A_100 : i32
          %parallel_loop3A_102 = arith.constant 256 : i32
          %parallel_loop3A_103 = arith.muli %parallel_loop3A_101, %parallel_loop3A_102 : i32
          %parallel_loop3A_104 = vector.extract_strided_slice %parallel_loop3A_89 {offsets = [3], sizes = [1], strides = [1]} : vector<16xi32> to vector<1xi32>
          %parallel_loop3A_105 = vector.extract %parallel_loop3A_104[0] : i32 from vector<1xi32>
          %parallel_loop3A_106 = arith.constant 6 : i32
          %parallel_loop3A_107 = arith.muli %parallel_loop3A_105, %parallel_loop3A_106 : i32
          %parallel_loop3A_108 = vector.extract_strided_slice %parallel_loop3A_89 {offsets = [4], sizes = [1], strides = [1]} : vector<16xi32> to vector<1xi32>
          %parallel_loop3A_109 = vector.extract %parallel_loop3A_108[0] : i32 from vector<1xi32>
          %parallel_loop3A_110 = arith.addi %parallel_loop3A_107, %parallel_loop3A_109 : i32
          %parallel_loop3A_111 = arith.constant 6 : i32
          %parallel_loop3A_112 = arith.muli %parallel_loop3A_110, %parallel_loop3A_111 : i32
          %parallel_loop3A_113 = vector.extract_strided_slice %parallel_loop3A_89 {offsets = [5], sizes = [1], strides = [1]} : vector<16xi32> to vector<1xi32>
          %parallel_loop3A_114 = vector.extract %parallel_loop3A_113[0] : i32 from vector<1xi32>
          %parallel_loop3A_115 = arith.addi %parallel_loop3A_112, %parallel_loop3A_114 : i32
          %parallel_loop3A_116 = arith.constant 256 : i32
          %parallel_loop3A_117 = arith.muli %parallel_loop3A_115, %parallel_loop3A_116 : i32
          %parallel_loop3A_118 = arith.constant 0 : i32
          %parallel_loop3A_119 = arith.addi %parallel_loop3A_103, %parallel_loop3A_118 : i32
          %parallel_loop3A_120 = arith.index_cast %parallel_loop3A_119 : i32 to index
          %parallel_loop3A_121 = tpu.vector_load %arg8[%parallel_loop3A_120] {strides = array<i32>} : memref<55296xi32, #tpu.memory_space<vmem>>, vector<16xi32>,
          %parallel_loop3A_122 = vector.shape_cast %parallel_loop3A_121 : vector<16xi32> to vector<16xi32>
          %parallel_loop3A_123 = arith.constant 0 : i32
          %parallel_loop3A_124 = arith.addi %parallel_loop3A_117, %parallel_loop3A_123 : i32
          %parallel_loop3A_125 = arith.index_cast %parallel_loop3A_124 : i32 to index
          %parallel_loop3A_126 = tpu.vector_load %arg9[%parallel_loop3A_125] {strides = array<i32>} : memref<55296xi32, #tpu.memory_space<vmem>>, vector<16xi32>,
          %parallel_loop3A_127 = vector.shape_cast %parallel_loop3A_126 : vector<16xi32> to vector<16xi32>
          %parallel_loop3A_128 = arith.constant 16 : i32
          %parallel_loop3A_129 = vector.broadcast %parallel_loop3A_128 : i32 to vector<16xi32>
          %parallel_loop3A_130 = arith.shli %parallel_loop3A_122, %parallel_loop3A_129 : vector<16xi32>
          %parallel_loop3A_131 = tpu.bitcast %parallel_loop3A_130 : vector<16xi32> -> vector<16xf32>
          %parallel_loop3A_132 = arith.constant 16 : i32
          %parallel_loop3A_133 = vector.broadcast %parallel_loop3A_132 : i32 to vector<16xi32>
          %parallel_loop3A_134 = arith.shli %parallel_loop3A_127, %parallel_loop3A_133 : vector<16xi32>
          %parallel_loop3A_135 = tpu.bitcast %parallel_loop3A_134 : vector<16xi32> -> vector<16xf32>
          %parallel_loop3A_136 = arith.addf %parallel_loop3A_131, %parallel_loop3A_135 : vector<16xf32>
          %parallel_loop3A_137 = arith.constant -65536 : i32
          %parallel_loop3A_138 = vector.broadcast %parallel_loop3A_137 : i32 to vector<16xi32>
          %parallel_loop3A_139 = arith.andi %parallel_loop3A_122, %parallel_loop3A_138 : vector<16xi32>
          %parallel_loop3A_140 = tpu.bitcast %parallel_loop3A_139 : vector<16xi32> -> vector<16xf32>
          %parallel_loop3A_141 = arith.constant -65536 : i32
          %parallel_loop3A_142 = vector.broadcast %parallel_loop3A_141 : i32 to vector<16xi32>
          %parallel_loop3A_143 = arith.andi %parallel_loop3A_127, %parallel_loop3A_142 : vector<16xi32>
          %parallel_loop3A_144 = tpu.bitcast %parallel_loop3A_143 : vector<16xi32> -> vector<16xf32>
          %parallel_loop3A_145 = arith.addf %parallel_loop3A_140, %parallel_loop3A_144 : vector<16xf32>
          %parallel_loop3A_146 = arith.index_cast %parallel_loop3A_84 : i32 to index
          %parallel_loop3A_147 = arith.constant 0 : index
          %parallel_loop3A_148 = tpu.vector_load %arg10[%parallel_loop3A_146, %parallel_loop3A_147] {strides = array<i32>} : memref<16x512xf32, #tpu.memory_space<vmem>>, vector<1x16xf32>,
          %parallel_loop3A_149 = vector.shape_cast %parallel_loop3A_148 : vector<1x16xf32> to vector<16xf32>
          %parallel_loop3A_150 = vector.shape_cast %parallel_loop3A_136 : vector<16xf32> to vector<1x16xf32>
          tpu.vector_store %arg10[%parallel_loop3A_146, %parallel_loop3A_147], %parallel_loop3A_150 {strides = array<i32>} : memref<16x512xf32, #tpu.memory_space<vmem>>, vector<1x16xf32>,
          %parallel_loop3A_151 = arith.index_cast %parallel_loop3A_84 : i32 to index
          %parallel_loop3A_152 = arith.constant 16 : index
          %parallel_loop3A_153 = tpu.vector_load %arg10[%parallel_loop3A_151, %parallel_loop3A_152] {strides = array<i32>} : memref<16x512xf32, #tpu.memory_space<vmem>>, vector<1x16xf32>,
          %parallel_loop3A_154 = vector.shape_cast %parallel_loop3A_153 : vector<1x16xf32> to vector<16xf32>
          %parallel_loop3A_155 = vector.shape_cast %parallel_loop3A_145 : vector<16xf32> to vector<1x16xf32>
          tpu.vector_store %arg10[%parallel_loop3A_151, %parallel_loop3A_152], %parallel_loop3A_155 {strides = array<i32>} : memref<16x512xf32, #tpu.memory_space<vmem>>, vector<1x16xf32>,
          %parallel_loop3A_156 = arith.constant 16 : i32
          %parallel_loop3A_157 = arith.addi %parallel_loop3A_103, %parallel_loop3A_156 : i32
          %parallel_loop3A_158 = arith.index_cast %parallel_loop3A_157 : i32 to index
          %parallel_loop3A_159 = tpu.vector_load %arg8[%parallel_loop3A_158] {strides = array<i32>} : memref<55296xi32, #tpu.memory_space<vmem>>, vector<16xi32>,
          %parallel_loop3A_160 = vector.shape_cast %parallel_loop3A_159 : vector<16xi32> to vector<16xi32>
          %parallel_loop3A_161 = arith.constant 16 : i32
          %parallel_loop3A_162 = arith.addi %parallel_loop3A_117, %parallel_loop3A_161 : i32
          %parallel_loop3A_163 = arith.index_cast %parallel_loop3A_162 : i32 to index
          %parallel_loop3A_164 = tpu.vector_load %arg9[%parallel_loop3A_163] {strides = array<i32>} : memref<55296xi32, #tpu.memory_space<vmem>>, vector<16xi32>,
          %parallel_loop3A_165 = vector.shape_cast %parallel_loop3A_164 : vector<16xi32> to vector<16xi32>
          %parallel_loop3A_166 = arith.constant 16 : i32
          %parallel_loop3A_167 = vector.broadcast %parallel_loop3A_166 : i32 to vector<16xi32>
          %parallel_loop3A_168 = arith.shli %parallel_loop3A_160, %parallel_loop3A_167 : vector<16xi32>
          %parallel_loop3A_169 = tpu.bitcast %parallel_loop3A_168 : vector<16xi32> -> vector<16xf32>
          %parallel_loop3A_170 = arith.constant 16 : i32
          %parallel_loop3A_171 = vector.broadcast %parallel_loop3A_170 : i32 to vector<16xi32>
          %parallel_loop3A_172 = arith.shli %parallel_loop3A_165, %parallel_loop3A_171 : vector<16xi32>
          %parallel_loop3A_173 = tpu.bitcast %parallel_loop3A_172 : vector<16xi32> -> vector<16xf32>
          %parallel_loop3A_174 = arith.addf %parallel_loop3A_169, %parallel_loop3A_173 : vector<16xf32>
          %parallel_loop3A_175 = arith.constant -65536 : i32
          %parallel_loop3A_176 = vector.broadcast %parallel_loop3A_175 : i32 to vector<16xi32>
          %parallel_loop3A_177 = arith.andi %parallel_loop3A_160, %parallel_loop3A_176 : vector<16xi32>
          %parallel_loop3A_178 = tpu.bitcast %parallel_loop3A_177 : vector<16xi32> -> vector<16xf32>
          %parallel_loop3A_179 = arith.constant -65536 : i32
          %parallel_loop3A_180 = vector.broadcast %parallel_loop3A_179 : i32 to vector<16xi32>
          %parallel_loop3A_181 = arith.andi %parallel_loop3A_165, %parallel_loop3A_180 : vector<16xi32>
          %parallel_loop3A_182 = tpu.bitcast %parallel_loop3A_181 : vector<16xi32> -> vector<16xf32>
          %parallel_loop3A_183 = arith.addf %parallel_loop3A_178, %parallel_loop3A_182 : vector<16xf32>
          %parallel_loop3A_184 = arith.index_cast %parallel_loop3A_84 : i32 to index
          %parallel_loop3A_185 = arith.constant 32 : index
          %parallel_loop3A_186 = tpu.vector_load %arg10[%parallel_loop3A_184, %parallel_loop3A_185] {strides = array<i32>} : memref<16x512xf32, #tpu.memory_space<vmem>>, vector<1x16xf32>,
          %parallel_loop3A_187 = vector.shape_cast %parallel_loop3A_186 : vector<1x16xf32> to vector<16xf32>
          %parallel_loop3A_188 = vector.shape_cast %parallel_loop3A_174 : vector<16xf32> to vector<1x16xf32>
          tpu.vector_store %arg10[%parallel_loop3A_184, %parallel_loop3A_185], %parallel_loop3A_188 {strides = array<i32>} : memref<16x512xf32, #tpu.memory_space<vmem>>, vector<1x16xf32>,
          %parallel_loop3A_189 = arith.index_cast %parallel_loop3A_84 : i32 to index
          %parallel_loop3A_190 = arith.constant 48 : index
          %parallel_loop3A_191 = tpu.vector_load %arg10[%parallel_loop3A_189, %parallel_loop3A_190] {strides = array<i32>} : memref<16x512xf32, #tpu.memory_space<vmem>>, vector<1x16xf32>,
          %parallel_loop3A_192 = vector.shape_cast %parallel_loop3A_191 : vector<1x16xf32> to vector<16xf32>
          %parallel_loop3A_193 = vector.shape_cast %parallel_loop3A_183 : vector<16xf32> to vector<1x16xf32>
          tpu.vector_store %arg10[%parallel_loop3A_189, %parallel_loop3A_190], %parallel_loop3A_193 {strides = array<i32>} : memref<16x512xf32, #tpu.memory_space<vmem>>, vector<1x16xf32>,
          %parallel_loop3A_194 = arith.constant 32 : i32
          %parallel_loop3A_195 = arith.addi %parallel_loop3A_103, %parallel_loop3A_194 : i32
          %parallel_loop3A_196 = arith.index_cast %parallel_loop3A_195 : i32 to index
          %parallel_loop3A_197 = tpu.vector_load %arg8[%parallel_loop3A_196] {strides = array<i32>} : memref<55296xi32, #tpu.memory_space<vmem>>, vector<16xi32>,
          %parallel_loop3A_198 = vector.shape_cast %parallel_loop3A_197 : vector<16xi32> to vector<16xi32>
          %parallel_loop3A_199 = arith.constant 32 : i32
          %parallel_loop3A_200 = arith.addi %parallel_loop3A_117, %parallel_loop3A_199 : i32
          %parallel_loop3A_201 = arith.index_cast %parallel_loop3A_200 : i32 to index
          %parallel_loop3A_202 = tpu.vector_load %arg9[%parallel_loop3A_201] {strides = array<i32>} : memref<55296xi32, #tpu.memory_space<vmem>>, vector<16xi32>,
          %parallel_loop3A_203 = vector.shape_cast %parallel_loop3A_202 : vector<16xi32> to vector<16xi32>
          %parallel_loop3A_204 = arith.constant 16 : i32
          %parallel_loop3A_205 = vector.broadcast %parallel_loop3A_204 : i32 to vector<16xi32>
          %parallel_loop3A_206 = arith.shli %parallel_loop3A_198, %parallel_loop3A_205 : vector<16xi32>
          %parallel_loop3A_207 = tpu.bitcast %parallel_loop3A_206 : vector<16xi32> -> vector<16xf32>
          %parallel_loop3A_208 = arith.constant 16 : i32
          %parallel_loop3A_209 = vector.broadcast %parallel_loop3A_208 : i32 to vector<16xi32>
          %parallel_loop3A_210 = arith.shli %parallel_loop3A_203, %parallel_loop3A_209 : vector<16xi32>
          %parallel_loop3A_211 = tpu.bitcast %parallel_loop3A_210 : vector<16xi32> -> vector<16xf32>
          %parallel_loop3A_212 = arith.addf %parallel_loop3A_207, %parallel_loop3A_211 : vector<16xf32>
          %parallel_loop3A_213 = arith.constant -65536 : i32
          %parallel_loop3A_214 = vector.broadcast %parallel_loop3A_213 : i32 to vector<16xi32>
          %parallel_loop3A_215 = arith.andi %parallel_loop3A_198, %parallel_loop3A_214 : vector<16xi32>
          %parallel_loop3A_216 = tpu.bitcast %parallel_loop3A_215 : vector<16xi32> -> vector<16xf32>
          %parallel_loop3A_217 = arith.constant -65536 : i32
          %parallel_loop3A_218 = vector.broadcast %parallel_loop3A_217 : i32 to vector<16xi32>
          %parallel_loop3A_219 = arith.andi %parallel_loop3A_203, %parallel_loop3A_218 : vector<16xi32>
          %parallel_loop3A_220 = tpu.bitcast %parallel_loop3A_219 : vector<16xi32> -> vector<16xf32>
          %parallel_loop3A_221 = arith.addf %parallel_loop3A_216, %parallel_loop3A_220 : vector<16xf32>
          %parallel_loop3A_222 = arith.index_cast %parallel_loop3A_84 : i32 to index
          %parallel_loop3A_223 = arith.constant 64 : index
          %parallel_loop3A_224 = tpu.vector_load %arg10[%parallel_loop3A_222, %parallel_loop3A_223] {strides = array<i32>} : memref<16x512xf32, #tpu.memory_space<vmem>>, vector<1x16xf32>,
          %parallel_loop3A_225 = vector.shape_cast %parallel_loop3A_224 : vector<1x16xf32> to vector<16xf32>
          %parallel_loop3A_226 = vector.shape_cast %parallel_loop3A_212 : vector<16xf32> to vector<1x16xf32>
          tpu.vector_store %arg10[%parallel_loop3A_222, %parallel_loop3A_223], %parallel_loop3A_226 {strides = array<i32>} : memref<16x512xf32, #tpu.memory_space<vmem>>, vector<1x16xf32>,
          %parallel_loop3A_227 = arith.index_cast %parallel_loop3A_84 : i32 to index
          %parallel_loop3A_228 = arith.constant 80 : index
          %parallel_loop3A_229 = tpu.vector_load %arg10[%parallel_loop3A_227, %parallel_loop3A_228] {strides = array<i32>} : memref<16x512xf32, #tpu.memory_space<vmem>>, vector<1x16xf32>,
          %parallel_loop3A_230 = vector.shape_cast %parallel_loop3A_229 : vector<1x16xf32> to vector<16xf32>
          %parallel_loop3A_231 = vector.shape_cast %parallel_loop3A_221 : vector<16xf32> to vector<1x16xf32>
          tpu.vector_store %arg10[%parallel_loop3A_227, %parallel_loop3A_228], %parallel_loop3A_231 {strides = array<i32>} : memref<16x512xf32, #tpu.memory_space<vmem>>, vector<1x16xf32>,
          %parallel_loop3A_232 = arith.constant 48 : i32
          %parallel_loop3A_233 = arith.addi %parallel_loop3A_103, %parallel_loop3A_232 : i32
          %parallel_loop3A_234 = arith.index_cast %parallel_loop3A_233 : i32 to index
          %parallel_loop3A_235 = tpu.vector_load %arg8[%parallel_loop3A_234] {strides = array<i32>} : memref<55296xi32, #tpu.memory_space<vmem>>, vector<16xi32>,
          %parallel_loop3A_236 = vector.shape_cast %parallel_loop3A_235 : vector<16xi32> to vector<16xi32>
          %parallel_loop3A_237 = arith.constant 48 : i32
          %parallel_loop3A_238 = arith.addi %parallel_loop3A_117, %parallel_loop3A_237 : i32
          %parallel_loop3A_239 = arith.index_cast %parallel_loop3A_238 : i32 to index
          %parallel_loop3A_240 = tpu.vector_load %arg9[%parallel_loop3A_239] {strides = array<i32>} : memref<55296xi32, #tpu.memory_space<vmem>>, vector<16xi32>,
          %parallel_loop3A_241 = vector.shape_cast %parallel_loop3A_240 : vector<16xi32> to vector<16xi32>
          %parallel_loop3A_242 = arith.constant 16 : i32
          %parallel_loop3A_243 = vector.broadcast %parallel_loop3A_242 : i32 to vector<16xi32>
          %parallel_loop3A_244 = arith.shli %parallel_loop3A_236, %parallel_loop3A_243 : vector<16xi32>
          %parallel_loop3A_245 = tpu.bitcast %parallel_loop3A_244 : vector<16xi32> -> vector<16xf32>
          %parallel_loop3A_246 = arith.constant 16 : i32
          %parallel_loop3A_247 = vector.broadcast %parallel_loop3A_246 : i32 to vector<16xi32>
          %parallel_loop3A_248 = arith.shli %parallel_loop3A_241, %parallel_loop3A_247 : vector<16xi32>
          %parallel_loop3A_249 = tpu.bitcast %parallel_loop3A_248 : vector<16xi32> -> vector<16xf32>
          %parallel_loop3A_250 = arith.addf %parallel_loop3A_245, %parallel_loop3A_249 : vector<16xf32>
          %parallel_loop3A_251 = arith.constant -65536 : i32
          %parallel_loop3A_252 = vector.broadcast %parallel_loop3A_251 : i32 to vector<16xi32>
          %parallel_loop3A_253 = arith.andi %parallel_loop3A_236, %parallel_loop3A_252 : vector<16xi32>
          %parallel_loop3A_254 = tpu.bitcast %parallel_loop3A_253 : vector<16xi32> -> vector<16xf32>
          %parallel_loop3A_255 = arith.constant -65536 : i32
          %parallel_loop3A_256 = vector.broadcast %parallel_loop3A_255 : i32 to vector<16xi32>
          %parallel_loop3A_257 = arith.andi %parallel_loop3A_241, %parallel_loop3A_256 : vector<16xi32>
          %parallel_loop3A_258 = tpu.bitcast %parallel_loop3A_257 : vector<16xi32> -> vector<16xf32>
          %parallel_loop3A_259 = arith.addf %parallel_loop3A_254, %parallel_loop3A_258 : vector<16xf32>
          %parallel_loop3A_260 = arith.index_cast %parallel_loop3A_84 : i32 to index
          %parallel_loop3A_261 = arith.constant 96 : index
          %parallel_loop3A_262 = tpu.vector_load %arg10[%parallel_loop3A_260, %parallel_loop3A_261] {strides = array<i32>} : memref<16x512xf32, #tpu.memory_space<vmem>>, vector<1x16xf32>,
          %parallel_loop3A_263 = vector.shape_cast %parallel_loop3A_262 : vector<1x16xf32> to vector<16xf32>
          %parallel_loop3A_264 = vector.shape_cast %parallel_loop3A_250 : vector<16xf32> to vector<1x16xf32>
          tpu.vector_store %arg10[%parallel_loop3A_260, %parallel_loop3A_261], %parallel_loop3A_264 {strides = array<i32>} : memref<16x512xf32, #tpu.memory_space<vmem>>, vector<1x16xf32>,
          %parallel_loop3A_265 = arith.index_cast %parallel_loop3A_84 : i32 to index
          %parallel_loop3A_266 = arith.constant 112 : index
          %parallel_loop3A_267 = tpu.vector_load %arg10[%parallel_loop3A_265, %parallel_loop3A_266] {strides = array<i32>} : memref<16x512xf32, #tpu.memory_space<vmem>>, vector<1x16xf32>,
          %parallel_loop3A_268 = vector.shape_cast %parallel_loop3A_267 : vector<1x16xf32> to vector<16xf32>
          %parallel_loop3A_269 = vector.shape_cast %parallel_loop3A_259 : vector<16xf32> to vector<1x16xf32>
          tpu.vector_store %arg10[%parallel_loop3A_265, %parallel_loop3A_266], %parallel_loop3A_269 {strides = array<i32>} : memref<16x512xf32, #tpu.memory_space<vmem>>, vector<1x16xf32>,
          %parallel_loop3A_270 = arith.constant 64 : i32
          %parallel_loop3A_271 = arith.addi %parallel_loop3A_103, %parallel_loop3A_270 : i32
          %parallel_loop3A_272 = arith.index_cast %parallel_loop3A_271 : i32 to index
          %parallel_loop3A_273 = tpu.vector_load %arg8[%parallel_loop3A_272] {strides = array<i32>} : memref<55296xi32, #tpu.memory_space<vmem>>, vector<16xi32>,
          %parallel_loop3A_274 = vector.shape_cast %parallel_loop3A_273 : vector<16xi32> to vector<16xi32>
          %parallel_loop3A_275 = arith.constant 64 : i32
          %parallel_loop3A_276 = arith.addi %parallel_loop3A_117, %parallel_loop3A_275 : i32
          %parallel_loop3A_277 = arith.index_cast %parallel_loop3A_276 : i32 to index
          %parallel_loop3A_278 = tpu.vector_load %arg9[%parallel_loop3A_277] {strides = array<i32>} : memref<55296xi32, #tpu.memory_space<vmem>>, vector<16xi32>,
          %parallel_loop3A_279 = vector.shape_cast %parallel_loop3A_278 : vector<16xi32> to vector<16xi32>
          %parallel_loop3A_280 = arith.constant 16 : i32
          %parallel_loop3A_281 = vector.broadcast %parallel_loop3A_280 : i32 to vector<16xi32>
          %parallel_loop3A_282 = arith.shli %parallel_loop3A_274, %parallel_loop3A_281 : vector<16xi32>
          %parallel_loop3A_283 = tpu.bitcast %parallel_loop3A_282 : vector<16xi32> -> vector<16xf32>
          %parallel_loop3A_284 = arith.constant 16 : i32
          %parallel_loop3A_285 = vector.broadcast %parallel_loop3A_284 : i32 to vector<16xi32>
          %parallel_loop3A_286 = arith.shli %parallel_loop3A_279, %parallel_loop3A_285 : vector<16xi32>
          %parallel_loop3A_287 = tpu.bitcast %parallel_loop3A_286 : vector<16xi32> -> vector<16xf32>
          %parallel_loop3A_288 = arith.addf %parallel_loop3A_283, %parallel_loop3A_287 : vector<16xf32>
          %parallel_loop3A_289 = arith.constant -65536 : i32
          %parallel_loop3A_290 = vector.broadcast %parallel_loop3A_289 : i32 to vector<16xi32>
          %parallel_loop3A_291 = arith.andi %parallel_loop3A_274, %parallel_loop3A_290 : vector<16xi32>
          %parallel_loop3A_292 = tpu.bitcast %parallel_loop3A_291 : vector<16xi32> -> vector<16xf32>
          %parallel_loop3A_293 = arith.constant -65536 : i32
          %parallel_loop3A_294 = vector.broadcast %parallel_loop3A_293 : i32 to vector<16xi32>
          %parallel_loop3A_295 = arith.andi %parallel_loop3A_279, %parallel_loop3A_294 : vector<16xi32>
          %parallel_loop3A_296 = tpu.bitcast %parallel_loop3A_295 : vector<16xi32> -> vector<16xf32>
          %parallel_loop3A_297 = arith.addf %parallel_loop3A_292, %parallel_loop3A_296 : vector<16xf32>
          %parallel_loop3A_298 = arith.index_cast %parallel_loop3A_84 : i32 to index
          %parallel_loop3A_299 = arith.constant 128 : index
          %parallel_loop3A_300 = tpu.vector_load %arg10[%parallel_loop3A_298, %parallel_loop3A_299] {strides = array<i32>} : memref<16x512xf32, #tpu.memory_space<vmem>>, vector<1x16xf32>,
          %parallel_loop3A_301 = vector.shape_cast %parallel_loop3A_300 : vector<1x16xf32> to vector<16xf32>
          %parallel_loop3A_302 = vector.shape_cast %parallel_loop3A_288 : vector<16xf32> to vector<1x16xf32>
          tpu.vector_store %arg10[%parallel_loop3A_298, %parallel_loop3A_299], %parallel_loop3A_302 {strides = array<i32>} : memref<16x512xf32, #tpu.memory_space<vmem>>, vector<1x16xf32>,
          %parallel_loop3A_303 = arith.index_cast %parallel_loop3A_84 : i32 to index
          %parallel_loop3A_304 = arith.constant 144 : index
          %parallel_loop3A_305 = tpu.vector_load %arg10[%parallel_loop3A_303, %parallel_loop3A_304] {strides = array<i32>} : memref<16x512xf32, #tpu.memory_space<vmem>>, vector<1x16xf32>,
          %parallel_loop3A_306 = vector.shape_cast %parallel_loop3A_305 : vector<1x16xf32> to vector<16xf32>
          %parallel_loop3A_307 = vector.shape_cast %parallel_loop3A_297 : vector<16xf32> to vector<1x16xf32>
          tpu.vector_store %arg10[%parallel_loop3A_303, %parallel_loop3A_304], %parallel_loop3A_307 {strides = array<i32>} : memref<16x512xf32, #tpu.memory_space<vmem>>, vector<1x16xf32>,
          %parallel_loop3A_308 = arith.constant 80 : i32
          %parallel_loop3A_309 = arith.addi %parallel_loop3A_103, %parallel_loop3A_308 : i32
          %parallel_loop3A_310 = arith.index_cast %parallel_loop3A_309 : i32 to index
          %parallel_loop3A_311 = tpu.vector_load %arg8[%parallel_loop3A_310] {strides = array<i32>} : memref<55296xi32, #tpu.memory_space<vmem>>, vector<16xi32>,
          %parallel_loop3A_312 = vector.shape_cast %parallel_loop3A_311 : vector<16xi32> to vector<16xi32>
          %parallel_loop3A_313 = arith.constant 80 : i32
          %parallel_loop3A_314 = arith.addi %parallel_loop3A_117, %parallel_loop3A_313 : i32
          %parallel_loop3A_315 = arith.index_cast %parallel_loop3A_314 : i32 to index
          %parallel_loop3A_316 = tpu.vector_load %arg9[%parallel_loop3A_315] {strides = array<i32>} : memref<55296xi32, #tpu.memory_space<vmem>>, vector<16xi32>,
          %parallel_loop3A_317 = vector.shape_cast %parallel_loop3A_316 : vector<16xi32> to vector<16xi32>
          %parallel_loop3A_318 = arith.constant 16 : i32
          %parallel_loop3A_319 = vector.broadcast %parallel_loop3A_318 : i32 to vector<16xi32>
          %parallel_loop3A_320 = arith.shli %parallel_loop3A_312, %parallel_loop3A_319 : vector<16xi32>
          %parallel_loop3A_321 = tpu.bitcast %parallel_loop3A_320 : vector<16xi32> -> vector<16xf32>
          %parallel_loop3A_322 = arith.constant 16 : i32
          %parallel_loop3A_323 = vector.broadcast %parallel_loop3A_322 : i32 to vector<16xi32>
          %parallel_loop3A_324 = arith.shli %parallel_loop3A_317, %parallel_loop3A_323 : vector<16xi32>
          %parallel_loop3A_325 = tpu.bitcast %parallel_loop3A_324 : vector<16xi32> -> vector<16xf32>
          %parallel_loop3A_326 = arith.addf %parallel_loop3A_321, %parallel_loop3A_325 : vector<16xf32>
          %parallel_loop3A_327 = arith.constant -65536 : i32
          %parallel_loop3A_328 = vector.broadcast %parallel_loop3A_327 : i32 to vector<16xi32>
          %parallel_loop3A_329 = arith.andi %parallel_loop3A_312, %parallel_loop3A_328 : vector<16xi32>
          %parallel_loop3A_330 = tpu.bitcast %parallel_loop3A_329 : vector<16xi32> -> vector<16xf32>
          %parallel_loop3A_331 = arith.constant -65536 : i32
          %parallel_loop3A_332 = vector.broadcast %parallel_loop3A_331 : i32 to vector<16xi32>
          %parallel_loop3A_333 = arith.andi %parallel_loop3A_317, %parallel_loop3A_332 : vector<16xi32>
          %parallel_loop3A_334 = tpu.bitcast %parallel_loop3A_333 : vector<16xi32> -> vector<16xf32>
          %parallel_loop3A_335 = arith.addf %parallel_loop3A_330, %parallel_loop3A_334 : vector<16xf32>
          %parallel_loop3A_336 = arith.index_cast %parallel_loop3A_84 : i32 to index
          %parallel_loop3A_337 = arith.constant 160 : index
          %parallel_loop3A_338 = tpu.vector_load %arg10[%parallel_loop3A_336, %parallel_loop3A_337] {strides = array<i32>} : memref<16x512xf32, #tpu.memory_space<vmem>>, vector<1x16xf32>,
          %parallel_loop3A_339 = vector.shape_cast %parallel_loop3A_338 : vector<1x16xf32> to vector<16xf32>
          %parallel_loop3A_340 = vector.shape_cast %parallel_loop3A_326 : vector<16xf32> to vector<1x16xf32>
          tpu.vector_store %arg10[%parallel_loop3A_336, %parallel_loop3A_337], %parallel_loop3A_340 {strides = array<i32>} : memref<16x512xf32, #tpu.memory_space<vmem>>, vector<1x16xf32>,
          %parallel_loop3A_341 = arith.index_cast %parallel_loop3A_84 : i32 to index
          %parallel_loop3A_342 = arith.constant 176 : index
          %parallel_loop3A_343 = tpu.vector_load %arg10[%parallel_loop3A_341, %parallel_loop3A_342] {strides = array<i32>} : memref<16x512xf32, #tpu.memory_space<vmem>>, vector<1x16xf32>,
          %parallel_loop3A_344 = vector.shape_cast %parallel_loop3A_343 : vector<1x16xf32> to vector<16xf32>
          %parallel_loop3A_345 = vector.shape_cast %parallel_loop3A_335 : vector<16xf32> to vector<1x16xf32>
          tpu.vector_store %arg10[%parallel_loop3A_341, %parallel_loop3A_342], %parallel_loop3A_345 {strides = array<i32>} : memref<16x512xf32, #tpu.memory_space<vmem>>, vector<1x16xf32>,
          %parallel_loop3A_346 = arith.constant 96 : i32
          %parallel_loop3A_347 = arith.addi %parallel_loop3A_103, %parallel_loop3A_346 : i32
          %parallel_loop3A_348 = arith.index_cast %parallel_loop3A_347 : i32 to index
          %parallel_loop3A_349 = tpu.vector_load %arg8[%parallel_loop3A_348] {strides = array<i32>} : memref<55296xi32, #tpu.memory_space<vmem>>, vector<16xi32>,
          %parallel_loop3A_350 = vector.shape_cast %parallel_loop3A_349 : vector<16xi32> to vector<16xi32>
          %parallel_loop3A_351 = arith.constant 96 : i32
          %parallel_loop3A_352 = arith.addi %parallel_loop3A_117, %parallel_loop3A_351 : i32
          %parallel_loop3A_353 = arith.index_cast %parallel_loop3A_352 : i32 to index
          %parallel_loop3A_354 = tpu.vector_load %arg9[%parallel_loop3A_353] {strides = array<i32>} : memref<55296xi32, #tpu.memory_space<vmem>>, vector<16xi32>,
          %parallel_loop3A_355 = vector.shape_cast %parallel_loop3A_354 : vector<16xi32> to vector<16xi32>
          %parallel_loop3A_356 = arith.constant 16 : i32
          %parallel_loop3A_357 = vector.broadcast %parallel_loop3A_356 : i32 to vector<16xi32>
          %parallel_loop3A_358 = arith.shli %parallel_loop3A_350, %parallel_loop3A_357 : vector<16xi32>
          %parallel_loop3A_359 = tpu.bitcast %parallel_loop3A_358 : vector<16xi32> -> vector<16xf32>
          %parallel_loop3A_360 = arith.constant 16 : i32
          %parallel_loop3A_361 = vector.broadcast %parallel_loop3A_360 : i32 to vector<16xi32>
          %parallel_loop3A_362 = arith.shli %parallel_loop3A_355, %parallel_loop3A_361 : vector<16xi32>
          %parallel_loop3A_363 = tpu.bitcast %parallel_loop3A_362 : vector<16xi32> -> vector<16xf32>
          %parallel_loop3A_364 = arith.addf %parallel_loop3A_359, %parallel_loop3A_363 : vector<16xf32>
          %parallel_loop3A_365 = arith.constant -65536 : i32
          %parallel_loop3A_366 = vector.broadcast %parallel_loop3A_365 : i32 to vector<16xi32>
          %parallel_loop3A_367 = arith.andi %parallel_loop3A_350, %parallel_loop3A_366 : vector<16xi32>
          %parallel_loop3A_368 = tpu.bitcast %parallel_loop3A_367 : vector<16xi32> -> vector<16xf32>
          %parallel_loop3A_369 = arith.constant -65536 : i32
          %parallel_loop3A_370 = vector.broadcast %parallel_loop3A_369 : i32 to vector<16xi32>
          %parallel_loop3A_371 = arith.andi %parallel_loop3A_355, %parallel_loop3A_370 : vector<16xi32>
          %parallel_loop3A_372 = tpu.bitcast %parallel_loop3A_371 : vector<16xi32> -> vector<16xf32>
          %parallel_loop3A_373 = arith.addf %parallel_loop3A_368, %parallel_loop3A_372 : vector<16xf32>
          %parallel_loop3A_374 = arith.index_cast %parallel_loop3A_84 : i32 to index
          %parallel_loop3A_375 = arith.constant 192 : index
          %parallel_loop3A_376 = tpu.vector_load %arg10[%parallel_loop3A_374, %parallel_loop3A_375] {strides = array<i32>} : memref<16x512xf32, #tpu.memory_space<vmem>>, vector<1x16xf32>,
          %parallel_loop3A_377 = vector.shape_cast %parallel_loop3A_376 : vector<1x16xf32> to vector<16xf32>
          %parallel_loop3A_378 = vector.shape_cast %parallel_loop3A_364 : vector<16xf32> to vector<1x16xf32>
          tpu.vector_store %arg10[%parallel_loop3A_374, %parallel_loop3A_375], %parallel_loop3A_378 {strides = array<i32>} : memref<16x512xf32, #tpu.memory_space<vmem>>, vector<1x16xf32>,
          %parallel_loop3A_379 = arith.index_cast %parallel_loop3A_84 : i32 to index
          %parallel_loop3A_380 = arith.constant 208 : index
          %parallel_loop3A_381 = tpu.vector_load %arg10[%parallel_loop3A_379, %parallel_loop3A_380] {strides = array<i32>} : memref<16x512xf32, #tpu.memory_space<vmem>>, vector<1x16xf32>,
          %parallel_loop3A_382 = vector.shape_cast %parallel_loop3A_381 : vector<1x16xf32> to vector<16xf32>
          %parallel_loop3A_383 = vector.shape_cast %parallel_loop3A_373 : vector<16xf32> to vector<1x16xf32>
          tpu.vector_store %arg10[%parallel_loop3A_379, %parallel_loop3A_380], %parallel_loop3A_383 {strides = array<i32>} : memref<16x512xf32, #tpu.memory_space<vmem>>, vector<1x16xf32>,
          %parallel_loop3A_384 = arith.constant 112 : i32
          %parallel_loop3A_385 = arith.addi %parallel_loop3A_103, %parallel_loop3A_384 : i32
          %parallel_loop3A_386 = arith.index_cast %parallel_loop3A_385 : i32 to index
          %parallel_loop3A_387 = tpu.vector_load %arg8[%parallel_loop3A_386] {strides = array<i32>} : memref<55296xi32, #tpu.memory_space<vmem>>, vector<16xi32>,
          %parallel_loop3A_388 = vector.shape_cast %parallel_loop3A_387 : vector<16xi32> to vector<16xi32>
          %parallel_loop3A_389 = arith.constant 112 : i32
          %parallel_loop3A_390 = arith.addi %parallel_loop3A_117, %parallel_loop3A_389 : i32
          %parallel_loop3A_391 = arith.index_cast %parallel_loop3A_390 : i32 to index
          %parallel_loop3A_392 = tpu.vector_load %arg9[%parallel_loop3A_391] {strides = array<i32>} : memref<55296xi32, #tpu.memory_space<vmem>>, vector<16xi32>,
          %parallel_loop3A_393 = vector.shape_cast %parallel_loop3A_392 : vector<16xi32> to vector<16xi32>
          %parallel_loop3A_394 = arith.constant 16 : i32
          %parallel_loop3A_395 = vector.broadcast %parallel_loop3A_394 : i32 to vector<16xi32>
          %parallel_loop3A_396 = arith.shli %parallel_loop3A_388, %parallel_loop3A_395 : vector<16xi32>
          %parallel_loop3A_397 = tpu.bitcast %parallel_loop3A_396 : vector<16xi32> -> vector<16xf32>
          %parallel_loop3A_398 = arith.constant 16 : i32
          %parallel_loop3A_399 = vector.broadcast %parallel_loop3A_398 : i32 to vector<16xi32>
          %parallel_loop3A_400 = arith.shli %parallel_loop3A_393, %parallel_loop3A_399 : vector<16xi32>
          %parallel_loop3A_401 = tpu.bitcast %parallel_loop3A_400 : vector<16xi32> -> vector<16xf32>
          %parallel_loop3A_402 = arith.addf %parallel_loop3A_397, %parallel_loop3A_401 : vector<16xf32>
          %parallel_loop3A_403 = arith.constant -65536 : i32
          %parallel_loop3A_404 = vector.broadcast %parallel_loop3A_403 : i32 to vector<16xi32>
          %parallel_loop3A_405 = arith.andi %parallel_loop3A_388, %parallel_loop3A_404 : vector<16xi32>
          %parallel_loop3A_406 = tpu.bitcast %parallel_loop3A_405 : vector<16xi32> -> vector<16xf32>
          %parallel_loop3A_407 = arith.constant -65536 : i32
          %parallel_loop3A_408 = vector.broadcast %parallel_loop3A_407 : i32 to vector<16xi32>
          %parallel_loop3A_409 = arith.andi %parallel_loop3A_393, %parallel_loop3A_408 : vector<16xi32>
          %parallel_loop3A_410 = tpu.bitcast %parallel_loop3A_409 : vector<16xi32> -> vector<16xf32>
          %parallel_loop3A_411 = arith.addf %parallel_loop3A_406, %parallel_loop3A_410 : vector<16xf32>
          %parallel_loop3A_412 = arith.index_cast %parallel_loop3A_84 : i32 to index
          %parallel_loop3A_413 = arith.constant 224 : index
          %parallel_loop3A_414 = tpu.vector_load %arg10[%parallel_loop3A_412, %parallel_loop3A_413] {strides = array<i32>} : memref<16x512xf32, #tpu.memory_space<vmem>>, vector<1x16xf32>,
          %parallel_loop3A_415 = vector.shape_cast %parallel_loop3A_414 : vector<1x16xf32> to vector<16xf32>
          %parallel_loop3A_416 = vector.shape_cast %parallel_loop3A_402 : vector<16xf32> to vector<1x16xf32>
          tpu.vector_store %arg10[%parallel_loop3A_412, %parallel_loop3A_413], %parallel_loop3A_416 {strides = array<i32>} : memref<16x512xf32, #tpu.memory_space<vmem>>, vector<1x16xf32>,
          %parallel_loop3A_417 = arith.index_cast %parallel_loop3A_84 : i32 to index
          %parallel_loop3A_418 = arith.constant 240 : index
          %parallel_loop3A_419 = tpu.vector_load %arg10[%parallel_loop3A_417, %parallel_loop3A_418] {strides = array<i32>} : memref<16x512xf32, #tpu.memory_space<vmem>>, vector<1x16xf32>,
          %parallel_loop3A_420 = vector.shape_cast %parallel_loop3A_419 : vector<1x16xf32> to vector<16xf32>
          %parallel_loop3A_421 = vector.shape_cast %parallel_loop3A_411 : vector<16xf32> to vector<1x16xf32>
          tpu.vector_store %arg10[%parallel_loop3A_417, %parallel_loop3A_418], %parallel_loop3A_421 {strides = array<i32>} : memref<16x512xf32, #tpu.memory_space<vmem>>, vector<1x16xf32>,
          %parallel_loop3A_422 = arith.constant 128 : i32
          %parallel_loop3A_423 = arith.addi %parallel_loop3A_103, %parallel_loop3A_422 : i32
          %parallel_loop3A_424 = arith.index_cast %parallel_loop3A_423 : i32 to index
          %parallel_loop3A_425 = tpu.vector_load %arg8[%parallel_loop3A_424] {strides = array<i32>} : memref<55296xi32, #tpu.memory_space<vmem>>, vector<16xi32>,
          %parallel_loop3A_426 = vector.shape_cast %parallel_loop3A_425 : vector<16xi32> to vector<16xi32>
          %parallel_loop3A_427 = arith.constant 128 : i32
          %parallel_loop3A_428 = arith.addi %parallel_loop3A_117, %parallel_loop3A_427 : i32
          %parallel_loop3A_429 = arith.index_cast %parallel_loop3A_428 : i32 to index
          %parallel_loop3A_430 = tpu.vector_load %arg9[%parallel_loop3A_429] {strides = array<i32>} : memref<55296xi32, #tpu.memory_space<vmem>>, vector<16xi32>,
          %parallel_loop3A_431 = vector.shape_cast %parallel_loop3A_430 : vector<16xi32> to vector<16xi32>
          %parallel_loop3A_432 = arith.constant 16 : i32
          %parallel_loop3A_433 = vector.broadcast %parallel_loop3A_432 : i32 to vector<16xi32>
          %parallel_loop3A_434 = arith.shli %parallel_loop3A_426, %parallel_loop3A_433 : vector<16xi32>
          %parallel_loop3A_435 = tpu.bitcast %parallel_loop3A_434 : vector<16xi32> -> vector<16xf32>
          %parallel_loop3A_436 = arith.constant 16 : i32
          %parallel_loop3A_437 = vector.broadcast %parallel_loop3A_436 : i32 to vector<16xi32>
          %parallel_loop3A_438 = arith.shli %parallel_loop3A_431, %parallel_loop3A_437 : vector<16xi32>
          %parallel_loop3A_439 = tpu.bitcast %parallel_loop3A_438 : vector<16xi32> -> vector<16xf32>
          %parallel_loop3A_440 = arith.addf %parallel_loop3A_435, %parallel_loop3A_439 : vector<16xf32>
          %parallel_loop3A_441 = arith.constant -65536 : i32
          %parallel_loop3A_442 = vector.broadcast %parallel_loop3A_441 : i32 to vector<16xi32>
          %parallel_loop3A_443 = arith.andi %parallel_loop3A_426, %parallel_loop3A_442 : vector<16xi32>
          %parallel_loop3A_444 = tpu.bitcast %parallel_loop3A_443 : vector<16xi32> -> vector<16xf32>
          %parallel_loop3A_445 = arith.constant -65536 : i32
          %parallel_loop3A_446 = vector.broadcast %parallel_loop3A_445 : i32 to vector<16xi32>
          %parallel_loop3A_447 = arith.andi %parallel_loop3A_431, %parallel_loop3A_446 : vector<16xi32>
          %parallel_loop3A_448 = tpu.bitcast %parallel_loop3A_447 : vector<16xi32> -> vector<16xf32>
          %parallel_loop3A_449 = arith.addf %parallel_loop3A_444, %parallel_loop3A_448 : vector<16xf32>
          %parallel_loop3A_450 = arith.index_cast %parallel_loop3A_84 : i32 to index
          %parallel_loop3A_451 = arith.constant 256 : index
          %parallel_loop3A_452 = tpu.vector_load %arg10[%parallel_loop3A_450, %parallel_loop3A_451] {strides = array<i32>} : memref<16x512xf32, #tpu.memory_space<vmem>>, vector<1x16xf32>,
          %parallel_loop3A_453 = vector.shape_cast %parallel_loop3A_452 : vector<1x16xf32> to vector<16xf32>
          %parallel_loop3A_454 = vector.shape_cast %parallel_loop3A_440 : vector<16xf32> to vector<1x16xf32>
          tpu.vector_store %arg10[%parallel_loop3A_450, %parallel_loop3A_451], %parallel_loop3A_454 {strides = array<i32>} : memref<16x512xf32, #tpu.memory_space<vmem>>, vector<1x16xf32>,
          %parallel_loop3A_455 = arith.index_cast %parallel_loop3A_84 : i32 to index
          %parallel_loop3A_456 = arith.constant 272 : index
          %parallel_loop3A_457 = tpu.vector_load %arg10[%parallel_loop3A_455, %parallel_loop3A_456] {strides = array<i32>} : memref<16x512xf32, #tpu.memory_space<vmem>>, vector<1x16xf32>,
          %parallel_loop3A_458 = vector.shape_cast %parallel_loop3A_457 : vector<1x16xf32> to vector<16xf32>
          %parallel_loop3A_459 = vector.shape_cast %parallel_loop3A_449 : vector<16xf32> to vector<1x16xf32>
          tpu.vector_store %arg10[%parallel_loop3A_455, %parallel_loop3A_456], %parallel_loop3A_459 {strides = array<i32>} : memref<16x512xf32, #tpu.memory_space<vmem>>, vector<1x16xf32>,
          %parallel_loop3A_460 = arith.constant 144 : i32
          %parallel_loop3A_461 = arith.addi %parallel_loop3A_103, %parallel_loop3A_460 : i32
          %parallel_loop3A_462 = arith.index_cast %parallel_loop3A_461 : i32 to index
          %parallel_loop3A_463 = tpu.vector_load %arg8[%parallel_loop3A_462] {strides = array<i32>} : memref<55296xi32, #tpu.memory_space<vmem>>, vector<16xi32>,
          %parallel_loop3A_464 = vector.shape_cast %parallel_loop3A_463 : vector<16xi32> to vector<16xi32>
          %parallel_loop3A_465 = arith.constant 144 : i32
          %parallel_loop3A_466 = arith.addi %parallel_loop3A_117, %parallel_loop3A_465 : i32
          %parallel_loop3A_467 = arith.index_cast %parallel_loop3A_466 : i32 to index
          %parallel_loop3A_468 = tpu.vector_load %arg9[%parallel_loop3A_467] {strides = array<i32>} : memref<55296xi32, #tpu.memory_space<vmem>>, vector<16xi32>,
          %parallel_loop3A_469 = vector.shape_cast %parallel_loop3A_468 : vector<16xi32> to vector<16xi32>
          %parallel_loop3A_470 = arith.constant 16 : i32
          %parallel_loop3A_471 = vector.broadcast %parallel_loop3A_470 : i32 to vector<16xi32>
          %parallel_loop3A_472 = arith.shli %parallel_loop3A_464, %parallel_loop3A_471 : vector<16xi32>
          %parallel_loop3A_473 = tpu.bitcast %parallel_loop3A_472 : vector<16xi32> -> vector<16xf32>
          %parallel_loop3A_474 = arith.constant 16 : i32
          %parallel_loop3A_475 = vector.broadcast %parallel_loop3A_474 : i32 to vector<16xi32>
          %parallel_loop3A_476 = arith.shli %parallel_loop3A_469, %parallel_loop3A_475 : vector<16xi32>
          %parallel_loop3A_477 = tpu.bitcast %parallel_loop3A_476 : vector<16xi32> -> vector<16xf32>
          %parallel_loop3A_478 = arith.addf %parallel_loop3A_473, %parallel_loop3A_477 : vector<16xf32>
          %parallel_loop3A_479 = arith.constant -65536 : i32
          %parallel_loop3A_480 = vector.broadcast %parallel_loop3A_479 : i32 to vector<16xi32>
          %parallel_loop3A_481 = arith.andi %parallel_loop3A_464, %parallel_loop3A_480 : vector<16xi32>
          %parallel_loop3A_482 = tpu.bitcast %parallel_loop3A_481 : vector<16xi32> -> vector<16xf32>
          %parallel_loop3A_483 = arith.constant -65536 : i32
          %parallel_loop3A_484 = vector.broadcast %parallel_loop3A_483 : i32 to vector<16xi32>
          %parallel_loop3A_485 = arith.andi %parallel_loop3A_469, %parallel_loop3A_484 : vector<16xi32>
          %parallel_loop3A_486 = tpu.bitcast %parallel_loop3A_485 : vector<16xi32> -> vector<16xf32>
          %parallel_loop3A_487 = arith.addf %parallel_loop3A_482, %parallel_loop3A_486 : vector<16xf32>
          %parallel_loop3A_488 = arith.index_cast %parallel_loop3A_84 : i32 to index
          %parallel_loop3A_489 = arith.constant 288 : index
          %parallel_loop3A_490 = tpu.vector_load %arg10[%parallel_loop3A_488, %parallel_loop3A_489] {strides = array<i32>} : memref<16x512xf32, #tpu.memory_space<vmem>>, vector<1x16xf32>,
          %parallel_loop3A_491 = vector.shape_cast %parallel_loop3A_490 : vector<1x16xf32> to vector<16xf32>
          %parallel_loop3A_492 = vector.shape_cast %parallel_loop3A_478 : vector<16xf32> to vector<1x16xf32>
          tpu.vector_store %arg10[%parallel_loop3A_488, %parallel_loop3A_489], %parallel_loop3A_492 {strides = array<i32>} : memref<16x512xf32, #tpu.memory_space<vmem>>, vector<1x16xf32>,
          %parallel_loop3A_493 = arith.index_cast %parallel_loop3A_84 : i32 to index
          %parallel_loop3A_494 = arith.constant 304 : index
          %parallel_loop3A_495 = tpu.vector_load %arg10[%parallel_loop3A_493, %parallel_loop3A_494] {strides = array<i32>} : memref<16x512xf32, #tpu.memory_space<vmem>>, vector<1x16xf32>,
          %parallel_loop3A_496 = vector.shape_cast %parallel_loop3A_495 : vector<1x16xf32> to vector<16xf32>
          %parallel_loop3A_497 = vector.shape_cast %parallel_loop3A_487 : vector<16xf32> to vector<1x16xf32>
          tpu.vector_store %arg10[%parallel_loop3A_493, %parallel_loop3A_494], %parallel_loop3A_497 {strides = array<i32>} : memref<16x512xf32, #tpu.memory_space<vmem>>, vector<1x16xf32>,
          %parallel_loop3A_498 = arith.constant 160 : i32
          %parallel_loop3A_499 = arith.addi %parallel_loop3A_103, %parallel_loop3A_498 : i32
          %parallel_loop3A_500 = arith.index_cast %parallel_loop3A_499 : i32 to index
          %parallel_loop3A_501 = tpu.vector_load %arg8[%parallel_loop3A_500] {strides = array<i32>} : memref<55296xi32, #tpu.memory_space<vmem>>, vector<16xi32>,
          %parallel_loop3A_502 = vector.shape_cast %parallel_loop3A_501 : vector<16xi32> to vector<16xi32>
          %parallel_loop3A_503 = arith.constant 160 : i32
          %parallel_loop3A_504 = arith.addi %parallel_loop3A_117, %parallel_loop3A_503 : i32
          %parallel_loop3A_505 = arith.index_cast %parallel_loop3A_504 : i32 to index
          %parallel_loop3A_506 = tpu.vector_load %arg9[%parallel_loop3A_505] {strides = array<i32>} : memref<55296xi32, #tpu.memory_space<vmem>>, vector<16xi32>,
          %parallel_loop3A_507 = vector.shape_cast %parallel_loop3A_506 : vector<16xi32> to vector<16xi32>
          %parallel_loop3A_508 = arith.constant 16 : i32
          %parallel_loop3A_509 = vector.broadcast %parallel_loop3A_508 : i32 to vector<16xi32>
          %parallel_loop3A_510 = arith.shli %parallel_loop3A_502, %parallel_loop3A_509 : vector<16xi32>
          %parallel_loop3A_511 = tpu.bitcast %parallel_loop3A_510 : vector<16xi32> -> vector<16xf32>
          %parallel_loop3A_512 = arith.constant 16 : i32
          %parallel_loop3A_513 = vector.broadcast %parallel_loop3A_512 : i32 to vector<16xi32>
          %parallel_loop3A_514 = arith.shli %parallel_loop3A_507, %parallel_loop3A_513 : vector<16xi32>
          %parallel_loop3A_515 = tpu.bitcast %parallel_loop3A_514 : vector<16xi32> -> vector<16xf32>
          %parallel_loop3A_516 = arith.addf %parallel_loop3A_511, %parallel_loop3A_515 : vector<16xf32>
          %parallel_loop3A_517 = arith.constant -65536 : i32
          %parallel_loop3A_518 = vector.broadcast %parallel_loop3A_517 : i32 to vector<16xi32>
          %parallel_loop3A_519 = arith.andi %parallel_loop3A_502, %parallel_loop3A_518 : vector<16xi32>
          %parallel_loop3A_520 = tpu.bitcast %parallel_loop3A_519 : vector<16xi32> -> vector<16xf32>
          %parallel_loop3A_521 = arith.constant -65536 : i32
          %parallel_loop3A_522 = vector.broadcast %parallel_loop3A_521 : i32 to vector<16xi32>
          %parallel_loop3A_523 = arith.andi %parallel_loop3A_507, %parallel_loop3A_522 : vector<16xi32>
          %parallel_loop3A_524 = tpu.bitcast %parallel_loop3A_523 : vector<16xi32> -> vector<16xf32>
          %parallel_loop3A_525 = arith.addf %parallel_loop3A_520, %parallel_loop3A_524 : vector<16xf32>
          %parallel_loop3A_526 = arith.index_cast %parallel_loop3A_84 : i32 to index
          %parallel_loop3A_527 = arith.constant 320 : index
          %parallel_loop3A_528 = tpu.vector_load %arg10[%parallel_loop3A_526, %parallel_loop3A_527] {strides = array<i32>} : memref<16x512xf32, #tpu.memory_space<vmem>>, vector<1x16xf32>,
          %parallel_loop3A_529 = vector.shape_cast %parallel_loop3A_528 : vector<1x16xf32> to vector<16xf32>
          %parallel_loop3A_530 = vector.shape_cast %parallel_loop3A_516 : vector<16xf32> to vector<1x16xf32>
          tpu.vector_store %arg10[%parallel_loop3A_526, %parallel_loop3A_527], %parallel_loop3A_530 {strides = array<i32>} : memref<16x512xf32, #tpu.memory_space<vmem>>, vector<1x16xf32>,
          %parallel_loop3A_531 = arith.index_cast %parallel_loop3A_84 : i32 to index
          %parallel_loop3A_532 = arith.constant 336 : index
          %parallel_loop3A_533 = tpu.vector_load %arg10[%parallel_loop3A_531, %parallel_loop3A_532] {strides = array<i32>} : memref<16x512xf32, #tpu.memory_space<vmem>>, vector<1x16xf32>,
          %parallel_loop3A_534 = vector.shape_cast %parallel_loop3A_533 : vector<1x16xf32> to vector<16xf32>
          %parallel_loop3A_535 = vector.shape_cast %parallel_loop3A_525 : vector<16xf32> to vector<1x16xf32>
          tpu.vector_store %arg10[%parallel_loop3A_531, %parallel_loop3A_532], %parallel_loop3A_535 {strides = array<i32>} : memref<16x512xf32, #tpu.memory_space<vmem>>, vector<1x16xf32>,
          %parallel_loop3A_536 = arith.constant 176 : i32
          %parallel_loop3A_537 = arith.addi %parallel_loop3A_103, %parallel_loop3A_536 : i32
          %parallel_loop3A_538 = arith.index_cast %parallel_loop3A_537 : i32 to index
          %parallel_loop3A_539 = tpu.vector_load %arg8[%parallel_loop3A_538] {strides = array<i32>} : memref<55296xi32, #tpu.memory_space<vmem>>, vector<16xi32>,
          %parallel_loop3A_540 = vector.shape_cast %parallel_loop3A_539 : vector<16xi32> to vector<16xi32>
          %parallel_loop3A_541 = arith.constant 176 : i32
          %parallel_loop3A_542 = arith.addi %parallel_loop3A_117, %parallel_loop3A_541 : i32
          %parallel_loop3A_543 = arith.index_cast %parallel_loop3A_542 : i32 to index
          %parallel_loop3A_544 = tpu.vector_load %arg9[%parallel_loop3A_543] {strides = array<i32>} : memref<55296xi32, #tpu.memory_space<vmem>>, vector<16xi32>,
          %parallel_loop3A_545 = vector.shape_cast %parallel_loop3A_544 : vector<16xi32> to vector<16xi32>
          %parallel_loop3A_546 = arith.constant 16 : i32
          %parallel_loop3A_547 = vector.broadcast %parallel_loop3A_546 : i32 to vector<16xi32>
          %parallel_loop3A_548 = arith.shli %parallel_loop3A_540, %parallel_loop3A_547 : vector<16xi32>
          %parallel_loop3A_549 = tpu.bitcast %parallel_loop3A_548 : vector<16xi32> -> vector<16xf32>
          %parallel_loop3A_550 = arith.constant 16 : i32
          %parallel_loop3A_551 = vector.broadcast %parallel_loop3A_550 : i32 to vector<16xi32>
          %parallel_loop3A_552 = arith.shli %parallel_loop3A_545, %parallel_loop3A_551 : vector<16xi32>
          %parallel_loop3A_553 = tpu.bitcast %parallel_loop3A_552 : vector<16xi32> -> vector<16xf32>
          %parallel_loop3A_554 = arith.addf %parallel_loop3A_549, %parallel_loop3A_553 : vector<16xf32>
          %parallel_loop3A_555 = arith.constant -65536 : i32
          %parallel_loop3A_556 = vector.broadcast %parallel_loop3A_555 : i32 to vector<16xi32>
          %parallel_loop3A_557 = arith.andi %parallel_loop3A_540, %parallel_loop3A_556 : vector<16xi32>
          %parallel_loop3A_558 = tpu.bitcast %parallel_loop3A_557 : vector<16xi32> -> vector<16xf32>
          %parallel_loop3A_559 = arith.constant -65536 : i32
          %parallel_loop3A_560 = vector.broadcast %parallel_loop3A_559 : i32 to vector<16xi32>
          %parallel_loop3A_561 = arith.andi %parallel_loop3A_545, %parallel_loop3A_560 : vector<16xi32>
          %parallel_loop3A_562 = tpu.bitcast %parallel_loop3A_561 : vector<16xi32> -> vector<16xf32>
          %parallel_loop3A_563 = arith.addf %parallel_loop3A_558, %parallel_loop3A_562 : vector<16xf32>
          %parallel_loop3A_564 = arith.index_cast %parallel_loop3A_84 : i32 to index
          %parallel_loop3A_565 = arith.constant 352 : index
          %parallel_loop3A_566 = tpu.vector_load %arg10[%parallel_loop3A_564, %parallel_loop3A_565] {strides = array<i32>} : memref<16x512xf32, #tpu.memory_space<vmem>>, vector<1x16xf32>,
          %parallel_loop3A_567 = vector.shape_cast %parallel_loop3A_566 : vector<1x16xf32> to vector<16xf32>
          %parallel_loop3A_568 = vector.shape_cast %parallel_loop3A_554 : vector<16xf32> to vector<1x16xf32>
          tpu.vector_store %arg10[%parallel_loop3A_564, %parallel_loop3A_565], %parallel_loop3A_568 {strides = array<i32>} : memref<16x512xf32, #tpu.memory_space<vmem>>, vector<1x16xf32>,
          %parallel_loop3A_569 = arith.index_cast %parallel_loop3A_84 : i32 to index
          %parallel_loop3A_570 = arith.constant 368 : index
          %parallel_loop3A_571 = tpu.vector_load %arg10[%parallel_loop3A_569, %parallel_loop3A_570] {strides = array<i32>} : memref<16x512xf32, #tpu.memory_space<vmem>>, vector<1x16xf32>,
          %parallel_loop3A_572 = vector.shape_cast %parallel_loop3A_571 : vector<1x16xf32> to vector<16xf32>
          %parallel_loop3A_573 = vector.shape_cast %parallel_loop3A_563 : vector<16xf32> to vector<1x16xf32>
          tpu.vector_store %arg10[%parallel_loop3A_569, %parallel_loop3A_570], %parallel_loop3A_573 {strides = array<i32>} : memref<16x512xf32, #tpu.memory_space<vmem>>, vector<1x16xf32>,
          %parallel_loop3A_574 = arith.constant 192 : i32
          %parallel_loop3A_575 = arith.addi %parallel_loop3A_103, %parallel_loop3A_574 : i32
          %parallel_loop3A_576 = arith.index_cast %parallel_loop3A_575 : i32 to index
          %parallel_loop3A_577 = tpu.vector_load %arg8[%parallel_loop3A_576] {strides = array<i32>} : memref<55296xi32, #tpu.memory_space<vmem>>, vector<16xi32>,
          %parallel_loop3A_578 = vector.shape_cast %parallel_loop3A_577 : vector<16xi32> to vector<16xi32>
          %parallel_loop3A_579 = arith.constant 192 : i32
          %parallel_loop3A_580 = arith.addi %parallel_loop3A_117, %parallel_loop3A_579 : i32
          %parallel_loop3A_581 = arith.index_cast %parallel_loop3A_580 : i32 to index
          %parallel_loop3A_582 = tpu.vector_load %arg9[%parallel_loop3A_581] {strides = array<i32>} : memref<55296xi32, #tpu.memory_space<vmem>>, vector<16xi32>,
          %parallel_loop3A_583 = vector.shape_cast %parallel_loop3A_582 : vector<16xi32> to vector<16xi32>
          %parallel_loop3A_584 = arith.constant 16 : i32
          %parallel_loop3A_585 = vector.broadcast %parallel_loop3A_584 : i32 to vector<16xi32>
          %parallel_loop3A_586 = arith.shli %parallel_loop3A_578, %parallel_loop3A_585 : vector<16xi32>
          %parallel_loop3A_587 = tpu.bitcast %parallel_loop3A_586 : vector<16xi32> -> vector<16xf32>
          %parallel_loop3A_588 = arith.constant 16 : i32
          %parallel_loop3A_589 = vector.broadcast %parallel_loop3A_588 : i32 to vector<16xi32>
          %parallel_loop3A_590 = arith.shli %parallel_loop3A_583, %parallel_loop3A_589 : vector<16xi32>
          %parallel_loop3A_591 = tpu.bitcast %parallel_loop3A_590 : vector<16xi32> -> vector<16xf32>
          %parallel_loop3A_592 = arith.addf %parallel_loop3A_587, %parallel_loop3A_591 : vector<16xf32>
          %parallel_loop3A_593 = arith.constant -65536 : i32
          %parallel_loop3A_594 = vector.broadcast %parallel_loop3A_593 : i32 to vector<16xi32>
          %parallel_loop3A_595 = arith.andi %parallel_loop3A_578, %parallel_loop3A_594 : vector<16xi32>
          %parallel_loop3A_596 = tpu.bitcast %parallel_loop3A_595 : vector<16xi32> -> vector<16xf32>
          %parallel_loop3A_597 = arith.constant -65536 : i32
          %parallel_loop3A_598 = vector.broadcast %parallel_loop3A_597 : i32 to vector<16xi32>
          %parallel_loop3A_599 = arith.andi %parallel_loop3A_583, %parallel_loop3A_598 : vector<16xi32>
          %parallel_loop3A_600 = tpu.bitcast %parallel_loop3A_599 : vector<16xi32> -> vector<16xf32>
          %parallel_loop3A_601 = arith.addf %parallel_loop3A_596, %parallel_loop3A_600 : vector<16xf32>
          %parallel_loop3A_602 = arith.index_cast %parallel_loop3A_84 : i32 to index
          %parallel_loop3A_603 = arith.constant 384 : index
          %parallel_loop3A_604 = tpu.vector_load %arg10[%parallel_loop3A_602, %parallel_loop3A_603] {strides = array<i32>} : memref<16x512xf32, #tpu.memory_space<vmem>>, vector<1x16xf32>,
          %parallel_loop3A_605 = vector.shape_cast %parallel_loop3A_604 : vector<1x16xf32> to vector<16xf32>
          %parallel_loop3A_606 = vector.shape_cast %parallel_loop3A_592 : vector<16xf32> to vector<1x16xf32>
          tpu.vector_store %arg10[%parallel_loop3A_602, %parallel_loop3A_603], %parallel_loop3A_606 {strides = array<i32>} : memref<16x512xf32, #tpu.memory_space<vmem>>, vector<1x16xf32>,
          %parallel_loop3A_607 = arith.index_cast %parallel_loop3A_84 : i32 to index
          %parallel_loop3A_608 = arith.constant 400 : index
          %parallel_loop3A_609 = tpu.vector_load %arg10[%parallel_loop3A_607, %parallel_loop3A_608] {strides = array<i32>} : memref<16x512xf32, #tpu.memory_space<vmem>>, vector<1x16xf32>,
          %parallel_loop3A_610 = vector.shape_cast %parallel_loop3A_609 : vector<1x16xf32> to vector<16xf32>
          %parallel_loop3A_611 = vector.shape_cast %parallel_loop3A_601 : vector<16xf32> to vector<1x16xf32>
          tpu.vector_store %arg10[%parallel_loop3A_607, %parallel_loop3A_608], %parallel_loop3A_611 {strides = array<i32>} : memref<16x512xf32, #tpu.memory_space<vmem>>, vector<1x16xf32>,
          %parallel_loop3A_612 = arith.constant 208 : i32
          %parallel_loop3A_613 = arith.addi %parallel_loop3A_103, %parallel_loop3A_612 : i32
          %parallel_loop3A_614 = arith.index_cast %parallel_loop3A_613 : i32 to index
          %parallel_loop3A_615 = tpu.vector_load %arg8[%parallel_loop3A_614] {strides = array<i32>} : memref<55296xi32, #tpu.memory_space<vmem>>, vector<16xi32>,
          %parallel_loop3A_616 = vector.shape_cast %parallel_loop3A_615 : vector<16xi32> to vector<16xi32>
          %parallel_loop3A_617 = arith.constant 208 : i32
          %parallel_loop3A_618 = arith.addi %parallel_loop3A_117, %parallel_loop3A_617 : i32
          %parallel_loop3A_619 = arith.index_cast %parallel_loop3A_618 : i32 to index
          %parallel_loop3A_620 = tpu.vector_load %arg9[%parallel_loop3A_619] {strides = array<i32>} : memref<55296xi32, #tpu.memory_space<vmem>>, vector<16xi32>,
          %parallel_loop3A_621 = vector.shape_cast %parallel_loop3A_620 : vector<16xi32> to vector<16xi32>
          %parallel_loop3A_622 = arith.constant 16 : i32
          %parallel_loop3A_623 = vector.broadcast %parallel_loop3A_622 : i32 to vector<16xi32>
          %parallel_loop3A_624 = arith.shli %parallel_loop3A_616, %parallel_loop3A_623 : vector<16xi32>
          %parallel_loop3A_625 = tpu.bitcast %parallel_loop3A_624 : vector<16xi32> -> vector<16xf32>
          %parallel_loop3A_626 = arith.constant 16 : i32
          %parallel_loop3A_627 = vector.broadcast %parallel_loop3A_626 : i32 to vector<16xi32>
          %parallel_loop3A_628 = arith.shli %parallel_loop3A_621, %parallel_loop3A_627 : vector<16xi32>
          %parallel_loop3A_629 = tpu.bitcast %parallel_loop3A_628 : vector<16xi32> -> vector<16xf32>
          %parallel_loop3A_630 = arith.addf %parallel_loop3A_625, %parallel_loop3A_629 : vector<16xf32>
          %parallel_loop3A_631 = arith.constant -65536 : i32
          %parallel_loop3A_632 = vector.broadcast %parallel_loop3A_631 : i32 to vector<16xi32>
          %parallel_loop3A_633 = arith.andi %parallel_loop3A_616, %parallel_loop3A_632 : vector<16xi32>
          %parallel_loop3A_634 = tpu.bitcast %parallel_loop3A_633 : vector<16xi32> -> vector<16xf32>
          %parallel_loop3A_635 = arith.constant -65536 : i32
          %parallel_loop3A_636 = vector.broadcast %parallel_loop3A_635 : i32 to vector<16xi32>
          %parallel_loop3A_637 = arith.andi %parallel_loop3A_621, %parallel_loop3A_636 : vector<16xi32>
          %parallel_loop3A_638 = tpu.bitcast %parallel_loop3A_637 : vector<16xi32> -> vector<16xf32>
          %parallel_loop3A_639 = arith.addf %parallel_loop3A_634, %parallel_loop3A_638 : vector<16xf32>
          %parallel_loop3A_640 = arith.index_cast %parallel_loop3A_84 : i32 to index
          %parallel_loop3A_641 = arith.constant 416 : index
          %parallel_loop3A_642 = tpu.vector_load %arg10[%parallel_loop3A_640, %parallel_loop3A_641] {strides = array<i32>} : memref<16x512xf32, #tpu.memory_space<vmem>>, vector<1x16xf32>,
          %parallel_loop3A_643 = vector.shape_cast %parallel_loop3A_642 : vector<1x16xf32> to vector<16xf32>
          %parallel_loop3A_644 = vector.shape_cast %parallel_loop3A_630 : vector<16xf32> to vector<1x16xf32>
          tpu.vector_store %arg10[%parallel_loop3A_640, %parallel_loop3A_641], %parallel_loop3A_644 {strides = array<i32>} : memref<16x512xf32, #tpu.memory_space<vmem>>, vector<1x16xf32>,
          %parallel_loop3A_645 = arith.index_cast %parallel_loop3A_84 : i32 to index
          %parallel_loop3A_646 = arith.constant 432 : index
          %parallel_loop3A_647 = tpu.vector_load %arg10[%parallel_loop3A_645, %parallel_loop3A_646] {strides = array<i32>} : memref<16x512xf32, #tpu.memory_space<vmem>>, vector<1x16xf32>,
          %parallel_loop3A_648 = vector.shape_cast %parallel_loop3A_647 : vector<1x16xf32> to vector<16xf32>
          %parallel_loop3A_649 = vector.shape_cast %parallel_loop3A_639 : vector<16xf32> to vector<1x16xf32>
          tpu.vector_store %arg10[%parallel_loop3A_645, %parallel_loop3A_646], %parallel_loop3A_649 {strides = array<i32>} : memref<16x512xf32, #tpu.memory_space<vmem>>, vector<1x16xf32>,
          %parallel_loop3A_650 = arith.constant 224 : i32
          %parallel_loop3A_651 = arith.addi %parallel_loop3A_103, %parallel_loop3A_650 : i32
          %parallel_loop3A_652 = arith.index_cast %parallel_loop3A_651 : i32 to index
          %parallel_loop3A_653 = tpu.vector_load %arg8[%parallel_loop3A_652] {strides = array<i32>} : memref<55296xi32, #tpu.memory_space<vmem>>, vector<16xi32>,
          %parallel_loop3A_654 = vector.shape_cast %parallel_loop3A_653 : vector<16xi32> to vector<16xi32>
          %parallel_loop3A_655 = arith.constant 224 : i32
          %parallel_loop3A_656 = arith.addi %parallel_loop3A_117, %parallel_loop3A_655 : i32
          %parallel_loop3A_657 = arith.index_cast %parallel_loop3A_656 : i32 to index
          %parallel_loop3A_658 = tpu.vector_load %arg9[%parallel_loop3A_657] {strides = array<i32>} : memref<55296xi32, #tpu.memory_space<vmem>>, vector<16xi32>,
          %parallel_loop3A_659 = vector.shape_cast %parallel_loop3A_658 : vector<16xi32> to vector<16xi32>
          %parallel_loop3A_660 = arith.constant 16 : i32
          %parallel_loop3A_661 = vector.broadcast %parallel_loop3A_660 : i32 to vector<16xi32>
          %parallel_loop3A_662 = arith.shli %parallel_loop3A_654, %parallel_loop3A_661 : vector<16xi32>
          %parallel_loop3A_663 = tpu.bitcast %parallel_loop3A_662 : vector<16xi32> -> vector<16xf32>
          %parallel_loop3A_664 = arith.constant 16 : i32
          %parallel_loop3A_665 = vector.broadcast %parallel_loop3A_664 : i32 to vector<16xi32>
          %parallel_loop3A_666 = arith.shli %parallel_loop3A_659, %parallel_loop3A_665 : vector<16xi32>
          %parallel_loop3A_667 = tpu.bitcast %parallel_loop3A_666 : vector<16xi32> -> vector<16xf32>
          %parallel_loop3A_668 = arith.addf %parallel_loop3A_663, %parallel_loop3A_667 : vector<16xf32>
          %parallel_loop3A_669 = arith.constant -65536 : i32
          %parallel_loop3A_670 = vector.broadcast %parallel_loop3A_669 : i32 to vector<16xi32>
          %parallel_loop3A_671 = arith.andi %parallel_loop3A_654, %parallel_loop3A_670 : vector<16xi32>
          %parallel_loop3A_672 = tpu.bitcast %parallel_loop3A_671 : vector<16xi32> -> vector<16xf32>
          %parallel_loop3A_673 = arith.constant -65536 : i32
          %parallel_loop3A_674 = vector.broadcast %parallel_loop3A_673 : i32 to vector<16xi32>
          %parallel_loop3A_675 = arith.andi %parallel_loop3A_659, %parallel_loop3A_674 : vector<16xi32>
          %parallel_loop3A_676 = tpu.bitcast %parallel_loop3A_675 : vector<16xi32> -> vector<16xf32>
          %parallel_loop3A_677 = arith.addf %parallel_loop3A_672, %parallel_loop3A_676 : vector<16xf32>
          %parallel_loop3A_678 = arith.index_cast %parallel_loop3A_84 : i32 to index
          %parallel_loop3A_679 = arith.constant 448 : index
          %parallel_loop3A_680 = tpu.vector_load %arg10[%parallel_loop3A_678, %parallel_loop3A_679] {strides = array<i32>} : memref<16x512xf32, #tpu.memory_space<vmem>>, vector<1x16xf32>,
          %parallel_loop3A_681 = vector.shape_cast %parallel_loop3A_680 : vector<1x16xf32> to vector<16xf32>
          %parallel_loop3A_682 = vector.shape_cast %parallel_loop3A_668 : vector<16xf32> to vector<1x16xf32>
          tpu.vector_store %arg10[%parallel_loop3A_678, %parallel_loop3A_679], %parallel_loop3A_682 {strides = array<i32>} : memref<16x512xf32, #tpu.memory_space<vmem>>, vector<1x16xf32>,
          %parallel_loop3A_683 = arith.index_cast %parallel_loop3A_84 : i32 to index
          %parallel_loop3A_684 = arith.constant 464 : index
          %parallel_loop3A_685 = tpu.vector_load %arg10[%parallel_loop3A_683, %parallel_loop3A_684] {strides = array<i32>} : memref<16x512xf32, #tpu.memory_space<vmem>>, vector<1x16xf32>,
          %parallel_loop3A_686 = vector.shape_cast %parallel_loop3A_685 : vector<1x16xf32> to vector<16xf32>
          %parallel_loop3A_687 = vector.shape_cast %parallel_loop3A_677 : vector<16xf32> to vector<1x16xf32>
          tpu.vector_store %arg10[%parallel_loop3A_683, %parallel_loop3A_684], %parallel_loop3A_687 {strides = array<i32>} : memref<16x512xf32, #tpu.memory_space<vmem>>, vector<1x16xf32>,
          %parallel_loop3A_688 = arith.constant 240 : i32
          %parallel_loop3A_689 = arith.addi %parallel_loop3A_103, %parallel_loop3A_688 : i32
          %parallel_loop3A_690 = arith.index_cast %parallel_loop3A_689 : i32 to index
          %parallel_loop3A_691 = tpu.vector_load %arg8[%parallel_loop3A_690] {strides = array<i32>} : memref<55296xi32, #tpu.memory_space<vmem>>, vector<16xi32>,
          %parallel_loop3A_692 = vector.shape_cast %parallel_loop3A_691 : vector<16xi32> to vector<16xi32>
          %parallel_loop3A_693 = arith.constant 240 : i32
          %parallel_loop3A_694 = arith.addi %parallel_loop3A_117, %parallel_loop3A_693 : i32
          %parallel_loop3A_695 = arith.index_cast %parallel_loop3A_694 : i32 to index
          %parallel_loop3A_696 = tpu.vector_load %arg9[%parallel_loop3A_695] {strides = array<i32>} : memref<55296xi32, #tpu.memory_space<vmem>>, vector<16xi32>,
          %parallel_loop3A_697 = vector.shape_cast %parallel_loop3A_696 : vector<16xi32> to vector<16xi32>
          %parallel_loop3A_698 = arith.constant 16 : i32
          %parallel_loop3A_699 = vector.broadcast %parallel_loop3A_698 : i32 to vector<16xi32>
          %parallel_loop3A_700 = arith.shli %parallel_loop3A_692, %parallel_loop3A_699 : vector<16xi32>
          %parallel_loop3A_701 = tpu.bitcast %parallel_loop3A_700 : vector<16xi32> -> vector<16xf32>
          %parallel_loop3A_702 = arith.constant 16 : i32
          %parallel_loop3A_703 = vector.broadcast %parallel_loop3A_702 : i32 to vector<16xi32>
          %parallel_loop3A_704 = arith.shli %parallel_loop3A_697, %parallel_loop3A_703 : vector<16xi32>
          %parallel_loop3A_705 = tpu.bitcast %parallel_loop3A_704 : vector<16xi32> -> vector<16xf32>
          %parallel_loop3A_706 = arith.addf %parallel_loop3A_701, %parallel_loop3A_705 : vector<16xf32>
          %parallel_loop3A_707 = arith.constant -65536 : i32
          %parallel_loop3A_708 = vector.broadcast %parallel_loop3A_707 : i32 to vector<16xi32>
          %parallel_loop3A_709 = arith.andi %parallel_loop3A_692, %parallel_loop3A_708 : vector<16xi32>
          %parallel_loop3A_710 = tpu.bitcast %parallel_loop3A_709 : vector<16xi32> -> vector<16xf32>
          %parallel_loop3A_711 = arith.constant -65536 : i32
          %parallel_loop3A_712 = vector.broadcast %parallel_loop3A_711 : i32 to vector<16xi32>
          %parallel_loop3A_713 = arith.andi %parallel_loop3A_697, %parallel_loop3A_712 : vector<16xi32>
          %parallel_loop3A_714 = tpu.bitcast %parallel_loop3A_713 : vector<16xi32> -> vector<16xf32>
          %parallel_loop3A_715 = arith.addf %parallel_loop3A_710, %parallel_loop3A_714 : vector<16xf32>
          %parallel_loop3A_716 = arith.index_cast %parallel_loop3A_84 : i32 to index
          %parallel_loop3A_717 = arith.constant 480 : index
          %parallel_loop3A_718 = tpu.vector_load %arg10[%parallel_loop3A_716, %parallel_loop3A_717] {strides = array<i32>} : memref<16x512xf32, #tpu.memory_space<vmem>>, vector<1x16xf32>,
          %parallel_loop3A_719 = vector.shape_cast %parallel_loop3A_718 : vector<1x16xf32> to vector<16xf32>
          %parallel_loop3A_720 = vector.shape_cast %parallel_loop3A_706 : vector<16xf32> to vector<1x16xf32>
          tpu.vector_store %arg10[%parallel_loop3A_716, %parallel_loop3A_717], %parallel_loop3A_720 {strides = array<i32>} : memref<16x512xf32, #tpu.memory_space<vmem>>, vector<1x16xf32>,
          %parallel_loop3A_721 = arith.index_cast %parallel_loop3A_84 : i32 to index
          %parallel_loop3A_722 = arith.constant 496 : index
          %parallel_loop3A_723 = tpu.vector_load %arg10[%parallel_loop3A_721, %parallel_loop3A_722] {strides = array<i32>} : memref<16x512xf32, #tpu.memory_space<vmem>>, vector<1x16xf32>,
          %parallel_loop3A_724 = vector.shape_cast %parallel_loop3A_723 : vector<1x16xf32> to vector<16xf32>
          %parallel_loop3A_725 = vector.shape_cast %parallel_loop3A_715 : vector<16xf32> to vector<1x16xf32>
          tpu.vector_store %arg10[%parallel_loop3A_721, %parallel_loop3A_722], %parallel_loop3A_725 {strides = array<i32>} : memref<16x512xf32, #tpu.memory_space<vmem>>, vector<1x16xf32>,
        } {sc.loop_unroll_factor = 2 : i64, sc.parallel_access}
        %mul3A_69 = arith.constant 32 : i32
        %mul3A_70 = arith.muli %mul3A_43, %mul3A_69 : i32
        %add3A_71 = arith.addi %mul3A_70, %add3A : i32
        %mul3A_72 = arith.constant 16 : i32
        %mul3A_73 = arith.muli %add3A_71, %mul3A_72 : i32
        %dma_start3A_74 = arith.constant 0 : i32
        %dma_start3A_75 = tpu.memref_slice %arg5[%mul3A_73, %dma_start3A_74] : memref<100000x512xf32, #tpu.memory_space<hbm>> -> memref<16x512xf32, #tpu.memory_space<hbm>>
        %dma_start3A_76 = arith.constant 0 : i32
        %dma_start3A_77 = tpu.memref_slice %arg5[%mul3A_73, %dma_start3A_76] : memref<100000x512xf32, #tpu.memory_space<hbm>> -> memref<16x512xf32, #tpu.memory_space<hbm>>
        tpu.enqueue_dma source(%arg10 : memref<16x512xf32, #tpu.memory_space<vmem>>) target(%dma_start3A_77 : memref<16x512xf32, #tpu.memory_space<hbm>>) target_semaphore(%arg14 : memref<!tpu.dma_semaphore, #tpu.memory_space<semaphore_mem>>)
        %add3A_78 = arith.constant 2 : i32
        %add3A_79 = arith.addi %mul3A_43, %add3A_78 : i32
        %lt3A_80 = arith.cmpi slt, %add3A_79, %select_n3A : i32
        %convert_element_type3A_81 = arith.extui %lt3A_80 : i1 to i32
        %cond3A_82 = arith.constant 0 : i32
        %cond3A_83 = arith.cmpi ne, %convert_element_type3A_81, %cond3A_82 : i32
        scf.if %cond3A_83 {
          %add3A_84 = arith.constant 2 : i32
          %add3A_85 = arith.addi %mul3A_43, %add3A_84 : i32
          %mul3A_86 = arith.constant 32 : i32
          %mul3A_87 = arith.muli %add3A_85, %mul3A_86 : i32
          %add3A_88 = arith.addi %mul3A_87, %add3A : i32
          %mul3A_89 = arith.constant 16 : i32
          %mul3A_90 = arith.muli %add3A_88, %mul3A_89 : i32
          %mul3A_91 = arith.constant 16 : i32
          %mul3A_92 = arith.muli %mul3A_90, %mul3A_91 : i32
          %dma_start3A_93 = tpu.memref_slice %arg2[%mul3A_92] : memref<1600000xi32, #tpu.memory_space<hbm>> -> memref<256xi32, #tpu.memory_space<hbm>>
          %dma_start3A_94 = tpu.memref_slice %arg2[%mul3A_92] : memref<1600000xi32, #tpu.memory_space<hbm>> -> memref<256xi32, #tpu.memory_space<hbm>>
          tpu.enqueue_dma source(%dma_start3A_94 : memref<256xi32, #tpu.memory_space<hbm>>) target(%arg6 : memref<256xi32, #tpu.memory_space<vmem>>) target_semaphore(%arg12 : memref<!tpu.dma_semaphore, #tpu.memory_space<semaphore_mem>>)
        } else {
        }
      } else {
      }
      %mul3A_46 = arith.constant 2 : i32
      %mul3A_47 = arith.muli %mul3A_46, %add3A_41 : i32
      %add3A_48 = arith.constant 1 : i32
      %add3A_49 = arith.addi %mul3A_47, %add3A_48 : i32
      %lt3A_50 = arith.cmpi slt, %add3A_49, %select_n3A : i32
      %convert_element_type3A_51 = arith.extui %lt3A_50 : i1 to i32
      %cond3A_52 = arith.constant 0 : i32
      %cond3A_53 = arith.cmpi ne, %convert_element_type3A_51, %cond3A_52 : i32
      scf.if %cond3A_53 {
        %mul3A_54 = arith.constant 32 : i32
        %mul3A_55 = arith.muli %add3A_49, %mul3A_54 : i32
        %add3A_56 = arith.addi %mul3A_55, %add3A : i32
        %mul3A_57 = arith.constant 16 : i32
        %mul3A_58 = arith.muli %add3A_56, %mul3A_57 : i32
        %mul3A_59 = arith.constant 16 : i32
        %mul3A_60 = arith.muli %mul3A_58, %mul3A_59 : i32
        %dma_wait3A_61 = tpu.memref_slice %arg2[%mul3A_60] : memref<1600000xi32, #tpu.memory_space<hbm>> -> memref<256xi32, #tpu.memory_space<hbm>>
        %dma_wait3A_62 = tpu.memref_slice %arg2[%mul3A_60] : memref<1600000xi32, #tpu.memory_space<hbm>> -> memref<256xi32, #tpu.memory_space<hbm>>
        tpu.wait_dma2 semaphore(%arg13 : memref<!tpu.dma_semaphore, #tpu.memory_space<semaphore_mem>>) src(%dma_wait3A_62 : memref<256xi32, #tpu.memory_space<hbm>>) dst(%arg7 : memref<256xi32, #tpu.memory_space<vmem>>)
        %gt3A = arith.constant 0 : i32
        %gt3A_63 = arith.cmpi sgt, %add3A_41, %gt3A : i32
        %convert_element_type3A_64 = arith.extui %gt3A_63 : i1 to i32
        %cond3A_65 = arith.constant 0 : i32
        %cond3A_66 = arith.cmpi ne, %convert_element_type3A_64, %cond3A_65 : i32
        scf.if %cond3A_66 {
          %mul3A_84 = arith.constant 32 : i32
          %mul3A_85 = arith.muli %add3A_49, %mul3A_84 : i32
          %add3A_86 = arith.addi %mul3A_85, %add3A : i32
          %mul3A_87 = arith.constant 16 : i32
          %mul3A_88 = arith.muli %add3A_86, %mul3A_87 : i32
          %dma_wait3A_89 = arith.constant 0 : i32
          %dma_wait3A_90 = tpu.memref_slice %arg5[%mul3A_88, %dma_wait3A_89] : memref<100000x512xf32, #tpu.memory_space<hbm>> -> memref<16x512xf32, #tpu.memory_space<hbm>>
          %dma_wait3A_91 = arith.constant 0 : i32
          %dma_wait3A_92 = tpu.memref_slice %arg5[%mul3A_88, %dma_wait3A_91] : memref<100000x512xf32, #tpu.memory_space<hbm>> -> memref<16x512xf32, #tpu.memory_space<hbm>>
          tpu.wait_dma2 semaphore(%arg15 : memref<!tpu.dma_semaphore, #tpu.memory_space<semaphore_mem>>) src(%arg11 : memref<16x512xf32, #tpu.memory_space<vmem>>) dst(%dma_wait3A_92 : memref<16x512xf32, #tpu.memory_space<hbm>>)
        } else {
        }
        %parallel_loop3A = arith.constant 0 : i32
        %parallel_loop3A_67 = arith.constant 16 : i32
        %parallel_loop3A_68 = arith.constant 1 : i32
        scf.for %parallel_loop3A_84 = %parallel_loop3A to %parallel_loop3A_67 step %parallel_loop3A_68  : i32 {
          %parallel_loop3A_85 = arith.constant 16 : i32
          %parallel_loop3A_86 = arith.muli %parallel_loop3A_84, %parallel_loop3A_85 : i32
          %parallel_loop3A_87 = arith.index_cast %parallel_loop3A_86 : i32 to index
          %parallel_loop3A_88 = tpu.vector_load %arg7[%parallel_loop3A_87] {strides = array<i32>} : memref<256xi32, #tpu.memory_space<vmem>>, vector<16xi32>,
          %parallel_loop3A_89 = vector.shape_cast %parallel_loop3A_88 : vector<16xi32> to vector<16xi32>
          %parallel_loop3A_90 = vector.extract_strided_slice %parallel_loop3A_89 {offsets = [0], sizes = [1], strides = [1]} : vector<16xi32> to vector<1xi32>
          %parallel_loop3A_91 = vector.extract %parallel_loop3A_90[0] : i32 from vector<1xi32>
          %parallel_loop3A_92 = arith.constant 6 : i32
          %parallel_loop3A_93 = arith.muli %parallel_loop3A_91, %parallel_loop3A_92 : i32
          %parallel_loop3A_94 = vector.extract_strided_slice %parallel_loop3A_89 {offsets = [1], sizes = [1], strides = [1]} : vector<16xi32> to vector<1xi32>
          %parallel_loop3A_95 = vector.extract %parallel_loop3A_94[0] : i32 from vector<1xi32>
          %parallel_loop3A_96 = arith.addi %parallel_loop3A_93, %parallel_loop3A_95 : i32
          %parallel_loop3A_97 = arith.constant 6 : i32
          %parallel_loop3A_98 = arith.muli %parallel_loop3A_96, %parallel_loop3A_97 : i32
          %parallel_loop3A_99 = vector.extract_strided_slice %parallel_loop3A_89 {offsets = [2], sizes = [1], strides = [1]} : vector<16xi32> to vector<1xi32>
          %parallel_loop3A_100 = vector.extract %parallel_loop3A_99[0] : i32 from vector<1xi32>
          %parallel_loop3A_101 = arith.addi %parallel_loop3A_98, %parallel_loop3A_100 : i32
          %parallel_loop3A_102 = arith.constant 256 : i32
          %parallel_loop3A_103 = arith.muli %parallel_loop3A_101, %parallel_loop3A_102 : i32
          %parallel_loop3A_104 = vector.extract_strided_slice %parallel_loop3A_89 {offsets = [3], sizes = [1], strides = [1]} : vector<16xi32> to vector<1xi32>
          %parallel_loop3A_105 = vector.extract %parallel_loop3A_104[0] : i32 from vector<1xi32>
          %parallel_loop3A_106 = arith.constant 6 : i32
          %parallel_loop3A_107 = arith.muli %parallel_loop3A_105, %parallel_loop3A_106 : i32
          %parallel_loop3A_108 = vector.extract_strided_slice %parallel_loop3A_89 {offsets = [4], sizes = [1], strides = [1]} : vector<16xi32> to vector<1xi32>
          %parallel_loop3A_109 = vector.extract %parallel_loop3A_108[0] : i32 from vector<1xi32>
          %parallel_loop3A_110 = arith.addi %parallel_loop3A_107, %parallel_loop3A_109 : i32
          %parallel_loop3A_111 = arith.constant 6 : i32
          %parallel_loop3A_112 = arith.muli %parallel_loop3A_110, %parallel_loop3A_111 : i32
          %parallel_loop3A_113 = vector.extract_strided_slice %parallel_loop3A_89 {offsets = [5], sizes = [1], strides = [1]} : vector<16xi32> to vector<1xi32>
          %parallel_loop3A_114 = vector.extract %parallel_loop3A_113[0] : i32 from vector<1xi32>
          %parallel_loop3A_115 = arith.addi %parallel_loop3A_112, %parallel_loop3A_114 : i32
          %parallel_loop3A_116 = arith.constant 256 : i32
          %parallel_loop3A_117 = arith.muli %parallel_loop3A_115, %parallel_loop3A_116 : i32
          %parallel_loop3A_118 = arith.constant 0 : i32
          %parallel_loop3A_119 = arith.addi %parallel_loop3A_103, %parallel_loop3A_118 : i32
          %parallel_loop3A_120 = arith.index_cast %parallel_loop3A_119 : i32 to index
          %parallel_loop3A_121 = tpu.vector_load %arg8[%parallel_loop3A_120] {strides = array<i32>} : memref<55296xi32, #tpu.memory_space<vmem>>, vector<16xi32>,
          %parallel_loop3A_122 = vector.shape_cast %parallel_loop3A_121 : vector<16xi32> to vector<16xi32>
          %parallel_loop3A_123 = arith.constant 0 : i32
          %parallel_loop3A_124 = arith.addi %parallel_loop3A_117, %parallel_loop3A_123 : i32
          %parallel_loop3A_125 = arith.index_cast %parallel_loop3A_124 : i32 to index
          %parallel_loop3A_126 = tpu.vector_load %arg9[%parallel_loop3A_125] {strides = array<i32>} : memref<55296xi32, #tpu.memory_space<vmem>>, vector<16xi32>,
          %parallel_loop3A_127 = vector.shape_cast %parallel_loop3A_126 : vector<16xi32> to vector<16xi32>
          %parallel_loop3A_128 = arith.constant 16 : i32
          %parallel_loop3A_129 = vector.broadcast %parallel_loop3A_128 : i32 to vector<16xi32>
          %parallel_loop3A_130 = arith.shli %parallel_loop3A_122, %parallel_loop3A_129 : vector<16xi32>
          %parallel_loop3A_131 = tpu.bitcast %parallel_loop3A_130 : vector<16xi32> -> vector<16xf32>
          %parallel_loop3A_132 = arith.constant 16 : i32
          %parallel_loop3A_133 = vector.broadcast %parallel_loop3A_132 : i32 to vector<16xi32>
          %parallel_loop3A_134 = arith.shli %parallel_loop3A_127, %parallel_loop3A_133 : vector<16xi32>
          %parallel_loop3A_135 = tpu.bitcast %parallel_loop3A_134 : vector<16xi32> -> vector<16xf32>
          %parallel_loop3A_136 = arith.addf %parallel_loop3A_131, %parallel_loop3A_135 : vector<16xf32>
          %parallel_loop3A_137 = arith.constant -65536 : i32
          %parallel_loop3A_138 = vector.broadcast %parallel_loop3A_137 : i32 to vector<16xi32>
          %parallel_loop3A_139 = arith.andi %parallel_loop3A_122, %parallel_loop3A_138 : vector<16xi32>
          %parallel_loop3A_140 = tpu.bitcast %parallel_loop3A_139 : vector<16xi32> -> vector<16xf32>
          %parallel_loop3A_141 = arith.constant -65536 : i32
          %parallel_loop3A_142 = vector.broadcast %parallel_loop3A_141 : i32 to vector<16xi32>
          %parallel_loop3A_143 = arith.andi %parallel_loop3A_127, %parallel_loop3A_142 : vector<16xi32>
          %parallel_loop3A_144 = tpu.bitcast %parallel_loop3A_143 : vector<16xi32> -> vector<16xf32>
          %parallel_loop3A_145 = arith.addf %parallel_loop3A_140, %parallel_loop3A_144 : vector<16xf32>
          %parallel_loop3A_146 = arith.index_cast %parallel_loop3A_84 : i32 to index
          %parallel_loop3A_147 = arith.constant 0 : index
          %parallel_loop3A_148 = tpu.vector_load %arg11[%parallel_loop3A_146, %parallel_loop3A_147] {strides = array<i32>} : memref<16x512xf32, #tpu.memory_space<vmem>>, vector<1x16xf32>,
          %parallel_loop3A_149 = vector.shape_cast %parallel_loop3A_148 : vector<1x16xf32> to vector<16xf32>
          %parallel_loop3A_150 = vector.shape_cast %parallel_loop3A_136 : vector<16xf32> to vector<1x16xf32>
          tpu.vector_store %arg11[%parallel_loop3A_146, %parallel_loop3A_147], %parallel_loop3A_150 {strides = array<i32>} : memref<16x512xf32, #tpu.memory_space<vmem>>, vector<1x16xf32>,
          %parallel_loop3A_151 = arith.index_cast %parallel_loop3A_84 : i32 to index
          %parallel_loop3A_152 = arith.constant 16 : index
          %parallel_loop3A_153 = tpu.vector_load %arg11[%parallel_loop3A_151, %parallel_loop3A_152] {strides = array<i32>} : memref<16x512xf32, #tpu.memory_space<vmem>>, vector<1x16xf32>,
          %parallel_loop3A_154 = vector.shape_cast %parallel_loop3A_153 : vector<1x16xf32> to vector<16xf32>
          %parallel_loop3A_155 = vector.shape_cast %parallel_loop3A_145 : vector<16xf32> to vector<1x16xf32>
          tpu.vector_store %arg11[%parallel_loop3A_151, %parallel_loop3A_152], %parallel_loop3A_155 {strides = array<i32>} : memref<16x512xf32, #tpu.memory_space<vmem>>, vector<1x16xf32>,
          %parallel_loop3A_156 = arith.constant 16 : i32
          %parallel_loop3A_157 = arith.addi %parallel_loop3A_103, %parallel_loop3A_156 : i32
          %parallel_loop3A_158 = arith.index_cast %parallel_loop3A_157 : i32 to index
          %parallel_loop3A_159 = tpu.vector_load %arg8[%parallel_loop3A_158] {strides = array<i32>} : memref<55296xi32, #tpu.memory_space<vmem>>, vector<16xi32>,
          %parallel_loop3A_160 = vector.shape_cast %parallel_loop3A_159 : vector<16xi32> to vector<16xi32>
          %parallel_loop3A_161 = arith.constant 16 : i32
          %parallel_loop3A_162 = arith.addi %parallel_loop3A_117, %parallel_loop3A_161 : i32
          %parallel_loop3A_163 = arith.index_cast %parallel_loop3A_162 : i32 to index
          %parallel_loop3A_164 = tpu.vector_load %arg9[%parallel_loop3A_163] {strides = array<i32>} : memref<55296xi32, #tpu.memory_space<vmem>>, vector<16xi32>,
          %parallel_loop3A_165 = vector.shape_cast %parallel_loop3A_164 : vector<16xi32> to vector<16xi32>
          %parallel_loop3A_166 = arith.constant 16 : i32
          %parallel_loop3A_167 = vector.broadcast %parallel_loop3A_166 : i32 to vector<16xi32>
          %parallel_loop3A_168 = arith.shli %parallel_loop3A_160, %parallel_loop3A_167 : vector<16xi32>
          %parallel_loop3A_169 = tpu.bitcast %parallel_loop3A_168 : vector<16xi32> -> vector<16xf32>
          %parallel_loop3A_170 = arith.constant 16 : i32
          %parallel_loop3A_171 = vector.broadcast %parallel_loop3A_170 : i32 to vector<16xi32>
          %parallel_loop3A_172 = arith.shli %parallel_loop3A_165, %parallel_loop3A_171 : vector<16xi32>
          %parallel_loop3A_173 = tpu.bitcast %parallel_loop3A_172 : vector<16xi32> -> vector<16xf32>
          %parallel_loop3A_174 = arith.addf %parallel_loop3A_169, %parallel_loop3A_173 : vector<16xf32>
          %parallel_loop3A_175 = arith.constant -65536 : i32
          %parallel_loop3A_176 = vector.broadcast %parallel_loop3A_175 : i32 to vector<16xi32>
          %parallel_loop3A_177 = arith.andi %parallel_loop3A_160, %parallel_loop3A_176 : vector<16xi32>
          %parallel_loop3A_178 = tpu.bitcast %parallel_loop3A_177 : vector<16xi32> -> vector<16xf32>
          %parallel_loop3A_179 = arith.constant -65536 : i32
          %parallel_loop3A_180 = vector.broadcast %parallel_loop3A_179 : i32 to vector<16xi32>
          %parallel_loop3A_181 = arith.andi %parallel_loop3A_165, %parallel_loop3A_180 : vector<16xi32>
          %parallel_loop3A_182 = tpu.bitcast %parallel_loop3A_181 : vector<16xi32> -> vector<16xf32>
          %parallel_loop3A_183 = arith.addf %parallel_loop3A_178, %parallel_loop3A_182 : vector<16xf32>
          %parallel_loop3A_184 = arith.index_cast %parallel_loop3A_84 : i32 to index
          %parallel_loop3A_185 = arith.constant 32 : index
          %parallel_loop3A_186 = tpu.vector_load %arg11[%parallel_loop3A_184, %parallel_loop3A_185] {strides = array<i32>} : memref<16x512xf32, #tpu.memory_space<vmem>>, vector<1x16xf32>,
          %parallel_loop3A_187 = vector.shape_cast %parallel_loop3A_186 : vector<1x16xf32> to vector<16xf32>
          %parallel_loop3A_188 = vector.shape_cast %parallel_loop3A_174 : vector<16xf32> to vector<1x16xf32>
          tpu.vector_store %arg11[%parallel_loop3A_184, %parallel_loop3A_185], %parallel_loop3A_188 {strides = array<i32>} : memref<16x512xf32, #tpu.memory_space<vmem>>, vector<1x16xf32>,
          %parallel_loop3A_189 = arith.index_cast %parallel_loop3A_84 : i32 to index
          %parallel_loop3A_190 = arith.constant 48 : index
          %parallel_loop3A_191 = tpu.vector_load %arg11[%parallel_loop3A_189, %parallel_loop3A_190] {strides = array<i32>} : memref<16x512xf32, #tpu.memory_space<vmem>>, vector<1x16xf32>,
          %parallel_loop3A_192 = vector.shape_cast %parallel_loop3A_191 : vector<1x16xf32> to vector<16xf32>
          %parallel_loop3A_193 = vector.shape_cast %parallel_loop3A_183 : vector<16xf32> to vector<1x16xf32>
          tpu.vector_store %arg11[%parallel_loop3A_189, %parallel_loop3A_190], %parallel_loop3A_193 {strides = array<i32>} : memref<16x512xf32, #tpu.memory_space<vmem>>, vector<1x16xf32>,
          %parallel_loop3A_194 = arith.constant 32 : i32
          %parallel_loop3A_195 = arith.addi %parallel_loop3A_103, %parallel_loop3A_194 : i32
          %parallel_loop3A_196 = arith.index_cast %parallel_loop3A_195 : i32 to index
          %parallel_loop3A_197 = tpu.vector_load %arg8[%parallel_loop3A_196] {strides = array<i32>} : memref<55296xi32, #tpu.memory_space<vmem>>, vector<16xi32>,
          %parallel_loop3A_198 = vector.shape_cast %parallel_loop3A_197 : vector<16xi32> to vector<16xi32>
          %parallel_loop3A_199 = arith.constant 32 : i32
          %parallel_loop3A_200 = arith.addi %parallel_loop3A_117, %parallel_loop3A_199 : i32
          %parallel_loop3A_201 = arith.index_cast %parallel_loop3A_200 : i32 to index
          %parallel_loop3A_202 = tpu.vector_load %arg9[%parallel_loop3A_201] {strides = array<i32>} : memref<55296xi32, #tpu.memory_space<vmem>>, vector<16xi32>,
          %parallel_loop3A_203 = vector.shape_cast %parallel_loop3A_202 : vector<16xi32> to vector<16xi32>
          %parallel_loop3A_204 = arith.constant 16 : i32
          %parallel_loop3A_205 = vector.broadcast %parallel_loop3A_204 : i32 to vector<16xi32>
          %parallel_loop3A_206 = arith.shli %parallel_loop3A_198, %parallel_loop3A_205 : vector<16xi32>
          %parallel_loop3A_207 = tpu.bitcast %parallel_loop3A_206 : vector<16xi32> -> vector<16xf32>
          %parallel_loop3A_208 = arith.constant 16 : i32
          %parallel_loop3A_209 = vector.broadcast %parallel_loop3A_208 : i32 to vector<16xi32>
          %parallel_loop3A_210 = arith.shli %parallel_loop3A_203, %parallel_loop3A_209 : vector<16xi32>
          %parallel_loop3A_211 = tpu.bitcast %parallel_loop3A_210 : vector<16xi32> -> vector<16xf32>
          %parallel_loop3A_212 = arith.addf %parallel_loop3A_207, %parallel_loop3A_211 : vector<16xf32>
          %parallel_loop3A_213 = arith.constant -65536 : i32
          %parallel_loop3A_214 = vector.broadcast %parallel_loop3A_213 : i32 to vector<16xi32>
          %parallel_loop3A_215 = arith.andi %parallel_loop3A_198, %parallel_loop3A_214 : vector<16xi32>
          %parallel_loop3A_216 = tpu.bitcast %parallel_loop3A_215 : vector<16xi32> -> vector<16xf32>
          %parallel_loop3A_217 = arith.constant -65536 : i32
          %parallel_loop3A_218 = vector.broadcast %parallel_loop3A_217 : i32 to vector<16xi32>
          %parallel_loop3A_219 = arith.andi %parallel_loop3A_203, %parallel_loop3A_218 : vector<16xi32>
          %parallel_loop3A_220 = tpu.bitcast %parallel_loop3A_219 : vector<16xi32> -> vector<16xf32>
          %parallel_loop3A_221 = arith.addf %parallel_loop3A_216, %parallel_loop3A_220 : vector<16xf32>
          %parallel_loop3A_222 = arith.index_cast %parallel_loop3A_84 : i32 to index
          %parallel_loop3A_223 = arith.constant 64 : index
          %parallel_loop3A_224 = tpu.vector_load %arg11[%parallel_loop3A_222, %parallel_loop3A_223] {strides = array<i32>} : memref<16x512xf32, #tpu.memory_space<vmem>>, vector<1x16xf32>,
          %parallel_loop3A_225 = vector.shape_cast %parallel_loop3A_224 : vector<1x16xf32> to vector<16xf32>
          %parallel_loop3A_226 = vector.shape_cast %parallel_loop3A_212 : vector<16xf32> to vector<1x16xf32>
          tpu.vector_store %arg11[%parallel_loop3A_222, %parallel_loop3A_223], %parallel_loop3A_226 {strides = array<i32>} : memref<16x512xf32, #tpu.memory_space<vmem>>, vector<1x16xf32>,
          %parallel_loop3A_227 = arith.index_cast %parallel_loop3A_84 : i32 to index
          %parallel_loop3A_228 = arith.constant 80 : index
          %parallel_loop3A_229 = tpu.vector_load %arg11[%parallel_loop3A_227, %parallel_loop3A_228] {strides = array<i32>} : memref<16x512xf32, #tpu.memory_space<vmem>>, vector<1x16xf32>,
          %parallel_loop3A_230 = vector.shape_cast %parallel_loop3A_229 : vector<1x16xf32> to vector<16xf32>
          %parallel_loop3A_231 = vector.shape_cast %parallel_loop3A_221 : vector<16xf32> to vector<1x16xf32>
          tpu.vector_store %arg11[%parallel_loop3A_227, %parallel_loop3A_228], %parallel_loop3A_231 {strides = array<i32>} : memref<16x512xf32, #tpu.memory_space<vmem>>, vector<1x16xf32>,
          %parallel_loop3A_232 = arith.constant 48 : i32
          %parallel_loop3A_233 = arith.addi %parallel_loop3A_103, %parallel_loop3A_232 : i32
          %parallel_loop3A_234 = arith.index_cast %parallel_loop3A_233 : i32 to index
          %parallel_loop3A_235 = tpu.vector_load %arg8[%parallel_loop3A_234] {strides = array<i32>} : memref<55296xi32, #tpu.memory_space<vmem>>, vector<16xi32>,
          %parallel_loop3A_236 = vector.shape_cast %parallel_loop3A_235 : vector<16xi32> to vector<16xi32>
          %parallel_loop3A_237 = arith.constant 48 : i32
          %parallel_loop3A_238 = arith.addi %parallel_loop3A_117, %parallel_loop3A_237 : i32
          %parallel_loop3A_239 = arith.index_cast %parallel_loop3A_238 : i32 to index
          %parallel_loop3A_240 = tpu.vector_load %arg9[%parallel_loop3A_239] {strides = array<i32>} : memref<55296xi32, #tpu.memory_space<vmem>>, vector<16xi32>,
          %parallel_loop3A_241 = vector.shape_cast %parallel_loop3A_240 : vector<16xi32> to vector<16xi32>
          %parallel_loop3A_242 = arith.constant 16 : i32
          %parallel_loop3A_243 = vector.broadcast %parallel_loop3A_242 : i32 to vector<16xi32>
          %parallel_loop3A_244 = arith.shli %parallel_loop3A_236, %parallel_loop3A_243 : vector<16xi32>
          %parallel_loop3A_245 = tpu.bitcast %parallel_loop3A_244 : vector<16xi32> -> vector<16xf32>
          %parallel_loop3A_246 = arith.constant 16 : i32
          %parallel_loop3A_247 = vector.broadcast %parallel_loop3A_246 : i32 to vector<16xi32>
          %parallel_loop3A_248 = arith.shli %parallel_loop3A_241, %parallel_loop3A_247 : vector<16xi32>
          %parallel_loop3A_249 = tpu.bitcast %parallel_loop3A_248 : vector<16xi32> -> vector<16xf32>
          %parallel_loop3A_250 = arith.addf %parallel_loop3A_245, %parallel_loop3A_249 : vector<16xf32>
          %parallel_loop3A_251 = arith.constant -65536 : i32
          %parallel_loop3A_252 = vector.broadcast %parallel_loop3A_251 : i32 to vector<16xi32>
          %parallel_loop3A_253 = arith.andi %parallel_loop3A_236, %parallel_loop3A_252 : vector<16xi32>
          %parallel_loop3A_254 = tpu.bitcast %parallel_loop3A_253 : vector<16xi32> -> vector<16xf32>
          %parallel_loop3A_255 = arith.constant -65536 : i32
          %parallel_loop3A_256 = vector.broadcast %parallel_loop3A_255 : i32 to vector<16xi32>
          %parallel_loop3A_257 = arith.andi %parallel_loop3A_241, %parallel_loop3A_256 : vector<16xi32>
          %parallel_loop3A_258 = tpu.bitcast %parallel_loop3A_257 : vector<16xi32> -> vector<16xf32>
          %parallel_loop3A_259 = arith.addf %parallel_loop3A_254, %parallel_loop3A_258 : vector<16xf32>
          %parallel_loop3A_260 = arith.index_cast %parallel_loop3A_84 : i32 to index
          %parallel_loop3A_261 = arith.constant 96 : index
          %parallel_loop3A_262 = tpu.vector_load %arg11[%parallel_loop3A_260, %parallel_loop3A_261] {strides = array<i32>} : memref<16x512xf32, #tpu.memory_space<vmem>>, vector<1x16xf32>,
          %parallel_loop3A_263 = vector.shape_cast %parallel_loop3A_262 : vector<1x16xf32> to vector<16xf32>
          %parallel_loop3A_264 = vector.shape_cast %parallel_loop3A_250 : vector<16xf32> to vector<1x16xf32>
          tpu.vector_store %arg11[%parallel_loop3A_260, %parallel_loop3A_261], %parallel_loop3A_264 {strides = array<i32>} : memref<16x512xf32, #tpu.memory_space<vmem>>, vector<1x16xf32>,
          %parallel_loop3A_265 = arith.index_cast %parallel_loop3A_84 : i32 to index
          %parallel_loop3A_266 = arith.constant 112 : index
          %parallel_loop3A_267 = tpu.vector_load %arg11[%parallel_loop3A_265, %parallel_loop3A_266] {strides = array<i32>} : memref<16x512xf32, #tpu.memory_space<vmem>>, vector<1x16xf32>,
          %parallel_loop3A_268 = vector.shape_cast %parallel_loop3A_267 : vector<1x16xf32> to vector<16xf32>
          %parallel_loop3A_269 = vector.shape_cast %parallel_loop3A_259 : vector<16xf32> to vector<1x16xf32>
          tpu.vector_store %arg11[%parallel_loop3A_265, %parallel_loop3A_266], %parallel_loop3A_269 {strides = array<i32>} : memref<16x512xf32, #tpu.memory_space<vmem>>, vector<1x16xf32>,
          %parallel_loop3A_270 = arith.constant 64 : i32
          %parallel_loop3A_271 = arith.addi %parallel_loop3A_103, %parallel_loop3A_270 : i32
          %parallel_loop3A_272 = arith.index_cast %parallel_loop3A_271 : i32 to index
          %parallel_loop3A_273 = tpu.vector_load %arg8[%parallel_loop3A_272] {strides = array<i32>} : memref<55296xi32, #tpu.memory_space<vmem>>, vector<16xi32>,
          %parallel_loop3A_274 = vector.shape_cast %parallel_loop3A_273 : vector<16xi32> to vector<16xi32>
          %parallel_loop3A_275 = arith.constant 64 : i32
          %parallel_loop3A_276 = arith.addi %parallel_loop3A_117, %parallel_loop3A_275 : i32
          %parallel_loop3A_277 = arith.index_cast %parallel_loop3A_276 : i32 to index
          %parallel_loop3A_278 = tpu.vector_load %arg9[%parallel_loop3A_277] {strides = array<i32>} : memref<55296xi32, #tpu.memory_space<vmem>>, vector<16xi32>,
          %parallel_loop3A_279 = vector.shape_cast %parallel_loop3A_278 : vector<16xi32> to vector<16xi32>
          %parallel_loop3A_280 = arith.constant 16 : i32
          %parallel_loop3A_281 = vector.broadcast %parallel_loop3A_280 : i32 to vector<16xi32>
          %parallel_loop3A_282 = arith.shli %parallel_loop3A_274, %parallel_loop3A_281 : vector<16xi32>
          %parallel_loop3A_283 = tpu.bitcast %parallel_loop3A_282 : vector<16xi32> -> vector<16xf32>
          %parallel_loop3A_284 = arith.constant 16 : i32
          %parallel_loop3A_285 = vector.broadcast %parallel_loop3A_284 : i32 to vector<16xi32>
          %parallel_loop3A_286 = arith.shli %parallel_loop3A_279, %parallel_loop3A_285 : vector<16xi32>
          %parallel_loop3A_287 = tpu.bitcast %parallel_loop3A_286 : vector<16xi32> -> vector<16xf32>
          %parallel_loop3A_288 = arith.addf %parallel_loop3A_283, %parallel_loop3A_287 : vector<16xf32>
          %parallel_loop3A_289 = arith.constant -65536 : i32
          %parallel_loop3A_290 = vector.broadcast %parallel_loop3A_289 : i32 to vector<16xi32>
          %parallel_loop3A_291 = arith.andi %parallel_loop3A_274, %parallel_loop3A_290 : vector<16xi32>
          %parallel_loop3A_292 = tpu.bitcast %parallel_loop3A_291 : vector<16xi32> -> vector<16xf32>
          %parallel_loop3A_293 = arith.constant -65536 : i32
          %parallel_loop3A_294 = vector.broadcast %parallel_loop3A_293 : i32 to vector<16xi32>
          %parallel_loop3A_295 = arith.andi %parallel_loop3A_279, %parallel_loop3A_294 : vector<16xi32>
          %parallel_loop3A_296 = tpu.bitcast %parallel_loop3A_295 : vector<16xi32> -> vector<16xf32>
          %parallel_loop3A_297 = arith.addf %parallel_loop3A_292, %parallel_loop3A_296 : vector<16xf32>
          %parallel_loop3A_298 = arith.index_cast %parallel_loop3A_84 : i32 to index
          %parallel_loop3A_299 = arith.constant 128 : index
          %parallel_loop3A_300 = tpu.vector_load %arg11[%parallel_loop3A_298, %parallel_loop3A_299] {strides = array<i32>} : memref<16x512xf32, #tpu.memory_space<vmem>>, vector<1x16xf32>,
          %parallel_loop3A_301 = vector.shape_cast %parallel_loop3A_300 : vector<1x16xf32> to vector<16xf32>
          %parallel_loop3A_302 = vector.shape_cast %parallel_loop3A_288 : vector<16xf32> to vector<1x16xf32>
          tpu.vector_store %arg11[%parallel_loop3A_298, %parallel_loop3A_299], %parallel_loop3A_302 {strides = array<i32>} : memref<16x512xf32, #tpu.memory_space<vmem>>, vector<1x16xf32>,
          %parallel_loop3A_303 = arith.index_cast %parallel_loop3A_84 : i32 to index
          %parallel_loop3A_304 = arith.constant 144 : index
          %parallel_loop3A_305 = tpu.vector_load %arg11[%parallel_loop3A_303, %parallel_loop3A_304] {strides = array<i32>} : memref<16x512xf32, #tpu.memory_space<vmem>>, vector<1x16xf32>,
          %parallel_loop3A_306 = vector.shape_cast %parallel_loop3A_305 : vector<1x16xf32> to vector<16xf32>
          %parallel_loop3A_307 = vector.shape_cast %parallel_loop3A_297 : vector<16xf32> to vector<1x16xf32>
          tpu.vector_store %arg11[%parallel_loop3A_303, %parallel_loop3A_304], %parallel_loop3A_307 {strides = array<i32>} : memref<16x512xf32, #tpu.memory_space<vmem>>, vector<1x16xf32>,
          %parallel_loop3A_308 = arith.constant 80 : i32
          %parallel_loop3A_309 = arith.addi %parallel_loop3A_103, %parallel_loop3A_308 : i32
          %parallel_loop3A_310 = arith.index_cast %parallel_loop3A_309 : i32 to index
          %parallel_loop3A_311 = tpu.vector_load %arg8[%parallel_loop3A_310] {strides = array<i32>} : memref<55296xi32, #tpu.memory_space<vmem>>, vector<16xi32>,
          %parallel_loop3A_312 = vector.shape_cast %parallel_loop3A_311 : vector<16xi32> to vector<16xi32>
          %parallel_loop3A_313 = arith.constant 80 : i32
          %parallel_loop3A_314 = arith.addi %parallel_loop3A_117, %parallel_loop3A_313 : i32
          %parallel_loop3A_315 = arith.index_cast %parallel_loop3A_314 : i32 to index
          %parallel_loop3A_316 = tpu.vector_load %arg9[%parallel_loop3A_315] {strides = array<i32>} : memref<55296xi32, #tpu.memory_space<vmem>>, vector<16xi32>,
          %parallel_loop3A_317 = vector.shape_cast %parallel_loop3A_316 : vector<16xi32> to vector<16xi32>
          %parallel_loop3A_318 = arith.constant 16 : i32
          %parallel_loop3A_319 = vector.broadcast %parallel_loop3A_318 : i32 to vector<16xi32>
          %parallel_loop3A_320 = arith.shli %parallel_loop3A_312, %parallel_loop3A_319 : vector<16xi32>
          %parallel_loop3A_321 = tpu.bitcast %parallel_loop3A_320 : vector<16xi32> -> vector<16xf32>
          %parallel_loop3A_322 = arith.constant 16 : i32
          %parallel_loop3A_323 = vector.broadcast %parallel_loop3A_322 : i32 to vector<16xi32>
          %parallel_loop3A_324 = arith.shli %parallel_loop3A_317, %parallel_loop3A_323 : vector<16xi32>
          %parallel_loop3A_325 = tpu.bitcast %parallel_loop3A_324 : vector<16xi32> -> vector<16xf32>
          %parallel_loop3A_326 = arith.addf %parallel_loop3A_321, %parallel_loop3A_325 : vector<16xf32>
          %parallel_loop3A_327 = arith.constant -65536 : i32
          %parallel_loop3A_328 = vector.broadcast %parallel_loop3A_327 : i32 to vector<16xi32>
          %parallel_loop3A_329 = arith.andi %parallel_loop3A_312, %parallel_loop3A_328 : vector<16xi32>
          %parallel_loop3A_330 = tpu.bitcast %parallel_loop3A_329 : vector<16xi32> -> vector<16xf32>
          %parallel_loop3A_331 = arith.constant -65536 : i32
          %parallel_loop3A_332 = vector.broadcast %parallel_loop3A_331 : i32 to vector<16xi32>
          %parallel_loop3A_333 = arith.andi %parallel_loop3A_317, %parallel_loop3A_332 : vector<16xi32>
          %parallel_loop3A_334 = tpu.bitcast %parallel_loop3A_333 : vector<16xi32> -> vector<16xf32>
          %parallel_loop3A_335 = arith.addf %parallel_loop3A_330, %parallel_loop3A_334 : vector<16xf32>
          %parallel_loop3A_336 = arith.index_cast %parallel_loop3A_84 : i32 to index
          %parallel_loop3A_337 = arith.constant 160 : index
          %parallel_loop3A_338 = tpu.vector_load %arg11[%parallel_loop3A_336, %parallel_loop3A_337] {strides = array<i32>} : memref<16x512xf32, #tpu.memory_space<vmem>>, vector<1x16xf32>,
          %parallel_loop3A_339 = vector.shape_cast %parallel_loop3A_338 : vector<1x16xf32> to vector<16xf32>
          %parallel_loop3A_340 = vector.shape_cast %parallel_loop3A_326 : vector<16xf32> to vector<1x16xf32>
          tpu.vector_store %arg11[%parallel_loop3A_336, %parallel_loop3A_337], %parallel_loop3A_340 {strides = array<i32>} : memref<16x512xf32, #tpu.memory_space<vmem>>, vector<1x16xf32>,
          %parallel_loop3A_341 = arith.index_cast %parallel_loop3A_84 : i32 to index
          %parallel_loop3A_342 = arith.constant 176 : index
          %parallel_loop3A_343 = tpu.vector_load %arg11[%parallel_loop3A_341, %parallel_loop3A_342] {strides = array<i32>} : memref<16x512xf32, #tpu.memory_space<vmem>>, vector<1x16xf32>,
          %parallel_loop3A_344 = vector.shape_cast %parallel_loop3A_343 : vector<1x16xf32> to vector<16xf32>
          %parallel_loop3A_345 = vector.shape_cast %parallel_loop3A_335 : vector<16xf32> to vector<1x16xf32>
          tpu.vector_store %arg11[%parallel_loop3A_341, %parallel_loop3A_342], %parallel_loop3A_345 {strides = array<i32>} : memref<16x512xf32, #tpu.memory_space<vmem>>, vector<1x16xf32>,
          %parallel_loop3A_346 = arith.constant 96 : i32
          %parallel_loop3A_347 = arith.addi %parallel_loop3A_103, %parallel_loop3A_346 : i32
          %parallel_loop3A_348 = arith.index_cast %parallel_loop3A_347 : i32 to index
          %parallel_loop3A_349 = tpu.vector_load %arg8[%parallel_loop3A_348] {strides = array<i32>} : memref<55296xi32, #tpu.memory_space<vmem>>, vector<16xi32>,
          %parallel_loop3A_350 = vector.shape_cast %parallel_loop3A_349 : vector<16xi32> to vector<16xi32>
          %parallel_loop3A_351 = arith.constant 96 : i32
          %parallel_loop3A_352 = arith.addi %parallel_loop3A_117, %parallel_loop3A_351 : i32
          %parallel_loop3A_353 = arith.index_cast %parallel_loop3A_352 : i32 to index
          %parallel_loop3A_354 = tpu.vector_load %arg9[%parallel_loop3A_353] {strides = array<i32>} : memref<55296xi32, #tpu.memory_space<vmem>>, vector<16xi32>,
          %parallel_loop3A_355 = vector.shape_cast %parallel_loop3A_354 : vector<16xi32> to vector<16xi32>
          %parallel_loop3A_356 = arith.constant 16 : i32
          %parallel_loop3A_357 = vector.broadcast %parallel_loop3A_356 : i32 to vector<16xi32>
          %parallel_loop3A_358 = arith.shli %parallel_loop3A_350, %parallel_loop3A_357 : vector<16xi32>
          %parallel_loop3A_359 = tpu.bitcast %parallel_loop3A_358 : vector<16xi32> -> vector<16xf32>
          %parallel_loop3A_360 = arith.constant 16 : i32
          %parallel_loop3A_361 = vector.broadcast %parallel_loop3A_360 : i32 to vector<16xi32>
          %parallel_loop3A_362 = arith.shli %parallel_loop3A_355, %parallel_loop3A_361 : vector<16xi32>
          %parallel_loop3A_363 = tpu.bitcast %parallel_loop3A_362 : vector<16xi32> -> vector<16xf32>
          %parallel_loop3A_364 = arith.addf %parallel_loop3A_359, %parallel_loop3A_363 : vector<16xf32>
          %parallel_loop3A_365 = arith.constant -65536 : i32
          %parallel_loop3A_366 = vector.broadcast %parallel_loop3A_365 : i32 to vector<16xi32>
          %parallel_loop3A_367 = arith.andi %parallel_loop3A_350, %parallel_loop3A_366 : vector<16xi32>
          %parallel_loop3A_368 = tpu.bitcast %parallel_loop3A_367 : vector<16xi32> -> vector<16xf32>
          %parallel_loop3A_369 = arith.constant -65536 : i32
          %parallel_loop3A_370 = vector.broadcast %parallel_loop3A_369 : i32 to vector<16xi32>
          %parallel_loop3A_371 = arith.andi %parallel_loop3A_355, %parallel_loop3A_370 : vector<16xi32>
          %parallel_loop3A_372 = tpu.bitcast %parallel_loop3A_371 : vector<16xi32> -> vector<16xf32>
          %parallel_loop3A_373 = arith.addf %parallel_loop3A_368, %parallel_loop3A_372 : vector<16xf32>
          %parallel_loop3A_374 = arith.index_cast %parallel_loop3A_84 : i32 to index
          %parallel_loop3A_375 = arith.constant 192 : index
          %parallel_loop3A_376 = tpu.vector_load %arg11[%parallel_loop3A_374, %parallel_loop3A_375] {strides = array<i32>} : memref<16x512xf32, #tpu.memory_space<vmem>>, vector<1x16xf32>,
          %parallel_loop3A_377 = vector.shape_cast %parallel_loop3A_376 : vector<1x16xf32> to vector<16xf32>
          %parallel_loop3A_378 = vector.shape_cast %parallel_loop3A_364 : vector<16xf32> to vector<1x16xf32>
          tpu.vector_store %arg11[%parallel_loop3A_374, %parallel_loop3A_375], %parallel_loop3A_378 {strides = array<i32>} : memref<16x512xf32, #tpu.memory_space<vmem>>, vector<1x16xf32>,
          %parallel_loop3A_379 = arith.index_cast %parallel_loop3A_84 : i32 to index
          %parallel_loop3A_380 = arith.constant 208 : index
          %parallel_loop3A_381 = tpu.vector_load %arg11[%parallel_loop3A_379, %parallel_loop3A_380] {strides = array<i32>} : memref<16x512xf32, #tpu.memory_space<vmem>>, vector<1x16xf32>,
          %parallel_loop3A_382 = vector.shape_cast %parallel_loop3A_381 : vector<1x16xf32> to vector<16xf32>
          %parallel_loop3A_383 = vector.shape_cast %parallel_loop3A_373 : vector<16xf32> to vector<1x16xf32>
          tpu.vector_store %arg11[%parallel_loop3A_379, %parallel_loop3A_380], %parallel_loop3A_383 {strides = array<i32>} : memref<16x512xf32, #tpu.memory_space<vmem>>, vector<1x16xf32>,
          %parallel_loop3A_384 = arith.constant 112 : i32
          %parallel_loop3A_385 = arith.addi %parallel_loop3A_103, %parallel_loop3A_384 : i32
          %parallel_loop3A_386 = arith.index_cast %parallel_loop3A_385 : i32 to index
          %parallel_loop3A_387 = tpu.vector_load %arg8[%parallel_loop3A_386] {strides = array<i32>} : memref<55296xi32, #tpu.memory_space<vmem>>, vector<16xi32>,
          %parallel_loop3A_388 = vector.shape_cast %parallel_loop3A_387 : vector<16xi32> to vector<16xi32>
          %parallel_loop3A_389 = arith.constant 112 : i32
          %parallel_loop3A_390 = arith.addi %parallel_loop3A_117, %parallel_loop3A_389 : i32
          %parallel_loop3A_391 = arith.index_cast %parallel_loop3A_390 : i32 to index
          %parallel_loop3A_392 = tpu.vector_load %arg9[%parallel_loop3A_391] {strides = array<i32>} : memref<55296xi32, #tpu.memory_space<vmem>>, vector<16xi32>,
          %parallel_loop3A_393 = vector.shape_cast %parallel_loop3A_392 : vector<16xi32> to vector<16xi32>
          %parallel_loop3A_394 = arith.constant 16 : i32
          %parallel_loop3A_395 = vector.broadcast %parallel_loop3A_394 : i32 to vector<16xi32>
          %parallel_loop3A_396 = arith.shli %parallel_loop3A_388, %parallel_loop3A_395 : vector<16xi32>
          %parallel_loop3A_397 = tpu.bitcast %parallel_loop3A_396 : vector<16xi32> -> vector<16xf32>
          %parallel_loop3A_398 = arith.constant 16 : i32
          %parallel_loop3A_399 = vector.broadcast %parallel_loop3A_398 : i32 to vector<16xi32>
          %parallel_loop3A_400 = arith.shli %parallel_loop3A_393, %parallel_loop3A_399 : vector<16xi32>
          %parallel_loop3A_401 = tpu.bitcast %parallel_loop3A_400 : vector<16xi32> -> vector<16xf32>
          %parallel_loop3A_402 = arith.addf %parallel_loop3A_397, %parallel_loop3A_401 : vector<16xf32>
          %parallel_loop3A_403 = arith.constant -65536 : i32
          %parallel_loop3A_404 = vector.broadcast %parallel_loop3A_403 : i32 to vector<16xi32>
          %parallel_loop3A_405 = arith.andi %parallel_loop3A_388, %parallel_loop3A_404 : vector<16xi32>
          %parallel_loop3A_406 = tpu.bitcast %parallel_loop3A_405 : vector<16xi32> -> vector<16xf32>
          %parallel_loop3A_407 = arith.constant -65536 : i32
          %parallel_loop3A_408 = vector.broadcast %parallel_loop3A_407 : i32 to vector<16xi32>
          %parallel_loop3A_409 = arith.andi %parallel_loop3A_393, %parallel_loop3A_408 : vector<16xi32>
          %parallel_loop3A_410 = tpu.bitcast %parallel_loop3A_409 : vector<16xi32> -> vector<16xf32>
          %parallel_loop3A_411 = arith.addf %parallel_loop3A_406, %parallel_loop3A_410 : vector<16xf32>
          %parallel_loop3A_412 = arith.index_cast %parallel_loop3A_84 : i32 to index
          %parallel_loop3A_413 = arith.constant 224 : index
          %parallel_loop3A_414 = tpu.vector_load %arg11[%parallel_loop3A_412, %parallel_loop3A_413] {strides = array<i32>} : memref<16x512xf32, #tpu.memory_space<vmem>>, vector<1x16xf32>,
          %parallel_loop3A_415 = vector.shape_cast %parallel_loop3A_414 : vector<1x16xf32> to vector<16xf32>
          %parallel_loop3A_416 = vector.shape_cast %parallel_loop3A_402 : vector<16xf32> to vector<1x16xf32>
          tpu.vector_store %arg11[%parallel_loop3A_412, %parallel_loop3A_413], %parallel_loop3A_416 {strides = array<i32>} : memref<16x512xf32, #tpu.memory_space<vmem>>, vector<1x16xf32>,
          %parallel_loop3A_417 = arith.index_cast %parallel_loop3A_84 : i32 to index
          %parallel_loop3A_418 = arith.constant 240 : index
          %parallel_loop3A_419 = tpu.vector_load %arg11[%parallel_loop3A_417, %parallel_loop3A_418] {strides = array<i32>} : memref<16x512xf32, #tpu.memory_space<vmem>>, vector<1x16xf32>,
          %parallel_loop3A_420 = vector.shape_cast %parallel_loop3A_419 : vector<1x16xf32> to vector<16xf32>
          %parallel_loop3A_421 = vector.shape_cast %parallel_loop3A_411 : vector<16xf32> to vector<1x16xf32>
          tpu.vector_store %arg11[%parallel_loop3A_417, %parallel_loop3A_418], %parallel_loop3A_421 {strides = array<i32>} : memref<16x512xf32, #tpu.memory_space<vmem>>, vector<1x16xf32>,
          %parallel_loop3A_422 = arith.constant 128 : i32
          %parallel_loop3A_423 = arith.addi %parallel_loop3A_103, %parallel_loop3A_422 : i32
          %parallel_loop3A_424 = arith.index_cast %parallel_loop3A_423 : i32 to index
          %parallel_loop3A_425 = tpu.vector_load %arg8[%parallel_loop3A_424] {strides = array<i32>} : memref<55296xi32, #tpu.memory_space<vmem>>, vector<16xi32>,
          %parallel_loop3A_426 = vector.shape_cast %parallel_loop3A_425 : vector<16xi32> to vector<16xi32>
          %parallel_loop3A_427 = arith.constant 128 : i32
          %parallel_loop3A_428 = arith.addi %parallel_loop3A_117, %parallel_loop3A_427 : i32
          %parallel_loop3A_429 = arith.index_cast %parallel_loop3A_428 : i32 to index
          %parallel_loop3A_430 = tpu.vector_load %arg9[%parallel_loop3A_429] {strides = array<i32>} : memref<55296xi32, #tpu.memory_space<vmem>>, vector<16xi32>,
          %parallel_loop3A_431 = vector.shape_cast %parallel_loop3A_430 : vector<16xi32> to vector<16xi32>
          %parallel_loop3A_432 = arith.constant 16 : i32
          %parallel_loop3A_433 = vector.broadcast %parallel_loop3A_432 : i32 to vector<16xi32>
          %parallel_loop3A_434 = arith.shli %parallel_loop3A_426, %parallel_loop3A_433 : vector<16xi32>
          %parallel_loop3A_435 = tpu.bitcast %parallel_loop3A_434 : vector<16xi32> -> vector<16xf32>
          %parallel_loop3A_436 = arith.constant 16 : i32
          %parallel_loop3A_437 = vector.broadcast %parallel_loop3A_436 : i32 to vector<16xi32>
          %parallel_loop3A_438 = arith.shli %parallel_loop3A_431, %parallel_loop3A_437 : vector<16xi32>
          %parallel_loop3A_439 = tpu.bitcast %parallel_loop3A_438 : vector<16xi32> -> vector<16xf32>
          %parallel_loop3A_440 = arith.addf %parallel_loop3A_435, %parallel_loop3A_439 : vector<16xf32>
          %parallel_loop3A_441 = arith.constant -65536 : i32
          %parallel_loop3A_442 = vector.broadcast %parallel_loop3A_441 : i32 to vector<16xi32>
          %parallel_loop3A_443 = arith.andi %parallel_loop3A_426, %parallel_loop3A_442 : vector<16xi32>
          %parallel_loop3A_444 = tpu.bitcast %parallel_loop3A_443 : vector<16xi32> -> vector<16xf32>
          %parallel_loop3A_445 = arith.constant -65536 : i32
          %parallel_loop3A_446 = vector.broadcast %parallel_loop3A_445 : i32 to vector<16xi32>
          %parallel_loop3A_447 = arith.andi %parallel_loop3A_431, %parallel_loop3A_446 : vector<16xi32>
          %parallel_loop3A_448 = tpu.bitcast %parallel_loop3A_447 : vector<16xi32> -> vector<16xf32>
          %parallel_loop3A_449 = arith.addf %parallel_loop3A_444, %parallel_loop3A_448 : vector<16xf32>
          %parallel_loop3A_450 = arith.index_cast %parallel_loop3A_84 : i32 to index
          %parallel_loop3A_451 = arith.constant 256 : index
          %parallel_loop3A_452 = tpu.vector_load %arg11[%parallel_loop3A_450, %parallel_loop3A_451] {strides = array<i32>} : memref<16x512xf32, #tpu.memory_space<vmem>>, vector<1x16xf32>,
          %parallel_loop3A_453 = vector.shape_cast %parallel_loop3A_452 : vector<1x16xf32> to vector<16xf32>
          %parallel_loop3A_454 = vector.shape_cast %parallel_loop3A_440 : vector<16xf32> to vector<1x16xf32>
          tpu.vector_store %arg11[%parallel_loop3A_450, %parallel_loop3A_451], %parallel_loop3A_454 {strides = array<i32>} : memref<16x512xf32, #tpu.memory_space<vmem>>, vector<1x16xf32>,
          %parallel_loop3A_455 = arith.index_cast %parallel_loop3A_84 : i32 to index
          %parallel_loop3A_456 = arith.constant 272 : index
          %parallel_loop3A_457 = tpu.vector_load %arg11[%parallel_loop3A_455, %parallel_loop3A_456] {strides = array<i32>} : memref<16x512xf32, #tpu.memory_space<vmem>>, vector<1x16xf32>,
          %parallel_loop3A_458 = vector.shape_cast %parallel_loop3A_457 : vector<1x16xf32> to vector<16xf32>
          %parallel_loop3A_459 = vector.shape_cast %parallel_loop3A_449 : vector<16xf32> to vector<1x16xf32>
          tpu.vector_store %arg11[%parallel_loop3A_455, %parallel_loop3A_456], %parallel_loop3A_459 {strides = array<i32>} : memref<16x512xf32, #tpu.memory_space<vmem>>, vector<1x16xf32>,
          %parallel_loop3A_460 = arith.constant 144 : i32
          %parallel_loop3A_461 = arith.addi %parallel_loop3A_103, %parallel_loop3A_460 : i32
          %parallel_loop3A_462 = arith.index_cast %parallel_loop3A_461 : i32 to index
          %parallel_loop3A_463 = tpu.vector_load %arg8[%parallel_loop3A_462] {strides = array<i32>} : memref<55296xi32, #tpu.memory_space<vmem>>, vector<16xi32>,
          %parallel_loop3A_464 = vector.shape_cast %parallel_loop3A_463 : vector<16xi32> to vector<16xi32>
          %parallel_loop3A_465 = arith.constant 144 : i32
          %parallel_loop3A_466 = arith.addi %parallel_loop3A_117, %parallel_loop3A_465 : i32
          %parallel_loop3A_467 = arith.index_cast %parallel_loop3A_466 : i32 to index
          %parallel_loop3A_468 = tpu.vector_load %arg9[%parallel_loop3A_467] {strides = array<i32>} : memref<55296xi32, #tpu.memory_space<vmem>>, vector<16xi32>,
          %parallel_loop3A_469 = vector.shape_cast %parallel_loop3A_468 : vector<16xi32> to vector<16xi32>
          %parallel_loop3A_470 = arith.constant 16 : i32
          %parallel_loop3A_471 = vector.broadcast %parallel_loop3A_470 : i32 to vector<16xi32>
          %parallel_loop3A_472 = arith.shli %parallel_loop3A_464, %parallel_loop3A_471 : vector<16xi32>
          %parallel_loop3A_473 = tpu.bitcast %parallel_loop3A_472 : vector<16xi32> -> vector<16xf32>
          %parallel_loop3A_474 = arith.constant 16 : i32
          %parallel_loop3A_475 = vector.broadcast %parallel_loop3A_474 : i32 to vector<16xi32>
          %parallel_loop3A_476 = arith.shli %parallel_loop3A_469, %parallel_loop3A_475 : vector<16xi32>
          %parallel_loop3A_477 = tpu.bitcast %parallel_loop3A_476 : vector<16xi32> -> vector<16xf32>
          %parallel_loop3A_478 = arith.addf %parallel_loop3A_473, %parallel_loop3A_477 : vector<16xf32>
          %parallel_loop3A_479 = arith.constant -65536 : i32
          %parallel_loop3A_480 = vector.broadcast %parallel_loop3A_479 : i32 to vector<16xi32>
          %parallel_loop3A_481 = arith.andi %parallel_loop3A_464, %parallel_loop3A_480 : vector<16xi32>
          %parallel_loop3A_482 = tpu.bitcast %parallel_loop3A_481 : vector<16xi32> -> vector<16xf32>
          %parallel_loop3A_483 = arith.constant -65536 : i32
          %parallel_loop3A_484 = vector.broadcast %parallel_loop3A_483 : i32 to vector<16xi32>
          %parallel_loop3A_485 = arith.andi %parallel_loop3A_469, %parallel_loop3A_484 : vector<16xi32>
          %parallel_loop3A_486 = tpu.bitcast %parallel_loop3A_485 : vector<16xi32> -> vector<16xf32>
          %parallel_loop3A_487 = arith.addf %parallel_loop3A_482, %parallel_loop3A_486 : vector<16xf32>
          %parallel_loop3A_488 = arith.index_cast %parallel_loop3A_84 : i32 to index
          %parallel_loop3A_489 = arith.constant 288 : index
          %parallel_loop3A_490 = tpu.vector_load %arg11[%parallel_loop3A_488, %parallel_loop3A_489] {strides = array<i32>} : memref<16x512xf32, #tpu.memory_space<vmem>>, vector<1x16xf32>,
          %parallel_loop3A_491 = vector.shape_cast %parallel_loop3A_490 : vector<1x16xf32> to vector<16xf32>
          %parallel_loop3A_492 = vector.shape_cast %parallel_loop3A_478 : vector<16xf32> to vector<1x16xf32>
          tpu.vector_store %arg11[%parallel_loop3A_488, %parallel_loop3A_489], %parallel_loop3A_492 {strides = array<i32>} : memref<16x512xf32, #tpu.memory_space<vmem>>, vector<1x16xf32>,
          %parallel_loop3A_493 = arith.index_cast %parallel_loop3A_84 : i32 to index
          %parallel_loop3A_494 = arith.constant 304 : index
          %parallel_loop3A_495 = tpu.vector_load %arg11[%parallel_loop3A_493, %parallel_loop3A_494] {strides = array<i32>} : memref<16x512xf32, #tpu.memory_space<vmem>>, vector<1x16xf32>,
          %parallel_loop3A_496 = vector.shape_cast %parallel_loop3A_495 : vector<1x16xf32> to vector<16xf32>
          %parallel_loop3A_497 = vector.shape_cast %parallel_loop3A_487 : vector<16xf32> to vector<1x16xf32>
          tpu.vector_store %arg11[%parallel_loop3A_493, %parallel_loop3A_494], %parallel_loop3A_497 {strides = array<i32>} : memref<16x512xf32, #tpu.memory_space<vmem>>, vector<1x16xf32>,
          %parallel_loop3A_498 = arith.constant 160 : i32
          %parallel_loop3A_499 = arith.addi %parallel_loop3A_103, %parallel_loop3A_498 : i32
          %parallel_loop3A_500 = arith.index_cast %parallel_loop3A_499 : i32 to index
          %parallel_loop3A_501 = tpu.vector_load %arg8[%parallel_loop3A_500] {strides = array<i32>} : memref<55296xi32, #tpu.memory_space<vmem>>, vector<16xi32>,
          %parallel_loop3A_502 = vector.shape_cast %parallel_loop3A_501 : vector<16xi32> to vector<16xi32>
          %parallel_loop3A_503 = arith.constant 160 : i32
          %parallel_loop3A_504 = arith.addi %parallel_loop3A_117, %parallel_loop3A_503 : i32
          %parallel_loop3A_505 = arith.index_cast %parallel_loop3A_504 : i32 to index
          %parallel_loop3A_506 = tpu.vector_load %arg9[%parallel_loop3A_505] {strides = array<i32>} : memref<55296xi32, #tpu.memory_space<vmem>>, vector<16xi32>,
          %parallel_loop3A_507 = vector.shape_cast %parallel_loop3A_506 : vector<16xi32> to vector<16xi32>
          %parallel_loop3A_508 = arith.constant 16 : i32
          %parallel_loop3A_509 = vector.broadcast %parallel_loop3A_508 : i32 to vector<16xi32>
          %parallel_loop3A_510 = arith.shli %parallel_loop3A_502, %parallel_loop3A_509 : vector<16xi32>
          %parallel_loop3A_511 = tpu.bitcast %parallel_loop3A_510 : vector<16xi32> -> vector<16xf32>
          %parallel_loop3A_512 = arith.constant 16 : i32
          %parallel_loop3A_513 = vector.broadcast %parallel_loop3A_512 : i32 to vector<16xi32>
          %parallel_loop3A_514 = arith.shli %parallel_loop3A_507, %parallel_loop3A_513 : vector<16xi32>
          %parallel_loop3A_515 = tpu.bitcast %parallel_loop3A_514 : vector<16xi32> -> vector<16xf32>
          %parallel_loop3A_516 = arith.addf %parallel_loop3A_511, %parallel_loop3A_515 : vector<16xf32>
          %parallel_loop3A_517 = arith.constant -65536 : i32
          %parallel_loop3A_518 = vector.broadcast %parallel_loop3A_517 : i32 to vector<16xi32>
          %parallel_loop3A_519 = arith.andi %parallel_loop3A_502, %parallel_loop3A_518 : vector<16xi32>
          %parallel_loop3A_520 = tpu.bitcast %parallel_loop3A_519 : vector<16xi32> -> vector<16xf32>
          %parallel_loop3A_521 = arith.constant -65536 : i32
          %parallel_loop3A_522 = vector.broadcast %parallel_loop3A_521 : i32 to vector<16xi32>
          %parallel_loop3A_523 = arith.andi %parallel_loop3A_507, %parallel_loop3A_522 : vector<16xi32>
          %parallel_loop3A_524 = tpu.bitcast %parallel_loop3A_523 : vector<16xi32> -> vector<16xf32>
          %parallel_loop3A_525 = arith.addf %parallel_loop3A_520, %parallel_loop3A_524 : vector<16xf32>
          %parallel_loop3A_526 = arith.index_cast %parallel_loop3A_84 : i32 to index
          %parallel_loop3A_527 = arith.constant 320 : index
          %parallel_loop3A_528 = tpu.vector_load %arg11[%parallel_loop3A_526, %parallel_loop3A_527] {strides = array<i32>} : memref<16x512xf32, #tpu.memory_space<vmem>>, vector<1x16xf32>,
          %parallel_loop3A_529 = vector.shape_cast %parallel_loop3A_528 : vector<1x16xf32> to vector<16xf32>
          %parallel_loop3A_530 = vector.shape_cast %parallel_loop3A_516 : vector<16xf32> to vector<1x16xf32>
          tpu.vector_store %arg11[%parallel_loop3A_526, %parallel_loop3A_527], %parallel_loop3A_530 {strides = array<i32>} : memref<16x512xf32, #tpu.memory_space<vmem>>, vector<1x16xf32>,
          %parallel_loop3A_531 = arith.index_cast %parallel_loop3A_84 : i32 to index
          %parallel_loop3A_532 = arith.constant 336 : index
          %parallel_loop3A_533 = tpu.vector_load %arg11[%parallel_loop3A_531, %parallel_loop3A_532] {strides = array<i32>} : memref<16x512xf32, #tpu.memory_space<vmem>>, vector<1x16xf32>,
          %parallel_loop3A_534 = vector.shape_cast %parallel_loop3A_533 : vector<1x16xf32> to vector<16xf32>
          %parallel_loop3A_535 = vector.shape_cast %parallel_loop3A_525 : vector<16xf32> to vector<1x16xf32>
          tpu.vector_store %arg11[%parallel_loop3A_531, %parallel_loop3A_532], %parallel_loop3A_535 {strides = array<i32>} : memref<16x512xf32, #tpu.memory_space<vmem>>, vector<1x16xf32>,
          %parallel_loop3A_536 = arith.constant 176 : i32
          %parallel_loop3A_537 = arith.addi %parallel_loop3A_103, %parallel_loop3A_536 : i32
          %parallel_loop3A_538 = arith.index_cast %parallel_loop3A_537 : i32 to index
          %parallel_loop3A_539 = tpu.vector_load %arg8[%parallel_loop3A_538] {strides = array<i32>} : memref<55296xi32, #tpu.memory_space<vmem>>, vector<16xi32>,
          %parallel_loop3A_540 = vector.shape_cast %parallel_loop3A_539 : vector<16xi32> to vector<16xi32>
          %parallel_loop3A_541 = arith.constant 176 : i32
          %parallel_loop3A_542 = arith.addi %parallel_loop3A_117, %parallel_loop3A_541 : i32
          %parallel_loop3A_543 = arith.index_cast %parallel_loop3A_542 : i32 to index
          %parallel_loop3A_544 = tpu.vector_load %arg9[%parallel_loop3A_543] {strides = array<i32>} : memref<55296xi32, #tpu.memory_space<vmem>>, vector<16xi32>,
          %parallel_loop3A_545 = vector.shape_cast %parallel_loop3A_544 : vector<16xi32> to vector<16xi32>
          %parallel_loop3A_546 = arith.constant 16 : i32
          %parallel_loop3A_547 = vector.broadcast %parallel_loop3A_546 : i32 to vector<16xi32>
          %parallel_loop3A_548 = arith.shli %parallel_loop3A_540, %parallel_loop3A_547 : vector<16xi32>
          %parallel_loop3A_549 = tpu.bitcast %parallel_loop3A_548 : vector<16xi32> -> vector<16xf32>
          %parallel_loop3A_550 = arith.constant 16 : i32
          %parallel_loop3A_551 = vector.broadcast %parallel_loop3A_550 : i32 to vector<16xi32>
          %parallel_loop3A_552 = arith.shli %parallel_loop3A_545, %parallel_loop3A_551 : vector<16xi32>
          %parallel_loop3A_553 = tpu.bitcast %parallel_loop3A_552 : vector<16xi32> -> vector<16xf32>
          %parallel_loop3A_554 = arith.addf %parallel_loop3A_549, %parallel_loop3A_553 : vector<16xf32>
          %parallel_loop3A_555 = arith.constant -65536 : i32
          %parallel_loop3A_556 = vector.broadcast %parallel_loop3A_555 : i32 to vector<16xi32>
          %parallel_loop3A_557 = arith.andi %parallel_loop3A_540, %parallel_loop3A_556 : vector<16xi32>
          %parallel_loop3A_558 = tpu.bitcast %parallel_loop3A_557 : vector<16xi32> -> vector<16xf32>
          %parallel_loop3A_559 = arith.constant -65536 : i32
          %parallel_loop3A_560 = vector.broadcast %parallel_loop3A_559 : i32 to vector<16xi32>
          %parallel_loop3A_561 = arith.andi %parallel_loop3A_545, %parallel_loop3A_560 : vector<16xi32>
          %parallel_loop3A_562 = tpu.bitcast %parallel_loop3A_561 : vector<16xi32> -> vector<16xf32>
          %parallel_loop3A_563 = arith.addf %parallel_loop3A_558, %parallel_loop3A_562 : vector<16xf32>
          %parallel_loop3A_564 = arith.index_cast %parallel_loop3A_84 : i32 to index
          %parallel_loop3A_565 = arith.constant 352 : index
          %parallel_loop3A_566 = tpu.vector_load %arg11[%parallel_loop3A_564, %parallel_loop3A_565] {strides = array<i32>} : memref<16x512xf32, #tpu.memory_space<vmem>>, vector<1x16xf32>,
          %parallel_loop3A_567 = vector.shape_cast %parallel_loop3A_566 : vector<1x16xf32> to vector<16xf32>
          %parallel_loop3A_568 = vector.shape_cast %parallel_loop3A_554 : vector<16xf32> to vector<1x16xf32>
          tpu.vector_store %arg11[%parallel_loop3A_564, %parallel_loop3A_565], %parallel_loop3A_568 {strides = array<i32>} : memref<16x512xf32, #tpu.memory_space<vmem>>, vector<1x16xf32>,
          %parallel_loop3A_569 = arith.index_cast %parallel_loop3A_84 : i32 to index
          %parallel_loop3A_570 = arith.constant 368 : index
          %parallel_loop3A_571 = tpu.vector_load %arg11[%parallel_loop3A_569, %parallel_loop3A_570] {strides = array<i32>} : memref<16x512xf32, #tpu.memory_space<vmem>>, vector<1x16xf32>,
          %parallel_loop3A_572 = vector.shape_cast %parallel_loop3A_571 : vector<1x16xf32> to vector<16xf32>
          %parallel_loop3A_573 = vector.shape_cast %parallel_loop3A_563 : vector<16xf32> to vector<1x16xf32>
          tpu.vector_store %arg11[%parallel_loop3A_569, %parallel_loop3A_570], %parallel_loop3A_573 {strides = array<i32>} : memref<16x512xf32, #tpu.memory_space<vmem>>, vector<1x16xf32>,
          %parallel_loop3A_574 = arith.constant 192 : i32
          %parallel_loop3A_575 = arith.addi %parallel_loop3A_103, %parallel_loop3A_574 : i32
          %parallel_loop3A_576 = arith.index_cast %parallel_loop3A_575 : i32 to index
          %parallel_loop3A_577 = tpu.vector_load %arg8[%parallel_loop3A_576] {strides = array<i32>} : memref<55296xi32, #tpu.memory_space<vmem>>, vector<16xi32>,
          %parallel_loop3A_578 = vector.shape_cast %parallel_loop3A_577 : vector<16xi32> to vector<16xi32>
          %parallel_loop3A_579 = arith.constant 192 : i32
          %parallel_loop3A_580 = arith.addi %parallel_loop3A_117, %parallel_loop3A_579 : i32
          %parallel_loop3A_581 = arith.index_cast %parallel_loop3A_580 : i32 to index
          %parallel_loop3A_582 = tpu.vector_load %arg9[%parallel_loop3A_581] {strides = array<i32>} : memref<55296xi32, #tpu.memory_space<vmem>>, vector<16xi32>,
          %parallel_loop3A_583 = vector.shape_cast %parallel_loop3A_582 : vector<16xi32> to vector<16xi32>
          %parallel_loop3A_584 = arith.constant 16 : i32
          %parallel_loop3A_585 = vector.broadcast %parallel_loop3A_584 : i32 to vector<16xi32>
          %parallel_loop3A_586 = arith.shli %parallel_loop3A_578, %parallel_loop3A_585 : vector<16xi32>
          %parallel_loop3A_587 = tpu.bitcast %parallel_loop3A_586 : vector<16xi32> -> vector<16xf32>
          %parallel_loop3A_588 = arith.constant 16 : i32
          %parallel_loop3A_589 = vector.broadcast %parallel_loop3A_588 : i32 to vector<16xi32>
          %parallel_loop3A_590 = arith.shli %parallel_loop3A_583, %parallel_loop3A_589 : vector<16xi32>
          %parallel_loop3A_591 = tpu.bitcast %parallel_loop3A_590 : vector<16xi32> -> vector<16xf32>
          %parallel_loop3A_592 = arith.addf %parallel_loop3A_587, %parallel_loop3A_591 : vector<16xf32>
          %parallel_loop3A_593 = arith.constant -65536 : i32
          %parallel_loop3A_594 = vector.broadcast %parallel_loop3A_593 : i32 to vector<16xi32>
          %parallel_loop3A_595 = arith.andi %parallel_loop3A_578, %parallel_loop3A_594 : vector<16xi32>
          %parallel_loop3A_596 = tpu.bitcast %parallel_loop3A_595 : vector<16xi32> -> vector<16xf32>
          %parallel_loop3A_597 = arith.constant -65536 : i32
          %parallel_loop3A_598 = vector.broadcast %parallel_loop3A_597 : i32 to vector<16xi32>
          %parallel_loop3A_599 = arith.andi %parallel_loop3A_583, %parallel_loop3A_598 : vector<16xi32>
          %parallel_loop3A_600 = tpu.bitcast %parallel_loop3A_599 : vector<16xi32> -> vector<16xf32>
          %parallel_loop3A_601 = arith.addf %parallel_loop3A_596, %parallel_loop3A_600 : vector<16xf32>
          %parallel_loop3A_602 = arith.index_cast %parallel_loop3A_84 : i32 to index
          %parallel_loop3A_603 = arith.constant 384 : index
          %parallel_loop3A_604 = tpu.vector_load %arg11[%parallel_loop3A_602, %parallel_loop3A_603] {strides = array<i32>} : memref<16x512xf32, #tpu.memory_space<vmem>>, vector<1x16xf32>,
          %parallel_loop3A_605 = vector.shape_cast %parallel_loop3A_604 : vector<1x16xf32> to vector<16xf32>
          %parallel_loop3A_606 = vector.shape_cast %parallel_loop3A_592 : vector<16xf32> to vector<1x16xf32>
          tpu.vector_store %arg11[%parallel_loop3A_602, %parallel_loop3A_603], %parallel_loop3A_606 {strides = array<i32>} : memref<16x512xf32, #tpu.memory_space<vmem>>, vector<1x16xf32>,
          %parallel_loop3A_607 = arith.index_cast %parallel_loop3A_84 : i32 to index
          %parallel_loop3A_608 = arith.constant 400 : index
          %parallel_loop3A_609 = tpu.vector_load %arg11[%parallel_loop3A_607, %parallel_loop3A_608] {strides = array<i32>} : memref<16x512xf32, #tpu.memory_space<vmem>>, vector<1x16xf32>,
          %parallel_loop3A_610 = vector.shape_cast %parallel_loop3A_609 : vector<1x16xf32> to vector<16xf32>
          %parallel_loop3A_611 = vector.shape_cast %parallel_loop3A_601 : vector<16xf32> to vector<1x16xf32>
          tpu.vector_store %arg11[%parallel_loop3A_607, %parallel_loop3A_608], %parallel_loop3A_611 {strides = array<i32>} : memref<16x512xf32, #tpu.memory_space<vmem>>, vector<1x16xf32>,
          %parallel_loop3A_612 = arith.constant 208 : i32
          %parallel_loop3A_613 = arith.addi %parallel_loop3A_103, %parallel_loop3A_612 : i32
          %parallel_loop3A_614 = arith.index_cast %parallel_loop3A_613 : i32 to index
          %parallel_loop3A_615 = tpu.vector_load %arg8[%parallel_loop3A_614] {strides = array<i32>} : memref<55296xi32, #tpu.memory_space<vmem>>, vector<16xi32>,
          %parallel_loop3A_616 = vector.shape_cast %parallel_loop3A_615 : vector<16xi32> to vector<16xi32>
          %parallel_loop3A_617 = arith.constant 208 : i32
          %parallel_loop3A_618 = arith.addi %parallel_loop3A_117, %parallel_loop3A_617 : i32
          %parallel_loop3A_619 = arith.index_cast %parallel_loop3A_618 : i32 to index
          %parallel_loop3A_620 = tpu.vector_load %arg9[%parallel_loop3A_619] {strides = array<i32>} : memref<55296xi32, #tpu.memory_space<vmem>>, vector<16xi32>,
          %parallel_loop3A_621 = vector.shape_cast %parallel_loop3A_620 : vector<16xi32> to vector<16xi32>
          %parallel_loop3A_622 = arith.constant 16 : i32
          %parallel_loop3A_623 = vector.broadcast %parallel_loop3A_622 : i32 to vector<16xi32>
          %parallel_loop3A_624 = arith.shli %parallel_loop3A_616, %parallel_loop3A_623 : vector<16xi32>
          %parallel_loop3A_625 = tpu.bitcast %parallel_loop3A_624 : vector<16xi32> -> vector<16xf32>
          %parallel_loop3A_626 = arith.constant 16 : i32
          %parallel_loop3A_627 = vector.broadcast %parallel_loop3A_626 : i32 to vector<16xi32>
          %parallel_loop3A_628 = arith.shli %parallel_loop3A_621, %parallel_loop3A_627 : vector<16xi32>
          %parallel_loop3A_629 = tpu.bitcast %parallel_loop3A_628 : vector<16xi32> -> vector<16xf32>
          %parallel_loop3A_630 = arith.addf %parallel_loop3A_625, %parallel_loop3A_629 : vector<16xf32>
          %parallel_loop3A_631 = arith.constant -65536 : i32
          %parallel_loop3A_632 = vector.broadcast %parallel_loop3A_631 : i32 to vector<16xi32>
          %parallel_loop3A_633 = arith.andi %parallel_loop3A_616, %parallel_loop3A_632 : vector<16xi32>
          %parallel_loop3A_634 = tpu.bitcast %parallel_loop3A_633 : vector<16xi32> -> vector<16xf32>
          %parallel_loop3A_635 = arith.constant -65536 : i32
          %parallel_loop3A_636 = vector.broadcast %parallel_loop3A_635 : i32 to vector<16xi32>
          %parallel_loop3A_637 = arith.andi %parallel_loop3A_621, %parallel_loop3A_636 : vector<16xi32>
          %parallel_loop3A_638 = tpu.bitcast %parallel_loop3A_637 : vector<16xi32> -> vector<16xf32>
          %parallel_loop3A_639 = arith.addf %parallel_loop3A_634, %parallel_loop3A_638 : vector<16xf32>
          %parallel_loop3A_640 = arith.index_cast %parallel_loop3A_84 : i32 to index
          %parallel_loop3A_641 = arith.constant 416 : index
          %parallel_loop3A_642 = tpu.vector_load %arg11[%parallel_loop3A_640, %parallel_loop3A_641] {strides = array<i32>} : memref<16x512xf32, #tpu.memory_space<vmem>>, vector<1x16xf32>,
          %parallel_loop3A_643 = vector.shape_cast %parallel_loop3A_642 : vector<1x16xf32> to vector<16xf32>
          %parallel_loop3A_644 = vector.shape_cast %parallel_loop3A_630 : vector<16xf32> to vector<1x16xf32>
          tpu.vector_store %arg11[%parallel_loop3A_640, %parallel_loop3A_641], %parallel_loop3A_644 {strides = array<i32>} : memref<16x512xf32, #tpu.memory_space<vmem>>, vector<1x16xf32>,
          %parallel_loop3A_645 = arith.index_cast %parallel_loop3A_84 : i32 to index
          %parallel_loop3A_646 = arith.constant 432 : index
          %parallel_loop3A_647 = tpu.vector_load %arg11[%parallel_loop3A_645, %parallel_loop3A_646] {strides = array<i32>} : memref<16x512xf32, #tpu.memory_space<vmem>>, vector<1x16xf32>,
          %parallel_loop3A_648 = vector.shape_cast %parallel_loop3A_647 : vector<1x16xf32> to vector<16xf32>
          %parallel_loop3A_649 = vector.shape_cast %parallel_loop3A_639 : vector<16xf32> to vector<1x16xf32>
          tpu.vector_store %arg11[%parallel_loop3A_645, %parallel_loop3A_646], %parallel_loop3A_649 {strides = array<i32>} : memref<16x512xf32, #tpu.memory_space<vmem>>, vector<1x16xf32>,
          %parallel_loop3A_650 = arith.constant 224 : i32
          %parallel_loop3A_651 = arith.addi %parallel_loop3A_103, %parallel_loop3A_650 : i32
          %parallel_loop3A_652 = arith.index_cast %parallel_loop3A_651 : i32 to index
          %parallel_loop3A_653 = tpu.vector_load %arg8[%parallel_loop3A_652] {strides = array<i32>} : memref<55296xi32, #tpu.memory_space<vmem>>, vector<16xi32>,
          %parallel_loop3A_654 = vector.shape_cast %parallel_loop3A_653 : vector<16xi32> to vector<16xi32>
          %parallel_loop3A_655 = arith.constant 224 : i32
          %parallel_loop3A_656 = arith.addi %parallel_loop3A_117, %parallel_loop3A_655 : i32
          %parallel_loop3A_657 = arith.index_cast %parallel_loop3A_656 : i32 to index
          %parallel_loop3A_658 = tpu.vector_load %arg9[%parallel_loop3A_657] {strides = array<i32>} : memref<55296xi32, #tpu.memory_space<vmem>>, vector<16xi32>,
          %parallel_loop3A_659 = vector.shape_cast %parallel_loop3A_658 : vector<16xi32> to vector<16xi32>
          %parallel_loop3A_660 = arith.constant 16 : i32
          %parallel_loop3A_661 = vector.broadcast %parallel_loop3A_660 : i32 to vector<16xi32>
          %parallel_loop3A_662 = arith.shli %parallel_loop3A_654, %parallel_loop3A_661 : vector<16xi32>
          %parallel_loop3A_663 = tpu.bitcast %parallel_loop3A_662 : vector<16xi32> -> vector<16xf32>
          %parallel_loop3A_664 = arith.constant 16 : i32
          %parallel_loop3A_665 = vector.broadcast %parallel_loop3A_664 : i32 to vector<16xi32>
          %parallel_loop3A_666 = arith.shli %parallel_loop3A_659, %parallel_loop3A_665 : vector<16xi32>
          %parallel_loop3A_667 = tpu.bitcast %parallel_loop3A_666 : vector<16xi32> -> vector<16xf32>
          %parallel_loop3A_668 = arith.addf %parallel_loop3A_663, %parallel_loop3A_667 : vector<16xf32>
          %parallel_loop3A_669 = arith.constant -65536 : i32
          %parallel_loop3A_670 = vector.broadcast %parallel_loop3A_669 : i32 to vector<16xi32>
          %parallel_loop3A_671 = arith.andi %parallel_loop3A_654, %parallel_loop3A_670 : vector<16xi32>
          %parallel_loop3A_672 = tpu.bitcast %parallel_loop3A_671 : vector<16xi32> -> vector<16xf32>
          %parallel_loop3A_673 = arith.constant -65536 : i32
          %parallel_loop3A_674 = vector.broadcast %parallel_loop3A_673 : i32 to vector<16xi32>
          %parallel_loop3A_675 = arith.andi %parallel_loop3A_659, %parallel_loop3A_674 : vector<16xi32>
          %parallel_loop3A_676 = tpu.bitcast %parallel_loop3A_675 : vector<16xi32> -> vector<16xf32>
          %parallel_loop3A_677 = arith.addf %parallel_loop3A_672, %parallel_loop3A_676 : vector<16xf32>
          %parallel_loop3A_678 = arith.index_cast %parallel_loop3A_84 : i32 to index
          %parallel_loop3A_679 = arith.constant 448 : index
          %parallel_loop3A_680 = tpu.vector_load %arg11[%parallel_loop3A_678, %parallel_loop3A_679] {strides = array<i32>} : memref<16x512xf32, #tpu.memory_space<vmem>>, vector<1x16xf32>,
          %parallel_loop3A_681 = vector.shape_cast %parallel_loop3A_680 : vector<1x16xf32> to vector<16xf32>
          %parallel_loop3A_682 = vector.shape_cast %parallel_loop3A_668 : vector<16xf32> to vector<1x16xf32>
          tpu.vector_store %arg11[%parallel_loop3A_678, %parallel_loop3A_679], %parallel_loop3A_682 {strides = array<i32>} : memref<16x512xf32, #tpu.memory_space<vmem>>, vector<1x16xf32>,
          %parallel_loop3A_683 = arith.index_cast %parallel_loop3A_84 : i32 to index
          %parallel_loop3A_684 = arith.constant 464 : index
          %parallel_loop3A_685 = tpu.vector_load %arg11[%parallel_loop3A_683, %parallel_loop3A_684] {strides = array<i32>} : memref<16x512xf32, #tpu.memory_space<vmem>>, vector<1x16xf32>,
          %parallel_loop3A_686 = vector.shape_cast %parallel_loop3A_685 : vector<1x16xf32> to vector<16xf32>
          %parallel_loop3A_687 = vector.shape_cast %parallel_loop3A_677 : vector<16xf32> to vector<1x16xf32>
          tpu.vector_store %arg11[%parallel_loop3A_683, %parallel_loop3A_684], %parallel_loop3A_687 {strides = array<i32>} : memref<16x512xf32, #tpu.memory_space<vmem>>, vector<1x16xf32>,
          %parallel_loop3A_688 = arith.constant 240 : i32
          %parallel_loop3A_689 = arith.addi %parallel_loop3A_103, %parallel_loop3A_688 : i32
          %parallel_loop3A_690 = arith.index_cast %parallel_loop3A_689 : i32 to index
          %parallel_loop3A_691 = tpu.vector_load %arg8[%parallel_loop3A_690] {strides = array<i32>} : memref<55296xi32, #tpu.memory_space<vmem>>, vector<16xi32>,
          %parallel_loop3A_692 = vector.shape_cast %parallel_loop3A_691 : vector<16xi32> to vector<16xi32>
          %parallel_loop3A_693 = arith.constant 240 : i32
          %parallel_loop3A_694 = arith.addi %parallel_loop3A_117, %parallel_loop3A_693 : i32
          %parallel_loop3A_695 = arith.index_cast %parallel_loop3A_694 : i32 to index
          %parallel_loop3A_696 = tpu.vector_load %arg9[%parallel_loop3A_695] {strides = array<i32>} : memref<55296xi32, #tpu.memory_space<vmem>>, vector<16xi32>,
          %parallel_loop3A_697 = vector.shape_cast %parallel_loop3A_696 : vector<16xi32> to vector<16xi32>
          %parallel_loop3A_698 = arith.constant 16 : i32
          %parallel_loop3A_699 = vector.broadcast %parallel_loop3A_698 : i32 to vector<16xi32>
          %parallel_loop3A_700 = arith.shli %parallel_loop3A_692, %parallel_loop3A_699 : vector<16xi32>
          %parallel_loop3A_701 = tpu.bitcast %parallel_loop3A_700 : vector<16xi32> -> vector<16xf32>
          %parallel_loop3A_702 = arith.constant 16 : i32
          %parallel_loop3A_703 = vector.broadcast %parallel_loop3A_702 : i32 to vector<16xi32>
          %parallel_loop3A_704 = arith.shli %parallel_loop3A_697, %parallel_loop3A_703 : vector<16xi32>
          %parallel_loop3A_705 = tpu.bitcast %parallel_loop3A_704 : vector<16xi32> -> vector<16xf32>
          %parallel_loop3A_706 = arith.addf %parallel_loop3A_701, %parallel_loop3A_705 : vector<16xf32>
          %parallel_loop3A_707 = arith.constant -65536 : i32
          %parallel_loop3A_708 = vector.broadcast %parallel_loop3A_707 : i32 to vector<16xi32>
          %parallel_loop3A_709 = arith.andi %parallel_loop3A_692, %parallel_loop3A_708 : vector<16xi32>
          %parallel_loop3A_710 = tpu.bitcast %parallel_loop3A_709 : vector<16xi32> -> vector<16xf32>
          %parallel_loop3A_711 = arith.constant -65536 : i32
          %parallel_loop3A_712 = vector.broadcast %parallel_loop3A_711 : i32 to vector<16xi32>
          %parallel_loop3A_713 = arith.andi %parallel_loop3A_697, %parallel_loop3A_712 : vector<16xi32>
          %parallel_loop3A_714 = tpu.bitcast %parallel_loop3A_713 : vector<16xi32> -> vector<16xf32>
          %parallel_loop3A_715 = arith.addf %parallel_loop3A_710, %parallel_loop3A_714 : vector<16xf32>
          %parallel_loop3A_716 = arith.index_cast %parallel_loop3A_84 : i32 to index
          %parallel_loop3A_717 = arith.constant 480 : index
          %parallel_loop3A_718 = tpu.vector_load %arg11[%parallel_loop3A_716, %parallel_loop3A_717] {strides = array<i32>} : memref<16x512xf32, #tpu.memory_space<vmem>>, vector<1x16xf32>,
          %parallel_loop3A_719 = vector.shape_cast %parallel_loop3A_718 : vector<1x16xf32> to vector<16xf32>
          %parallel_loop3A_720 = vector.shape_cast %parallel_loop3A_706 : vector<16xf32> to vector<1x16xf32>
          tpu.vector_store %arg11[%parallel_loop3A_716, %parallel_loop3A_717], %parallel_loop3A_720 {strides = array<i32>} : memref<16x512xf32, #tpu.memory_space<vmem>>, vector<1x16xf32>,
          %parallel_loop3A_721 = arith.index_cast %parallel_loop3A_84 : i32 to index
          %parallel_loop3A_722 = arith.constant 496 : index
          %parallel_loop3A_723 = tpu.vector_load %arg11[%parallel_loop3A_721, %parallel_loop3A_722] {strides = array<i32>} : memref<16x512xf32, #tpu.memory_space<vmem>>, vector<1x16xf32>,
          %parallel_loop3A_724 = vector.shape_cast %parallel_loop3A_723 : vector<1x16xf32> to vector<16xf32>
          %parallel_loop3A_725 = vector.shape_cast %parallel_loop3A_715 : vector<16xf32> to vector<1x16xf32>
          tpu.vector_store %arg11[%parallel_loop3A_721, %parallel_loop3A_722], %parallel_loop3A_725 {strides = array<i32>} : memref<16x512xf32, #tpu.memory_space<vmem>>, vector<1x16xf32>,
        } {sc.loop_unroll_factor = 2 : i64, sc.parallel_access}
        %mul3A_69 = arith.constant 32 : i32
        %mul3A_70 = arith.muli %add3A_49, %mul3A_69 : i32
        %add3A_71 = arith.addi %mul3A_70, %add3A : i32
        %mul3A_72 = arith.constant 16 : i32
        %mul3A_73 = arith.muli %add3A_71, %mul3A_72 : i32
        %dma_start3A_74 = arith.constant 0 : i32
        %dma_start3A_75 = tpu.memref_slice %arg5[%mul3A_73, %dma_start3A_74] : memref<100000x512xf32, #tpu.memory_space<hbm>> -> memref<16x512xf32, #tpu.memory_space<hbm>>
        %dma_start3A_76 = arith.constant 0 : i32
        %dma_start3A_77 = tpu.memref_slice %arg5[%mul3A_73, %dma_start3A_76] : memref<100000x512xf32, #tpu.memory_space<hbm>> -> memref<16x512xf32, #tpu.memory_space<hbm>>
        tpu.enqueue_dma source(%arg11 : memref<16x512xf32, #tpu.memory_space<vmem>>) target(%dma_start3A_77 : memref<16x512xf32, #tpu.memory_space<hbm>>) target_semaphore(%arg15 : memref<!tpu.dma_semaphore, #tpu.memory_space<semaphore_mem>>)
        %add3A_78 = arith.constant 2 : i32
        %add3A_79 = arith.addi %add3A_49, %add3A_78 : i32
        %lt3A_80 = arith.cmpi slt, %add3A_79, %select_n3A : i32
        %convert_element_type3A_81 = arith.extui %lt3A_80 : i1 to i32
        %cond3A_82 = arith.constant 0 : i32
        %cond3A_83 = arith.cmpi ne, %convert_element_type3A_81, %cond3A_82 : i32
        scf.if %cond3A_83 {
          %add3A_84 = arith.constant 2 : i32
          %add3A_85 = arith.addi %add3A_49, %add3A_84 : i32
          %mul3A_86 = arith.constant 32 : i32
          %mul3A_87 = arith.muli %add3A_85, %mul3A_86 : i32
          %add3A_88 = arith.addi %mul3A_87, %add3A : i32
          %mul3A_89 = arith.constant 16 : i32
          %mul3A_90 = arith.muli %add3A_88, %mul3A_89 : i32
          %mul3A_91 = arith.constant 16 : i32
          %mul3A_92 = arith.muli %mul3A_90, %mul3A_91 : i32
          %dma_start3A_93 = tpu.memref_slice %arg2[%mul3A_92] : memref<1600000xi32, #tpu.memory_space<hbm>> -> memref<256xi32, #tpu.memory_space<hbm>>
          %dma_start3A_94 = tpu.memref_slice %arg2[%mul3A_92] : memref<1600000xi32, #tpu.memory_space<hbm>> -> memref<256xi32, #tpu.memory_space<hbm>>
          tpu.enqueue_dma source(%dma_start3A_94 : memref<256xi32, #tpu.memory_space<hbm>>) target(%arg7 : memref<256xi32, #tpu.memory_space<vmem>>) target_semaphore(%arg13 : memref<!tpu.dma_semaphore, #tpu.memory_space<semaphore_mem>>)
        } else {
        }
      } else {
      }
    }
    %scan3A_21 = arith.constant 98 : i32
    %add3A_22 = arith.constant 0 : i32
    %add3A_23 = arith.addi %add3A_22, %add3A : i32
    %mul3A_24 = arith.constant 16 : i32
    %mul3A_25 = arith.muli %add3A_23, %mul3A_24 : i32
    %dma_wait3A = arith.constant 0 : i32
    %dma_wait3A_26 = tpu.memref_slice %arg5[%mul3A_25, %dma_wait3A] : memref<100000x512xf32, #tpu.memory_space<hbm>> -> memref<16x512xf32, #tpu.memory_space<hbm>>
    %dma_wait3A_27 = arith.constant 0 : i32
    %dma_wait3A_28 = tpu.memref_slice %arg5[%mul3A_25, %dma_wait3A_27] : memref<100000x512xf32, #tpu.memory_space<hbm>> -> memref<16x512xf32, #tpu.memory_space<hbm>>
    tpu.wait_dma2 semaphore(%arg14 : memref<!tpu.dma_semaphore, #tpu.memory_space<semaphore_mem>>) src(%arg10 : memref<16x512xf32, #tpu.memory_space<vmem>>) dst(%dma_wait3A_28 : memref<16x512xf32, #tpu.memory_space<hbm>>)
    %add3A_29 = arith.constant 32 : i32
    %add3A_30 = arith.addi %add3A_29, %add3A : i32
    %mul3A_31 = arith.constant 16 : i32
    %mul3A_32 = arith.muli %add3A_30, %mul3A_31 : i32
    %dma_wait3A_33 = arith.constant 0 : i32
    %dma_wait3A_34 = tpu.memref_slice %arg5[%mul3A_32, %dma_wait3A_33] : memref<100000x512xf32, #tpu.memory_space<hbm>> -> memref<16x512xf32, #tpu.memory_space<hbm>>
    %dma_wait3A_35 = arith.constant 0 : i32
    %dma_wait3A_36 = tpu.memref_slice %arg5[%mul3A_32, %dma_wait3A_35] : memref<100000x512xf32, #tpu.memory_space<hbm>> -> memref<16x512xf32, #tpu.memory_space<hbm>>
    tpu.wait_dma2 semaphore(%arg15 : memref<!tpu.dma_semaphore, #tpu.memory_space<semaphore_mem>>) src(%arg11 : memref<16x512xf32, #tpu.memory_space<vmem>>) dst(%dma_wait3A_36 : memref<16x512xf32, #tpu.memory_space<hbm>>)
    return
  }
}

</mosaic_0001>

<sc_bundles>
// kernel: kernel.3.cloned.1.call-start
scs
__scs_entry_jumppad:
0x0: {  	(pc) =	sbr.rel $0x88, $3  }
0x1: {  	(tag) =	ssettag $0x0;
	lr =	simm.s32 $0x1  }
0x2: {  	[smem:$0x3F9F] =	sst lr;
	_ =	strace $0xD0000000  }
0x3: {  	_ = 	snop  }
0x4: {  	_ = 	snop  }
0x5: {  	_ = 	snop  }
0x6: {  	_ = 	snop  }
0x7: {  	_ = 	snop  }
__scs_overlays_trampoline_lowered:
0x8: {  	[smem:$0x3FAE] =	sst s0  }
0x9: {  	[smem:$0x3FAF] =	sst s1  }
0xa: {  	[smem:$0x3FB0] =	sst s2  }
0xb: {  	[smem:$0x3FB1] =	sst s3  }
0xc: {  	[smem:$0x3FB2] =	sst s4  }
0xd: {  	[smem:$0x3FB3] =	sst s5  }
0xe: {  	[smem:$0x3FB4] =	sst s6  }
0xf: {  	[smem:$0x3FB5] =	sst s7  }
0x10: {  	[smem:$0x3FB6] =	sst s8  }
0x11: {  	[smem:$0x3FB7] =	sst s9;
	s0 =	simm.s32 @!p0 $0x0  }
0x12: {  	s1 =	sld [smem:$0x3F9D];
	s0 =	simm.s32 @p0 $0x1  }
0x13: {  	[smem:$0x3FB8] =	sst s0;
	s0 =	simm.s32 @!p1 $0x0  }
0x14: {  	s2 =	sld [smem:$0x3F9C];
	s0 =	simm.s32 @p1 $0x1  }
0x15: {  	[smem:$0x3FB9] =	sst s0;
	s0 =	simm.s32 @!p2 $0x0  }
0x16: {  	s3 =	sld [smem:$0x3FDB];
	s0 =	simm.s32 @p2 $0x1  }
0x17: {  	s4 =	simm.s32 $0x1BF5;
	[smem:$0x3FBB] =	sst s0  }
0x18: {  	s0 =	sld [smem:$0x3F9E];
	_ =	swait.ge [sflag:s4], $0x0  }
0x19: {  	s7 =	sld [smem:$0x3F9F]  }
0x1a: {  	s8 =	sadd.s32 $0xFFFFE003, lr  }
0x1b: {  	s9 =	sadd.s32 $0xFFFFFEF7, lr;
	s5 =	simm.s32 $0xFFFFFFFF;
	p2 =	slt.u32 s8, $0xFFFFF086  }
0x1c: {  	p1 =	slt.u32 s9, $0xF7A;
	s5 =	simm.s32 @!p2 $0x0  }
0x1d: {  	s5 =	simm.s32 @p1 $0x1;
	p0 =	seq.s32 s7, s2  }
0x1e: {  	s7 =	smul.u32 @!p0 $0xF7A, s2;
	p2 =	seq.s32 @!p0 s5, $0x0  }
0x1f: {  	s9 =	smul.u32 $0xF7A, s1;
	s8 =	simm.s32 @!p0 $0x1BF5;
	p2 =	por !p2, p0  }
0x20: {  	[sflag:s8] =	ssyncset.s32 @!p0 $0xFFFFF086;
	s6 =	sadd.s32 @!p0 s3, s7;
	s7 =	simm.s32 @!p0 $0x108  }
0x21: {  	s3 =	sadd.s32 s3, s9;
	s6 =	sadd.s32 @!p0 $0x88, s6;
	s7 =	simm.s32 @p2 $0x1082  }
0x22: {  	[simem:s7], [sflag:s8] =	dma.local @!p0 [hbm:s6], $0xF7A  }
0x23: {  	s9 =	sor.u32 $0xD0000000, s2;
	s6 =	simm.s32 $0x108;
	_ =	swait.ge @!p0 [sflag:s8], $0x0  }
0x24: {  	s3 =	sadd.s32 $0x88, s3;
	s6 =	simm.s32 @!p1 $0x1082;
	[sflag:s4] =	ssyncset.s32 $0xFFFFF086  }
0x25: {  	[simem:s6], [sflag:s4] =	dma.local [hbm:s3], $0xF7A  }
0x26: {  	[smem:$0x3F9F] =	sst s1;
	(tag) =	ssettag s2;
	_ =	strace s9  }
0x27: {  	s1 =	sld [smem:$0x3FAF]  }
0x28: {  	s2 =	sld [smem:$0x3FB0]  }
0x29: {  	s4 =	sld [smem:$0x3FB2]  }
0x2a: {  	p0 =	seq.s32 s5, $0x0;
	s5 =	sld [smem:$0x3FB3]  }
0x2b: {  	s6 =	sld [smem:$0x3FB4]  }
0x2c: {  	s7 =	sld [smem:$0x3FB5]  }
0x2d: {  	s3 =	simm.s32 $0x108;
	s8 =	sld [smem:$0x3FB6]  }
0x2e: {  	s3 =	simm.s32 @!p0 $0x1082;
	s9 =	sld [smem:$0x3FB7]  }
0x2f: {  	lr =	sadd.s32 s0, s3;
	s0 =	sld [smem:$0x3FAE]  }
0x30: {  	s3 =	sld [smem:$0x3FB1]  }
0x31: {  	[smem:$0x3FBA] =	sst s10  }
0x32: {  	s10 =	sld [smem:$0x3FB8];
	_ =	sdelay $0x3  }
0x33: {  	p0 =	seq.s32 s10, $0x1;
	s10 =	sld [smem:$0x3FBA];
	_ =	sdelay $0x3  }
0x34: {  	[smem:$0x3FBA] =	sst s10  }
0x35: {  	s10 =	sld [smem:$0x3FB9];
	_ =	sdelay $0x3  }
0x36: {  	p1 =	seq.s32 s10, $0x1;
	s10 =	sld [smem:$0x3FBA];
	_ =	sdelay $0x3  }
0x37: {  	[smem:$0x3FBA] =	sst s10  }
0x38: {  	s10 =	sld [smem:$0x3FBB]  }
0x39: {  	_ = 	snop;
	(pc) =	sbr.ind lr, $3  }
0x3a: {  	_ = 	snop  }
0x3b: {  	_ = 	snop  }
0x3c: {  	p2 =	seq.s32 s10, $0x1;
	s10 =	sld [smem:$0x3FBA]  }
0x3d: {  	_ =	shalt  }
0x3e: {  	_ =	shalt  }
0x3f: {  	_ =	shalt  }
0x40: {  	_ =	shalt  }
0x41: {  	_ =	shalt  }
0x42: {  	_ =	shalt  }
0x43: {  	_ =	shalt  }
0x44: {  	_ =	shalt  }
0x45: {  	_ =	shalt  }
0x46: {  	_ =	shalt  }
0x47: {  	_ =	shalt  }
0x48: {  	_ =	shalt  }
0x49: {  	_ =	shalt  }
0x4a: {  	_ =	shalt  }
0x4b: {  	_ =	shalt  }
0x4c: {  	_ =	shalt  }
0x4d: {  	_ =	shalt  }
0x4e: {  	_ =	shalt  }
0x4f: {  	_ =	shalt  }
0x50: {  	_ =	shalt  }
0x51: {  	_ =	shalt  }
0x52: {  	_ =	shalt  }
0x53: {  	_ =	shalt  }
0x54: {  	_ =	shalt  }
0x55: {  	_ =	shalt  }
0x56: {  	_ =	shalt  }
0x57: {  	_ =	shalt  }
0x58: {  	_ =	shalt  }
0x59: {  	_ =	shalt  }
0x5a: {  	_ =	shalt  }
0x5b: {  	_ =	shalt  }
0x5c: {  	_ =	shalt  }
0x5d: {  	_ =	shalt  }
0x5e: {  	_ =	shalt  }
0x5f: {  	_ =	shalt  }
0x60: {  	_ =	shalt  }
0x61: {  	_ =	shalt  }
0x62: {  	_ =	shalt  }
0x63: {  	_ =	shalt  }
0x64: {  	_ =	shalt  }
0x65: {  	_ =	shalt  }
0x66: {  	_ =	shalt  }
0x67: {  	_ =	shalt  }
0x68: {  	_ =	shalt  }
0x69: {  	_ =	shalt  }
0x6a: {  	_ =	shalt  }
0x6b: {  	_ =	shalt  }
0x6c: {  	_ =	shalt  }
0x6d: {  	_ =	shalt  }
0x6e: {  	_ =	shalt  }
0x6f: {  	_ =	shalt  }
0x70: {  	_ =	shalt  }
0x71: {  	_ =	shalt  }
0x72: {  	_ =	shalt  }
0x73: {  	_ =	shalt  }
0x74: {  	_ =	shalt  }
0x75: {  	_ =	shalt  }
0x76: {  	_ =	shalt  }
0x77: {  	_ =	shalt  }
0x78: {  	_ =	shalt  }
0x79: {  	_ =	shalt  }
0x7a: {  	_ =	shalt  }
0x7b: {  	_ =	shalt  }
0x7c: {  	_ =	shalt  }
0x7d: {  	_ =	shalt  }
0x7e: {  	_ =	shalt  }
0x7f: {  	_ =	shalt  }
0x80: {  	_ =	shalt  }
0x81: {  	_ =	shalt  }
0x82: {  	_ =	shalt  }
0x83: {  	_ =	shalt  }
0x84: {  	_ =	shalt  }
0x85: {  	_ =	shalt  }
0x86: {  	_ =	shalt  }
0x87: {  	_ =	shalt  }
.Lfunc_end0:
.L_simem_size_0:
called_computation_lowered:
.L_overlay_start_0:
0x88: {  	s2 =	sld [smem:$0x3FD9]  }
0x89: {  	s3 =	sld [smem:$0x3FFE];
	_ =	sdelay $0x1  }
0x8a: {  	s1 =	srdreg.scid  }
0x8b: {  	s0 =	sand.u32 $0x1, s1  }
0x8c: {  	s17 =	sshll.u32 s0, $0xA;
	s2 =	sadd.s32 s3, s2  }
0x8d: {  	s2 =	sadd.s32 s2, s17  }
0x8e: {  	[smem:$0x3FC6] =	sst s2  }
0x8f: {  	_ = 	snop  }
0x90: {  	s2 =	sld [smem:$0x3FD0];
	(tm) =	ssettm $0x1  }
0x91: {  	s18 =	sld [smem:$0x3FFB];
	_ =	sdelay $0x3  }
0x92: {  	_ =	strace s18  }
0x93: {  	s3 =	sld [smem:$0x3FFC];
	_ =	sdelay $0x3  }
0x94: {  	_ =	strace s3  }
0x95: {  	s3 =	sld [smem:$0x3FFD];
	_ =	sdelay $0x3  }
0x96: {  	_ =	strace s3  }
0x97: {  	_ =	strace $0x8FFFFFFF  }
0x98: {  	s19 =	sld [smem:$0x3FDB];
	_ =	sdelay $0x1  }
0x99: {  	s4 =	simm.s32 $_scs_section_size  }
0x9a: {  	s5 =	simm.s32 $_size__tile_overlayer_lowered;
	s6 =	simm.s32 $_tile_overlayer_lowered  }
0x9b: {  	s22 =	simm.s32 $0x1BFF;
	s21 =	sshll.u32 s6, $0x1;
	s3 =	sadd.s32 s4, s19  }
0x9c: {  	s7 =	simm.s32 $0x0;
	s20 =	sshll.u32 s5, $0x1;
	s5 =	sadd.s32 s21, s3  }
0x9d: {  	[timem:s7], [sflag:s22] =	dma.local [hbm:s5], s20  }
0x9e: {  	_ =	swait.ge [sflag:s22], s20  }
0x9f: {  	s4 =	ssub.s32 $0x0, s20;
	[sflag:s22] =	ssyncset.done $0x0  }
0xa0: {  	[sflag:s22] =	ssyncadd.s32 s4;
	_ =	sdelay $0x1  }
0xa1: {  	s23 =	simm.s32 $0x1B8B  }
0xa2: {  	_ =	swait.ge [sflag:s23], $0x1  }
0xa3: {  	[sflag:s23] =	ssyncset.done $0x0  }
0xa4: {  	s25 =	simm.s32 $0x1B8E;
	s24 =	sld [smem:$0x3FFE];
	[sflag:s23] =	ssyncadd.s32 $0xFFFFFFFF  }
0xa5: {  	s26 =	simm.s32 $execute0_lowered;
	[smem:$0x3FD2] =	sst s25  }
0xa6: {  	s5 =	sshll.u32 s26, $0x1;
	_ =	strace $0x80000046;
	[dreg:$0x1] =	wrdreg $0xFFFFFFFF  }
0xa7: {  	s28 =	simm.s32 $_size_execute0_lowered;
	s3 =	sadd.s32 s3, s5;
	[dreg:$0x0] =	wrdreg $0x0  }
0xa8: {  	s5 =	sshll.u32 s28, $0x1;
	[dreg:$0x2] =	wrdreg s3  }
0xa9: {  	[dreg:$0x3] =	wrdreg s5  }
0xaa: {  	[dreg:$0x4] =	wrdreg $0xC0  }
0xab: {  	_ =	task [dreg:s7], $0x5FFFF  }
0xac: {  	[dreg:$0x1] =	wrdreg $0xFFFFFFFF  }
0xad: {  	[dreg:$0x0] =	wrdreg $0x60  }
0xae: {  	[dreg:$0x2] =	wrdreg s24  }
0xaf: {  	[dreg:$0x3] =	wrdreg s2  }
0xb0: {  	[dreg:$0x4] =	wrdreg $0x9  }
0xb1: {  	_ =	task.clear_ibuf [dreg:s7], $0x5FFFF;
	_ =	strace $0x90000046  }
0xb2: {  	s29 =	simm.s32 $0x9;
	_ =	strace $0x80000048  }
0xb3: {  	_ =	swait.ge [sflag:s29], $0x1  }
0xb4: {  	[sflag:s29] =	ssyncadd.s32 $0xFFFFFFFF  }
0xb5: {  	_ =	strace $0x90000048  }
0xb6: {  	_ =	sfence  }
0xb7: {  	s30 =	sld [smem:$0x0];
	_ =	sdelay $0x2  }
0xb8: {  	s31 =	sshll.u32 s1, $0xD;
	s1 =	sshrl.u32 s1, $0x2  }
0xb9: {  	s3 =	sand.u32 $0x4000, s31;
	s1 =	sadd.s32 s1, s30  }
0xba: {  	s0 =	sor.u32 s3, s0;
	s1 =	sshll.u32 s1, $0x11  }
0xbb: {  	s0 =	sor.u32 s1, s0  }
0xbc: {  	s0 =	sadd.s32 $0x8F2B, s0  }
0xbd: {  	[sflag:s0] =	ssyncadd.remote.s32 $0x1  }
0xbe: {  	_ =	sfence.sel $0xFFFF  }
0xbf: {  	[dreg:$0x0] =	wrdreg $0xFFFFFFFF;
	(pc) =	sbr.abs _section_cstart, $3  }
0xc0: {  	[dreg:$0x1] =	wrdreg $0xFFFFFFFF  }
0xc1: {  	_ =	task.clear_ibuf [dreg:s7], $0x2FFFF;
	_ =	strace $0x9FFFFFFF  }
0xc2: {  	(tm) =	ssettm $0x7FFFFFFF  }
0xc3: {  	_ =	shalt  }
tec
execute0_lowered:
.L_overlay_start_1:
0x0: {  	(tag) =	ssettag $0x1  }
0x1: {  	s4 =	rddreg [dreg:$0x0]  }
0x2: {  	s0 =	rddreg [dreg:$0x1];
	s1 =	srdreg.scid  }
0x3: {  	s5 =	stileid.u32;
	s3 =	simm.s32 $0x0;
	s31 =	simm.s32 $0x0  }
0x4: {  	s1 =	sand.u32 $0x1, s1;
	s2 =	sshll.u32 s5, $0x1;
	[smem:$0x7FF] =	sst s3  }
0x5: {  	p0 =	slt.u32 s5, $0x5;
	s5 =	simm.s32 $0xC4;
	s2 =	sor.u32 s1, s2  }
0x6: {  	_ =	strace $0x80000047;
	s1 =	ssub.s32 $0x2, s1;
	s5 =	simm.s32 @!p0 $0xC3  }
0x7: {  	[smem:$0x7FC] =	sst s31;
	s26 =	sshll.u32 s2, $0x5;
	s2 =	sshll.u32 s2, $0xA  }
0x8: {  	[smem:$0x7FD] =	sst s5;
	s3 =	sadd.s32 s26, s4;
	s4 =	sadd.s32 $0x1C00, s4  }
.Ltmp0:
0x9: {  	s0 =	sadd.s32 s0, s2;
	[smem:$0x7F7] =	sst s4;
	(pc) =	sbr.rel .LBB2_1-.Ltmp0, $4  }
0xa: {  	s28 =	sshrl.u32 s1, $0x1;
	s29 =	sadd.s32 $0x18A200, s3;
	[smem:$0x7FA] =	sst s0  }
0xb: {  	s1 =	ssub.s32 s1, s28;
	s3 =	sadd.s32 $0x18A600, s3;
	[smem:$0x7F8] =	sst s29  }
0xc: {  	s30 =	smax.u32 s1, $0x1;
	[smem:$0x7F9] =	sst s3  }
0xd: {  	[smem:$0x7FB] =	sst s30  }
.LBB2_11:
0xe: {  	s0 =	simm.s32 $0x3  }
0xf: {  	_ =	swait.ge [sflag:s0], $0x2000  }
0x10: {  	[sflag:s0] =	ssyncset.done $0x0  }
0x11: {  	s1 =	simm.s32 $0x4;
	[sflag:s0] =	ssyncadd.s32 $0xFFFFE000  }
0x12: {  	_ =	swait.ge [sflag:s1], $0x2000  }
0x13: {  	s2 =	sld [smem:$0x7FC]  }
0x14: {  	s31 =	sld [smem:$0x7FB];
	_ =	sdelay $0x1  }
0x15: {  	s2 =	sadd.s32 $0x1, s2  }
0x16: {  	p0 =	sne.s32 s2, s31  }
.Ltmp1:
0x17: {  	_ = 	snop;
	(pc) =	sbr.rel @!p0 .LBB2_12-.Ltmp1, $3  }
0x18: {  	_ =	sdelay $0x1  }
0x19: {  	[sflag:s1] =	ssyncset.done $0x0  }
0x1a: {  	[sflag:s1] =	ssyncadd.s32 $0xFFFFE000;
	[smem:$0x7FC] =	sst s2  }
.LBB2_1:
0x1b: {  	s0 =	sld [smem:$0x7F7];
	_ =	sdelay $0x1  }
0x1c: {  	s1 =	simm.s32 $0x0;
	s2 =	simm.s32 $0x200;
	s26 =	simm.s32 $0x5  }
0x1d: {  	[tilespmem:s2], [sflag:$0x5] =	stream.linear.gather [hbm4b:s0+s1], $0xD800, $0x38;
	[tilespmem:$0x1F200] =	vst v63  }
0x1e: {  	_ =	swait.ge [sflag:s26], $0xD800  }
0x1f: {  	[sflag:s26] =	ssyncset.done $0x0  }
0x20: {  	[sflag:s26] =	ssyncadd.s32 $0xFFFF2800  }
0x21: {  	s3 =	simm.s32 $0xDA00;
	s28 =	rddreg [dreg:$0x0]  }
0x22: {  	[tilespmem:s3], [sflag:$0x5] =	stream.linear.gather [hbm4b:s28+s1], $0xD800, $0x38;
	[tilespmem:$0x1F200] =	vst v63  }
0x23: {  	_ =	swait.ge [sflag:s26], $0xD800  }
0x24: {  	s29 =	sld [smem:$0x7F8]  }
.Ltmp2:
0x25: {  	[sflag:s26] =	ssyncset.done $0x0;
	(pc) =	sbr.rel .LBB2_2-.Ltmp2, $4  }
0x26: {  	s30 =	sld [smem:$0x7F9];
	[sflag:s26] =	ssyncadd.s32 $0xFFFF2800  }
0x27: {  	[tilespmem:s1], [sflag:$0x1] =	stream.linear.gather [hbm4b:s29+s1], $0x100, $0x38;
	[tilespmem:$0x1F200] =	vst v63  }
0x28: {  	s31 =	simm.s32 $0x100;
	s3 =	simm.s32 $0x0  }
0x29: {  	[tilespmem:s31], [sflag:$0x2] =	stream.linear.gather [hbm4b:s30+s1], $0x100, $0x38;
	[tilespmem:$0x1F200] =	vst v63  }
.LBB2_10:
0x2a: {  	s3 =	sadd.s32 $0x1, s3  }
0x2b: {  	p0 =	sne.s32 s3, $0x62  }
.Ltmp3:
0x2c: {  	_ = 	snop;
	(pc) =	sbr.rel @!p0 .LBB2_11-.Ltmp3, $1  }
0x2d: {  	_ =	sdelay $0x3  }
.LBB2_2:
0x2e: {  	s2 =	sshll.u32 s3, $0x1  }
0x2f: {  	p1 =	sge.u32 s2, s5  }
.Ltmp4:
0x30: {  	_ = 	snop;
	(pc) =	sbr.rel @p1 .LBB2_6-.Ltmp4, $3  }
0x31: {  	_ =	sdelay $0x1  }
0x32: {  	[smem:$0x7F5] =	sst s3  }
0x33: {  	p0 =	seq.s32 s3, $0x0;
	[smem:$0x7F6] =	sst s2  }
0x34: {  	s0 =	simm.s32 $0x1  }
0x35: {  	_ =	swait.ge [sflag:s0], $0x100  }
0x36: {  	[sflag:s0] =	ssyncset.done $0x0  }
0x37: {  	[sflag:s0] =	ssyncadd.s32 $0xFFFFFF00;
	s0 =	simm.s32 @!p0 $0x3  }
0x38: {  	_ =	swait.ge @!p0 [sflag:s0], $0x2000  }
0x39: {  	[sflag:s0] =	ssyncset.done @!p0 $0x0  }
0x3a: {  	s18 =	simm.s32 $0x10;
	[sflag:s0] =	ssyncadd.s32 @!p0 $0xFFFFE000  }
0x3b: {  	v0 =	vld [tilespmem:s18+$0x0];
	_ =	sdelay $0x4  }
0x3c: {  	v1 =	vmul.u32 $0x6, v0;
	(v2sf) =	vpush v0, $0x1  }
0x3d: {  	(v2sf) =	vpush v0, $0x4  }
0x3e: {  	(v2sf) =	vpush v1, $0x0  }
0x3f: {  	(v2sf) =	vpush v1, $0x3;
	_ =	sdelay $0x1  }
0x40: {  	(v2sf) =	vpush v0, $0x2  }
0x41: {  	(v2sf) =	vpush v0, $0x5;
	_ =	sdelay $0x2  }
0x42: {  	v0 =	vld [tilespmem:s18+$0xFFFFFFF0];
	_ =	sdelay $0x4  }
0x43: {  	v1 =	vmul.u32 $0x6, v0  }
0x44: {  	s19 =	spop (v2sf)  }
0x45: {  	(v2sf) =	vpush v1, $0x0;
	s1 =	spop (v2sf)  }
0x46: {  	(v2sf) =	vpush v1, $0x3;
	s2 =	spop (v2sf)  }
0x47: {  	(v2sf) =	vpush v0, $0x1;
	s3 =	spop (v2sf);
	s0 =	sadd.s32 s19, s2  }
0x48: {  	(v2sf) =	vpush v0, $0x4;
	s0 =	smul.u32 $0x6, s0;
	s1 =	sadd.s32 s1, s3  }
0x49: {  	s20 =	spop (v2sf);
	s1 =	smul.u32 $0x6, s1  }
0x4a: {  	(v2sf) =	vpush v0, $0x2;
	s21 =	spop (v2sf);
	s0 =	sadd.s32 s20, s0  }
0x4b: {  	(v2sf) =	vpush v0, $0x5;
	s1 =	sadd.s32 s21, s1;
	s0 =	sshll.u32 s0, $0xA  }
0x4c: {  	s13 =	sshra.s32 s0, $0x2;
	s22 =	sshll.u32 s1, $0xA  }
0x4d: {  	v0 =	vld [tilespmem:s13+$0x200];
	s11 =	sshra.s32 s22, $0x2  }
0x4e: {  	v1 =	vld [tilespmem:s11+$0xDA00];
	_ =	sdelay $0x3  }
0x4f: {  	s6 =	simm.s32 $0x0  }
0x50: {  	s23 =	simm.s32 $0x80;
	s24 =	sand.u32 $0x1000, s6;
	v2 =	vshll.u32 v0, $0x10;
	v3 =	vshll.u32 v1, $0x10  }
0x51: {  	s1 =	sadd.s32 $0x1B200, s24;
	s0 =	sand.u32 $0x380, s23;
	v0 =	vand.u32 $0xFFFF0000, v0;
	s25 =	spop (v2sf);
	v1 =	vand.u32 $0xFFFF0000, v1;
	v2 =	vadd.f32 v3, v2  }
0x52: {  	s3 =	sadd.s32 s0, s1;
	s4 =	spop (v2sf);
	v0 =	vadd.f32 v1, v0  }
0x53: {  	s26 =	spop (v2sf);
	[tilespmem:s3+$0x0] =	vst v2  }
0x54: {  	s0 =	sadd.s32 s26, s25;
	s5 =	spop (v2sf);
	[tilespmem:s3+$0x10] =	vst v0  }
0x55: {  	s0 =	smul.u32 $0x6, s0;
	s2 =	sadd.s32 s5, s4;
	v0 =	vld [tilespmem:s13+$0x210]  }
0x56: {  	s7 =	spop (v2sf);
	v1 =	vld [tilespmem:s11+$0xDA10];
	s2 =	smul.u32 $0x6, s2  }
0x57: {  	s5 =	spop (v2sf);
	s0 =	sadd.s32 s7, s0  }
0x58: {  	s0 =	sshll.u32 s0, $0xA;
	s2 =	sadd.s32 s5, s2  }
0x59: {  	s12 =	sshra.s32 s0, $0x2;
	s8 =	sshll.u32 s2, $0xA  }
0x5a: {  	s23 =	sshra.s32 s8, $0x2;
	v2 =	vld [tilespmem:s12+$0x200]  }
0x5b: {  	v4 =	vshll.u32 v0, $0x10;
	v5 =	vshll.u32 v1, $0x10;
	v3 =	vld [tilespmem:s23+$0xDA00]  }
0x5c: {  	v0 =	vand.u32 $0xFFFF0000, v0;
	v1 =	vand.u32 $0xFFFF0000, v1;
	v4 =	vadd.f32 v5, v4  }
0x5d: {  	v0 =	vadd.f32 v1, v0  }
0x5e: {  	[tilespmem:s3+$0x20] =	vst v4  }
0x5f: {  	[tilespmem:s3+$0x30] =	vst v0  }
0x60: {  	s9 =	simm.s32 $0x0;
	v4 =	vld [tilespmem:s13+$0x220];
	v0 =	vshll.u32 v2, $0x10;
	v1 =	vshll.u32 v3, $0x10  }
0x61: {  	s0 =	sand.u32 $0x300, s9;
	v0 =	vadd.f32 v1, v0;
	v1 =	vand.u32 $0xFFFF0000, v2;
	v2 =	vand.u32 $0xFFFF0000, v3;
	v3 =	vld [tilespmem:s11+$0xDA20]  }
0x62: {  	s14 =	sadd.s32 s0, s1;
	v1 =	vadd.f32 v2, v1  }
0x63: {  	[tilespmem:s14+$0x0] =	vst v0  }
0x64: {  	[tilespmem:s14+$0x10] =	vst v1  }
0x65: {  	v0 =	vld [tilespmem:s12+$0x210]  }
0x66: {  	v2 =	vshll.u32 v4, $0x10;
	v1 =	vld [tilespmem:s23+$0xDA10];
	v5 =	vshll.u32 v3, $0x10  }
0x67: {  	v4 =	vand.u32 $0xFFFF0000, v4;
	v3 =	vand.u32 $0xFFFF0000, v3;
	v2 =	vadd.f32 v5, v2  }
0x68: {  	v3 =	vadd.f32 v3, v4  }
0x69: {  	[tilespmem:s3+$0x40] =	vst v2  }
0x6a: {  	[tilespmem:s3+$0x50] =	vst v3  }
0x6b: {  	v2 =	vshll.u32 v0, $0x10;
	v3 =	vshll.u32 v1, $0x10;
	v4 =	vld [tilespmem:s13+$0x230]  }
0x6c: {  	v2 =	vadd.f32 v3, v2;
	v3 =	vld [tilespmem:s11+$0xDA30];
	_ =	sdelay $0x1  }
0x6d: {  	v0 =	vand.u32 $0xFFFF0000, v0;
	v1 =	vand.u32 $0xFFFF0000, v1  }
0x6e: {  	v0 =	vadd.f32 v1, v0  }
0x6f: {  	s10 =	simm.s32 $0x30;
	[tilespmem:s14+$0x20] =	vst v2  }
0x70: {  	v6 =	vld [tilespmem:s10+$0x0];
	[tilespmem:s14+$0x30] =	vst v0;
	v2 =	vshll.u32 v4, $0x10;
	v5 =	vshll.u32 v3, $0x10  }
0x71: {  	v0 =	vld [tilespmem:s12+$0x220];
	v4 =	vand.u32 $0xFFFF0000, v4;
	v3 =	vand.u32 $0xFFFF0000, v3;
	v2 =	vadd.f32 v5, v2  }
0x72: {  	v1 =	vld [tilespmem:s23+$0xDA20];
	v3 =	vadd.f32 v3, v4  }
0x73: {  	[tilespmem:s3+$0x60] =	vst v2  }
0x74: {  	[tilespmem:s3+$0x70] =	vst v3  }
0x75: {  	(v2sf) =	vpush v6, $0x1;
	v3 =	vld [tilespmem:s13+$0x240]  }
0x76: {  	(v2sf) =	vpush v6, $0x4;
	v5 =	vmul.u32 $0x6, v6;
	v7 =	vld [tilespmem:s11+$0xDA40]  }
0x77: {  	v2 =	vshll.u32 v0, $0x10;
	v4 =	vshll.u32 v1, $0x10;
	v0 =	vand.u32 $0xFFFF0000, v0  }
0x78: {  	v1 =	vand.u32 $0xFFFF0000, v1;
	(v2sf) =	vpush v5, $0x0;
	v2 =	vadd.f32 v4, v2  }
0x79: {  	v0 =	vadd.f32 v1, v0;
	(v2sf) =	vpush v5, $0x3  }
0x7a: {  	(v2sf) =	vpush v6, $0x2;
	[tilespmem:s14+$0x40] =	vst v2  }
0x7b: {  	[tilespmem:s14+$0x50] =	vst v0;
	(v2sf) =	vpush v6, $0x5;
	v0 =	vshll.u32 v3, $0x10;
	v2 =	vshll.u32 v7, $0x10  }
0x7c: {  	v1 =	vld [tilespmem:s10+$0xFFFFFFF0];
	v0 =	vadd.f32 v2, v0;
	v2 =	vand.u32 $0xFFFF0000, v3;
	v3 =	vand.u32 $0xFFFF0000, v7  }
0x7d: {  	v4 =	vld [tilespmem:s12+$0x230];
	v2 =	vadd.f32 v3, v2  }
0x7e: {  	v5 =	vld [tilespmem:s23+$0xDA30];
	[tilespmem:s3+$0x400] =	vst v0  }
0x7f: {  	[tilespmem:s3+$0x410] =	vst v2  }
0x80: {  	v0 =	vld [tilespmem:s13+$0x250]  }
0x81: {  	v2 =	vmul.u32 $0x6, v1;
	v3 =	vld [tilespmem:s11+$0xDA50]  }
0x82: {  	v6 =	vshll.u32 v4, $0x10  }
0x83: {  	v7 =	vshll.u32 v5, $0x10;
	v4 =	vand.u32 $0xFFFF0000, v4;
	(v2sf) =	vpush v2, $0x0  }
0x84: {  	v5 =	vand.u32 $0xFFFF0000, v5;
	v6 =	vadd.f32 v7, v6;
	(v2sf) =	vpush v2, $0x3  }
0x85: {  	s15 =	spop (v2sf);
	v2 =	vadd.f32 v5, v4;
	(v2sf) =	vpush v1, $0x1  }
0x86: {  	s16 =	spop (v2sf);
	(v2sf) =	vpush v1, $0x4;
	v4 =	vshll.u32 v0, $0x10;
	v5 =	vshll.u32 v3, $0x10  }
0x87: {  	[tilespmem:s14+$0x60] =	vst v6;
	s17 =	spop (v2sf);
	v0 =	vand.u32 $0xFFFF0000, v0;
	v3 =	vand.u32 $0xFFFF0000, v3;
	v4 =	vadd.f32 v5, v4  }
0x88: {  	[tilespmem:s14+$0x70] =	vst v2;
	s18 =	spop (v2sf);
	s0 =	sadd.s32 s15, s17;
	v0 =	vadd.f32 v3, v0  }
0x89: {  	v2 =	vld [tilespmem:s12+$0x240];
	(v2sf) =	vpush v1, $0x2;
	s0 =	smul.u32 $0x6, s0;
	s1 =	sadd.s32 s16, s18;
	[tilespmem:s3+$0x420] =	vst v4  }
0x8a: {  	v3 =	vld [tilespmem:s23+$0xDA40];
	(v2sf) =	vpush v1, $0x5;
	s19 =	spop (v2sf);
	s1 =	smul.u32 $0x6, s1;
	[tilespmem:s3+$0x430] =	vst v0  }
0x8b: {  	s20 =	spop (v2sf);
	s0 =	sadd.s32 s19, s0;
	v0 =	vld [tilespmem:s13+$0x260]  }
0x8c: {  	s21 =	sadd.s32 s20, s1;
	s0 =	sshll.u32 s0, $0xA;
	v1 =	vld [tilespmem:s11+$0xDA60]  }
0x8d: {  	s1 =	sshra.s32 s0, $0x2;
	s22 =	sshll.u32 s21, $0xA  }
0x8e: {  	v4 =	vld [tilespmem:s1+$0x200];
	s0 =	sshra.s32 s22, $0x2  }
0x8f: {  	v5 =	vshll.u32 v2, $0x10;
	v6 =	vshll.u32 v3, $0x10;
	v7 =	vld [tilespmem:s0+$0xDA00]  }
0x90: {  	v2 =	vand.u32 $0xFFFF0000, v2;
	v3 =	vand.u32 $0xFFFF0000, v3;
	v5 =	vadd.f32 v6, v5  }
0x91: {  	v2 =	vadd.f32 v3, v2;
	v3 =	vshll.u32 v0, $0x10;
	v6 =	vshll.u32 v1, $0x10  }
0x92: {  	[tilespmem:s14+$0x400] =	vst v5;
	v0 =	vand.u32 $0xFFFF0000, v0;
	v1 =	vand.u32 $0xFFFF0000, v1;
	v3 =	vadd.f32 v6, v3  }
0x93: {  	s25 =	simm.s32 $0x400;
	[tilespmem:s14+$0x410] =	vst v2;
	v0 =	vadd.f32 v1, v0;
	s24 =	spop (v2sf)  }
0x94: {  	s7 =	simm.s32 $0x180;
	s2 =	sand.u32 $0x1000, s25;
	v1 =	vld [tilespmem:s12+$0x250];
	v2 =	vshll.u32 v4, $0x10;
	s26 =	spop (v2sf);
	v5 =	vshll.u32 v7, $0x10;
	[tilespmem:s3+$0x440] =	vst v3  }
0x95: {  	s7 =	sand.u32 $0x380, s7;
	s2 =	sadd.s32 $0x1B200, s2;
	v4 =	vand.u32 $0xFFFF0000, v4;
	v3 =	vld [tilespmem:s23+$0xDA50];
	[tilespmem:s3+$0x450] =	vst v0;
	s8 =	spop (v2sf);
	v2 =	vadd.f32 v5, v2;
	v5 =	vand.u32 $0xFFFF0000, v7  }
0x96: {  	s16 =	sadd.s32 s7, s2;
	s4 =	sadd.s32 s8, s24;
	s9 =	spop (v2sf);
	v0 =	vadd.f32 v5, v4;
	v4 =	vld [tilespmem:s13+$0x270]  }
0x97: {  	s4 =	smul.u32 $0x6, s4;
	s5 =	sadd.s32 s9, s26;
	[tilespmem:s16+$0x0] =	vst v2;
	v2 =	vld [tilespmem:s11+$0xDA70]  }
0x98: {  	s10 =	spop (v2sf);
	s5 =	smul.u32 $0x6, s5;
	[tilespmem:s16+$0x10] =	vst v0  }
0x99: {  	s15 =	spop (v2sf);
	s4 =	sadd.s32 s10, s4;
	v0 =	vld [tilespmem:s1+$0x210]  }
0x9a: {  	v5 =	vshll.u32 v1, $0x10;
	v6 =	vshll.u32 v3, $0x10;
	v7 =	vld [tilespmem:s0+$0xDA10];
	s4 =	sshll.u32 s4, $0xA;
	s5 =	sadd.s32 s15, s5  }
0x9b: {  	v1 =	vand.u32 $0xFFFF0000, v1;
	v3 =	vand.u32 $0xFFFF0000, v3;
	v5 =	vadd.f32 v6, v5;
	s26 =	sshra.s32 s4, $0x2;
	s17 =	sshll.u32 s5, $0xA  }
0x9c: {  	v1 =	vadd.f32 v3, v1;
	v6 =	vshll.u32 v4, $0x10;
	s21 =	sshra.s32 s17, $0x2;
	v3 =	vld [tilespmem:s26+$0x200];
	v8 =	vshll.u32 v2, $0x10  }
0x9d: {  	v4 =	vand.u32 $0xFFFF0000, v4;
	[tilespmem:s14+$0x420] =	vst v5;
	v2 =	vand.u32 $0xFFFF0000, v2;
	v5 =	vld [tilespmem:s21+$0xDA00];
	v6 =	vadd.f32 v8, v6  }
0x9e: {  	[tilespmem:s14+$0x430] =	vst v1;
	v1 =	vadd.f32 v2, v4  }
0x9f: {  	v2 =	vshll.u32 v0, $0x10;
	v4 =	vshll.u32 v7, $0x10;
	[tilespmem:s3+$0x460] =	vst v6  }
0xa0: {  	v8 =	vld [tilespmem:s23+$0xDA60];
	v0 =	vand.u32 $0xFFFF0000, v0;
	v2 =	vadd.f32 v4, v2;
	v4 =	vand.u32 $0xFFFF0000, v7;
	[tilespmem:s3+$0x470] =	vst v1  }
0xa1: {  	v0 =	vadd.f32 v4, v0;
	v1 =	vld [tilespmem:s13+$0x280]  }
0xa2: {  	s18 =	simm.s32 $0x100;
	v4 =	vshll.u32 v3, $0x10;
	[tilespmem:s16+$0x20] =	vst v2;
	v2 =	vld [tilespmem:s11+$0xDA80];
	v7 =	vshll.u32 v5, $0x10  }
0xa3: {  	s4 =	sand.u32 $0x300, s18;
	v6 =	vld [tilespmem:s12+$0x260];
	v3 =	vand.u32 $0xFFFF0000, v3;
	v5 =	vand.u32 $0xFFFF0000, v5;
	[tilespmem:s16+$0x30] =	vst v0;
	v4 =	vadd.f32 v7, v4  }
0xa4: {  	s2 =	sadd.s32 s4, s2;
	v0 =	vadd.f32 v5, v3;
	v3 =	vld [tilespmem:s1+$0x220]  }
0xa5: {  	[tilespmem:s2+$0x0] =	vst v4;
	v4 =	vld [tilespmem:s0+$0xDA20]  }
0xa6: {  	[tilespmem:s2+$0x10] =	vst v0  }
0xa7: {  	v5 =	vshll.u32 v1, $0x10;
	v0 =	vld [tilespmem:s26+$0x210];
	v7 =	vshll.u32 v2, $0x10  }
0xa8: {  	v1 =	vand.u32 $0xFFFF0000, v1;
	v9 =	vld [tilespmem:s21+$0xDA10];
	v2 =	vand.u32 $0xFFFF0000, v2;
	v5 =	vadd.f32 v7, v5  }
0xa9: {  	v10 =	vshll.u32 v8, $0x10;
	v7 =	vshll.u32 v6, $0x10;
	v1 =	vadd.f32 v2, v1  }
0xaa: {  	v2 =	vadd.f32 v10, v7;
	v7 =	vshll.u32 v3, $0x10;
	[tilespmem:s3+$0x800] =	vst v5;
	v10 =	vshll.u32 v4, $0x10  }
0xab: {  	v3 =	vand.u32 $0xFFFF0000, v3;
	[tilespmem:s3+$0x810] =	vst v1;
	v4 =	vand.u32 $0xFFFF0000, v4;
	v5 =	vadd.f32 v10, v7  }
0xac: {  	v1 =	vand.u32 $0xFFFF0000, v6;
	v6 =	vand.u32 $0xFFFF0000, v8;
	[tilespmem:s14+$0x440] =	vst v2;
	v2 =	vadd.f32 v4, v3  }
0xad: {  	v1 =	vadd.f32 v6, v1;
	v3 =	vld [tilespmem:s13+$0x290];
	v4 =	vshll.u32 v0, $0x10;
	v6 =	vshll.u32 v9, $0x10;
	[tilespmem:s16+$0x40] =	vst v5  }
0xae: {  	v0 =	vand.u32 $0xFFFF0000, v0;
	v4 =	vadd.f32 v6, v4;
	v6 =	vand.u32 $0xFFFF0000, v9;
	v5 =	vld [tilespmem:s11+$0xDA90];
	[tilespmem:s16+$0x50] =	vst v2  }
0xaf: {  	[tilespmem:s14+$0x450] =	vst v1;
	v0 =	vadd.f32 v6, v0;
	v1 =	vld [tilespmem:s1+$0x230]  }
0xb0: {  	[tilespmem:s2+$0x20] =	vst v4;
	v2 =	vld [tilespmem:s0+$0xDA30]  }
0xb1: {  	v4 =	vld [tilespmem:s12+$0x270];
	[tilespmem:s2+$0x30] =	vst v0  }
0xb2: {  	v0 =	vld [tilespmem:s26+$0x220];
	v6 =	vshll.u32 v3, $0x10  }
0xb3: {  	v8 =	vld [tilespmem:s21+$0xDA20];
	v3 =	vand.u32 $0xFFFF0000, v3;
	v7 =	vshll.u32 v5, $0x10;
	v5 =	vand.u32 $0xFFFF0000, v5  }
0xb4: {  	s19 =	simm.s32 $0x50;
	v6 =	vadd.f32 v7, v6;
	v7 =	vld [tilespmem:s23+$0xDA70];
	v3 =	vadd.f32 v5, v3;
	v9 =	vshll.u32 v1, $0x10  }
0xb5: {  	v5 =	vld [tilespmem:s19+$0x0];
	v10 =	vshll.u32 v2, $0x10;
	v1 =	vand.u32 $0xFFFF0000, v1;
	v2 =	vand.u32 $0xFFFF0000, v2  }
0xb6: {  	v1 =	vadd.f32 v2, v1;
	[tilespmem:s3+$0x820] =	vst v6  }
0xb7: {  	v6 =	vadd.f32 v10, v9;
	[tilespmem:s3+$0x830] =	vst v3;
	v3 =	vshll.u32 v4, $0x10;
	v9 =	vshll.u32 v0, $0x10  }
0xb8: {  	v10 =	vshll.u32 v8, $0x10;
	v0 =	vand.u32 $0xFFFF0000, v0;
	v8 =	vand.u32 $0xFFFF0000, v8;
	v2 =	vld [tilespmem:s13+$0x2A0];
	[tilespmem:s16+$0x70] =	vst v1  }
0xb9: {  	v4 =	vand.u32 $0xFFFF0000, v4;
	v9 =	vadd.f32 v10, v9;
	v0 =	vadd.f32 v8, v0;
	[tilespmem:s16+$0x60] =	vst v6;
	v6 =	vld [tilespmem:s11+$0xDAA0]  }
0xba: {  	v1 =	vshll.u32 v7, $0x10;
	v8 =	vmul.u32 $0x6, v5;
	(v2sf) =	vpush v5, $0x1;
	v10 =	vld [tilespmem:s1+$0x240]  }
0xbb: {  	v7 =	vand.u32 $0xFFFF0000, v7;
	[tilespmem:s2+$0x40] =	vst v9;
	v1 =	vadd.f32 v1, v3;
	(v2sf) =	vpush v5, $0x4;
	v3 =	vld [tilespmem:s0+$0xDA40]  }
0xbc: {  	[tilespmem:s2+$0x50] =	vst v0;
	v4 =	vadd.f32 v7, v4;
	(v2sf) =	vpush v8, $0x0  }
0xbd: {  	v7 =	vld [tilespmem:s19+$0xFFFFFFF0];
	(v2sf) =	vpush v8, $0x3;
	v0 =	vshll.u32 v2, $0x10;
	[tilespmem:s14+$0x460] =	vst v1;
	v1 =	vand.u32 $0xFFFF0000, v2  }
0xbe: {  	v9 =	vld [tilespmem:s26+$0x230];
	v8 =	vshll.u32 v6, $0x10;
	v2 =	vand.u32 $0xFFFF0000, v6;
	(v2sf) =	vpush v5, $0x2  }
0xbf: {  	v6 =	vld [tilespmem:s21+$0xDA30];
	v0 =	vadd.f32 v8, v0;
	v1 =	vadd.f32 v2, v1  }
0xc0: {  	[tilespmem:s14+$0x470] =	vst v4;
	(v2sf) =	vpush v5, $0x5;
	v4 =	vshll.u32 v10, $0x10;
	v5 =	vshll.u32 v3, $0x10  }
0xc1: {  	v2 =	vld [tilespmem:s12+$0x280];
	v3 =	vand.u32 $0xFFFF0000, v3;
	[tilespmem:s3+$0x840] =	vst v0;
	v0 =	vadd.f32 v5, v4;
	v4 =	vand.u32 $0xFFFF0000, v10  }
0xc2: {  	v8 =	vld [tilespmem:s23+$0xDA80];
	[tilespmem:s3+$0x850] =	vst v1;
	v1 =	vadd.f32 v3, v4  }
0xc3: {  	v3 =	vmul.u32 $0x6, v7;
	v4 =	vshll.u32 v9, $0x10;
	v5 =	vld [tilespmem:s13+$0x2B0];
	[tilespmem:s16+$0x400] =	vst v0  }
0xc4: {  	v9 =	vand.u32 $0xFFFF0000, v9;
	v10 =	vld [tilespmem:s11+$0xDAB0];
	v0 =	vshll.u32 v6, $0x10;
	v6 =	vand.u32 $0xFFFF0000, v6;
	[tilespmem:s16+$0x410] =	vst v1  }
0xc5: {  	v0 =	vadd.f32 v0, v4;
	v1 =	vadd.f32 v6, v9;
	v6 =	vld [tilespmem:s1+$0x250]  }
0xc6: {  	v4 =	vshll.u32 v2, $0x10;
	(v2sf) =	vpush v3, $0x0;
	v11 =	vld [tilespmem:s0+$0xDA50]  }
0xc7: {  	v9 =	vshll.u32 v8, $0x10;
	v2 =	vand.u32 $0xFFFF0000, v2;
	(v2sf) =	vpush v3, $0x3;
	[tilespmem:s2+$0x60] =	vst v0  }
0xc8: {  	v3 =	vadd.f32 v9, v4;
	v0 =	vand.u32 $0xFFFF0000, v8;
	[tilespmem:s2+$0x70] =	vst v1;
	(v2sf) =	vpush v7, $0x1  }
0xc9: {  	v0 =	vadd.f32 v0, v2;
	v1 =	vld [tilespmem:s26+$0x240];
	v2 =	vshll.u32 v5, $0x10;
	v4 =	vshll.u32 v10, $0x10;
	s20 =	spop (v2sf)  }
0xca: {  	v8 =	vld [tilespmem:s21+$0xDA40];
	[tilespmem:s14+$0x800] =	vst v3;
	v3 =	vand.u32 $0xFFFF0000, v5;
	v2 =	vadd.f32 v4, v2;
	v4 =	vand.u32 $0xFFFF0000, v10;
	s22 =	spop (v2sf)  }
0xcb: {  	[tilespmem:s14+$0x810] =	vst v0;
	v0 =	vadd.f32 v4, v3;
	v3 =	vshll.u32 v6, $0x10;
	v4 =	vshll.u32 v11, $0x10;
	s24 =	spop (v2sf)  }
0xcc: {  	v5 =	vld [tilespmem:s12+$0x290];
	[tilespmem:s3+$0x860] =	vst v2;
	v2 =	vadd.f32 v4, v3;
	v3 =	vand.u32 $0xFFFF0000, v6;
	v4 =	vand.u32 $0xFFFF0000, v11;
	s25 =	spop (v2sf);
	s4 =	sadd.s32 s20, s24  }
0xcd: {  	(v2sf) =	vpush v7, $0x4;
	v6 =	vld [tilespmem:s23+$0xDA90];
	[tilespmem:s3+$0x870] =	vst v0;
	v0 =	vadd.f32 v4, v3;
	s7 =	smul.u32 $0x6, s4;
	s9 =	sadd.s32 s22, s25  }
0xce: {  	(v2sf) =	vpush v7, $0x2;
	v3 =	vld [tilespmem:s13+$0x2C0];
	s10 =	spop (v2sf);
	[tilespmem:s16+$0x420] =	vst v2;
	s4 =	smul.u32 $0x6, s9  }
0xcf: {  	(v2sf) =	vpush v7, $0x5;
	v4 =	vshll.u32 v8, $0x10;
	v7 =	vld [tilespmem:s11+$0xDAC0];
	v2 =	vshll.u32 v1, $0x10;
	s15 =	spop (v2sf);
	[tilespmem:s16+$0x430] =	vst v0;
	s3 =	sadd.s32 s10, s7  }
0xd0: {  	v1 =	vand.u32 $0xFFFF0000, v1;
	v0 =	vadd.f32 v4, v2;
	v2 =	vand.u32 $0xFFFF0000, v8;
	v4 =	vld [tilespmem:s1+$0x260];
	s4 =	sadd.s32 s15, s4;
	s3 =	sshll.u32 s3, $0xA  }
0xd1: {  	v1 =	vadd.f32 v2, v1;
	v2 =	vld [tilespmem:s0+$0xDA60];
	s7 =	sshra.s32 s3, $0x2;
	s17 =	sshll.u32 s4, $0xA  }
0xd2: {  	v8 =	vshll.u32 v5, $0x10;
	[tilespmem:s2+$0x400] =	vst v0;
	v0 =	vshll.u32 v6, $0x10;
	v9 =	vld [tilespmem:s7+$0x200];
	s4 =	sshra.s32 s17, $0x2  }
0xd3: {  	s18 =	sand.u32 $0x7, s6;
	v5 =	vand.u32 $0xFFFF0000, v5;
	v6 =	vand.u32 $0xFFFF0000, v6;
	[tilespmem:s2+$0x410] =	vst v1;
	v0 =	vadd.f32 v0, v8;
	v1 =	vld [tilespmem:s4+$0xDA00]  }
0xd4: {  	v5 =	vadd.f32 v6, v5;
	s3 =	sshll.u32 s18, $0x7;
	v8 =	vshll.u32 v3, $0x10;
	v10 =	vshll.u32 v7, $0x10  }
0xd5: {  	v3 =	vand.u32 $0xFFFF0000, v3;
	v7 =	vand.u32 $0xFFFF0000, v7;
	v6 =	vld [tilespmem:s26+$0x250];
	s9 =	sadd.s32 $0x80, s3;
	[tilespmem:s14+$0x820] =	vst v0;
	v0 =	vadd.f32 v10, v8  }
0xd6: {  	v3 =	vadd.f32 v7, v3;
	v8 =	vld [tilespmem:s21+$0xDA50];
	[tilespmem:s14+$0x830] =	vst v5;
	s3 =	sor.u32 $0xC00, s9;
	v5 =	vshll.u32 v4, $0x10;
	v7 =	vshll.u32 v2, $0x10  }
0xd7: {  	s20 =	simm.s32 $0x800;
	s19 =	sor.u32 $0xC10, s9;
	v4 =	vand.u32 $0xFFFF0000, v4;
	v2 =	vand.u32 $0xFFFF0000, v2;
	[tilespmem:s3+$0x1B200] =	vst v0;
	v0 =	vadd.f32 v7, v5  }
0xd8: {  	s22 =	sand.u32 $0x1000, s20;
	s15 =	simm.s32 $0x280;
	v2 =	vadd.f32 v2, v4;
	[tilespmem:s19+$0x1B200] =	vst v3;
	v3 =	vshll.u32 v9, $0x10;
	v4 =	vshll.u32 v1, $0x10  }
0xd9: {  	s5 =	sadd.s32 $0x1B200, s22;
	s24 =	sand.u32 $0x380, s15;
	[tilespmem:s16+$0x440] =	vst v0;
	v1 =	vand.u32 $0xFFFF0000, v1;
	v0 =	vadd.f32 v4, v3;
	v3 =	vand.u32 $0xFFFF0000, v9  }
0xda: {  	s17 =	sadd.s32 s24, s5;
	[tilespmem:s16+$0x450] =	vst v2;
	v1 =	vadd.f32 v1, v3  }
0xdb: {  	v2 =	vshll.u32 v8, $0x10;
	v4 =	vshll.u32 v6, $0x10;
	[tilespmem:s17+$0x0] =	vst v0  }
0xdc: {  	v0 =	vadd.f32 v2, v4;
	[tilespmem:s17+$0x10] =	vst v1  }
0xdd: {  	v1 =	vld [tilespmem:s7+$0x210]  }
0xde: {  	[tilespmem:s2+$0x420] =	vst v0;
	v0 =	vld [tilespmem:s4+$0xDA10];
	_ =	sdelay $0x4  }
0xdf: {  	s8 =	spop (v2sf);
	v4 =	vshll.u32 v1, $0x10;
	v11 =	vshll.u32 v0, $0x10  }
0xe0: {  	s18 =	spop (v2sf);
	v1 =	vand.u32 $0xFFFF0000, v1;
	v0 =	vand.u32 $0xFFFF0000, v0;
	v4 =	vadd.f32 v11, v4  }
0xe1: {  	v10 =	vld [tilespmem:s12+$0x2A0];
	s25 =	spop (v2sf);
	v0 =	vadd.f32 v0, v1  }
0xe2: {  	v5 =	vld [tilespmem:s23+$0xDAA0];
	s10 =	spop (v2sf);
	[tilespmem:s17+$0x20] =	vst v4  }
0xe3: {  	v7 =	vld [tilespmem:s13+$0x2D0];
	s3 =	sadd.s32 s10, s18;
	[tilespmem:s17+$0x30] =	vst v0  }
0xe4: {  	s3 =	smul.u32 $0x6, s3;
	s19 =	spop (v2sf);
	v0 =	vld [tilespmem:s7+$0x220]  }
0xe5: {  	s8 =	sadd.s32 s25, s8;
	s20 =	spop (v2sf);
	v1 =	vld [tilespmem:s4+$0xDA20]  }
0xe6: {  	s8 =	smul.u32 $0x6, s8;
	v9 =	vld [tilespmem:s11+$0xDAD0];
	s3 =	sadd.s32 s20, s3  }
0xe7: {  	v3 =	vld [tilespmem:s1+$0x270];
	s15 =	sshll.u32 s3, $0xA;
	s3 =	simm.s32 $0x70  }
0xe8: {  	s8 =	sadd.s32 s19, s8;
	v13 =	vld [tilespmem:s3+$0x0];
	v4 =	vand.u32 $0xFFFF0000, v6;
	v6 =	vand.u32 $0xFFFF0000, v8  }
0xe9: {  	v2 =	vld [tilespmem:s0+$0xDA70];
	s8 =	sshll.u32 s8, $0xA;
	s28 =	sshra.s32 s15, $0x2;
	v8 =	vshll.u32 v5, $0x10;
	v4 =	vadd.f32 v6, v4;
	v6 =	vshll.u32 v10, $0x10  }
0xea: {  	s29 =	sshra.s32 s8, $0x2;
	v14 =	vld [tilespmem:s28+$0xDA00];
	v6 =	vadd.f32 v8, v6;
	v8 =	vshll.u32 v0, $0x10;
	v12 =	vshll.u32 v1, $0x10  }
0xeb: {  	v11 =	vld [tilespmem:s29+$0x200];
	v0 =	vand.u32 $0xFFFF0000, v0;
	v1 =	vand.u32 $0xFFFF0000, v1;
	v8 =	vadd.f32 v12, v8  }
0xec: {  	v15 =	vshll.u32 v9, $0x10;
	v12 =	vshll.u32 v7, $0x10;
	v0 =	vadd.f32 v1, v0  }
0xed: {  	(v2sf) =	vpush v13, $0x1;
	v1 =	vadd.f32 v15, v12;
	v12 =	vshll.u32 v3, $0x10;
	[tilespmem:s17+$0x40] =	vst v8  }
0xee: {  	v15 =	vshll.u32 v2, $0x10;
	v3 =	vand.u32 $0xFFFF0000, v3;
	v2 =	vand.u32 $0xFFFF0000, v2;
	[tilespmem:s17+$0x50] =	vst v0  }
0xef: {  	[tilespmem:s2+$0x430] =	vst v4;
	v8 =	vadd.f32 v15, v12;
	v0 =	vadd.f32 v2, v3;
	v3 =	vmul.u32 $0x6, v13;
	v2 =	vld [tilespmem:s7+$0x230]  }
0xf0: {  	(v2sf) =	vpush v13, $0x4;
	v4 =	vshll.u32 v11, $0x10;
	[tilespmem:s14+$0x840] =	vst v6;
	v12 =	vshll.u32 v14, $0x10;
	v15 =	vld [tilespmem:s4+$0xDA30]  }
0xf1: {  	s18 =	simm.s32 $0x200;
	v16 =	vld [tilespmem:s26+$0x260];
	v4 =	vadd.f32 v12, v4;
	[tilespmem:s16+$0x460] =	vst v8;
	(v2sf) =	vpush v3, $0x0  }
0xf2: {  	s19 =	sor.u32 $0xC20, s9;
	s8 =	sand.u32 $0x300, s18;
	v8 =	vld [tilespmem:s21+$0xDA60];
	[tilespmem:s16+$0x470] =	vst v0;
	v0 =	vand.u32 $0xFFFF0000, v11;
	v11 =	vand.u32 $0xFFFF0000, v14;
	(v2sf) =	vpush v3, $0x3  }
0xf3: {  	s8 =	sadd.s32 s8, s5;
	[tilespmem:s19+$0x1B200] =	vst v1;
	v3 =	vand.u32 $0xFFFF0000, v7;
	v7 =	vand.u32 $0xFFFF0000, v9;
	v6 =	vld [tilespmem:s1+$0x280];
	v0 =	vadd.f32 v11, v0  }
0xf4: {  	[tilespmem:s8+$0x0] =	vst v4;
	v3 =	vadd.f32 v7, v3;
	v7 =	vld [tilespmem:s0+$0xDA80];
	(v2sf) =	vpush v13, $0x2  }
0xf5: {  	[tilespmem:s8+$0x10] =	vst v0;
	(v2sf) =	vpush v13, $0x5;
	v0 =	vshll.u32 v2, $0x10;
	v4 =	vshll.u32 v15, $0x10  }
0xf6: {  	s20 =	sor.u32 $0xC30, s9;
	v1 =	vld [tilespmem:s29+$0x210];
	v2 =	vand.u32 $0xFFFF0000, v2;
	v0 =	vadd.f32 v4, v0;
	v4 =	vand.u32 $0xFFFF0000, v15  }
0xf7: {  	v5 =	vand.u32 $0xFFFF0000, v5;
	v9 =	vand.u32 $0xFFFF0000, v10;
	[tilespmem:s20+$0x1B200] =	vst v3;
	v3 =	vld [tilespmem:s28+$0xDA10];
	v2 =	vadd.f32 v4, v2  }
0xf8: {  	v10 =	vshll.u32 v8, $0x10;
	v4 =	vadd.f32 v5, v9;
	v5 =	vld [tilespmem:s13+$0x2E0];
	v9 =	vshll.u32 v16, $0x10;
	[tilespmem:s17+$0x60] =	vst v0  }
0xf9: {  	v0 =	vld [tilespmem:s11+$0xDAE0];
	v9 =	vadd.f32 v10, v9;
	v10 =	vshll.u32 v6, $0x10;
	v11 =	vshll.u32 v7, $0x10;
	[tilespmem:s17+$0x70] =	vst v2  }
0xfa: {  	[tilespmem:s14+$0x850] =	vst v4;
	v2 =	vadd.f32 v11, v10;
	v4 =	vand.u32 $0xFFFF0000, v6;
	v6 =	vand.u32 $0xFFFF0000, v7;
	v7 =	vld [tilespmem:s7+$0x240]  }
0xfb: {  	v8 =	vand.u32 $0xFFFF0000, v8;
	v10 =	vand.u32 $0xFFFF0000, v16;
	[tilespmem:s2+$0x440] =	vst v9;
	v4 =	vadd.f32 v6, v4;
	v6 =	vld [tilespmem:s4+$0xDA40]  }
0xfc: {  	v9 =	vld [tilespmem:s12+$0x2B0];
	v8 =	vadd.f32 v8, v10;
	v10 =	vshll.u32 v3, $0x10;
	[tilespmem:s16+$0x800] =	vst v2;
	v2 =	vshll.u32 v1, $0x10  }
0xfd: {  	v11 =	vld [tilespmem:s23+$0xDAB0];
	v3 =	vand.u32 $0xFFFF0000, v3;
	v1 =	vand.u32 $0xFFFF0000, v1;
	[tilespmem:s16+$0x810] =	vst v4;
	v2 =	vadd.f32 v10, v2  }
0xfe: {  	v4 =	vshll.u32 v5, $0x10;
	[tilespmem:s2+$0x450] =	vst v8;
	v1 =	vadd.f32 v3, v1;
	v10 =	vshll.u32 v0, $0x10;
	v8 =	vld [tilespmem:s1+$0x290]  }
0xff: {  	s22 =	spop (v2sf);
	v3 =	vadd.f32 v10, v4;
	v4 =	vand.u32 $0xFFFF0000, v5;
	v5 =	vld [tilespmem:s0+$0xDA90];
	[tilespmem:s8+$0x20] =	vst v2  }
0x100: {  	s24 =	spop (v2sf);
	v0 =	vand.u32 $0xFFFF0000, v0;
	v2 =	vld [tilespmem:s26+$0x270];
	[tilespmem:s8+$0x30] =	vst v1;
	v1 =	vshll.u32 v7, $0x10;
	v10 =	vshll.u32 v6, $0x10  }
0x101: {  	v12 =	vld [tilespmem:s29+$0x220];
	v7 =	vand.u32 $0xFFFF0000, v7;
	v6 =	vand.u32 $0xFFFF0000, v6;
	v0 =	vadd.f32 v0, v4;
	s25 =	spop (v2sf)  }
0x102: {  	v4 =	vshll.u32 v9, $0x10;
	v1 =	vadd.f32 v10, v1;
	v10 =	vld [tilespmem:s28+$0xDA20];
	v6 =	vadd.f32 v6, v7;
	s10 =	spop (v2sf);
	s5 =	sadd.s32 s22, s25  }
0x103: {  	v7 =	vand.u32 $0xFFFF0000, v9;
	v9 =	vshll.u32 v11, $0x10;
	v11 =	vand.u32 $0xFFFF0000, v11;
	s5 =	smul.u32 $0x6, s5;
	s15 =	sadd.s32 s24, s10  }
0x104: {  	v13 =	vld [tilespmem:s21+$0xDA70];
	[tilespmem:s17+$0x400] =	vst v1;
	s19 =	spop (v2sf);
	v1 =	vadd.f32 v9, v4;
	v4 =	vshll.u32 v8, $0x10;
	s15 =	smul.u32 $0x6, s15;
	v9 =	vshll.u32 v5, $0x10  }
0x105: {  	v14 =	vld [tilespmem:s3+$0xFFFFFFF0];
	s22 =	sor.u32 $0xC40, s9;
	[tilespmem:s17+$0x410] =	vst v6;
	v6 =	vand.u32 $0xFFFF0000, v8;
	s20 =	spop (v2sf);
	v5 =	vand.u32 $0xFFFF0000, v5;
	s5 =	sadd.s32 s19, s5;
	v4 =	vadd.f32 v9, v4  }
0x106: {  	v7 =	vadd.f32 v11, v7;
	[tilespmem:s22+$0x1B200] =	vst v3;
	v8 =	vld [tilespmem:s7+$0x250];
	v5 =	vadd.f32 v5, v6;
	v9 =	vshll.u32 v2, $0x10;
	s3 =	sadd.s32 s20, s15;
	s5 =	sshll.u32 s5, $0xA  }
0x107: {  	v6 =	vld [tilespmem:s4+$0xDA50];
	v2 =	vand.u32 $0xFFFF0000, v2;
	v11 =	vshll.u32 v10, $0x10;
	s24 =	sshra.s32 s5, $0x2;
	s3 =	sshll.u32 s3, $0xA;
	[tilespmem:s16+$0x820] =	vst v4;
	v4 =	vshll.u32 v12, $0x10  }
0x108: {  	s25 =	sor.u32 $0xC50, s9;
	v10 =	vand.u32 $0xFFFF0000, v10;
	[tilespmem:s16+$0x830] =	vst v5;
	v5 =	vand.u32 $0xFFFF0000, v12;
	v15 =	vld [tilespmem:s24+$0x200];
	s3 =	sshra.s32 s3, $0x2;
	v4 =	vadd.f32 v11, v4  }
0x109: {  	[tilespmem:s25+$0x1B200] =	vst v0;
	v5 =	vadd.f32 v10, v5;
	v10 =	vshll.u32 v13, $0x10;
	v13 =	vand.u32 $0xFFFF0000, v13;
	v11 =	vld [tilespmem:s3+$0xDA00]  }
0x10a: {  	v2 =	vadd.f32 v13, v2;
	[tilespmem:s8+$0x40] =	vst v4  }
0x10b: {  	v12 =	vld [tilespmem:s0+$0xDAA0];
	v4 =	vadd.f32 v10, v9;
	v9 =	vmul.u32 $0x6, v14;
	[tilespmem:s8+$0x50] =	vst v5;
	v5 =	vshll.u32 v8, $0x10  }
0x10c: {  	[tilespmem:s14+$0x870] =	vst v7;
	v3 =	vld [tilespmem:s1+$0x2A0];
	v10 =	vshll.u32 v6, $0x10;
	v8 =	vand.u32 $0xFFFF0000, v8;
	v6 =	vand.u32 $0xFFFF0000, v6  }
0x10d: {  	[tilespmem:s14+$0x860] =	vst v1;
	s5 =	simm.s32 $0xC00;
	v0 =	vld [tilespmem:s29+$0x230];
	v5 =	vadd.f32 v10, v5;
	v6 =	vadd.f32 v6, v8  }
0x10e: {  	s10 =	simm.s32 $0x380;
	s15 =	sand.u32 $0x1000, s5;
	v1 =	vld [tilespmem:s28+$0xDA30];
	[tilespmem:s2+$0x470] =	vst v2;
	(v2sf) =	vpush v9, $0x0;
	v8 =	vshll.u32 v15, $0x10;
	v10 =	vshll.u32 v11, $0x10  }
0x10f: {  	s18 =	sand.u32 $0x380, s10;
	v13 =	vld [tilespmem:s13+$0x2F0];
	s13 =	sadd.s32 $0x1B200, s15;
	[tilespmem:s17+$0x420] =	vst v5;
	v5 =	vadd.f32 v10, v8;
	v8 =	vand.u32 $0xFFFF0000, v15;
	v10 =	vand.u32 $0xFFFF0000, v11  }
0x110: {  	s15 =	sadd.s32 s18, s13;
	v45 =	vshll.u32 v12, $0x10;
	[tilespmem:s17+$0x430] =	vst v6;
	(v2sf) =	vpush v9, $0x3;
	v11 =	vld [tilespmem:s11+$0xDAF0];
	v6 =	vadd.f32 v10, v8  }
0x111: {  	(v2sf) =	vpush v14, $0x1;
	v15 =	vshll.u32 v3, $0x10;
	v10 =	vand.u32 $0xFFFF0000, v12;
	v12 =	vld [tilespmem:s7+$0x260];
	[tilespmem:s15+$0x0] =	vst v5  }
0x112: {  	v3 =	vand.u32 $0xFFFF0000, v3;
	(v2sf) =	vpush v14, $0x4;
	v8 =	vadd.f32 v45, v15;
	v5 =	vld [tilespmem:s4+$0xDA60];
	[tilespmem:s15+$0x10] =	vst v6  }
0x113: {  	[tilespmem:s2+$0x460] =	vst v4;
	v4 =	vshll.u32 v0, $0x10;
	v3 =	vadd.f32 v10, v3;
	v6 =	vshll.u32 v1, $0x10;
	v9 =	vld [tilespmem:s24+$0x210]  }
0x114: {  	v0 =	vand.u32 $0xFFFF0000, v0;
	v1 =	vand.u32 $0xFFFF0000, v1;
	[tilespmem:s16+$0x840] =	vst v8;
	v2 =	vadd.f32 v6, v4;
	v4 =	vld [tilespmem:s3+$0xDA10]  }
0x115: {  	v15 =	vld [tilespmem:s21+$0xDA80];
	(v2sf) =	vpush v14, $0x2;
	v0 =	vadd.f32 v1, v0;
	[tilespmem:s16+$0x850] =	vst v3  }
0x116: {  	v10 =	vshll.u32 v13, $0x10;
	(v2sf) =	vpush v14, $0x5;
	v6 =	vld [tilespmem:s26+$0x280];
	[tilespmem:s8+$0x60] =	vst v2  }
0x117: {  	v7 =	vshll.u32 v11, $0x10;
	v14 =	vld [tilespmem:s1+$0x2B0];
	v1 =	vshll.u32 v12, $0x10;
	[tilespmem:s8+$0x70] =	vst v0;
	v3 =	vshll.u32 v5, $0x10  }
0x118: {  	v2 =	vand.u32 $0xFFFF0000, v12;
	v46 =	vld [tilespmem:s28+$0xDA40];
	v1 =	vadd.f32 v3, v1;
	v3 =	vand.u32 $0xFFFF0000, v5  }
0x119: {  	v5 =	vld [tilespmem:s0+$0xDAB0];
	v0 =	vadd.f32 v3, v2;
	v2 =	vshll.u32 v9, $0x10;
	v3 =	vshll.u32 v4, $0x10  }
0x11a: {  	[tilespmem:s17+$0x440] =	vst v1;
	v1 =	vadd.f32 v3, v2;
	v2 =	vand.u32 $0xFFFF0000, v9;
	v3 =	vand.u32 $0xFFFF0000, v4  }
0x11b: {  	v12 =	vld [tilespmem:s29+$0x240];
	v4 =	vshll.u32 v6, $0x10;
	v9 =	vshll.u32 v15, $0x10;
	[tilespmem:s17+$0x450] =	vst v0;
	v2 =	vadd.f32 v3, v2  }
0x11c: {  	v3 =	vand.u32 $0xFFFF0000, v6;
	v6 =	vand.u32 $0xFFFF0000, v15;
	v4 =	vadd.f32 v9, v4;
	v9 =	vld [tilespmem:s7+$0x270];
	[tilespmem:s15+$0x20] =	vst v1  }
0x11d: {  	v0 =	vadd.f32 v7, v10;
	v1 =	vand.u32 $0xFFFF0000, v13;
	v3 =	vadd.f32 v6, v3;
	v6 =	vld [tilespmem:s4+$0xDA70];
	[tilespmem:s15+$0x30] =	vst v2  }
0x11e: {  	v13 =	vshll.u32 v46, $0x10;
	[tilespmem:s2+$0x800] =	vst v4;
	v4 =	vshll.u32 v14, $0x10;
	v7 =	vshll.u32 v5, $0x10;
	v10 =	vld [tilespmem:s24+$0x220]  }
0x11f: {  	v5 =	vand.u32 $0xFFFF0000, v5;
	[tilespmem:s2+$0x810] =	vst v3;
	v3 =	vadd.f32 v7, v4;
	v4 =	vand.u32 $0xFFFF0000, v14;
	v7 =	vld [tilespmem:s3+$0xDA20]  }
0x120: {  	v2 =	vand.u32 $0xFFFF0000, v11;
	v11 =	vld [tilespmem:s26+$0x290];
	v4 =	vadd.f32 v5, v4;
	v5 =	vshll.u32 v12, $0x10  }
0x121: {  	v14 =	vld [tilespmem:s21+$0xDA90];
	[tilespmem:s16+$0x860] =	vst v3;
	v3 =	vadd.f32 v13, v5;
	v5 =	vand.u32 $0xFFFF0000, v12;
	v12 =	vand.u32 $0xFFFF0000, v46  }
0x122: {  	v8 =	vld [tilespmem:s12+$0x2C0];
	[tilespmem:s16+$0x870] =	vst v4;
	v4 =	vadd.f32 v12, v5;
	v5 =	vshll.u32 v9, $0x10;
	v12 =	vshll.u32 v6, $0x10  }
0x123: {  	s19 =	spop (v2sf);
	v13 =	vld [tilespmem:s23+$0xDAC0];
	v6 =	vand.u32 $0xFFFF0000, v6;
	[tilespmem:s8+$0x400] =	vst v3;
	v3 =	vadd.f32 v12, v5;
	v5 =	vand.u32 $0xFFFF0000, v9  }
0x124: {  	s6 =	sand.u32 $0x3, s6;
	s20 =	spop (v2sf);
	v15 =	vld [tilespmem:s1+$0x2C0];
	[tilespmem:s8+$0x410] =	vst v4;
	v4 =	vadd.f32 v6, v5;
	v5 =	vshll.u32 v10, $0x10;
	v6 =	vshll.u32 v7, $0x10  }
0x125: {  	s6 =	sshll.u32 s6, $0x8;
	s22 =	spop (v2sf);
	v1 =	vadd.f32 v2, v1;
	v9 =	vld [tilespmem:s0+$0xDAC0];
	[tilespmem:s17+$0x460] =	vst v3;
	v3 =	vadd.f32 v6, v5;
	v5 =	vand.u32 $0xFFFF0000, v10  }
0x126: {  	s11 =	sadd.s32 $0x0, s6;
	s25 =	sadd.s32 s22, s19;
	s5 =	spop (v2sf);
	v12 =	vld [tilespmem:s29+$0x250];
	v6 =	vand.u32 $0xFFFF0000, v7;
	v7 =	vshll.u32 v11, $0x10;
	v10 =	vshll.u32 v14, $0x10  }
0x127: {  	s10 =	sor.u32 $0xC00, s11;
	s6 =	smul.u32 $0x6, s25;
	s14 =	sadd.s32 s5, s20;
	v47 =	vld [tilespmem:s28+$0xDA50];
	[tilespmem:s17+$0x470] =	vst v4;
	v4 =	vadd.f32 v6, v5;
	v5 =	vand.u32 $0xFFFF0000, v11;
	v6 =	vand.u32 $0xFFFF0000, v14  }
0x128: {  	v2 =	vshll.u32 v8, $0x10;
	s20 =	simm.s32 $0x2;
	s22 =	spop (v2sf);
	s14 =	smul.u32 $0x6, s14;
	v7 =	vadd.f32 v10, v7;
	v10 =	vld [tilespmem:s7+$0x280];
	[tilespmem:s15+$0x40] =	vst v3;
	v3 =	vadd.f32 v6, v5  }
0x129: {  	s16 =	sand.u32 $0x7, s20;
	s25 =	spop (v2sf);
	s6 =	sadd.s32 s22, s6;
	v5 =	vld [tilespmem:s4+$0xDA80];
	v6 =	vand.u32 $0xFFFF0000, v8;
	v8 =	vand.u32 $0xFFFF0000, v13;
	[tilespmem:s15+$0x50] =	vst v4;
	v4 =	vshll.u32 v13, $0x10  }
0x12a: {  	s16 =	sshll.u32 s16, $0x7;
	s19 =	sshll.u32 s6, $0xA;
	s14 =	sadd.s32 s25, s14;
	[tilespmem:s2+$0x820] =	vst v7;
	v11 =	vshll.u32 v9, $0x10;
	v7 =	vld [tilespmem:s24+$0x230];
	v2 =	vadd.f32 v4, v2;
	v4 =	vshll.u32 v15, $0x10  }
0x12b: {  	s6 =	sadd.s32 $0x480, s16;
	s19 =	sshra.s32 s19, $0x2;
	s14 =	sshll.u32 s14, $0xA;
	v9 =	vand.u32 $0xFFFF0000, v9;
	[tilespmem:s2+$0x830] =	vst v3;
	v3 =	vld [tilespmem:s3+$0xDA30];
	v4 =	vadd.f32 v11, v4;
	v11 =	vand.u32 $0xFFFF0000, v15  }
0x12c: {  	s16 =	sor.u32 $0xC00, s6;
	s20 =	sshra.s32 s14, $0x2;
	v6 =	vadd.f32 v8, v6;
	[tilespmem:s10+$0x1B200] =	vst v2;
	v2 =	vadd.f32 v9, v11;
	v9 =	vld [tilespmem:s19+$0x200]  }
0x12d: {  	v8 =	vshll.u32 v12, $0x10;
	v11 =	vld [tilespmem:s20+$0xDA00];
	[tilespmem:s16+$0x1B200] =	vst v4;
	v4 =	vand.u32 $0xFFFF0000, v12;
	v12 =	vshll.u32 v10, $0x10  }
0x12e: {  	s5 =	sor.u32 $0xC10, s6;
	v13 =	vld [tilespmem:s26+$0x2A0];
	v14 =	vshll.u32 v5, $0x10;
	v10 =	vand.u32 $0xFFFF0000, v10;
	v5 =	vand.u32 $0xFFFF0000, v5  }
0x12f: {  	v15 =	vld [tilespmem:s21+$0xDAA0];
	s10 =	sor.u32 $0xC10, s11;
	[tilespmem:s5+$0x1B200] =	vst v2;
	v2 =	vadd.f32 v14, v12;
	v5 =	vadd.f32 v5, v10;
	v10 =	vshll.u32 v7, $0x10  }
0x130: {  	[tilespmem:s10+$0x1B200] =	vst v6;
	v6 =	vld [tilespmem:s1+$0x2D0];
	v12 =	vshll.u32 v3, $0x10;
	v7 =	vand.u32 $0xFFFF0000, v7;
	v3 =	vand.u32 $0xFFFF0000, v3  }
0x131: {  	v14 =	vld [tilespmem:s0+$0xDAD0];
	[tilespmem:s17+$0x800] =	vst v2;
	v2 =	vadd.f32 v12, v10;
	v12 =	vshll.u32 v47, $0x10;
	v3 =	vadd.f32 v3, v7  }
0x132: {  	[tilespmem:s17+$0x810] =	vst v5;
	v5 =	vadd.f32 v12, v8;
	v7 =	vshll.u32 v9, $0x10;
	v8 =	vshll.u32 v11, $0x10  }
0x133: {  	v16 =	vand.u32 $0xFFFF0000, v47;
	s16 =	simm.s32 $0x300;
	v12 =	vld [tilespmem:s7+$0x290];
	[tilespmem:s15+$0x60] =	vst v2;
	v2 =	vadd.f32 v8, v7  }
0x134: {  	s14 =	sand.u32 $0x300, s16;
	v7 =	vand.u32 $0xFFFF0000, v9;
	v8 =	vand.u32 $0xFFFF0000, v11;
	v9 =	vld [tilespmem:s4+$0xDA90];
	[tilespmem:s15+$0x70] =	vst v3;
	v3 =	vadd.f32 v16, v4  }
0x135: {  	s22 =	sadd.s32 s14, s13;
	v4 =	vshll.u32 v13, $0x10;
	[tilespmem:s8+$0x420] =	vst v5;
	v5 =	vadd.f32 v8, v7;
	v7 =	vld [tilespmem:s24+$0x240];
	v8 =	vshll.u32 v15, $0x10  }
0x136: {  	v11 =	vshll.u32 v6, $0x10;
	v48 =	vshll.u32 v14, $0x10;
	[tilespmem:s22+$0x0] =	vst v2;
	v2 =	vld [tilespmem:s3+$0xDA40];
	v6 =	vand.u32 $0xFFFF0000, v6  }
0x137: {  	v10 =	vld [tilespmem:s12+$0x2D0];
	v14 =	vand.u32 $0xFFFF0000, v14;
	v4 =	vadd.f32 v8, v4;
	v11 =	vadd.f32 v48, v11;
	[tilespmem:s22+$0x10] =	vst v5  }
0x138: {  	s18 =	sor.u32 $0xC20, s6;
	[tilespmem:s8+$0x430] =	vst v3;
	v5 =	vand.u32 $0xFFFF0000, v13;
	v13 =	vand.u32 $0xFFFF0000, v15;
	v3 =	vadd.f32 v14, v6;
	v6 =	vld [tilespmem:s19+$0x210]  }
0x139: {  	s25 =	sor.u32 $0xC30, s6;
	v8 =	vld [tilespmem:s20+$0xDA10];
	v5 =	vadd.f32 v13, v5;
	[tilespmem:s18+$0x1B200] =	vst v11;
	v11 =	vshll.u32 v12, $0x10;
	v14 =	vshll.u32 v9, $0x10  }
0x13a: {  	v17 =	vld [tilespmem:s23+$0xDAD0];
	v9 =	vand.u32 $0xFFFF0000, v9;
	[tilespmem:s25+$0x1B200] =	vst v3;
	v3 =	vadd.f32 v14, v11;
	v11 =	vand.u32 $0xFFFF0000, v12  }
0x13b: {  	v15 =	vld [tilespmem:s29+$0x260];
	v9 =	vadd.f32 v9, v11;
	v11 =	vshll.u32 v7, $0x10;
	v14 =	vshll.u32 v2, $0x10  }
0x13c: {  	v13 =	vld [tilespmem:s28+$0xDA60];
	v7 =	vand.u32 $0xFFFF0000, v7;
	v2 =	vand.u32 $0xFFFF0000, v2;
	[tilespmem:s17+$0x820] =	vst v3;
	v3 =	vadd.f32 v14, v11  }
0x13d: {  	v12 =	vld [tilespmem:s1+$0x2E0];
	v11 =	vshll.u32 v10, $0x10;
	v2 =	vadd.f32 v2, v7;
	[tilespmem:s17+$0x830] =	vst v9  }
0x13e: {  	v7 =	vand.u32 $0xFFFF0000, v10;
	v9 =	vshll.u32 v6, $0x10;
	v10 =	vshll.u32 v8, $0x10;
	v14 =	vld [tilespmem:s7+$0x2A0];
	[tilespmem:s15+$0x400] =	vst v3  }
0x13f: {  	v6 =	vand.u32 $0xFFFF0000, v6;
	v8 =	vand.u32 $0xFFFF0000, v8;
	v3 =	vadd.f32 v10, v9;
	v9 =	vld [tilespmem:s4+$0xDAA0];
	[tilespmem:s15+$0x410] =	vst v2  }
0x140: {  	v6 =	vadd.f32 v8, v6;
	v8 =	vld [tilespmem:s24+$0x250]  }
0x141: {  	v52 =	vshll.u32 v13, $0x10;
	[tilespmem:s22+$0x20] =	vst v3;
	v3 =	vld [tilespmem:s3+$0xDA50]  }
0x142: {  	v13 =	vand.u32 $0xFFFF0000, v13;
	v2 =	vshll.u32 v17, $0x10;
	v10 =	vand.u32 $0xFFFF0000, v17  }
0x143: {  	v49 =	vld [tilespmem:s0+$0xDAE0];
	v2 =	vadd.f32 v2, v11;
	v11 =	vshll.u32 v15, $0x10;
	v7 =	vadd.f32 v10, v7  }
0x144: {  	s5 =	simm.s32 $0x90;
	[tilespmem:s2+$0x840] =	vst v4;
	v50 =	vshll.u32 v12, $0x10;
	v19 =	vshll.u32 v14, $0x10;
	v20 =	vshll.u32 v9, $0x10  }
0x145: {  	v4 =	vld [tilespmem:s5+$0x0];
	[tilespmem:s22+$0x30] =	vst v6;
	v14 =	vand.u32 $0xFFFF0000, v14;
	v9 =	vand.u32 $0xFFFF0000, v9;
	v19 =	vadd.f32 v20, v19  }
0x146: {  	[tilespmem:s2+$0x850] =	vst v5;
	v51 =	vld [tilespmem:s19+$0x220];
	v5 =	vadd.f32 v9, v14;
	v9 =	vshll.u32 v8, $0x10;
	v14 =	vshll.u32 v3, $0x10  }
0x147: {  	v53 =	vld [tilespmem:s20+$0xDA20];
	v8 =	vand.u32 $0xFFFF0000, v8;
	v3 =	vand.u32 $0xFFFF0000, v3;
	[tilespmem:s17+$0x840] =	vst v19;
	v9 =	vadd.f32 v14, v9  }
0x148: {  	v54 =	vld [tilespmem:s26+$0x2B0];
	v10 =	vand.u32 $0xFFFF0000, v12;
	v12 =	vand.u32 $0xFFFF0000, v49;
	[tilespmem:s17+$0x850] =	vst v5;
	v3 =	vadd.f32 v3, v8  }
0x149: {  	v15 =	vand.u32 $0xFFFF0000, v15;
	v10 =	vadd.f32 v12, v10;
	v12 =	vld [tilespmem:s21+$0xDAB0];
	v5 =	vadd.f32 v52, v11;
	[tilespmem:s15+$0x420] =	vst v9  }
0x14a: {  	(v2sf) =	vpush v4, $0x1;
	v18 =	vshll.u32 v49, $0x10;
	v8 =	vadd.f32 v13, v15;
	v13 =	vld [tilespmem:s7+$0x2B0];
	[tilespmem:s15+$0x430] =	vst v3  }
0x14b: {  	(v2sf) =	vpush v4, $0x4;
	v6 =	vadd.f32 v18, v50;
	v14 =	vmul.u32 $0x6, v4;
	v15 =	vld [tilespmem:s4+$0xDAB0];
	[tilespmem:s8+$0x440] =	vst v5  }
0x14c: {  	s18 =	sor.u32 $0xC20, s11;
	v11 =	vshll.u32 v51, $0x10;
	v9 =	vshll.u32 v53, $0x10;
	[tilespmem:s8+$0x450] =	vst v8;
	v8 =	vand.u32 $0xFFFF0000, v51;
	v5 =	vld [tilespmem:s24+$0x260]  }
0x14d: {  	s25 =	sor.u32 $0xC30, s11;
	[tilespmem:s18+$0x1B200] =	vst v2;
	(v2sf) =	vpush v14, $0x0;
	v3 =	vadd.f32 v9, v11;
	v9 =	vand.u32 $0xFFFF0000, v53;
	v11 =	vld [tilespmem:s3+$0xDA60]  }
0x14e: {  	[tilespmem:s25+$0x1B200] =	vst v7;
	v55 =	vld [tilespmem:s29+$0x270];
	(v2sf) =	vpush v14, $0x3;
	v8 =	vadd.f32 v9, v8  }
0x14f: {  	v14 =	vshll.u32 v12, $0x10;
	v56 =	vld [tilespmem:s28+$0xDA70];
	v9 =	vshll.u32 v54, $0x10;
	(v2sf) =	vpush v4, $0x2;
	[tilespmem:s22+$0x40] =	vst v3  }
0x150: {  	s10 =	sor.u32 $0xC40, s6;
	v3 =	vld [tilespmem:s5+$0xFFFFFFF0];
	(v2sf) =	vpush v4, $0x5;
	[tilespmem:s22+$0x50] =	vst v8;
	v4 =	vshll.u32 v13, $0x10;
	v8 =	vshll.u32 v15, $0x10  }
0x151: {  	s16 =	sor.u32 $0xC50, s6;
	[tilespmem:s10+$0x1B200] =	vst v6;
	v6 =	vld [tilespmem:s19+$0x230];
	v4 =	vadd.f32 v8, v4;
	v8 =	vand.u32 $0xFFFF0000, v13;
	v13 =	vand.u32 $0xFFFF0000, v15  }
0x152: {  	[tilespmem:s16+$0x1B200] =	vst v10;
	v10 =	vld [tilespmem:s20+$0xDA30];
	v8 =	vadd.f32 v13, v8;
	v13 =	vshll.u32 v5, $0x10;
	v15 =	vshll.u32 v11, $0x10  }
0x153: {  	v5 =	vand.u32 $0xFFFF0000, v5;
	v11 =	vand.u32 $0xFFFF0000, v11;
	[tilespmem:s17+$0x860] =	vst v4;
	v4 =	vadd.f32 v15, v13  }
0x154: {  	v7 =	vld [tilespmem:s0+$0xDAF0];
	v9 =	vadd.f32 v14, v9;
	v5 =	vadd.f32 v11, v5;
	[tilespmem:s17+$0x870] =	vst v8  }
0x155: {  	v14 =	vshll.u32 v56, $0x10;
	v11 =	vand.u32 $0xFFFF0000, v55;
	v8 =	vshll.u32 v55, $0x10;
	v15 =	vld [tilespmem:s7+$0x2C0];
	[tilespmem:s15+$0x440] =	vst v4  }
0x156: {  	v4 =	vand.u32 $0xFFFF0000, v56;
	v8 =	vadd.f32 v14, v8;
	v14 =	vmul.u32 $0x6, v3;
	v57 =	vld [tilespmem:s4+$0xDAC0];
	[tilespmem:s15+$0x450] =	vst v5  }
0x157: {  	v5 =	vadd.f32 v4, v11;
	v4 =	vshll.u32 v6, $0x10;
	v11 =	vshll.u32 v10, $0x10;
	v58 =	vld [tilespmem:s24+$0x270]  }
0x158: {  	v59 =	vand.u32 $0xFFFF0000, v54;
	v2 =	vadd.f32 v11, v4;
	(v2sf) =	vpush v14, $0x0;
	v11 =	vld [tilespmem:s3+$0xDA70]  }
0x159: {  	v13 =	vld [tilespmem:s1+$0x2F0];
	s1 =	simm.s32 $0x4;
	v4 =	vand.u32 $0xFFFF0000, v6;
	v6 =	vand.u32 $0xFFFF0000, v10;
	(v2sf) =	vpush v14, $0x3  }
0x15a: {  	v61 =	vshll.u32 v7, $0x10;
	s0 =	sand.u32 $0x7, s1;
	v10 =	vld [tilespmem:s12+$0x2E0];
	[tilespmem:s8+$0x460] =	vst v8;
	v6 =	vadd.f32 v6, v4;
	(v2sf) =	vpush v3, $0x1  }
0x15b: {  	s5 =	spop (v2sf);
	s0 =	sshll.u32 s0, $0x7;
	v4 =	vld [tilespmem:s23+$0xDAE0];
	[tilespmem:s8+$0x470] =	vst v5;
	(v2sf) =	vpush v3, $0x4;
	v5 =	vshll.u32 v15, $0x10;
	v8 =	vshll.u32 v57, $0x10  }
0x15c: {  	s10 =	spop (v2sf);
	s16 =	sadd.s32 $0x880, s0;
	v14 =	vld [tilespmem:s29+$0x280];
	[tilespmem:s22+$0x60] =	vst v2;
	v2 =	vadd.f32 v8, v5;
	v5 =	vand.u32 $0xFFFF0000, v15;
	v8 =	vand.u32 $0xFFFF0000, v57  }
0x15d: {  	s17 =	sor.u32 $0xC00, s16;
	[tilespmem:s22+$0x70] =	vst v6;
	v15 =	vld [tilespmem:s28+$0xDA80];
	s14 =	spop (v2sf);
	v6 =	vshll.u32 v58, $0x10;
	v5 =	vadd.f32 v8, v5;
	v8 =	vshll.u32 v11, $0x10  }
0x15e: {  	s25 =	sor.u32 $0xC10, s16;
	v60 =	vld [tilespmem:s19+$0x240];
	s18 =	spop (v2sf);
	s0 =	sadd.s32 s5, s14;
	[tilespmem:s17+$0x1B200] =	vst v2;
	v6 =	vadd.f32 v8, v6;
	v2 =	vand.u32 $0xFFFF0000, v58;
	v8 =	vand.u32 $0xFFFF0000, v11  }
0x15f: {  	v62 =	vld [tilespmem:s20+$0xDA40];
	(v2sf) =	vpush v3, $0x2;
	v11 =	vshll.u32 v13, $0x10;
	s0 =	smul.u32 $0x6, s0;
	s13 =	sadd.s32 s10, s18;
	[tilespmem:s25+$0x1B200] =	vst v5;
	v5 =	vadd.f32 v8, v2  }
0x160: {  	v12 =	vand.u32 $0xFFFF0000, v12;
	(v2sf) =	vpush v3, $0x5;
	s5 =	spop (v2sf);
	v2 =	vadd.f32 v61, v11;
	s13 =	smul.u32 $0x6, s13;
	v11 =	vld [tilespmem:s7+$0x2D0];
	[tilespmem:s15+$0x460] =	vst v6  }
0x161: {  	v8 =	vand.u32 $0xFFFF0000, v13;
	s10 =	spop (v2sf);
	v6 =	vand.u32 $0xFFFF0000, v7;
	v7 =	vadd.f32 v12, v59;
	s0 =	sadd.s32 s5, s0;
	v12 =	vld [tilespmem:s4+$0xDAD0];
	[tilespmem:s15+$0x470] =	vst v5  }
0x162: {  	v3 =	vadd.f32 v6, v8;
	v5 =	vshll.u32 v14, $0x10;
	v6 =	vshll.u32 v15, $0x10;
	s13 =	sadd.s32 s10, s13;
	s0 =	sshll.u32 s0, $0xA;
	v8 =	vld [tilespmem:s24+$0x280]  }
0x163: {  	[tilespmem:s2+$0x860] =	vst v9;
	v9 =	vand.u32 $0xFFFF0000, v14;
	v13 =	vand.u32 $0xFFFF0000, v15;
	v5 =	vadd.f32 v6, v5;
	s31 =	sshra.s32 s0, $0x2;
	s17 =	sshll.u32 s13, $0xA;
	v6 =	vld [tilespmem:s3+$0xDA80]  }
0x164: {  	[tilespmem:s2+$0x870] =	vst v7;
	v7 =	vadd.f32 v13, v9;
	v9 =	vshll.u32 v60, $0x10;
	v13 =	vshll.u32 v62, $0x10;
	v14 =	vld [tilespmem:s31+$0x200];
	s30 =	sshra.s32 s17, $0x2  }
0x165: {  	[tilespmem:s8+$0x800] =	vst v5;
	v5 =	vadd.f32 v13, v9;
	v9 =	vand.u32 $0xFFFF0000, v60;
	v13 =	vand.u32 $0xFFFF0000, v62;
	v15 =	vld [tilespmem:s30+$0xDA00]  }
0x166: {  	v63 =	vld [tilespmem:s26+$0x2C0];
	[tilespmem:s8+$0x810] =	vst v7;
	v7 =	vadd.f32 v13, v9;
	v9 =	vshll.u32 v11, $0x10;
	v13 =	vshll.u32 v12, $0x10  }
0x167: {  	v21 =	vld [tilespmem:s29+$0x290];
	[tilespmem:s22+$0x400] =	vst v5;
	v5 =	vadd.f32 v13, v9;
	v9 =	vand.u32 $0xFFFF0000, v11;
	v11 =	vand.u32 $0xFFFF0000, v12  }
0x168: {  	s18 =	sor.u32 $0xC20, s16;
	v12 =	vld [tilespmem:s28+$0xDA90];
	[tilespmem:s22+$0x410] =	vst v7;
	v7 =	vadd.f32 v11, v9;
	v9 =	vshll.u32 v8, $0x10;
	v11 =	vshll.u32 v6, $0x10  }
0x169: {  	s1 =	sor.u32 $0xC30, s16;
	s25 =	simm.s32 $0x1000;
	v13 =	vld [tilespmem:s21+$0xDAC0];
	v8 =	vand.u32 $0xFFFF0000, v8;
	v6 =	vand.u32 $0xFFFF0000, v6;
	s5 =	spop (v2sf);
	[tilespmem:s18+$0x1B200] =	vst v5;
	v5 =	vadd.f32 v11, v9  }
0x16a: {  	s10 =	simm.s32 $0x480;
	s2 =	sand.u32 $0x1000, s25;
	v9 =	vld [tilespmem:s19+$0x250];
	v11 =	vshll.u32 v14, $0x10;
	v6 =	vadd.f32 v6, v8;
	s18 =	spop (v2sf);
	v22 =	vshll.u32 v15, $0x10;
	[tilespmem:s1+$0x1B200] =	vst v7  }
0x16b: {  	s25 =	sand.u32 $0x380, s10;
	s13 =	sadd.s32 $0x1B200, s2;
	v8 =	vand.u32 $0xFFFF0000, v14;
	s1 =	spop (v2sf);
	v7 =	vadd.f32 v22, v11;
	v11 =	vand.u32 $0xFFFF0000, v15;
	v14 =	vld [tilespmem:s7+$0x2E0];
	[tilespmem:s15+$0x800] =	vst v5  }
0x16c: {  	s10 =	sadd.s32 s25, s13;
	v24 =	vshll.u32 v63, $0x10;
	v16 =	vand.u32 $0xFFFF0000, v63;
	[tilespmem:s15+$0x810] =	vst v6;
	s14 =	sadd.s32 s1, s5;
	s5 =	spop (v2sf);
	v8 =	vadd.f32 v11, v8;
	v11 =	vld [tilespmem:s4+$0xDAE0]  }
0x16d: {  	v5 =	vshll.u32 v10, $0x10;
	v15 =	vshll.u32 v21, $0x10;
	v23 =	vshll.u32 v12, $0x10;
	s0 =	sadd.s32 s5, s18;
	s18 =	simm.s32 $0x1;
	[tilespmem:s10+$0x0] =	vst v7;
	v7 =	vld [tilespmem:s24+$0x290]  }
0x16e: {  	v17 =	vand.u32 $0xFFFF0000, v21;
	v12 =	vand.u32 $0xFFFF0000, v12;
	s14 =	smul.u32 $0x6, s14;
	v15 =	vadd.f32 v23, v15;
	s17 =	sand.u32 $0x3, s18;
	[tilespmem:s10+$0x10] =	vst v8;
	v8 =	vld [tilespmem:s3+$0xDA90]  }
0x16f: {  	v10 =	vand.u32 $0xFFFF0000, v10;
	v25 =	vshll.u32 v13, $0x10;
	s25 =	spop (v2sf);
	v12 =	vadd.f32 v12, v17;
	s0 =	smul.u32 $0x6, s0;
	s1 =	sshll.u32 s17, $0x8;
	v26 =	vld [tilespmem:s31+$0x210]  }
0x170: {  	v6 =	vshll.u32 v4, $0x10;
	v13 =	vand.u32 $0xFFFF0000, v13;
	v18 =	vadd.f32 v25, v24;
	s2 =	spop (v2sf);
	s18 =	sadd.s32 s25, s14;
	[tilespmem:s8+$0x820] =	vst v15;
	v15 =	vld [tilespmem:s30+$0xDA10];
	s14 =	sadd.s32 $0x400, s1  }
0x171: {  	v4 =	vand.u32 $0xFFFF0000, v4;
	v5 =	vadd.f32 v6, v5;
	v6 =	vld [tilespmem:s20+$0xDA50];
	v13 =	vadd.f32 v13, v16;
	s0 =	sadd.s32 s2, s0;
	[tilespmem:s8+$0x830] =	vst v12;
	s5 =	sshll.u32 s18, $0xA;
	s18 =	sor.u32 $0xC00, s14  }
0x172: {  	v4 =	vadd.f32 v4, v10;
	v10 =	vld [tilespmem:s29+$0x2A0];
	s1 =	sshra.s32 s5, $0x2;
	s0 =	sshll.u32 s0, $0xA;
	v12 =	vshll.u32 v14, $0x10;
	s25 =	sor.u32 $0xC10, s14;
	v27 =	vshll.u32 v11, $0x10;
	[tilespmem:s18+$0x1B200] =	vst v18  }
0x173: {  	s18 =	sshra.s32 s0, $0x2;
	v28 =	vld [tilespmem:s1+$0x200];
	v12 =	vadd.f32 v27, v12;
	v29 =	vshll.u32 v7, $0x10;
	[tilespmem:s25+$0x1B200] =	vst v13;
	s25 =	sor.u32 $0xC60, s9;
	v30 =	vshll.u32 v8, $0x10  }
0x174: {  	s0 =	sor.u32 $0xC40, s16;
	v13 =	vld [tilespmem:s18+$0xDA00];
	v7 =	vand.u32 $0xFFFF0000, v7;
	v8 =	vand.u32 $0xFFFF0000, v8;
	[tilespmem:s25+$0x1B200] =	vst v0;
	v16 =	vadd.f32 v30, v29  }
0x175: {  	v35 =	vld [tilespmem:s21+$0xDAD0];
	[tilespmem:s0+$0x1B200] =	vst v12;
	v31 =	vshll.u32 v26, $0x10;
	v32 =	vshll.u32 v15, $0x10;
	v7 =	vadd.f32 v8, v7  }
0x176: {  	v12 =	vld [tilespmem:s28+$0xDAA0];
	v17 =	vand.u32 $0xFFFF0000, v26;
	v15 =	vand.u32 $0xFFFF0000, v15;
	v19 =	vadd.f32 v32, v31;
	[tilespmem:s15+$0x820] =	vst v16  }
0x177: {  	v33 =	vshll.u32 v9, $0x10;
	v34 =	vshll.u32 v6, $0x10;
	v8 =	vld [tilespmem:s26+$0x2D0];
	v15 =	vadd.f32 v15, v17;
	[tilespmem:s15+$0x830] =	vst v7  }
0x178: {  	v6 =	vand.u32 $0xFFFF0000, v6;
	v7 =	vand.u32 $0xFFFF0000, v9;
	v9 =	vadd.f32 v34, v33;
	[tilespmem:s10+$0x20] =	vst v19;
	v36 =	vld [tilespmem:s24+$0x2A0]  }
0x179: {  	s2 =	simm.s32 $0x400;
	v6 =	vadd.f32 v6, v7;
	v7 =	vshll.u32 v28, $0x10;
	v37 =	vshll.u32 v13, $0x10;
	[tilespmem:s10+$0x30] =	vst v15;
	v15 =	vld [tilespmem:s3+$0xDAA0]  }
0x17a: {  	s17 =	sand.u32 $0x300, s2;
	v13 =	vand.u32 $0xFFFF0000, v13;
	[tilespmem:s22+$0x420] =	vst v9;
	v7 =	vadd.f32 v37, v7;
	v9 =	vand.u32 $0xFFFF0000, v28;
	v38 =	vld [tilespmem:s31+$0x220]  }
0x17b: {  	s13 =	sadd.s32 s17, s13;
	v39 =	vshll.u32 v10, $0x10;
	v40 =	vshll.u32 v12, $0x10;
	[tilespmem:s22+$0x430] =	vst v6;
	v6 =	vadd.f32 v13, v9;
	v9 =	vld [tilespmem:s30+$0xDA20]  }
0x17c: {  	v10 =	vand.u32 $0xFFFF0000, v10;
	v12 =	vand.u32 $0xFFFF0000, v12;
	v13 =	vadd.f32 v40, v39;
	v41 =	vld [tilespmem:s19+$0x260];
	[tilespmem:s13+$0x0] =	vst v7  }
0x17d: {  	v11 =	vand.u32 $0xFFFF0000, v11;
	v7 =	vadd.f32 v12, v10;
	v10 =	vld [tilespmem:s20+$0xDA60];
	[tilespmem:s13+$0x10] =	vst v6;
	v6 =	vand.u32 $0xFFFF0000, v14  }
0x17e: {  	[tilespmem:s8+$0x840] =	vst v13;
	v12 =	vld [tilespmem:s1+$0x210];
	v6 =	vadd.f32 v11, v6;
	v11 =	vshll.u32 v36, $0x10;
	v13 =	vshll.u32 v15, $0x10  }
0x17f: {  	s5 =	sor.u32 $0xC50, s16;
	[tilespmem:s8+$0x850] =	vst v7;
	v7 =	vld [tilespmem:s18+$0xDA10];
	v14 =	vand.u32 $0xFFFF0000, v15;
	v11 =	vadd.f32 v13, v11;
	v13 =	vand.u32 $0xFFFF0000, v36  }
0x180: {  	v15 =	vshll.u32 v38, $0x10;
	[tilespmem:s5+$0x1B200] =	vst v6;
	v6 =	vld [tilespmem:s29+$0x2B0];
	v42 =	vshll.u32 v9, $0x10;
	v13 =	vadd.f32 v14, v13  }
0x181: {  	v43 =	vand.u32 $0xFFFF0000, v38;
	v14 =	vld [tilespmem:s28+$0xDAB0];
	v9 =	vand.u32 $0xFFFF0000, v9;
	v15 =	vadd.f32 v42, v15;
	[tilespmem:s15+$0x840] =	vst v11  }
0x182: {  	v11 =	vshll.u32 v41, $0x10;
	v44 =	vshll.u32 v10, $0x10;
	v45 =	vld [tilespmem:s7+$0x2F0];
	v9 =	vadd.f32 v9, v43;
	[tilespmem:s15+$0x850] =	vst v13  }
0x183: {  	v10 =	vand.u32 $0xFFFF0000, v10;
	v49 =	vld [tilespmem:s4+$0xDAF0];
	v13 =	vand.u32 $0xFFFF0000, v41;
	v11 =	vadd.f32 v44, v11;
	[tilespmem:s10+$0x40] =	vst v15  }
0x184: {  	v15 =	vld [tilespmem:s24+$0x2B0];
	v10 =	vadd.f32 v10, v13;
	v13 =	vshll.u32 v12, $0x10;
	v46 =	vshll.u32 v7, $0x10;
	[tilespmem:s10+$0x50] =	vst v9  }
0x185: {  	v9 =	vld [tilespmem:s3+$0xDAB0];
	v12 =	vand.u32 $0xFFFF0000, v12;
	v7 =	vand.u32 $0xFFFF0000, v7;
	[tilespmem:s22+$0x440] =	vst v11;
	v11 =	vadd.f32 v46, v13  }
0x186: {  	v48 =	vshll.u32 v35, $0x10;
	v13 =	vld [tilespmem:s31+$0x230];
	v7 =	vadd.f32 v7, v12;
	[tilespmem:s22+$0x450] =	vst v10  }
0x187: {  	v47 =	vshll.u32 v8, $0x10;
	v8 =	vand.u32 $0xFFFF0000, v8;
	v12 =	vand.u32 $0xFFFF0000, v35;
	v10 =	vld [tilespmem:s30+$0xDA30];
	[tilespmem:s13+$0x20] =	vst v11  }
0x188: {  	s2 =	sor.u32 $0xC60, s6;
	v8 =	vadd.f32 v12, v8;
	v0 =	vshll.u32 v14, $0x10;
	v11 =	vshll.u32 v6, $0x10;
	v12 =	vld [tilespmem:s19+$0x270];
	[tilespmem:s13+$0x30] =	vst v7  }
0x189: {  	[tilespmem:s2+$0x1B200] =	vst v2;
	s0 =	sor.u32 $0xC70, s9;
	v16 =	vadd.f32 v48, v47;
	v7 =	vld [tilespmem:s1+$0x220];
	v0 =	vadd.f32 v0, v11;
	v50 =	vshll.u32 v15, $0x10  }
0x18a: {  	s6 =	sor.u32 $0xC70, s6;
	[tilespmem:s0+$0x1B200] =	vst v1;
	v1 =	vld [tilespmem:s18+$0xDA20];
	v51 =	vshll.u32 v9, $0x10;
	v15 =	vand.u32 $0xFFFF0000, v15;
	v9 =	vand.u32 $0xFFFF0000, v9  }
0x18b: {  	[tilespmem:s6+$0x1B200] =	vst v3;
	s7 =	sor.u32 $0xC40, s11;
	v11 =	vshll.u32 v13, $0x10;
	v18 =	vadd.f32 v51, v50;
	v9 =	vadd.f32 v9, v15  }
0x18c: {  	s5 =	simm.s32 $0xB0;
	[tilespmem:s7+$0x1B200] =	vst v5;
	v15 =	vshll.u32 v49, $0x10;
	v13 =	vand.u32 $0xFFFF0000, v13;
	v52 =	vshll.u32 v10, $0x10  }
0x18d: {  	v2 =	vld [tilespmem:s5+$0x0];
	v10 =	vand.u32 $0xFFFF0000, v10;
	v3 =	vadd.f32 v52, v11;
	v11 =	vshll.u32 v45, $0x10;
	[tilespmem:s15+$0x860] =	vst v18  }
0x18e: {  	v53 =	vld [tilespmem:s20+$0xDA70];
	v10 =	vadd.f32 v10, v13;
	[tilespmem:s15+$0x870] =	vst v9;
	v9 =	vand.u32 $0xFFFF0000, v12;
	s15 =	sor.u32 $0xC20, s14;
	v11 =	vadd.f32 v15, v11  }
0x18f: {  	v15 =	vshll.u32 v12, $0x10;
	v12 =	vshll.u32 v7, $0x10;
	v13 =	vshll.u32 v1, $0x10;
	[tilespmem:s15+$0x1B200] =	vst v16  }
0x190: {  	v5 =	vand.u32 $0xFFFF0000, v7;
	v1 =	vand.u32 $0xFFFF0000, v1;
	[tilespmem:s10+$0x60] =	vst v3;
	v3 =	vld [tilespmem:s24+$0x2C0];
	v12 =	vadd.f32 v13, v12  }
0x191: {  	[tilespmem:s10+$0x70] =	vst v10;
	v13 =	vld [tilespmem:s3+$0xDAC0];
	v1 =	vadd.f32 v1, v5  }
0x192: {  	v7 =	vld [tilespmem:s31+$0x240];
	[tilespmem:s13+$0x40] =	vst v12  }
0x193: {  	s2 =	simm.s32 $0x6;
	(v2sf) =	vpush v2, $0x1;
	v10 =	vmul.u32 $0x6, v2;
	v5 =	vshll.u32 v53, $0x10;
	v54 =	vld [tilespmem:s30+$0xDA40];
	[tilespmem:s13+$0x50] =	vst v1  }
0x194: {  	s25 =	sor.u32 $0xC30, s14;
	(v2sf) =	vpush v2, $0x4;
	v5 =	vadd.f32 v5, v15;
	v12 =	vld [tilespmem:s5+$0xFFFFFFF0];
	[dreg:$0x3] =	wrdreg s2  }
0x195: {  	v18 =	vand.u32 $0xFFFF0000, v53;
	(v2sf) =	vpush v10, $0x0;
	[tilespmem:s25+$0x1B200] =	vst v8  }
0x196: {  	s17 =	simm.s32 $0x6;
	v1 =	vadd.f32 v18, v9;
	(v2sf) =	vpush v10, $0x3;
	v8 =	vld [tilespmem:s1+$0x230];
	[tilespmem:s22+$0x460] =	vst v5  }
0x197: {  	v6 =	vand.u32 $0xFFFF0000, v6;
	s5 =	sand.u32 $0x7, s17;
	v10 =	vand.u32 $0xFFFF0000, v14;
	(v2sf) =	vpush v2, $0x2;
	v5 =	vld [tilespmem:s18+$0xDA30];
	[dreg:$0x1f] =	wrdreg s26  }
0x198: {  	s6 =	sshll.u32 s5, $0x7;
	(v2sf) =	vpush v2, $0x5;
	v2 =	vshll.u32 v3, $0x10;
	v9 =	vshll.u32 v13, $0x10;
	[tilespmem:s22+$0x470] =	vst v1  }
0x199: {  	s9 =	sor.u32 $0xC50, s11;
	s6 =	sadd.s32 $0xC80, s6;
	v3 =	vand.u32 $0xFFFF0000, v3;
	v2 =	vadd.f32 v9, v2;
	v9 =	vand.u32 $0xFFFF0000, v13;
	[tilespmem:s8+$0x860] =	vst v0  }
0x19a: {  	s4 =	sor.u32 $0xC00, s6;
	v13 =	vld [tilespmem:s26+$0x2E0];
	v1 =	vshll.u32 v7, $0x10;
	v14 =	vshll.u32 v54, $0x10;
	[tilespmem:s9+$0x1B200] =	vst v4;
	v3 =	vadd.f32 v9, v3  }
0x19b: {  	s7 =	sor.u32 $0xC10, s6;
	v7 =	vand.u32 $0xFFFF0000, v7;
	v9 =	vld [tilespmem:s19+$0x280];
	v1 =	vadd.f32 v14, v1;
	v14 =	vand.u32 $0xFFFF0000, v54;
	[tilespmem:s4+$0x1B200] =	vst v2  }
0x19c: {  	v15 =	vand.u32 $0xFFFF0000, v49;
	v55 =	vld [tilespmem:s20+$0xDA80];
	v2 =	vand.u32 $0xFFFF0000, v45;
	v7 =	vadd.f32 v14, v7;
	[tilespmem:s7+$0x1B200] =	vst v3  }
0x19d: {  	v3 =	vadd.f32 v10, v6;
	v2 =	vadd.f32 v15, v2;
	[tilespmem:s10+$0x400] =	vst v1;
	v1 =	vld [tilespmem:s24+$0x2D0]  }
0x19e: {  	s15 =	sor.u32 $0xC60, s16;
	v6 =	vmul.u32 $0x6, v12;
	v10 =	vshll.u32 v8, $0x10;
	v14 =	vshll.u32 v5, $0x10;
	[tilespmem:s10+$0x410] =	vst v7;
	v7 =	vld [tilespmem:s3+$0xDAD0]  }
0x19f: {  	[tilespmem:s15+$0x1B200] =	vst v11;
	v8 =	vand.u32 $0xFFFF0000, v8;
	v5 =	vand.u32 $0xFFFF0000, v5;
	v0 =	vadd.f32 v14, v10;
	v10 =	vld [tilespmem:s31+$0x250]  }
0x1a0: {  	s17 =	sor.u32 $0xC70, s16;
	[tilespmem:s8+$0x870] =	vst v3;
	v3 =	vadd.f32 v5, v8;
	(v2sf) =	vpush v6, $0x0;
	v5 =	vld [tilespmem:s30+$0xDA50]  }
0x1a1: {  	v14 =	vld [tilespmem:s21+$0xDAE0];
	[tilespmem:s17+$0x1B200] =	vst v2;
	(v2sf) =	vpush v6, $0x3  }
0x1a2: {  	v8 =	vshll.u32 v13, $0x10;
	[tilespmem:s13+$0x60] =	vst v0;
	v6 =	vld [tilespmem:s29+$0x2C0];
	v15 =	vshll.u32 v9, $0x10;
	(v2sf) =	vpush v12, $0x1  }
0x1a3: {  	v2 =	vld [tilespmem:s28+$0xDAC0];
	[tilespmem:s13+$0x70] =	vst v3;
	(v2sf) =	vpush v12, $0x4;
	v0 =	vshll.u32 v1, $0x10;
	v4 =	vshll.u32 v7, $0x10  }
0x1a4: {  	s5 =	smov.u32 s21;
	s21 =	spop (v2sf);
	v3 =	vld [tilespmem:s1+$0x240];
	(v2sf) =	vpush v12, $0x2;
	v4 =	vadd.f32 v4, v0;
	v0 =	vand.u32 $0xFFFF0000, v1  }
0x1a5: {  	v11 =	vld [tilespmem:s18+$0xDA40];
	v1 =	vand.u32 $0xFFFF0000, v7;
	v7 =	vshll.u32 v10, $0x10;
	v57 =	vshll.u32 v5, $0x10  }
0x1a6: {  	s26 =	sor.u32 $0xC20, s6;
	s25 =	spop (v2sf);
	v10 =	vand.u32 $0xFFFF0000, v10;
	v5 =	vand.u32 $0xFFFF0000, v5;
	v58 =	vadd.f32 v1, v0  }
0x1a7: {  	s2 =	sor.u32 $0xC30, s6;
	v56 =	vshll.u32 v55, $0x10;
	v0 =	vld [tilespmem:s12+$0x2F0];
	s0 =	spop (v2sf);
	v7 =	vadd.f32 v57, v7;
	v5 =	vadd.f32 v5, v10;
	[tilespmem:s26+$0x1B200] =	vst v4  }
0x1a8: {  	v1 =	vld [tilespmem:s23+$0xDAF0];
	v10 =	vadd.f32 v56, v15;
	v15 =	vshll.u32 v6, $0x10;
	v59 =	vshll.u32 v2, $0x10;
	s7 =	spop (v2sf);
	s8 =	sadd.s32 s21, s0;
	[tilespmem:s2+$0x1B200] =	vst v58  }
0x1a9: {  	s12 =	simm.s32 $0x2;
	v4 =	vand.u32 $0xFFFF0000, v9;
	v9 =	vand.u32 $0xFFFF0000, v55;
	(v2sf) =	vpush v12, $0x5;
	s8 =	smul.u32 $0x6, s8;
	s4 =	sadd.s32 s25, s7;
	[tilespmem:s10+$0x420] =	vst v7;
	v7 =	vld [tilespmem:s24+$0x2E0]  }
0x1aa: {  	s9 =	sand.u32 $0x3, s12;
	v4 =	vadd.f32 v9, v4;
	v9 =	vshll.u32 v3, $0x10;
	v12 =	vshll.u32 v11, $0x10;
	s15 =	spop (v2sf);
	[tilespmem:s10+$0x430] =	vst v5;
	s4 =	smul.u32 $0x6, s4;
	v5 =	vld [tilespmem:s3+$0xDAE0]  }
0x1ab: {  	v6 =	vand.u32 $0xFFFF0000, v6;
	v2 =	vand.u32 $0xFFFF0000, v2;
	s9 =	sshll.u32 s9, $0x8;
	[tilespmem:s22+$0x800] =	vst v10;
	v9 =	vadd.f32 v12, v9;
	s16 =	spop (v2sf);
	v10 =	vld [tilespmem:s31+$0x260];
	s8 =	sadd.s32 s15, s8  }
0x1ac: {  	v13 =	vand.u32 $0xFFFF0000, v13;
	v2 =	vadd.f32 v2, v6;
	s9 =	sadd.s32 $0x800, s9;
	v12 =	vld [tilespmem:s30+$0xDA60];
	[tilespmem:s22+$0x810] =	vst v4;
	v4 =	vadd.f32 v59, v15;
	s17 =	sadd.s32 s16, s4;
	s21 =	sshll.u32 s8, $0xA  }
0x1ad: {  	v6 =	vshll.u32 v14, $0x10;
	v3 =	vand.u32 $0xFFFF0000, v3;
	v11 =	vand.u32 $0xFFFF0000, v11;
	s23 =	sor.u32 $0xC00, s9;
	v15 =	vld [tilespmem:s19+$0x290];
	[tilespmem:s13+$0x400] =	vst v9;
	s4 =	sshra.s32 s21, $0x2;
	s0 =	sshll.u32 s17, $0xA  }
0x1ae: {  	v6 =	vadd.f32 v6, v8;
	v3 =	vadd.f32 v11, v3;
	s25 =	sor.u32 $0xC10, s9;
	v9 =	vand.u32 $0xFFFF0000, v14;
	[tilespmem:s23+$0x1B200] =	vst v4;
	v4 =	vld [tilespmem:s4+$0x200];
	s0 =	sshra.s32 s0, $0x2  }
0x1af: {  	v9 =	vadd.f32 v9, v13;
	[tilespmem:s25+$0x1B200] =	vst v2;
	v8 =	vld [tilespmem:s0+$0xDA00];
	v2 =	vshll.u32 v7, $0x10;
	v11 =	vshll.u32 v5, $0x10  }
0x1b0: {  	s26 =	sor.u32 $0xC40, s14;
	[tilespmem:s13+$0x410] =	vst v3;
	v3 =	vld [tilespmem:s29+$0x2D0];
	v7 =	vand.u32 $0xFFFF0000, v7;
	v5 =	vand.u32 $0xFFFF0000, v5;
	v2 =	vadd.f32 v11, v2  }
0x1b1: {  	s7 =	sor.u32 $0xC40, s6;
	[tilespmem:s26+$0x1B200] =	vst v6;
	v14 =	vshll.u32 v12, $0x10;
	v6 =	vld [tilespmem:s28+$0xDAD0];
	s2 =	spop (v2sf);
	v11 =	vshll.u32 v10, $0x10;
	v5 =	vadd.f32 v5, v7  }
0x1b2: {  	s26 =	simm.s32 $0x1400;
	s16 =	sor.u32 $0xC50, s6;
	v13 =	vld [tilespmem:s18+$0xDA50];
	v12 =	vand.u32 $0xFFFF0000, v12;
	v10 =	vand.u32 $0xFFFF0000, v10;
	s15 =	spop (v2sf);
	v11 =	vadd.f32 v14, v11;
	[tilespmem:s7+$0x1B200] =	vst v2  }
0x1b3: {  	s21 =	sand.u32 $0x1000, s26;
	s23 =	sor.u32 $0xC50, s14;
	v7 =	vld [tilespmem:s20+$0xDA90];
	v14 =	vand.u32 $0xFFFF0000, v15;
	s17 =	spop (v2sf);
	[tilespmem:s16+$0x1B200] =	vst v5;
	v5 =	vadd.f32 v12, v10  }
0x1b4: {  	v2 =	vshll.u32 v15, $0x10;
	v15 =	vld [tilespmem:s1+$0x250];
	s8 =	sadd.s32 s17, s2;
	v10 =	vshll.u32 v4, $0x10;
	[tilespmem:s10+$0x440] =	vst v11;
	s2 =	simm.s32 $0x580;
	s25 =	spop (v2sf);
	v12 =	vshll.u32 v8, $0x10  }
0x1b5: {  	v4 =	vand.u32 $0xFFFF0000, v4;
	v11 =	vld [tilespmem:s24+$0x2F0];
	s24 =	smov.u32 s0;
	s0 =	sadd.s32 $0x1B200, s21;
	v8 =	vand.u32 $0xFFFF0000, v8;
	s7 =	sand.u32 $0x380, s2;
	v10 =	vadd.f32 v12, v10;
	[tilespmem:s10+$0x450] =	vst v5  }
0x1b6: {  	[tilespmem:s23+$0x1B200] =	vst v9;
	s15 =	sadd.s32 s25, s15;
	s16 =	smul.u32 $0x6, s8;
	v9 =	vshll.u32 v6, $0x10;
	v4 =	vadd.f32 v8, v4;
	s8 =	sadd.s32 s7, s0;
	v8 =	vshll.u32 v3, $0x10;
	v5 =	vld [tilespmem:s31+$0x270]  }
0x1b7: {  	v6 =	vand.u32 $0xFFFF0000, v6;
	s21 =	spop (v2sf);
	s15 =	smul.u32 $0x6, s15;
	v3 =	vand.u32 $0xFFFF0000, v3;
	v8 =	vadd.f32 v9, v8;
	[tilespmem:s8+$0x0] =	vst v10;
	v10 =	vld [tilespmem:s30+$0xDA70]  }
0x1b8: {  	s23 =	sor.u32 $0xC20, s9;
	v12 =	vshll.u32 v7, $0x10;
	v7 =	vand.u32 $0xFFFF0000, v7;
	s12 =	sadd.s32 s21, s16;
	v9 =	vld [tilespmem:s3+$0xDAF0];
	v3 =	vadd.f32 v6, v3;
	[tilespmem:s8+$0x10] =	vst v4;
	s25 =	spop (v2sf)  }
0x1b9: {  	v6 =	vadd.f32 v7, v14;
	s21 =	sor.u32 $0xC30, s9;
	v4 =	vadd.f32 v12, v2;
	s7 =	sshll.u32 s12, $0xA;
	s15 =	sadd.s32 s25, s15;
	[tilespmem:s23+$0x1B200] =	vst v8;
	v7 =	vld [tilespmem:s4+$0x210]  }
0x1ba: {  	v12 =	vshll.u32 v13, $0x10;
	v8 =	vshll.u32 v15, $0x10;
	v14 =	vld [tilespmem:s24+$0xDA10];
	[tilespmem:s21+$0x1B200] =	vst v3;
	s21 =	sshra.s32 s7, $0x2;
	s23 =	sshll.u32 s15, $0xA  }
0x1bb: {  	v13 =	vand.u32 $0xFFFF0000, v13;
	[tilespmem:s22+$0x820] =	vst v4;
	v4 =	vand.u32 $0xFFFF0000, v15;
	v8 =	vadd.f32 v12, v8;
	s7 =	sshra.s32 s23, $0x2;
	v12 =	vld [tilespmem:s21+$0x200]  }
0x1bc: {  	[tilespmem:s22+$0x830] =	vst v6;
	v4 =	vadd.f32 v13, v4;
	v6 =	vld [tilespmem:s7+$0xDA00];
	v13 =	vshll.u32 v5, $0x10;
	v15 =	vshll.u32 v10, $0x10  }
0x1bd: {  	[tilespmem:s13+$0x420] =	vst v8;
	v5 =	vand.u32 $0xFFFF0000, v5;
	v10 =	vand.u32 $0xFFFF0000, v10;
	v8 =	vadd.f32 v15, v13  }
0x1be: {  	s16 =	smov.u32 s19;
	[tilespmem:s13+$0x430] =	vst v4;
	v4 =	vadd.f32 v10, v5;
	v5 =	vshll.u32 v11, $0x10;
	v10 =	vshll.u32 v9, $0x10  }
0x1bf: {  	v60 =	vld [tilespmem:s16+$0x2A0];
	v61 =	vshll.u32 v7, $0x10;
	v62 =	vshll.u32 v14, $0x10;
	v5 =	vadd.f32 v10, v5;
	[tilespmem:s10+$0x460] =	vst v8  }
0x1c0: {  	s25 =	sor.u32 $0xC60, s6;
	v13 =	vld [tilespmem:s20+$0xDAA0];
	v7 =	vand.u32 $0xFFFF0000, v7;
	v10 =	vand.u32 $0xFFFF0000, v14;
	v8 =	vadd.f32 v62, v61;
	[tilespmem:s10+$0x470] =	vst v4  }
0x1c1: {  	s12 =	simm.s32 $0x500;
	v15 =	vld [tilespmem:s1+$0x260];
	v4 =	vshll.u32 v12, $0x10;
	v7 =	vadd.f32 v10, v7;
	[tilespmem:s25+$0x1B200] =	vst v5;
	v5 =	vshll.u32 v6, $0x10  }
0x1c2: {  	s3 =	sand.u32 $0x300, s12;
	v14 =	vld [tilespmem:s18+$0xDA60];
	v4 =	vadd.f32 v5, v4;
	[tilespmem:s8+$0x20] =	vst v8  }
0x1c3: {  	s12 =	sadd.s32 s3, s0;
	v10 =	vld [tilespmem:s31+$0x280];
	v6 =	vand.u32 $0xFFFF0000, v6;
	v5 =	vand.u32 $0xFFFF0000, v12;
	[tilespmem:s8+$0x30] =	vst v7  }
0x1c4: {  	s15 =	sor.u32 $0xC70, s11;
	v8 =	vld [tilespmem:s30+$0xDA80];
	v5 =	vadd.f32 v6, v5;
	[tilespmem:s12+$0x0] =	vst v4  }
0x1c5: {  	v12 =	vshll.u32 v60, $0x10;
	v63 =	vshll.u32 v13, $0x10;
	v4 =	vld [tilespmem:s4+$0x220];
	[dreg:$0x13] =	wrdreg s15  }
0x1c6: {  	s17 =	smov.u32 s20;
	s20 =	sor.u32 $0xC60, s14;
	v12 =	vadd.f32 v63, v12;
	[tilespmem:s12+$0x10] =	vst v5  }
0x1c7: {  	v6 =	vand.u32 $0xFFFF0000, v60;
	v7 =	vand.u32 $0xFFFF0000, v13;
	v5 =	vld [tilespmem:s24+$0xDA20];
	[dreg:$0x5] =	wrdreg s20  }
0x1c8: {  	s23 =	sor.u32 $0xC40, s9;
	v6 =	vadd.f32 v7, v6;
	[tilespmem:s22+$0x840] =	vst v12  }
0x1c9: {  	v9 =	vand.u32 $0xFFFF0000, v9;
	v7 =	vand.u32 $0xFFFF0000, v11;
	v12 =	vld [tilespmem:s21+$0x210];
	[smem:$0x7E8] =	sst s23  }
0x1ca: {  	s3 =	sor.u32 $0xC70, s6;
	s6 =	sor.u32 $0xC50, s9;
	v11 =	vshll.u32 v15, $0x10;
	v13 =	vshll.u32 v14, $0x10;
	v7 =	vadd.f32 v9, v7;
	[tilespmem:s22+$0x850] =	vst v6  }
0x1cb: {  	v9 =	vadd.f32 v13, v11;
	v11 =	vshll.u32 v10, $0x10;
	v13 =	vshll.u32 v8, $0x10;
	v6 =	vld [tilespmem:s7+$0xDA10];
	[smem:$0x7E9] =	sst s6  }
0x1cc: {  	s25 =	sor.u32 $0xC60, s11;
	s11 =	simm.s32 $0x3;
	v11 =	vadd.f32 v13, v11;
	[tilespmem:s3+$0x1B200] =	vst v7  }
0x1cd: {  	s15 =	sor.u32 $0xC60, s9;
	v10 =	vand.u32 $0xFFFF0000, v10;
	v8 =	vand.u32 $0xFFFF0000, v8;
	s6 =	sand.u32 $0x3, s11;
	[tilespmem:s13+$0x440] =	vst v9  }
0x1ce: {  	v8 =	vadd.f32 v8, v10;
	s23 =	sor.u32 $0xC70, s9;
	s11 =	simm.s32 $0x5;
	v7 =	vld [tilespmem:s16+$0x2B0];
	s3 =	sshll.u32 s6, $0x8;
	[tilespmem:s10+$0x800] =	vst v11  }
0x1cf: {  	v14 =	vand.u32 $0xFFFF0000, v14;
	v13 =	vand.u32 $0xFFFF0000, v15;
	s9 =	simm.s32 $0x4;
	v15 =	vld [tilespmem:s17+$0xDAB0];
	s3 =	sadd.s32 $0xC00, s3;
	[smem:$0x7EA] =	sst s11  }
0x1d0: {  	s0 =	sand.u32 $0x3, s9;
	v9 =	vadd.f32 v14, v13;
	[tilespmem:s10+$0x810] =	vst v8;
	s6 =	sor.u32 $0xC00, s3  }
0x1d1: {  	v10 =	vshll.u32 v4, $0x10;
	s9 =	simm.s32 $0x5;
	s0 =	sshll.u32 s0, $0x8;
	v8 =	vld [tilespmem:s29+$0x2E0];
	[smem:$0x7EB] =	sst s6  }
0x1d2: {  	v4 =	vand.u32 $0xFFFF0000, v4;
	v13 =	vshll.u32 v5, $0x10;
	v5 =	vand.u32 $0xFFFF0000, v5;
	s11 =	sand.u32 $0x3, s9;
	s9 =	sadd.s32 $0x1000, s0;
	s0 =	sor.u32 $0xC20, s3;
	[tilespmem:s13+$0x450] =	vst v9  }
0x1d3: {  	v10 =	vadd.f32 v13, v10;
	v4 =	vadd.f32 v5, v4;
	v5 =	vld [tilespmem:s31+$0x290];
	[dreg:$0x1c] =	wrdreg s0;
	s0 =	sor.u32 $0xC30, s3  }
0x1d4: {  	[dreg:$0x1a] =	wrdreg s0  }
0x1d5: {  	s0 =	sor.u32 $0xC40, s3;
	[tilespmem:s8+$0x40] =	vst v10  }
0x1d6: {  	v14 =	vld [tilespmem:s30+$0xDA90];
	[dreg:$0xd] =	wrdreg s0;
	s0 =	sor.u32 $0xC50, s3  }
0x1d7: {  	[dreg:$0x11] =	wrdreg s0;
	s0 =	sor.u32 $0xC60, s3  }
0x1d8: {  	s6 =	sor.u32 $0xC10, s3;
	s3 =	sor.u32 $0xC70, s3;
	[dreg:$0x8] =	wrdreg s0  }
0x1d9: {  	v11 =	vshll.u32 v12, $0x10;
	v13 =	vshll.u32 v6, $0x10;
	[dreg:$0x6] =	wrdreg s3  }
0x1da: {  	v9 =	vadd.f32 v13, v11;
	s0 =	sor.u32 $0xC00, s9;
	[tilespmem:s8+$0x50] =	vst v4  }
0x1db: {  	v4 =	vld [tilespmem:s1+$0x270];
	[smem:$0x7EC] =	sst s0  }
0x1dc: {  	s0 =	sor.u32 $0xC10, s9;
	[tilespmem:s12+$0x20] =	vst v9  }
0x1dd: {  	v6 =	vand.u32 $0xFFFF0000, v6;
	v11 =	vand.u32 $0xFFFF0000, v12;
	v10 =	vld [tilespmem:s4+$0x230];
	[smem:$0x7ED] =	sst s0;
	s0 =	sor.u32 $0xC20, s9  }
0x1de: {  	v6 =	vadd.f32 v6, v11;
	[smem:$0x7EE] =	sst s0;
	s0 =	sor.u32 $0xC30, s9  }
0x1df: {  	[dreg:$0x1e] =	wrdreg s0  }
0x1e0: {  	v12 =	vshll.u32 v7, $0x10;
	v11 =	vshll.u32 v15, $0x10;
	s0 =	sor.u32 $0xC40, s9;
	[tilespmem:s12+$0x30] =	vst v6  }
0x1e1: {  	v9 =	vadd.f32 v11, v12;
	v11 =	vld [tilespmem:s24+$0xDA30];
	[dreg:$0x16] =	wrdreg s0;
	s0 =	sor.u32 $0xC50, s9  }
0x1e2: {  	s11 =	sshll.u32 s11, $0x8;
	[dreg:$0xf] =	wrdreg s0;
	s0 =	sor.u32 $0xC60, s9  }
0x1e3: {  	s3 =	sadd.s32 $0x1400, s11;
	[dreg:$0xb] =	wrdreg s0  }
0x1e4: {  	v2 =	vshll.u32 v0, $0x10;
	s11 =	smov.u32 s28;
	s28 =	sor.u32 $0xC70, s9;
	s9 =	sor.u32 $0xC00, s3;
	[tilespmem:s22+$0x860] =	vst v9  }
0x1e5: {  	v0 =	vand.u32 $0xFFFF0000, v0;
	v3 =	vshll.u32 v1, $0x10;
	v13 =	vand.u32 $0xFFFF0000, v1;
	v12 =	vld [tilespmem:s21+$0x220];
	[smem:$0x7EF] =	sst s9;
	s9 =	sor.u32 $0xC10, s3  }
0x1e6: {  	v1 =	vadd.f32 v3, v2;
	v2 =	vand.u32 $0xFFFF0000, v7;
	v3 =	vand.u32 $0xFFFF0000, v15;
	[smem:$0x7F0] =	sst s9;
	s9 =	sor.u32 $0xC20, s3  }
0x1e7: {  	v0 =	vadd.f32 v13, v0;
	v6 =	vadd.f32 v3, v2;
	v13 =	vld [tilespmem:s7+$0xDA20];
	[smem:$0x7F1] =	sst s9;
	s9 =	sor.u32 $0xC40, s3  }
0x1e8: {  	[dreg:$0x19] =	wrdreg s9  }
0x1e9: {  	s9 =	sor.u32 $0xC50, s3;
	[tilespmem:s22+$0x870] =	vst v6  }
0x1ea: {  	s22 =	sor.u32 $0xC60, s3;
	[dreg:$0x15] =	wrdreg s9  }
0x1eb: {  	s19 =	smov.u32 s18;
	v7 =	vshll.u32 v5, $0x10;
	v3 =	vshll.u32 v8, $0x10;
	v9 =	vshll.u32 v14, $0x10;
	[smem:$0x7F2] =	sst s22  }
0x1ec: {  	s20 =	sor.u32 $0xC70, s14;
	s14 =	smov.u32 s29;
	v2 =	vand.u32 $0xFFFF0000, v8;
	v14 =	vand.u32 $0xFFFF0000, v14;
	v8 =	vadd.f32 v9, v7;
	s9 =	simm.s32 $0xC80;
	v6 =	vld [tilespmem:s18+$0xDA70]  }
0x1ed: {  	s29 =	sor.u32 $0xC30, s3;
	v9 =	vand.u32 $0xFFFF0000, v5;
	v7 =	vshll.u32 v4, $0x10;
	v5 =	vand.u32 $0xFFFF0000, v4;
	v4 =	vld [tilespmem:s11+$0xDAE0];
	[smem:$0x7F3] =	sst s9;
	s18 =	simm.s32 $0xA  }
0x1ee: {  	v9 =	vadd.f32 v14, v9;
	s22 =	sor.u32 $0xC70, s3;
	[smem:$0x7F4] =	sst s18;
	s18 =	simm.s32 $0xD0  }
.LBB2_4:
0x1ef: {  	_ = 	snop  }
0x1f0: {  	v14 =	vld [tilespmem:s18+$0x0];
	[tilespmem:s10+$0x830] =	vst v9;
	v9 =	vshll.u32 v12, $0x10;
	v15 =	vshll.u32 v10, $0x10  }
0x1f1: {  	v16 =	vshll.u32 v11, $0x10;
	v10 =	vand.u32 $0xFFFF0000, v10;
	v11 =	vand.u32 $0xFFFF0000, v11  }
0x1f2: {  	[tilespmem:s10+$0x820] =	vst v8;
	v8 =	vld [tilespmem:s18+$0xFFFFFFF0];
	s0 =	rddreg [dreg:$0x5];
	v54 =	vshll.u32 v13, $0x10;
	v15 =	vadd.f32 v16, v15;
	v10 =	vadd.f32 v11, v10  }
0x1f3: {  	s3 =	smov.u32 s0;
	s0 =	rddreg [dreg:$0xb];
	[tilespmem:s25+$0x1B200] =	vst v1;
	v11 =	vld [tilespmem:s31+$0x2A0];
	v1 =	vadd.f32 v54, v9;
	v9 =	vand.u32 $0xFFFF0000, v12;
	v12 =	vand.u32 $0xFFFF0000, v13  }
0x1f4: {  	[smem:$0x7E3] =	sst s3;
	v9 =	vadd.f32 v12, v9;
	v12 =	vld [tilespmem:s16+$0x2C0];
	[tilespmem:s8+$0x60] =	vst v15  }
0x1f5: {  	s9 =	smov.u32 s15;
	s15 =	rddreg [dreg:$0x8];
	(v2sf) =	vpush v14, $0x1;
	v15 =	vmul.u32 $0x6, v14;
	v13 =	vld [tilespmem:s30+$0xDAA0];
	[tilespmem:s8+$0x70] =	vst v10;
	v10 =	vshll.u32 v6, $0x10  }
0x1f6: {  	s3 =	rddreg [dreg:$0x13];
	[tilespmem:s12+$0x40] =	vst v1;
	(v2sf) =	vpush v14, $0x4;
	v6 =	vand.u32 $0xFFFF0000, v6;
	v55 =	vld [tilespmem:s4+$0x240];
	v1 =	vadd.f32 v10, v7  }
0x1f7: {  	[dreg:$0x5] =	wrdreg s9;
	[tilespmem:s12+$0x50] =	vst v9;
	v9 =	vld [tilespmem:s24+$0xDA40];
	v6 =	vadd.f32 v6, v5;
	(v2sf) =	vpush v15, $0x0  }
0x1f8: {  	s25 =	smov.u32 s15;
	s15 =	sld [smem:$0x7F2];
	v7 =	vmul.u32 $0x6, v8;
	v10 =	vld [tilespmem:s21+$0x230];
	v5 =	vshll.u32 v4, $0x10;
	(v2sf) =	vpush v15, $0x3;
	[tilespmem:s13+$0x460] =	vst v1  }
0x1f9: {  	s9 =	smov.u32 s0;
	[smem:$0x7E7] =	sst s25;
	v1 =	vand.u32 $0xFFFF0000, v4;
	(v2sf) =	vpush v14, $0x2;
	v4 =	vld [tilespmem:s7+$0xDA30];
	[tilespmem:s13+$0x470] =	vst v6;
	v6 =	vshll.u32 v11, $0x10  }
0x1fa: {  	[dreg:$0x8] =	wrdreg s9;
	v11 =	vand.u32 $0xFFFF0000, v11;
	(v2sf) =	vpush v14, $0x5;
	v15 =	vshll.u32 v13, $0x10;
	v17 =	vld [tilespmem:s1+$0x280];
	[tilespmem:s3+$0x1B200] =	vst v0  }
0x1fb: {  	s9 =	smov.u32 s20;
	s20 =	rddreg [dreg:$0x6];
	v13 =	vand.u32 $0xFFFF0000, v13;
	(v2sf) =	vpush v7, $0x0;
	v6 =	vadd.f32 v15, v6;
	v15 =	vld [tilespmem:s19+$0xDA80]  }
0x1fc: {  	[dreg:$0x13] =	wrdreg s9;
	v0 =	vadd.f32 v13, v11;
	v13 =	vshll.u32 v55, $0x10;
	v14 =	vshll.u32 v9, $0x10;
	v57 =	vld [tilespmem:s5+$0xDAF0]  }
0x1fd: {  	s9 =	rddreg [dreg:$0x1f];
	s25 =	smov.u32 s15;
	v9 =	vand.u32 $0xFFFF0000, v9;
	v13 =	vadd.f32 v14, v13;
	v14 =	vand.u32 $0xFFFF0000, v55;
	[tilespmem:s10+$0x840] =	vst v6;
	v6 =	vld [tilespmem:s17+$0xDAC0]  }
0x1fe: {  	s15 =	smov.u32 s23;
	[dreg:$0xb] =	wrdreg s25;
	v56 =	vshll.u32 v10, $0x10;
	[tilespmem:s10+$0x850] =	vst v0;
	v0 =	vld [tilespmem:s9+$0x2F0];
	v9 =	vadd.f32 v9, v14;
	v18 =	vshll.u32 v4, $0x10  }
0x1ff: {  	s23 =	smov.u32 s20;
	[smem:$0x7E5] =	sst s15;
	v10 =	vand.u32 $0xFFFF0000, v10;
	v14 =	vld [tilespmem:s31+$0x2B0];
	v4 =	vand.u32 $0xFFFF0000, v4;
	[tilespmem:s8+$0x400] =	vst v13;
	v16 =	vadd.f32 v18, v56  }
0x200: {  	s20 =	smov.u32 s19;
	[smem:$0x7E6] =	sst s23;
	(v2sf) =	vpush v7, $0x3;
	v13 =	vld [tilespmem:s30+$0xDAB0];
	v4 =	vadd.f32 v4, v10;
	[tilespmem:s8+$0x410] =	vst v9  }
0x201: {  	s25 =	smov.u32 s28;
	s15 =	smov.u32 s14;
	[smem:$0x7E2] =	sst s20;
	v3 =	vadd.f32 v5, v3;
	(v2sf) =	vpush v8, $0x1;
	v58 =	vld [tilespmem:s4+$0x250];
	[tilespmem:s12+$0x60] =	vst v16  }
0x202: {  	s28 =	smov.u32 s1;
	[dreg:$0x6] =	wrdreg s25;
	s1 =	smov.u32 s21;
	(v2sf) =	vpush v8, $0x4;
	v9 =	vshll.u32 v17, $0x10;
	v10 =	vshll.u32 v15, $0x10;
	[tilespmem:s12+$0x70] =	vst v4;
	v4 =	vld [tilespmem:s24+$0xDA50]  }
0x203: {  	[dreg:$0x1f] =	wrdreg s15;
	s3 =	smov.u32 s22;
	s22 =	smov.u32 s7;
	v17 =	vand.u32 $0xFFFF0000, v17;
	v15 =	vand.u32 $0xFFFF0000, v15;
	v7 =	vadd.f32 v10, v9;
	v10 =	vld [tilespmem:s1+$0x240]  }
0x204: {  	s26 =	sadd.s32 $0x400, s26;
	[smem:$0x7E0] =	sst s3;
	v15 =	vadd.f32 v15, v17;
	v59 =	vld [tilespmem:s22+$0xDA40];
	s23 =	spop (v2sf);
	(v2sf) =	vpush v8, $0x2  }
0x205: {  	[smem:$0x7DF] =	sst s22;
	s9 =	smov.u32 s16;
	s16 =	smov.u32 s11;
	[tilespmem:s13+$0x800] =	vst v7;
	v7 =	vshll.u32 v14, $0x10;
	v14 =	vand.u32 $0xFFFF0000, v14;
	v19 =	vshll.u32 v13, $0x10  }
0x206: {  	s21 =	smov.u32 s20;
	[smem:$0x7E1] =	sst s16;
	[tilespmem:s13+$0x810] =	vst v15;
	s25 =	spop (v2sf);
	(v2sf) =	vpush v8, $0x5;
	v13 =	vand.u32 $0xFFFF0000, v13;
	v7 =	vadd.f32 v19, v7  }
0x207: {  	s14 =	smov.u32 s22;
	s16 =	smov.u32 s17;
	s22 =	rddreg [dreg:$0x3];
	v15 =	vld [tilespmem:s28+$0x290];
	v13 =	vadd.f32 v13, v14;
	v8 =	vshll.u32 v58, $0x10;
	v14 =	vshll.u32 v4, $0x10  }
0x208: {  	s5 =	sadd.s32 $0x2, s22;
	v60 =	vld [tilespmem:s20+$0xDA90];
	s20 =	sld [smem:$0x7EA];
	s0 =	spop (v2sf);
	v4 =	vand.u32 $0xFFFF0000, v4;
	[tilespmem:s10+$0x860] =	vst v7;
	v7 =	vadd.f32 v14, v8;
	v8 =	vand.u32 $0xFFFF0000, v58  }
0x209: {  	s7 =	spop (v2sf);
	s3 =	sadd.s32 s23, s0;
	[tilespmem:s10+$0x870] =	vst v13;
	s10 =	smov.u32 s8;
	v13 =	vshll.u32 v10, $0x10;
	v14 =	vshll.u32 v59, $0x10;
	v4 =	vadd.f32 v4, v8  }
0x20a: {  	[dreg:$0x3] =	wrdreg s5;
	s3 =	smul.u32 $0x6, s3;
	s15 =	sadd.s32 s25, s7;
	v10 =	vand.u32 $0xFFFF0000, v10;
	v8 =	vld [tilespmem:s31+$0x2C0];
	v13 =	vadd.f32 v14, v13;
	v14 =	vand.u32 $0xFFFF0000, v59;
	[tilespmem:s10+$0x420] =	vst v7  }
0x20b: {  	v11 =	vshll.u32 v12, $0x10;
	v9 =	vshll.u32 v6, $0x10;
	s17 =	spop (v2sf);
	s25 =	sand.u32 $0x7, s5;
	s5 =	sld [smem:$0x7EB];
	v10 =	vadd.f32 v14, v10;
	v7 =	vld [tilespmem:s30+$0xDAC0];
	[tilespmem:s10+$0x430] =	vst v4  }
0x20c: {  	v2 =	vadd.f32 v1, v2;
	v12 =	vand.u32 $0xFFFF0000, v12;
	v9 =	vadd.f32 v9, v11;
	s7 =	sadd.s32 $0x1, s20;
	s8 =	smul.u32 $0x6, s15;
	s15 =	sld [smem:$0x7F3];
	[tilespmem:s12+$0x400] =	vst v13;
	v13 =	vld [tilespmem:s4+$0x260]  }
0x20d: {  	s19 =	spop (v2sf);
	[smem:$0x7EA] =	sst s7;
	v14 =	vand.u32 $0xFFFF0000, v15;
	s3 =	sadd.s32 s17, s3;
	v4 =	vshll.u32 v15, $0x10;
	v15 =	vshll.u32 v60, $0x10;
	[tilespmem:s12+$0x410] =	vst v10;
	v10 =	vld [tilespmem:s24+$0xDA60]  }
0x20e: {  	v6 =	vand.u32 $0xFFFF0000, v6;
	v61 =	vand.u32 $0xFFFF0000, v60;
	s17 =	sand.u32 $0x3, s7;
	s8 =	sadd.s32 s19, s8;
	s3 =	sshll.u32 s3, $0xA;
	v4 =	vadd.f32 v15, v4  }
0x20f: {  	v5 =	vshll.u32 v57, $0x10;
	v6 =	vadd.f32 v6, v12;
	s22 =	spop (v2sf);
	v11 =	vadd.f32 v61, v14;
	s11 =	sshra.s32 s3, $0x2;
	s23 =	sshll.u32 s8, $0xA;
	v15 =	vld [tilespmem:s1+$0x250];
	[tilespmem:s5+$0x1B200] =	vst v9  }
0x210: {  	v14 =	vshll.u32 v0, $0x10;
	s8 =	sshll.u32 s25, $0x7;
	s0 =	sadd.s32 $0x400, s15;
	v9 =	vld [tilespmem:s11+$0x200];
	s20 =	sshra.s32 s23, $0x2;
	[tilespmem:s13+$0x820] =	vst v4;
	v4 =	vshll.u32 v8, $0x10;
	v12 =	vshll.u32 v7, $0x10  }
0x211: {  	s3 =	sshll.u32 s17, $0x8;
	s19 =	sadd.s32 s8, s0;
	s23 =	spop (v2sf);
	v62 =	vld [tilespmem:s20+$0xDA00];
	[tilespmem:s13+$0x830] =	vst v11;
	v7 =	vand.u32 $0xFFFF0000, v7;
	v1 =	vadd.f32 v12, v4;
	v4 =	vand.u32 $0xFFFF0000, v8  }
0x212: {  	s25 =	sor.u32 $0xC00, s19;
	s7 =	spop (v2sf);
	v8 =	vld [tilespmem:s14+$0xDA50];
	[tilespmem:s6+$0x1B200] =	vst v6;
	s6 =	sld [smem:$0x7F4];
	v11 =	vshll.u32 v10, $0x10;
	v4 =	vadd.f32 v7, v4;
	v7 =	vshll.u32 v13, $0x10  }
0x213: {  	v0 =	vand.u32 $0xFFFF0000, v0;
	s17 =	spop (v2sf);
	s14 =	sor.u32 $0xC10, s19;
	[tilespmem:s25+$0x1B200] =	vst v1;
	v1 =	vadd.f32 v5, v14;
	v5 =	vadd.f32 v11, v7;
	v11 =	vld [tilespmem:s21+$0xDAA0];
	s21 =	sld [smem:$0x7E8]  }
0x214: {  	[smem:$0x7F3] =	sst s0;
	s5 =	sadd.s32 s17, s23;
	s23 =	sadd.s32 $0x100, s2;
	v6 =	vand.u32 $0xFFFF0000, v57;
	v10 =	vand.u32 $0xFFFF0000, v10;
	v12 =	vld [tilespmem:s28+$0x2A0];
	v7 =	vand.u32 $0xFFFF0000, v13;
	[tilespmem:s14+$0x1B200] =	vst v4  }
0x215: {  	v0 =	vadd.f32 v6, v0;
	v6 =	vand.u32 $0xFFFF0000, v9;
	s0 =	sadd.s32 $0x2, s6;
	s6 =	sadd.s32 s7, s22;
	v7 =	vadd.f32 v10, v7;
	s14 =	sld [smem:$0x7E9];
	v10 =	vld [tilespmem:s31+$0x2D0];
	[tilespmem:s10+$0x440] =	vst v5  }
0x216: {  	v14 =	vshll.u32 v62, $0x10;
	s22 =	sand.u32 $0x1000, s26;
	[smem:$0x7F4] =	sst s0;
	p1 =	slt.u32 s0, $0xE;
	[tilespmem:s21+$0x1B200] =	vst v3;
	v3 =	vshll.u32 v9, $0x10;
	v5 =	vld [tilespmem:s30+$0xDAD0]  }
0x217: {  	v13 =	vand.u32 $0xFFFF0000, v15;
	s6 =	smul.u32 $0x6, s6;
	s17 =	sadd.s32 $0x1B200, s22;
	s0 =	sand.u32 $0x380, s23;
	v9 =	vand.u32 $0xFFFF0000, v62;
	[tilespmem:s10+$0x450] =	vst v7;
	v3 =	vadd.f32 v14, v3  }
0x218: {  	s25 =	spop (v2sf);
	v4 =	vshll.u32 v15, $0x10;
	s8 =	sadd.s32 s0, s17;
	v7 =	vld [tilespmem:s9+$0x2D0];
	v6 =	vadd.f32 v9, v6;
	v9 =	vshll.u32 v8, $0x10;
	[tilespmem:s14+$0x1B200] =	vst v2  }
0x219: {  	s5 =	smul.u32 $0x6, s5;
	s6 =	sadd.s32 s25, s6;
	v8 =	vand.u32 $0xFFFF0000, v8;
	v14 =	vld [tilespmem:s4+$0x270];
	s25 =	sadd.s32 $0xFFFFFF80, s23;
	v2 =	vadd.f32 v9, v4;
	v9 =	vand.u32 $0xFFFF0000, v12;
	[tilespmem:s8+$0x0] =	vst v3  }
0x21a: {  	s2 =	spop (v2sf);
	s15 =	sshll.u32 s6, $0xA;
	s0 =	sand.u32 $0x300, s25;
	v3 =	vadd.f32 v8, v13;
	v8 =	vshll.u32 v12, $0x10;
	v4 =	vld [tilespmem:s24+$0xDA70];
	[tilespmem:s8+$0x10] =	vst v6;
	v6 =	vshll.u32 v11, $0x10  }
0x21b: {  	s21 =	sshra.s32 s15, $0x2;
	v12 =	vld [tilespmem:s16+$0xDAD0];
	s15 =	sadd.s32 s0, s17;
	s0 =	sld [smem:$0x7EC];
	[tilespmem:s12+$0x420] =	vst v2;
	v2 =	vadd.f32 v6, v8;
	v6 =	vshll.u32 v10, $0x10;
	v8 =	vshll.u32 v5, $0x10  }
0x21c: {  	[smem:$0x7E4] =	sst s16;
	s5 =	sadd.s32 s2, s5;
	v13 =	vld [tilespmem:s11+$0x210];
	[tilespmem:s12+$0x430] =	vst v3;
	v3 =	vadd.f32 v8, v6  }
0x21d: {  	s22 =	sadd.s32 s3, s26;
	s2 =	sor.u32 $0xC20, s19;
	s5 =	sshll.u32 s5, $0xA;
	v5 =	vand.u32 $0xFFFF0000, v5;
	v6 =	vand.u32 $0xFFFF0000, v10;
	v8 =	vld [tilespmem:s21+$0x200];
	[tilespmem:s13+$0x840] =	vst v2  }
0x21e: {  	v15 =	vld [tilespmem:s20+$0xDA10];
	v2 =	vadd.f32 v5, v6;
	[tilespmem:s2+$0x1B200] =	vst v3;
	s2 =	smov.u32 s26;
	s26 =	smov.u32 s0;
	s0 =	sld [smem:$0x7ED]  }
0x21f: {  	s7 =	sshra.s32 s5, $0x2;
	s5 =	sor.u32 $0xC30, s19;
	[smem:$0x7EB] =	sst s26  }
0x220: {  	[tilespmem:s5+$0x1B200] =	vst v2;
	s5 =	sld [smem:$0x7EF]  }
0x221: {  	s26 =	smov.u32 s2;
	s2 =	smov.u32 s23;
	s23 =	sor.u32 $0xC60, s22  }
0x222: {  	[smem:$0x7F2] =	sst s23  }
0x223: {  	s23 =	smov.u32 s5;
	s5 =	sld [smem:$0x7F0]  }
0x224: {  	s6 =	sor.u32 $0xC00, s22;
	[smem:$0x7EC] =	sst s23  }
0x225: {  	s23 =	smov.u32 s6;
	s6 =	smov.u32 s0;
	s0 =	rddreg [dreg:$0x19]  }
0x226: {  	s14 =	sor.u32 $0xC10, s22;
	[smem:$0x7EF] =	sst s23;
	s23 =	smov.u32 s5  }
0x227: {  	s5 =	smov.u32 s14;
	s14 =	smov.u32 s9;
	s9 =	rddreg [dreg:$0xd]  }
0x228: {  	[smem:$0x7ED] =	sst s23  }
0x229: {  	[smem:$0x7F0] =	sst s5  }
0x22a: {  	s23 =	smov.u32 s9;
	s9 =	rddreg [dreg:$0x16]  }
0x22b: {  	s5 =	rddreg [dreg:$0x11]  }
0x22c: {  	[smem:$0x7E8] =	sst s23  }
0x22d: {  	v11 =	vand.u32 $0xFFFF0000, v11;
	s23 =	smov.u32 s9;
	s9 =	sld [smem:$0x7DF]  }
0x22e: {  	v9 =	vadd.f32 v11, v9;
	[dreg:$0xd] =	wrdreg s23  }
0x22f: {  	s16 =	sor.u32 $0xC40, s22;
	v10 =	vshll.u32 v14, $0x10;
	v6 =	vld [tilespmem:s7+$0xDA00];
	s23 =	smov.u32 s0;
	s0 =	sld [smem:$0x7EE]  }
0x230: {  	v5 =	vshll.u32 v7, $0x10;
	v3 =	vand.u32 $0xFFFF0000, v7;
	v7 =	vld [tilespmem:s1+$0x260];
	[tilespmem:s13+$0x850] =	vst v9;
	v9 =	vshll.u32 v12, $0x10;
	[dreg:$0x16] =	wrdreg s23;
	s23 =	smov.u32 s16  }
0x231: {  	v11 =	vshll.u32 v4, $0x10;
	v4 =	vand.u32 $0xFFFF0000, v4;
	v5 =	vadd.f32 v9, v5;
	[dreg:$0x19] =	wrdreg s23;
	s23 =	smov.u32 s5  }
0x232: {  	v10 =	vadd.f32 v11, v10;
	v11 =	vand.u32 $0xFFFF0000, v14;
	v14 =	vshll.u32 v15, $0x10;
	[smem:$0x7E9] =	sst s23  }
0x233: {  	v2 =	vadd.f32 v4, v11;
	v11 =	vand.u32 $0xFFFF0000, v12;
	v12 =	vshll.u32 v13, $0x10;
	s23 =	rddreg [dreg:$0x1c]  }
0x234: {  	v9 =	vadd.f32 v14, v12;
	v14 =	vld [tilespmem:s9+$0xDA60];
	[tilespmem:s23+$0x1B200] =	vst v5;
	s23 =	smov.u32 s0;
	s0 =	sld [smem:$0x7F1];
	_ =	sdelay $0x1  }
0x235: {  	s5 =	rddreg [dreg:$0xf]  }
0x236: {  	s3 =	sor.u32 $0xC20, s22;
	v4 =	vld [tilespmem:s31+$0x2E0];
	[tilespmem:s10+$0x460] =	vst v10;
	[dreg:$0x1c] =	wrdreg s23;
	s23 =	smov.u32 s0  }
0x237: {  	v10 =	vld [tilespmem:s30+$0xDAE0];
	[smem:$0x7EE] =	sst s23;
	s23 =	smov.u32 s3  }
0x238: {  	v12 =	vand.u32 $0xFFFF0000, v13;
	v13 =	vand.u32 $0xFFFF0000, v15;
	[tilespmem:s10+$0x470] =	vst v2;
	[smem:$0x7F1] =	sst s23  }
0x239: {  	s25 =	smov.u32 s29;
	v2 =	vshll.u32 v8, $0x10;
	v15 =	vshll.u32 v6, $0x10;
	v12 =	vadd.f32 v13, v12;
	v13 =	vld [tilespmem:s4+$0x280];
	[tilespmem:s8+$0x20] =	vst v9;
	s23 =	smov.u32 s5;
	s5 =	rddreg [dreg:$0x15]  }
0x23a: {  	s29 =	sor.u32 $0xC50, s22;
	v6 =	vand.u32 $0xFFFF0000, v6;
	v2 =	vadd.f32 v15, v2;
	s16 =	smov.u32 s28;
	v5 =	vand.u32 $0xFFFF0000, v8;
	v8 =	vld [tilespmem:s24+$0xDA80];
	[dreg:$0x11] =	wrdreg s23  }
0x23b: {  	[tilespmem:s8+$0x30] =	vst v12;
	v5 =	vadd.f32 v6, v5;
	v9 =	vld [tilespmem:s16+$0x2B0];
	s23 =	smov.u32 s5;
	s5 =	smov.u32 s29;
	s29 =	rddreg [dreg:$0x1e]  }
0x23c: {  	v3 =	vadd.f32 v11, v3;
	v15 =	vshll.u32 v10, $0x10;
	v12 =	vshll.u32 v4, $0x10;
	[tilespmem:s15+$0x0] =	vst v2;
	v2 =	vld [tilespmem:s11+$0x220];
	[dreg:$0xf] =	wrdreg s23  }
0x23d: {  	s17 =	sor.u32 $0xC30, s22;
	v10 =	vand.u32 $0xFFFF0000, v10;
	v4 =	vand.u32 $0xFFFF0000, v4;
	v11 =	vadd.f32 v15, v12;
	[tilespmem:s15+$0x10] =	vst v5;
	v5 =	vld [tilespmem:s20+$0xDA20];
	s3 =	sor.u32 $0xC40, s19;
	s23 =	rddreg [dreg:$0x1a]  }
0x23e: {  	v6 =	vshll.u32 v7, $0x10;
	v4 =	vadd.f32 v10, v4;
	v15 =	vshll.u32 v14, $0x10;
	v12 =	vld [tilespmem:s21+$0x210];
	[tilespmem:s23+$0x1B200] =	vst v3;
	s23 =	smov.u32 s29;
	s29 =	smov.u32 s17;
	s17 =	sld [smem:$0x7E2]  }
0x23f: {  	v10 =	vshll.u32 v13, $0x10;
	s0 =	sor.u32 $0xC50, s19;
	v6 =	vadd.f32 v15, v6;
	v15 =	vshll.u32 v8, $0x10;
	[tilespmem:s3+$0x1B200] =	vst v11  }
0x240: {  	v11 =	vand.u32 $0xFFFF0000, v13;
	v8 =	vand.u32 $0xFFFF0000, v8;
	v10 =	vadd.f32 v15, v10;
	[tilespmem:s0+$0x1B200] =	vst v4;
	v3 =	vld [tilespmem:s7+$0xDA10]  }
0x241: {  	v7 =	vand.u32 $0xFFFF0000, v7;
	v14 =	vand.u32 $0xFFFF0000, v14;
	v13 =	vld [tilespmem:s17+$0xDAB0];
	[tilespmem:s12+$0x440] =	vst v6;
	v6 =	vadd.f32 v8, v11  }
0x242: {  	v4 =	vadd.f32 v14, v7;
	v14 =	vshll.u32 v5, $0x10;
	v8 =	vld [tilespmem:s31+$0x2F0];
	v11 =	vshll.u32 v2, $0x10;
	[tilespmem:s10+$0x800] =	vst v10  }
0x243: {  	v7 =	vshll.u32 v9, $0x10;
	v15 =	vld [tilespmem:s30+$0xDAF0];
	v10 =	vadd.f32 v14, v11;
	[tilespmem:s10+$0x810] =	vst v6  }
0x244: {  	s28 =	sld [smem:$0x7E0];
	v9 =	vand.u32 $0xFFFF0000, v9;
	v5 =	vand.u32 $0xFFFF0000, v5;
	s31 =	smov.u32 s4;
	v2 =	vand.u32 $0xFFFF0000, v2;
	v6 =	vld [tilespmem:s14+$0x2E0];
	[tilespmem:s12+$0x450] =	vst v4  }
0x245: {  	[dreg:$0x15] =	wrdreg s5;
	s30 =	smov.u32 s24;
	v11 =	vshll.u32 v12, $0x10;
	v2 =	vadd.f32 v5, v2;
	v14 =	vshll.u32 v3, $0x10;
	v4 =	vld [tilespmem:s31+$0x290];
	[tilespmem:s8+$0x40] =	vst v10  }
0x246: {  	s5 =	sld [smem:$0x7E1];
	v3 =	vand.u32 $0xFFFF0000, v3;
	v5 =	vadd.f32 v14, v11;
	v11 =	vand.u32 $0xFFFF0000, v12;
	v14 =	vld [tilespmem:s30+$0xDA90]  }
0x247: {  	[dreg:$0x1a] =	wrdreg s23;
	s4 =	smov.u32 s11;
	v63 =	vld [tilespmem:s1+$0x270];
	[tilespmem:s8+$0x50] =	vst v2;
	v3 =	vadd.f32 v3, v11;
	v2 =	vshll.u32 v13, $0x10;
	v13 =	vand.u32 $0xFFFF0000, v13  }
0x248: {  	s23 =	smov.u32 s25;
	s25 =	sld [smem:$0x7E3];
	s24 =	smov.u32 s20;
	v10 =	vld [tilespmem:s4+$0x230];
	[tilespmem:s15+$0x20] =	vst v5;
	v2 =	vadd.f32 v2, v7;
	v5 =	vshll.u32 v8, $0x10;
	v7 =	vshll.u32 v15, $0x10  }
.Ltmp5:
0x249: {  	[dreg:$0x1e] =	wrdreg s23;
	v11 =	vld [tilespmem:s24+$0xDA30];
	[tilespmem:s15+$0x30] =	vst v3;
	v5 =	vadd.f32 v7, v5;
	v3 =	vand.u32 $0xFFFF0000, v8;
	v7 =	vand.u32 $0xFFFF0000, v15;
	(pc) =	sbr.rel @p1 .LBB2_4-.Ltmp5, $4  }
0x24a: {  	s23 =	sor.u32 $0xC60, s19;
	s11 =	sld [smem:$0x7E4];
	v15 =	vadd.f32 v13, v9;
	v12 =	vld [tilespmem:s21+$0x220];
	[tilespmem:s13+$0x860] =	vst v2;
	v7 =	vadd.f32 v7, v3;
	v3 =	vshll.u32 v6, $0x10  }
0x24b: {  	s18 =	sadd.s32 $0x20, s18;
	s22 =	sor.u32 $0xC70, s22;
	s20 =	sld [smem:$0x7E5];
	v8 =	vshll.u32 v4, $0x10;
	v2 =	vand.u32 $0xFFFF0000, v6;
	v13 =	vld [tilespmem:s7+$0xDA20];
	v9 =	vshll.u32 v14, $0x10;
	[tilespmem:s23+$0x1B200] =	vst v5  }
0x24c: {  	s0 =	sor.u32 $0xC70, s19;
	s19 =	smov.u32 s9;
	v4 =	vand.u32 $0xFFFF0000, v4;
	s23 =	sld [smem:$0x7E6];
	v6 =	vld [tilespmem:s9+$0xDA70];
	[tilespmem:s13+$0x870] =	vst v15;
	v8 =	vadd.f32 v9, v8;
	v9 =	vand.u32 $0xFFFF0000, v14  }
0x24d: {  	v5 =	vand.u32 $0xFFFF0000, v63;
	s13 =	smov.u32 s12;
	s12 =	smov.u32 s15;
	s15 =	sld [smem:$0x7E7];
	[tilespmem:s0+$0x1B200] =	vst v7;
	v7 =	vshll.u32 v63, $0x10;
	v9 =	vadd.f32 v9, v4;
	v4 =	vld [tilespmem:s11+$0xDAE0]  }
0x24e: {  	_ =	sdelay $0x1  }
0x24f: {  	v14 =	vshll.u32 v12, $0x10;
	v15 =	vshll.u32 v13, $0x10  }
0x250: {  	v55 =	vand.u32 $0xFFFF0000, v12;
	v56 =	vand.u32 $0xFFFF0000, v13;
	v14 =	vadd.f32 v15, v14  }
0x251: {  	v12 =	vadd.f32 v56, v55  }
0x252: {  	v59 =	vand.u32 $0xFFFF0000, v10;
	v60 =	vand.u32 $0xFFFF0000, v11;
	[tilespmem:s12+$0x40] =	vst v14  }
0x253: {  	v57 =	vshll.u32 v10, $0x10;
	v58 =	vshll.u32 v11, $0x10;
	v10 =	vadd.f32 v60, v59;
	[tilespmem:s12+$0x50] =	vst v12  }
0x254: {  	v13 =	vadd.f32 v58, v57;
	v61 =	vld [tilespmem:s21+$0x230]  }
0x255: {  	[tilespmem:s8+$0x70] =	vst v10;
	v12 =	vld [tilespmem:s7+$0xDA30]  }
0x256: {  	[tilespmem:s8+$0x60] =	vst v13  }
0x257: {  	v10 =	vld [tilespmem:s4+$0x240]  }
0x258: {  	v13 =	vld [tilespmem:s24+$0xDA40];
	_ =	sdelay $0x1  }
0x259: {  	v62 =	vshll.u32 v61, $0x10;
	v63 =	vshll.u32 v12, $0x10  }
0x25a: {  	v11 =	vand.u32 $0xFFFF0000, v61;
	v12 =	vand.u32 $0xFFFF0000, v12;
	v14 =	vadd.f32 v63, v62  }
0x25b: {  	v18 =	vshll.u32 v10, $0x10;
	v11 =	vadd.f32 v12, v11  }
0x25c: {  	v19 =	vshll.u32 v13, $0x10;
	v10 =	vand.u32 $0xFFFF0000, v10;
	v13 =	vand.u32 $0xFFFF0000, v13;
	[tilespmem:s12+$0x60] =	vst v14  }
0x25d: {  	v10 =	vadd.f32 v13, v10;
	[tilespmem:s12+$0x70] =	vst v11  }
0x25e: {  	v12 =	vadd.f32 v19, v18;
	v11 =	vld [tilespmem:s21+$0x240]  }
0x25f: {  	[tilespmem:s8+$0x410] =	vst v10;
	v20 =	vld [tilespmem:s7+$0xDA40]  }
0x260: {  	[tilespmem:s8+$0x400] =	vst v12  }
0x261: {  	v10 =	vld [tilespmem:s4+$0x250]  }
0x262: {  	v21 =	vld [tilespmem:s24+$0xDA50];
	_ =	sdelay $0x1  }
0x263: {  	v22 =	vshll.u32 v11, $0x10;
	v23 =	vshll.u32 v20, $0x10  }
0x264: {  	v11 =	vand.u32 $0xFFFF0000, v11;
	v12 =	vand.u32 $0xFFFF0000, v20;
	v14 =	vadd.f32 v23, v22  }
0x265: {  	v11 =	vadd.f32 v12, v11  }
0x266: {  	v24 =	vshll.u32 v10, $0x10;
	v25 =	vshll.u32 v21, $0x10;
	[tilespmem:s12+$0x400] =	vst v14  }
0x267: {  	v10 =	vand.u32 $0xFFFF0000, v10;
	v13 =	vand.u32 $0xFFFF0000, v21;
	v12 =	vadd.f32 v25, v24;
	[tilespmem:s12+$0x410] =	vst v11  }
0x268: {  	v10 =	vadd.f32 v13, v10;
	v11 =	vld [tilespmem:s21+$0x250]  }
0x269: {  	[tilespmem:s8+$0x420] =	vst v12;
	v26 =	vld [tilespmem:s7+$0xDA50]  }
0x26a: {  	[tilespmem:s8+$0x430] =	vst v10  }
0x26b: {  	v10 =	vld [tilespmem:s4+$0x260]  }
0x26c: {  	v27 =	vld [tilespmem:s24+$0xDA60];
	_ =	sdelay $0x1  }
0x26d: {  	v28 =	vshll.u32 v11, $0x10;
	v29 =	vshll.u32 v26, $0x10  }
0x26e: {  	v11 =	vand.u32 $0xFFFF0000, v11;
	v12 =	vand.u32 $0xFFFF0000, v26;
	v14 =	vadd.f32 v29, v28  }
0x26f: {  	v11 =	vadd.f32 v12, v11  }
0x270: {  	v30 =	vshll.u32 v10, $0x10;
	v31 =	vshll.u32 v27, $0x10;
	[tilespmem:s12+$0x420] =	vst v14  }
0x271: {  	v10 =	vand.u32 $0xFFFF0000, v10;
	v13 =	vand.u32 $0xFFFF0000, v27;
	v12 =	vadd.f32 v31, v30;
	[tilespmem:s12+$0x430] =	vst v11  }
0x272: {  	v10 =	vadd.f32 v13, v10;
	v11 =	vld [tilespmem:s21+$0x260]  }
0x273: {  	[tilespmem:s8+$0x440] =	vst v12;
	v32 =	vld [tilespmem:s7+$0xDA60]  }
0x274: {  	[tilespmem:s8+$0x450] =	vst v10  }
0x275: {  	v10 =	vld [tilespmem:s4+$0x270]  }
0x276: {  	v33 =	vld [tilespmem:s24+$0xDA70];
	_ =	sdelay $0x1  }
0x277: {  	v34 =	vshll.u32 v11, $0x10;
	v35 =	vshll.u32 v32, $0x10  }
0x278: {  	v11 =	vand.u32 $0xFFFF0000, v11;
	v12 =	vand.u32 $0xFFFF0000, v32;
	v14 =	vadd.f32 v35, v34  }
0x279: {  	v11 =	vadd.f32 v12, v11  }
0x27a: {  	v36 =	vshll.u32 v10, $0x10;
	v37 =	vshll.u32 v33, $0x10;
	[tilespmem:s12+$0x440] =	vst v14  }
0x27b: {  	v10 =	vand.u32 $0xFFFF0000, v10;
	v13 =	vand.u32 $0xFFFF0000, v33;
	v12 =	vadd.f32 v37, v36;
	[tilespmem:s12+$0x450] =	vst v11  }
0x27c: {  	v10 =	vadd.f32 v13, v10;
	v11 =	vld [tilespmem:s21+$0x270]  }
0x27d: {  	[tilespmem:s8+$0x460] =	vst v12;
	v38 =	vld [tilespmem:s7+$0xDA70]  }
0x27e: {  	v39 =	vshll.u32 v6, $0x10;
	[tilespmem:s8+$0x470] =	vst v10  }
0x27f: {  	v41 =	vand.u32 $0xFFFF0000, v6;
	v7 =	vadd.f32 v39, v7;
	v10 =	vld [tilespmem:s4+$0x280]  }
0x280: {  	v5 =	vadd.f32 v41, v5;
	v40 =	vld [tilespmem:s24+$0xDA80]  }
0x281: {  	[tilespmem:s13+$0x460] =	vst v7  }
0x282: {  	[tilespmem:s13+$0x470] =	vst v5;
	v43 =	vshll.u32 v11, $0x10;
	v44 =	vshll.u32 v38, $0x10  }
0x283: {  	[tilespmem:s10+$0x820] =	vst v8;
	v49 =	vld [tilespmem:s1+$0x280];
	v46 =	vand.u32 $0xFFFF0000, v11;
	v47 =	vand.u32 $0xFFFF0000, v38;
	v6 =	vadd.f32 v44, v43  }
0x284: {  	[tilespmem:s10+$0x830] =	vst v9;
	v52 =	vld [tilespmem:s19+$0xDA80];
	v48 =	vadd.f32 v47, v46  }
0x285: {  	v42 =	vld [tilespmem:s31+$0x2A0];
	v50 =	vshll.u32 v10, $0x10;
	v51 =	vshll.u32 v40, $0x10;
	[tilespmem:s12+$0x460] =	vst v6  }
0x286: {  	v45 =	vld [tilespmem:s30+$0xDAA0];
	v10 =	vand.u32 $0xFFFF0000, v10;
	v53 =	vand.u32 $0xFFFF0000, v40;
	v9 =	vadd.f32 v51, v50;
	[tilespmem:s12+$0x470] =	vst v48  }
0x287: {  	v54 =	vadd.f32 v53, v10;
	v55 =	vld [tilespmem:s21+$0x280]  }
0x288: {  	[tilespmem:s8+$0x800] =	vst v9;
	v58 =	vld [tilespmem:s7+$0xDA80]  }
0x289: {  	v62 =	vshll.u32 v49, $0x10;
	v63 =	vshll.u32 v52, $0x10;
	[tilespmem:s8+$0x810] =	vst v54  }
0x28a: {  	v17 =	vand.u32 $0xFFFF0000, v49;
	v18 =	vadd.f32 v63, v62;
	v6 =	vand.u32 $0xFFFF0000, v52;
	v61 =	vld [tilespmem:s4+$0x290]  }
0x28b: {  	v8 =	vand.u32 $0xFFFF0000, v42;
	v59 =	vand.u32 $0xFFFF0000, v45;
	v16 =	vld [tilespmem:s24+$0xDA90];
	v5 =	vadd.f32 v6, v17  }
0x28c: {  	v56 =	vshll.u32 v42, $0x10;
	v57 =	vshll.u32 v45, $0x10;
	v60 =	vadd.f32 v59, v8;
	[tilespmem:s13+$0x800] =	vst v18  }
0x28d: {  	v11 =	vadd.f32 v57, v56;
	[tilespmem:s13+$0x810] =	vst v5;
	v20 =	vshll.u32 v55, $0x10;
	v21 =	vshll.u32 v58, $0x10  }
0x28e: {  	[tilespmem:s10+$0x850] =	vst v60;
	v25 =	vld [tilespmem:s1+$0x290];
	v23 =	vand.u32 $0xFFFF0000, v55;
	v9 =	vand.u32 $0xFFFF0000, v58;
	v6 =	vadd.f32 v21, v20  }
0x28f: {  	[tilespmem:s10+$0x840] =	vst v11;
	v28 =	vld [tilespmem:s19+$0xDA90];
	v24 =	vadd.f32 v9, v23  }
0x290: {  	v19 =	vld [tilespmem:s31+$0x2B0];
	v26 =	vshll.u32 v61, $0x10;
	v27 =	vshll.u32 v16, $0x10;
	[tilespmem:s12+$0x800] =	vst v6  }
0x291: {  	v22 =	vld [tilespmem:s30+$0xDAB0];
	v8 =	vand.u32 $0xFFFF0000, v61;
	v29 =	vand.u32 $0xFFFF0000, v16;
	v9 =	vadd.f32 v27, v26;
	[tilespmem:s12+$0x810] =	vst v24  }
0x292: {  	v30 =	vadd.f32 v29, v8;
	v31 =	vld [tilespmem:s21+$0x290]  }
0x293: {  	[tilespmem:s8+$0x820] =	vst v9;
	v34 =	vld [tilespmem:s7+$0xDA90]  }
0x294: {  	[tilespmem:s8+$0x830] =	vst v30;
	v38 =	vshll.u32 v25, $0x10;
	v39 =	vshll.u32 v28, $0x10  }
0x295: {  	v41 =	vand.u32 $0xFFFF0000, v25;
	v6 =	vand.u32 $0xFFFF0000, v28;
	v37 =	vld [tilespmem:s4+$0x2A0];
	v42 =	vadd.f32 v39, v38  }
0x296: {  	v32 =	vshll.u32 v19, $0x10;
	v33 =	vshll.u32 v22, $0x10;
	v40 =	vld [tilespmem:s24+$0xDAA0];
	v5 =	vadd.f32 v6, v41  }
0x297: {  	v11 =	vand.u32 $0xFFFF0000, v19;
	v35 =	vand.u32 $0xFFFF0000, v22;
	v10 =	vadd.f32 v33, v32;
	[tilespmem:s13+$0x820] =	vst v42  }
0x298: {  	v36 =	vadd.f32 v35, v11;
	[tilespmem:s13+$0x830] =	vst v5;
	v44 =	vshll.u32 v31, $0x10;
	v45 =	vshll.u32 v34, $0x10  }
0x299: {  	[tilespmem:s10+$0x860] =	vst v10;
	v50 =	vld [tilespmem:s1+$0x2A0];
	v47 =	vand.u32 $0xFFFF0000, v31;
	v48 =	vand.u32 $0xFFFF0000, v34;
	v6 =	vadd.f32 v45, v44  }
0x29a: {  	[tilespmem:s10+$0x870] =	vst v36;
	v53 =	vld [tilespmem:s19+$0xDAA0];
	v49 =	vadd.f32 v48, v47  }
0x29b: {  	v43 =	vld [tilespmem:s31+$0x2C0];
	v51 =	vshll.u32 v37, $0x10;
	v52 =	vshll.u32 v40, $0x10;
	[tilespmem:s12+$0x820] =	vst v6  }
0x29c: {  	v46 =	vld [tilespmem:s30+$0xDAC0];
	v54 =	vand.u32 $0xFFFF0000, v37;
	v55 =	vand.u32 $0xFFFF0000, v40;
	v8 =	vadd.f32 v52, v51;
	s0 =	rddreg [dreg:$0x3];
	[tilespmem:s12+$0x830] =	vst v49  }
0x29d: {  	v56 =	vadd.f32 v55, v54;
	v57 =	vld [tilespmem:s21+$0x2A0]  }
0x29e: {  	s3 =	sld [smem:$0x7F3];
	[tilespmem:s8+$0x840] =	vst v8;
	v60 =	vld [tilespmem:s7+$0xDAA0]  }
0x29f: {  	v16 =	vshll.u32 v50, $0x10;
	v17 =	vshll.u32 v53, $0x10;
	s0 =	sadd.s32 $0x2, s0;
	[tilespmem:s8+$0x850] =	vst v56  }
0x2a0: {  	v19 =	vand.u32 $0xFFFF0000, v50;
	v6 =	vand.u32 $0xFFFF0000, v53;
	v20 =	vadd.f32 v17, v16;
	s2 =	sand.u32 $0x7, s0;
	v63 =	vld [tilespmem:s4+$0x2B0]  }
0x2a1: {  	v58 =	vshll.u32 v43, $0x10;
	v59 =	vshll.u32 v46, $0x10;
	v5 =	vadd.f32 v6, v19;
	v18 =	vld [tilespmem:s24+$0xDAB0];
	s2 =	sshll.u32 s2, $0x7;
	s9 =	sadd.s32 $0x400, s3  }
0x2a2: {  	v10 =	vand.u32 $0xFFFF0000, v43;
	v61 =	vand.u32 $0xFFFF0000, v46;
	v11 =	vadd.f32 v59, v58;
	[tilespmem:s13+$0x840] =	vst v20;
	s2 =	sadd.s32 s2, s9  }
0x2a3: {  	v62 =	vadd.f32 v61, v10;
	[tilespmem:s13+$0x850] =	vst v5;
	s26 =	sor.u32 $0xC00, s2;
	v22 =	vshll.u32 v57, $0x10;
	v23 =	vshll.u32 v60, $0x10  }
0x2a4: {  	v27 =	vld [tilespmem:s1+$0x2B0];
	s10 =	sor.u32 $0xC10, s2;
	v25 =	vand.u32 $0xFFFF0000, v57;
	v8 =	vand.u32 $0xFFFF0000, v60;
	[tilespmem:s26+$0x1B200] =	vst v11;
	v6 =	vadd.f32 v23, v22  }
0x2a5: {  	v30 =	vld [tilespmem:s19+$0xDAB0];
	v26 =	vadd.f32 v8, v25;
	[tilespmem:s10+$0x1B200] =	vst v62  }
0x2a6: {  	v28 =	vshll.u32 v63, $0x10;
	v29 =	vshll.u32 v18, $0x10;
	v21 =	vld [tilespmem:s31+$0x2D0];
	[tilespmem:s12+$0x840] =	vst v6  }
0x2a7: {  	v31 =	vand.u32 $0xFFFF0000, v63;
	v32 =	vand.u32 $0xFFFF0000, v18;
	v8 =	vadd.f32 v29, v28;
	v24 =	vld [tilespmem:s30+$0xDAD0];
	[tilespmem:s12+$0x850] =	vst v26  }
0x2a8: {  	v33 =	vadd.f32 v32, v31;
	v34 =	vld [tilespmem:s21+$0x2B0]  }
0x2a9: {  	[tilespmem:s8+$0x860] =	vst v8;
	v37 =	vld [tilespmem:s7+$0xDAB0]  }
0x2aa: {  	[tilespmem:s8+$0x870] =	vst v33  }
0x2ab: {  	v7 =	vand.u32 $0xFFFF0000, v27;
	v6 =	vand.u32 $0xFFFF0000, v30;
	v40 =	vld [tilespmem:s4+$0x2C0]  }
0x2ac: {  	v6 =	vadd.f32 v6, v7;
	v43 =	vld [tilespmem:s24+$0xDAC0];
	v35 =	vshll.u32 v21, $0x10;
	v36 =	vshll.u32 v24, $0x10  }
0x2ad: {  	[tilespmem:s25+$0x1B200] =	vst v1;
	v11 =	vand.u32 $0xFFFF0000, v21;
	v39 =	vand.u32 $0xFFFF0000, v24;
	v10 =	vadd.f32 v36, v35  }
0x2ae: {  	s18 =	sor.u32 $0xC20, s2;
	[tilespmem:s13+$0x870] =	vst v6;
	v11 =	vadd.f32 v39, v11;
	v46 =	vshll.u32 v34, $0x10;
	v47 =	vshll.u32 v37, $0x10  }
0x2af: {  	v38 =	vld [tilespmem:s16+$0x2C0];
	s26 =	sor.u32 $0xC30, s2;
	s8 =	sadd.s32 $0x2, s0;
	v9 =	vand.u32 $0xFFFF0000, v34;
	v8 =	vand.u32 $0xFFFF0000, v37;
	v7 =	vadd.f32 v47, v46;
	[tilespmem:s18+$0x1B200] =	vst v10  }
0x2b0: {  	v44 =	vld [tilespmem:s17+$0xDAC0];
	v41 =	vshll.u32 v27, $0x10;
	v42 =	vshll.u32 v30, $0x10;
	s3 =	sand.u32 $0x7, s8;
	v48 =	vadd.f32 v8, v9;
	[tilespmem:s26+$0x1B200] =	vst v11  }
0x2b1: {  	s10 =	sadd.s32 $0x400, s9;
	s3 =	sshll.u32 s3, $0x7;
	v50 =	vshll.u32 v40, $0x10;
	v51 =	vshll.u32 v43, $0x10;
	v10 =	vadd.f32 v42, v41;
	[tilespmem:s12+$0x860] =	vst v7;
	v45 =	vld [tilespmem:s31+$0x2E0]  }
0x2b2: {  	s8 =	smov.u32 s7;
	s7 =	sadd.s32 s3, s10;
	v54 =	vand.u32 $0xFFFF0000, v40;
	v55 =	vand.u32 $0xFFFF0000, v43;
	v53 =	vadd.f32 v51, v50;
	[tilespmem:s12+$0x870] =	vst v48;
	v16 =	vld [tilespmem:s30+$0xDAE0]  }
0x2b3: {  	s3 =	sor.u32 $0xC00, s7;
	v9 =	vadd.f32 v55, v54;
	[tilespmem:s13+$0x860] =	vst v10  }
0x2b4: {  	[tilespmem:s3+$0x1B200] =	vst v53;
	s13 =	sor.u32 $0xC10, s7  }
0x2b5: {  	[tilespmem:s13+$0x1B200] =	vst v9  }
0x2b6: {  	v56 =	vshll.u32 v38, $0x10;
	v17 =	vand.u32 $0xFFFF0000, v44;
	v57 =	vshll.u32 v44, $0x10;
	s18 =	sld [smem:$0x7EB]  }
0x2b7: {  	v1 =	vadd.f32 v57, v56;
	v49 =	vld [tilespmem:s1+$0x2C0];
	v59 =	vshll.u32 v45, $0x10;
	v60 =	vshll.u32 v16, $0x10  }
0x2b8: {  	v52 =	vld [tilespmem:s19+$0xDAC0];
	v63 =	vand.u32 $0xFFFF0000, v16;
	v16 =	vand.u32 $0xFFFF0000, v38;
	v7 =	vadd.f32 v60, v59  }
0x2b9: {  	s25 =	sor.u32 $0xC40, s2;
	v62 =	vand.u32 $0xFFFF0000, v45;
	[tilespmem:s18+$0x1B200] =	vst v1;
	v1 =	vadd.f32 v17, v16  }
0x2ba: {  	v9 =	vadd.f32 v63, v62;
	[tilespmem:s25+$0x1B200] =	vst v7  }
0x2bb: {  	s26 =	sor.u32 $0xC50, s2;
	[tilespmem:s6+$0x1B200] =	vst v1  }
0x2bc: {  	[tilespmem:s26+$0x1B200] =	vst v9  }
0x2bd: {  	v19 =	vshll.u32 v49, $0x10;
	v20 =	vshll.u32 v52, $0x10;
	s0 =	sld [smem:$0x7EC]  }
0x2be: {  	v5 =	vadd.f32 v20, v19  }
0x2bf: {  	v58 =	vld [tilespmem:s21+$0x2C0]  }
0x2c0: {  	v61 =	vld [tilespmem:s8+$0xDAC0];
	[tilespmem:s0+$0x1B200] =	vst v5  }
0x2c1: {  	v8 =	vand.u32 $0xFFFF0000, v49;
	v6 =	vand.u32 $0xFFFF0000, v52;
	s0 =	sld [smem:$0x7ED]  }
0x2c2: {  	v6 =	vadd.f32 v6, v8;
	_ =	sdelay $0x1  }
0x2c3: {  	v18 =	vld [tilespmem:s4+$0x2D0];
	[tilespmem:s0+$0x1B200] =	vst v6  }
0x2c4: {  	v21 =	vld [tilespmem:s24+$0xDAD0];
	v23 =	vshll.u32 v58, $0x10;
	v24 =	vshll.u32 v61, $0x10;
	s0 =	sld [smem:$0x7EF]  }
0x2c5: {  	v7 =	vadd.f32 v24, v23;
	_ =	sdelay $0x1  }
0x2c6: {  	[tilespmem:s0+$0x1B200] =	vst v7  }
0x2c7: {  	v26 =	vand.u32 $0xFFFF0000, v58;
	v27 =	vand.u32 $0xFFFF0000, v61;
	s0 =	sld [smem:$0x7F0]  }
0x2c8: {  	v29 =	vadd.f32 v27, v26;
	v31 =	vshll.u32 v18, $0x10;
	v32 =	vshll.u32 v21, $0x10  }
0x2c9: {  	v9 =	vadd.f32 v32, v31  }
0x2ca: {  	s3 =	sor.u32 $0xC20, s7;
	v34 =	vand.u32 $0xFFFF0000, v18;
	v35 =	vand.u32 $0xFFFF0000, v21;
	[tilespmem:s0+$0x1B200] =	vst v29  }
0x2cb: {  	v10 =	vadd.f32 v35, v34;
	s0 =	rddreg [dreg:$0x13];
	[tilespmem:s3+$0x1B200] =	vst v9  }
0x2cc: {  	s6 =	sor.u32 $0xC30, s7;
	v25 =	vld [tilespmem:s16+$0x2D0];
	[tilespmem:s0+$0x1B200] =	vst v0  }
0x2cd: {  	v22 =	vld [tilespmem:s31+$0x2F0];
	[tilespmem:s6+$0x1B200] =	vst v10  }
0x2ce: {  	v36 =	vshll.u32 v4, $0x10;
	s31 =	smov.u32 s1;
	v30 =	vld [tilespmem:s1+$0x2D0];
	s1 =	sld [smem:$0x7E8]  }
0x2cf: {  	v28 =	vld [tilespmem:s17+$0xDAD0];
	v0 =	vadd.f32 v36, v3;
	_ =	sdelay $0x1  }
0x2d0: {  	[tilespmem:s1+$0x1B200] =	vst v0  }
0x2d1: {  	v38 =	vand.u32 $0xFFFF0000, v4;
	s1 =	sld [smem:$0x7E9]  }
0x2d2: {  	v2 =	vadd.f32 v38, v2  }
0x2d3: {  	v41 =	vshll.u32 v25, $0x10;
	v42 =	vshll.u32 v28, $0x10  }
0x2d4: {  	v4 =	vadd.f32 v42, v41;
	v33 =	vld [tilespmem:s19+$0xDAD0];
	[tilespmem:s1+$0x1B200] =	vst v2  }
0x2d5: {  	v40 =	vld [tilespmem:s30+$0xDAF0];
	v43 =	vand.u32 $0xFFFF0000, v25;
	v44 =	vand.u32 $0xFFFF0000, v28;
	s9 =	rddreg [dreg:$0x1c]  }
0x2d6: {  	v45 =	vld [tilespmem:s4+$0x2E0];
	v0 =	vadd.f32 v44, v43;
	s1 =	rddreg [dreg:$0x1f];
	[tilespmem:s9+$0x1B200] =	vst v4  }
0x2d7: {  	v49 =	vld [tilespmem:s1+$0x2F0];
	s1 =	rddreg [dreg:$0x1a]  }
0x2d8: {  	v48 =	vld [tilespmem:s24+$0xDAE0];
	[tilespmem:s1+$0x1B200] =	vst v0  }
0x2d9: {  	v46 =	vshll.u32 v30, $0x10;
	v47 =	vshll.u32 v33, $0x10;
	v37 =	vld [tilespmem:s21+$0x2D0];
	s1 =	sld [smem:$0x7EE]  }
0x2da: {  	v39 =	vld [tilespmem:s8+$0xDAD0];
	v2 =	vadd.f32 v47, v46  }
0x2db: {  	v50 =	vand.u32 $0xFFFF0000, v30;
	v51 =	vand.u32 $0xFFFF0000, v33  }
0x2dc: {  	v58 =	vshll.u32 v22, $0x10;
	v59 =	vshll.u32 v40, $0x10;
	v53 =	vadd.f32 v51, v50;
	[tilespmem:s1+$0x1B200] =	vst v2  }
0x2dd: {  	v61 =	vshll.u32 v45, $0x10;
	v62 =	vshll.u32 v48, $0x10;
	v0 =	vadd.f32 v59, v58;
	s1 =	rddreg [dreg:$0x1e]  }
0x2de: {  	s10 =	sor.u32 $0xC60, s2;
	v52 =	vld [tilespmem:s5+$0xDAF0];
	v17 =	vand.u32 $0xFFFF0000, v22;
	v18 =	vand.u32 $0xFFFF0000, v40;
	v13 =	vadd.f32 v62, v61;
	[tilespmem:s1+$0x1B200] =	vst v53  }
0x2df: {  	s12 =	sor.u32 $0xC40, s7;
	v54 =	vshll.u32 v37, $0x10;
	v55 =	vshll.u32 v39, $0x10;
	v56 =	vld [tilespmem:s16+$0x2E0];
	s1 =	sld [smem:$0x7F1];
	[tilespmem:s10+$0x1B200] =	vst v0;
	v0 =	vadd.f32 v18, v17  }
0x2e0: {  	s18 =	sor.u32 $0xC70, s2;
	v57 =	vand.u32 $0xFFFF0000, v37;
	v3 =	vand.u32 $0xFFFF0000, v39;
	v4 =	vadd.f32 v55, v54;
	v60 =	vld [tilespmem:s17+$0xDAE0];
	[tilespmem:s12+$0x1B200] =	vst v13  }
0x2e1: {  	v3 =	vadd.f32 v3, v57;
	v14 =	vand.u32 $0xFFFF0000, v45;
	v15 =	vand.u32 $0xFFFF0000, v48;
	[tilespmem:s18+$0x1B200] =	vst v0  }
0x2e2: {  	[tilespmem:s1+$0x1B200] =	vst v4;
	v4 =	vadd.f32 v15, v14  }
0x2e3: {  	s13 =	sor.u32 $0xC50, s7;
	v21 =	vshll.u32 v52, $0x10;
	v20 =	vshll.u32 v49, $0x10;
	v63 =	vld [tilespmem:s31+$0x2E0];
	[tilespmem:s29+$0x1B200] =	vst v3  }
0x2e4: {  	v16 =	vld [tilespmem:s19+$0xDAE0];
	v3 =	vadd.f32 v21, v20;
	[tilespmem:s13+$0x1B200] =	vst v4  }
0x2e5: {  	v23 =	vshll.u32 v56, $0x10;
	v24 =	vshll.u32 v60, $0x10;
	s1 =	rddreg [dreg:$0x5]  }
0x2e6: {  	v4 =	vadd.f32 v24, v23;
	[tilespmem:s1+$0x1B200] =	vst v3  }
0x2e7: {  	v2 =	vand.u32 $0xFFFF0000, v56;
	v26 =	vand.u32 $0xFFFF0000, v60;
	v19 =	vld [tilespmem:s21+$0x2E0];
	s1 =	rddreg [dreg:$0xd]  }
0x2e8: {  	v2 =	vadd.f32 v26, v2;
	v22 =	vld [tilespmem:s8+$0xDAE0];
	[tilespmem:s1+$0x1B200] =	vst v4  }
0x2e9: {  	v28 =	vshll.u32 v63, $0x10;
	v29 =	vshll.u32 v16, $0x10;
	v25 =	vld [tilespmem:s4+$0x2F0];
	s1 =	rddreg [dreg:$0x11]  }
0x2ea: {  	v27 =	vld [tilespmem:s24+$0xDAF0];
	v32 =	vadd.f32 v29, v28;
	[tilespmem:s1+$0x1B200] =	vst v2  }
0x2eb: {  	v31 =	vand.u32 $0xFFFF0000, v63;
	v7 =	vand.u32 $0xFFFF0000, v16;
	s1 =	rddreg [dreg:$0x16]  }
0x2ec: {  	v30 =	vld [tilespmem:s14+$0x2F0];
	v34 =	vadd.f32 v7, v31;
	[tilespmem:s1+$0x1B200] =	vst v32  }
0x2ed: {  	v33 =	vld [tilespmem:s11+$0xDAF0];
	v35 =	vshll.u32 v19, $0x10;
	v36 =	vshll.u32 v22, $0x10;
	s1 =	rddreg [dreg:$0xf]  }
0x2ee: {  	v5 =	vand.u32 $0xFFFF0000, v52;
	v39 =	vand.u32 $0xFFFF0000, v49;
	v4 =	vadd.f32 v36, v35;
	[tilespmem:s1+$0x1B200] =	vst v34  }
0x2ef: {  	v2 =	vadd.f32 v5, v39;
	v41 =	vshll.u32 v25, $0x10;
	v42 =	vshll.u32 v27, $0x10;
	v37 =	vld [tilespmem:s16+$0x2F0];
	s24 =	rddreg [dreg:$0x19]  }
0x2f0: {  	v6 =	vand.u32 $0xFFFF0000, v19;
	v1 =	vand.u32 $0xFFFF0000, v22;
	v38 =	vld [tilespmem:s17+$0xDAF0];
	v43 =	vadd.f32 v42, v41;
	[tilespmem:s24+$0x1B200] =	vst v4  }
0x2f1: {  	s25 =	sor.u32 $0xC60, s7;
	v1 =	vadd.f32 v1, v6;
	v0 =	vand.u32 $0xFFFF0000, v25;
	v3 =	vand.u32 $0xFFFF0000, v27;
	s0 =	rddreg [dreg:$0x15];
	[tilespmem:s20+$0x1B200] =	vst v2  }
0x2f2: {  	v44 =	vshll.u32 v30, $0x10;
	v45 =	vshll.u32 v33, $0x10;
	v0 =	vadd.f32 v3, v0;
	[tilespmem:s25+$0x1B200] =	vst v43  }
0x2f3: {  	s26 =	sor.u32 $0xC70, s7;
	v48 =	vand.u32 $0xFFFF0000, v30;
	v9 =	vand.u32 $0xFFFF0000, v33;
	v40 =	vld [tilespmem:s31+$0x2F0];
	v2 =	vadd.f32 v45, v44;
	[tilespmem:s0+$0x1B200] =	vst v1  }
0x2f4: {  	v49 =	vadd.f32 v9, v48;
	v8 =	vld [tilespmem:s19+$0xDAF0];
	[tilespmem:s26+$0x1B200] =	vst v0  }
0x2f5: {  	v50 =	vshll.u32 v37, $0x10;
	v51 =	vshll.u32 v38, $0x10;
	[tilespmem:s15+$0x1B200] =	vst v2  }
0x2f6: {  	v4 =	vadd.f32 v51, v50;
	[tilespmem:s23+$0x1B200] =	vst v49  }
0x2f7: {  	v52 =	vand.u32 $0xFFFF0000, v37;
	v7 =	vand.u32 $0xFFFF0000, v38;
	s0 =	rddreg [dreg:$0x8]  }
0x2f8: {  	v53 =	vadd.f32 v7, v52;
	v46 =	vld [tilespmem:s21+$0x2F0];
	[tilespmem:s0+$0x1B200] =	vst v4  }
0x2f9: {  	v47 =	vld [tilespmem:s8+$0xDAF0];
	v54 =	vshll.u32 v40, $0x10;
	v55 =	vshll.u32 v8, $0x10;
	s0 =	rddreg [dreg:$0x6]  }
0x2fa: {  	v56 =	vand.u32 $0xFFFF0000, v40;
	v57 =	vand.u32 $0xFFFF0000, v8;
	v2 =	vadd.f32 v55, v54;
	[tilespmem:s0+$0x1B200] =	vst v53  }
0x2fb: {  	v58 =	vadd.f32 v57, v56;
	s0 =	rddreg [dreg:$0xb]  }
0x2fc: {  	[tilespmem:s0+$0x1B200] =	vst v2  }
0x2fd: {  	[tilespmem:s28+$0x1B200] =	vst v58  }
0x2fe: {  	v59 =	vshll.u32 v46, $0x10;
	v60 =	vshll.u32 v47, $0x10;
	s0 =	sld [smem:$0x7F2]  }
0x2ff: {  	v61 =	vand.u32 $0xFFFF0000, v46;
	v1 =	vand.u32 $0xFFFF0000, v47;
	v62 =	vadd.f32 v60, v59  }
0x300: {  	v63 =	vadd.f32 v1, v61  }
0x301: {  	[tilespmem:s0+$0x1B200] =	vst v62  }
0x302: {  	s3 =	sld [smem:$0x7F5];
	[tilespmem:s22+$0x1B200] =	vst v63  }
0x303: {  	s1 =	sld [smem:$0x7FA];
	_ =	sdelay $0x1  }
0x304: {  	s30 =	simm.s32 $0x0;
	s2 =	sld [smem:$0x7F6];
	s29 =	sshll.u32 s3, $0x10  }
0x305: {  	s31 =	simm.s32 $0x1B200;
	s5 =	sld [smem:$0x7FD];
	s0 =	sadd.s32 s29, s1  }
0x306: {  	[hbm4b:s0+s30] =	stream.linear.scatter [tilespmem:s31], [sflag:$0x3], $0x2000, $0x38;
	[tilespmem:$0x1F200] =	vst v63  }
0x307: {  	s1 =	sld [smem:$0x7F8];
	s0 =	sadd.s32 $0x2, s2  }
0x308: {  	p1 =	sge.u32 s0, s5  }
0x309: {  	s0 =	sshll.u32 @!p1 s0, $0xA  }
0x30a: {  	s0 =	sadd.s32 @!p1 s0, s1;
	s1 =	simm.s32 @!p1 $0x0  }
0x30b: {  	[tilespmem:s1], [sflag:$0x1] =	stream.linear.gather @!p1 [hbm4b:s0+s1], $0x100, $0x38;
	[tilespmem:$0x1F200] =	vst v63  }
.LBB2_6:
0x30c: {  	s0 =	sor.u32 $0x1, s2  }
0x30d: {  	p1 =	sge.u32 s0, s5  }
.Ltmp6:
0x30e: {  	_ = 	snop;
	(pc) =	sbr.rel @p1 .LBB2_10-.Ltmp6, $1  }
0x30f: {  	_ =	sdelay $0x3  }
0x310: {  	[smem:$0x7CD] =	sst s0;
	s9 =	simm.s32 $0x2  }
0x311: {  	_ =	swait.ge [sflag:s9], $0x100  }
0x312: {  	[sflag:s9] =	ssyncset.done $0x0  }
0x313: {  	s0 =	simm.s32 @!p0 $0x4;
	[sflag:s9] =	ssyncadd.s32 $0xFFFFFF00  }
0x314: {  	_ =	swait.ge @!p0 [sflag:s0], $0x2000  }
0x315: {  	[sflag:s0] =	ssyncset.done @!p0 $0x0  }
0x316: {  	s10 =	simm.s32 $0x110;
	[sflag:s0] =	ssyncadd.s32 @!p0 $0xFFFFE000  }
0x317: {  	v0 =	vld [tilespmem:s10+$0x0];
	_ =	sdelay $0x4  }
0x318: {  	v1 =	vmul.u32 $0x6, v0;
	(v2sf) =	vpush v0, $0x1  }
0x319: {  	(v2sf) =	vpush v0, $0x4  }
0x31a: {  	(v2sf) =	vpush v1, $0x0  }
0x31b: {  	(v2sf) =	vpush v1, $0x3;
	_ =	sdelay $0x1  }
0x31c: {  	(v2sf) =	vpush v0, $0x2  }
0x31d: {  	(v2sf) =	vpush v0, $0x5;
	_ =	sdelay $0x2  }
0x31e: {  	v0 =	vld [tilespmem:s10+$0xFFFFFFF0];
	_ =	sdelay $0x4  }
0x31f: {  	v1 =	vmul.u32 $0x6, v0  }
0x320: {  	s11 =	spop (v2sf)  }
0x321: {  	(v2sf) =	vpush v1, $0x0;
	s1 =	spop (v2sf)  }
0x322: {  	(v2sf) =	vpush v1, $0x3;
	s2 =	spop (v2sf)  }
0x323: {  	(v2sf) =	vpush v0, $0x1;
	s3 =	spop (v2sf);
	s0 =	sadd.s32 s11, s2  }
0x324: {  	(v2sf) =	vpush v0, $0x4;
	s0 =	smul.u32 $0x6, s0;
	s1 =	sadd.s32 s1, s3  }
0x325: {  	s12 =	spop (v2sf);
	s1 =	smul.u32 $0x6, s1  }
0x326: {  	(v2sf) =	vpush v0, $0x2;
	s13 =	spop (v2sf);
	s0 =	sadd.s32 s12, s0  }
0x327: {  	(v2sf) =	vpush v0, $0x5;
	s1 =	sadd.s32 s13, s1;
	s0 =	sshll.u32 s0, $0xA  }
0x328: {  	s10 =	sshra.s32 s0, $0x2;
	s14 =	sshll.u32 s1, $0xA  }
0x329: {  	v0 =	vld [tilespmem:s10+$0x200];
	s5 =	sshra.s32 s14, $0x2  }
0x32a: {  	v1 =	vld [tilespmem:s5+$0xDA00];
	_ =	sdelay $0x3  }
0x32b: {  	s4 =	simm.s32 $0x0  }
0x32c: {  	s15 =	simm.s32 $0x80;
	s16 =	sand.u32 $0x1000, s4;
	v2 =	vshll.u32 v0, $0x10;
	v3 =	vshll.u32 v1, $0x10  }
0x32d: {  	s1 =	sadd.s32 $0x1D200, s16;
	s0 =	sand.u32 $0x380, s15;
	v0 =	vand.u32 $0xFFFF0000, v0;
	s17 =	spop (v2sf);
	v1 =	vand.u32 $0xFFFF0000, v1;
	v2 =	vadd.f32 v3, v2  }
0x32e: {  	s3 =	sadd.s32 s0, s1;
	s6 =	spop (v2sf);
	v0 =	vadd.f32 v1, v0  }
0x32f: {  	s18 =	spop (v2sf);
	[tilespmem:s3+$0x0] =	vst v2  }
0x330: {  	s0 =	sadd.s32 s18, s17;
	s19 =	spop (v2sf);
	[tilespmem:s3+$0x10] =	vst v0  }
0x331: {  	s0 =	smul.u32 $0x6, s0;
	s2 =	sadd.s32 s19, s6;
	v0 =	vld [tilespmem:s10+$0x210]  }
0x332: {  	s20 =	spop (v2sf);
	v1 =	vld [tilespmem:s5+$0xDA10];
	s2 =	smul.u32 $0x6, s2  }
0x333: {  	s7 =	spop (v2sf);
	s0 =	sadd.s32 s20, s0  }
0x334: {  	s0 =	sshll.u32 s0, $0xA;
	s2 =	sadd.s32 s7, s2  }
0x335: {  	s25 =	sshra.s32 s0, $0x2;
	s21 =	sshll.u32 s2, $0xA  }
0x336: {  	s12 =	sshra.s32 s21, $0x2;
	v2 =	vld [tilespmem:s25+$0x200]  }
0x337: {  	v4 =	vshll.u32 v0, $0x10;
	v5 =	vshll.u32 v1, $0x10;
	v3 =	vld [tilespmem:s12+$0xDA00]  }
0x338: {  	v0 =	vand.u32 $0xFFFF0000, v0;
	v1 =	vand.u32 $0xFFFF0000, v1;
	v4 =	vadd.f32 v5, v4  }
0x339: {  	v0 =	vadd.f32 v1, v0  }
0x33a: {  	[tilespmem:s3+$0x20] =	vst v4  }
0x33b: {  	[tilespmem:s3+$0x30] =	vst v0  }
0x33c: {  	s22 =	simm.s32 $0x0;
	v4 =	vld [tilespmem:s10+$0x220];
	v0 =	vshll.u32 v2, $0x10;
	v1 =	vshll.u32 v3, $0x10  }
0x33d: {  	s0 =	sand.u32 $0x300, s22;
	v0 =	vadd.f32 v1, v0;
	v1 =	vand.u32 $0xFFFF0000, v2;
	v2 =	vand.u32 $0xFFFF0000, v3;
	v3 =	vld [tilespmem:s5+$0xDA20]  }
0x33e: {  	s14 =	sadd.s32 s0, s1;
	v1 =	vadd.f32 v2, v1  }
0x33f: {  	[tilespmem:s14+$0x0] =	vst v0  }
0x340: {  	[tilespmem:s14+$0x10] =	vst v1  }
0x341: {  	v0 =	vld [tilespmem:s25+$0x210]  }
0x342: {  	v2 =	vshll.u32 v4, $0x10;
	v1 =	vld [tilespmem:s12+$0xDA10];
	v5 =	vshll.u32 v3, $0x10  }
0x343: {  	v4 =	vand.u32 $0xFFFF0000, v4;
	v3 =	vand.u32 $0xFFFF0000, v3;
	v2 =	vadd.f32 v5, v2  }
0x344: {  	v3 =	vadd.f32 v3, v4  }
0x345: {  	[tilespmem:s3+$0x40] =	vst v2  }
0x346: {  	[tilespmem:s3+$0x50] =	vst v3  }
0x347: {  	v2 =	vshll.u32 v0, $0x10;
	v3 =	vshll.u32 v1, $0x10;
	v4 =	vld [tilespmem:s10+$0x230]  }
0x348: {  	v2 =	vadd.f32 v3, v2;
	v3 =	vld [tilespmem:s5+$0xDA30];
	_ =	sdelay $0x1  }
0x349: {  	v0 =	vand.u32 $0xFFFF0000, v0;
	v1 =	vand.u32 $0xFFFF0000, v1  }
0x34a: {  	v0 =	vadd.f32 v1, v0  }
0x34b: {  	s23 =	simm.s32 $0x130;
	[tilespmem:s14+$0x20] =	vst v2  }
0x34c: {  	v6 =	vld [tilespmem:s23+$0x0];
	[tilespmem:s14+$0x30] =	vst v0;
	v2 =	vshll.u32 v4, $0x10;
	v5 =	vshll.u32 v3, $0x10  }
0x34d: {  	v0 =	vld [tilespmem:s25+$0x220];
	v4 =	vand.u32 $0xFFFF0000, v4;
	v3 =	vand.u32 $0xFFFF0000, v3;
	v2 =	vadd.f32 v5, v2  }
0x34e: {  	v1 =	vld [tilespmem:s12+$0xDA20];
	v3 =	vadd.f32 v3, v4  }
0x34f: {  	[tilespmem:s3+$0x60] =	vst v2  }
0x350: {  	[tilespmem:s3+$0x70] =	vst v3  }
0x351: {  	(v2sf) =	vpush v6, $0x1;
	v3 =	vld [tilespmem:s10+$0x240]  }
0x352: {  	(v2sf) =	vpush v6, $0x4;
	v5 =	vmul.u32 $0x6, v6;
	v7 =	vld [tilespmem:s5+$0xDA40]  }
0x353: {  	v2 =	vshll.u32 v0, $0x10;
	v4 =	vshll.u32 v1, $0x10;
	v0 =	vand.u32 $0xFFFF0000, v0  }
0x354: {  	v1 =	vand.u32 $0xFFFF0000, v1;
	(v2sf) =	vpush v5, $0x0;
	v2 =	vadd.f32 v4, v2  }
0x355: {  	v0 =	vadd.f32 v1, v0;
	(v2sf) =	vpush v5, $0x3  }
0x356: {  	(v2sf) =	vpush v6, $0x2;
	[tilespmem:s14+$0x40] =	vst v2  }
0x357: {  	[tilespmem:s14+$0x50] =	vst v0;
	(v2sf) =	vpush v6, $0x5;
	v0 =	vshll.u32 v3, $0x10;
	v2 =	vshll.u32 v7, $0x10  }
0x358: {  	v1 =	vld [tilespmem:s23+$0xFFFFFFF0];
	v0 =	vadd.f32 v2, v0;
	v2 =	vand.u32 $0xFFFF0000, v3;
	v3 =	vand.u32 $0xFFFF0000, v7  }
0x359: {  	v4 =	vld [tilespmem:s25+$0x230];
	v2 =	vadd.f32 v3, v2  }
0x35a: {  	v5 =	vld [tilespmem:s12+$0xDA30];
	[tilespmem:s3+$0x400] =	vst v0  }
0x35b: {  	[tilespmem:s3+$0x410] =	vst v2  }
0x35c: {  	v0 =	vld [tilespmem:s10+$0x250]  }
0x35d: {  	v2 =	vmul.u32 $0x6, v1;
	v3 =	vld [tilespmem:s5+$0xDA50]  }
0x35e: {  	v6 =	vshll.u32 v4, $0x10  }
0x35f: {  	v7 =	vshll.u32 v5, $0x10;
	v4 =	vand.u32 $0xFFFF0000, v4;
	(v2sf) =	vpush v2, $0x0  }
0x360: {  	v5 =	vand.u32 $0xFFFF0000, v5;
	v6 =	vadd.f32 v7, v6;
	(v2sf) =	vpush v2, $0x3  }
0x361: {  	s24 =	spop (v2sf);
	v2 =	vadd.f32 v5, v4;
	(v2sf) =	vpush v1, $0x1  }
0x362: {  	s26 =	spop (v2sf);
	(v2sf) =	vpush v1, $0x4;
	v4 =	vshll.u32 v0, $0x10;
	v5 =	vshll.u32 v3, $0x10  }
0x363: {  	[tilespmem:s14+$0x60] =	vst v6;
	s6 =	spop (v2sf);
	v0 =	vand.u32 $0xFFFF0000, v0;
	v3 =	vand.u32 $0xFFFF0000, v3;
	v4 =	vadd.f32 v5, v4  }
0x364: {  	[tilespmem:s14+$0x70] =	vst v2;
	s7 =	spop (v2sf);
	s0 =	sadd.s32 s24, s6;
	v0 =	vadd.f32 v3, v0  }
0x365: {  	v2 =	vld [tilespmem:s25+$0x240];
	(v2sf) =	vpush v1, $0x2;
	s0 =	smul.u32 $0x6, s0;
	s1 =	sadd.s32 s26, s7;
	[tilespmem:s3+$0x420] =	vst v4  }
0x366: {  	v3 =	vld [tilespmem:s12+$0xDA40];
	(v2sf) =	vpush v1, $0x5;
	s8 =	spop (v2sf);
	s1 =	smul.u32 $0x6, s1;
	[tilespmem:s3+$0x430] =	vst v0  }
0x367: {  	s9 =	spop (v2sf);
	s0 =	sadd.s32 s8, s0;
	v0 =	vld [tilespmem:s10+$0x260]  }
0x368: {  	s1 =	sadd.s32 s9, s1;
	s0 =	sshll.u32 s0, $0xA;
	v1 =	vld [tilespmem:s5+$0xDA60]  }
0x369: {  	s2 =	sshra.s32 s0, $0x2;
	s11 =	sshll.u32 s1, $0xA  }
0x36a: {  	v4 =	vld [tilespmem:s2+$0x200];
	s0 =	sshra.s32 s11, $0x2  }
0x36b: {  	v5 =	vshll.u32 v2, $0x10;
	v6 =	vshll.u32 v3, $0x10;
	v7 =	vld [tilespmem:s0+$0xDA00]  }
0x36c: {  	v2 =	vand.u32 $0xFFFF0000, v2;
	v3 =	vand.u32 $0xFFFF0000, v3;
	v5 =	vadd.f32 v6, v5  }
0x36d: {  	v2 =	vadd.f32 v3, v2;
	v3 =	vshll.u32 v0, $0x10;
	v6 =	vshll.u32 v1, $0x10  }
0x36e: {  	[tilespmem:s14+$0x400] =	vst v5;
	v0 =	vand.u32 $0xFFFF0000, v0;
	v1 =	vand.u32 $0xFFFF0000, v1;
	v3 =	vadd.f32 v6, v3  }
0x36f: {  	s15 =	simm.s32 $0x400;
	[tilespmem:s14+$0x410] =	vst v2;
	v0 =	vadd.f32 v1, v0;
	s13 =	spop (v2sf)  }
0x370: {  	s8 =	simm.s32 $0x180;
	s1 =	sand.u32 $0x1000, s15;
	v1 =	vld [tilespmem:s25+$0x250];
	v2 =	vshll.u32 v4, $0x10;
	s16 =	spop (v2sf);
	v5 =	vshll.u32 v7, $0x10;
	[tilespmem:s3+$0x440] =	vst v3  }
0x371: {  	s8 =	sand.u32 $0x380, s8;
	s1 =	sadd.s32 $0x1D200, s1;
	v4 =	vand.u32 $0xFFFF0000, v4;
	v3 =	vld [tilespmem:s12+$0xDA50];
	[tilespmem:s3+$0x450] =	vst v0;
	s9 =	spop (v2sf);
	v2 =	vadd.f32 v5, v2;
	v5 =	vand.u32 $0xFFFF0000, v7  }
0x372: {  	s15 =	sadd.s32 s8, s1;
	s6 =	sadd.s32 s9, s13;
	s17 =	spop (v2sf);
	v0 =	vadd.f32 v5, v4;
	v4 =	vld [tilespmem:s10+$0x270]  }
0x373: {  	s6 =	smul.u32 $0x6, s6;
	s7 =	sadd.s32 s17, s16;
	[tilespmem:s15+$0x0] =	vst v2;
	v2 =	vld [tilespmem:s5+$0xDA70]  }
0x374: {  	s18 =	spop (v2sf);
	s7 =	smul.u32 $0x6, s7;
	[tilespmem:s15+$0x10] =	vst v0  }
0x375: {  	s19 =	spop (v2sf);
	s6 =	sadd.s32 s18, s6;
	v0 =	vld [tilespmem:s2+$0x210]  }
0x376: {  	v5 =	vshll.u32 v1, $0x10;
	v6 =	vshll.u32 v3, $0x10;
	v7 =	vld [tilespmem:s0+$0xDA10];
	s6 =	sshll.u32 s6, $0xA;
	s7 =	sadd.s32 s19, s7  }
0x377: {  	v1 =	vand.u32 $0xFFFF0000, v1;
	v3 =	vand.u32 $0xFFFF0000, v3;
	v5 =	vadd.f32 v6, v5;
	s30 =	sshra.s32 s6, $0x2;
	s20 =	sshll.u32 s7, $0xA  }
0x378: {  	v1 =	vadd.f32 v3, v1;
	v6 =	vshll.u32 v4, $0x10;
	s22 =	sshra.s32 s20, $0x2;
	v3 =	vld [tilespmem:s30+$0x200];
	v8 =	vshll.u32 v2, $0x10  }
0x379: {  	v4 =	vand.u32 $0xFFFF0000, v4;
	[tilespmem:s14+$0x420] =	vst v5;
	v2 =	vand.u32 $0xFFFF0000, v2;
	v5 =	vld [tilespmem:s22+$0xDA00];
	v6 =	vadd.f32 v8, v6  }
0x37a: {  	[tilespmem:s14+$0x430] =	vst v1;
	v1 =	vadd.f32 v2, v4  }
0x37b: {  	v2 =	vshll.u32 v0, $0x10;
	v4 =	vshll.u32 v7, $0x10;
	[tilespmem:s3+$0x460] =	vst v6  }
0x37c: {  	v8 =	vld [tilespmem:s12+$0xDA60];
	v0 =	vand.u32 $0xFFFF0000, v0;
	v2 =	vadd.f32 v4, v2;
	v4 =	vand.u32 $0xFFFF0000, v7;
	[tilespmem:s3+$0x470] =	vst v1  }
0x37d: {  	v0 =	vadd.f32 v4, v0;
	v1 =	vld [tilespmem:s10+$0x280]  }
0x37e: {  	s21 =	simm.s32 $0x100;
	v4 =	vshll.u32 v3, $0x10;
	[tilespmem:s15+$0x20] =	vst v2;
	v2 =	vld [tilespmem:s5+$0xDA80];
	v7 =	vshll.u32 v5, $0x10  }
0x37f: {  	s6 =	sand.u32 $0x300, s21;
	v6 =	vld [tilespmem:s25+$0x260];
	v3 =	vand.u32 $0xFFFF0000, v3;
	v5 =	vand.u32 $0xFFFF0000, v5;
	[tilespmem:s15+$0x30] =	vst v0;
	v4 =	vadd.f32 v7, v4  }
0x380: {  	s1 =	sadd.s32 s6, s1;
	v0 =	vadd.f32 v5, v3;
	v3 =	vld [tilespmem:s2+$0x220]  }
0x381: {  	[tilespmem:s1+$0x0] =	vst v4;
	v4 =	vld [tilespmem:s0+$0xDA20]  }
0x382: {  	[tilespmem:s1+$0x10] =	vst v0  }
0x383: {  	v5 =	vshll.u32 v1, $0x10;
	v0 =	vld [tilespmem:s30+$0x210];
	v7 =	vshll.u32 v2, $0x10  }
0x384: {  	v1 =	vand.u32 $0xFFFF0000, v1;
	v9 =	vld [tilespmem:s22+$0xDA10];
	v2 =	vand.u32 $0xFFFF0000, v2;
	v5 =	vadd.f32 v7, v5  }
0x385: {  	v10 =	vshll.u32 v8, $0x10;
	v7 =	vshll.u32 v6, $0x10;
	v1 =	vadd.f32 v2, v1  }
0x386: {  	v2 =	vadd.f32 v10, v7;
	v7 =	vshll.u32 v3, $0x10;
	[tilespmem:s3+$0x800] =	vst v5;
	v10 =	vshll.u32 v4, $0x10  }
0x387: {  	v3 =	vand.u32 $0xFFFF0000, v3;
	[tilespmem:s3+$0x810] =	vst v1;
	v4 =	vand.u32 $0xFFFF0000, v4;
	v5 =	vadd.f32 v10, v7  }
0x388: {  	v1 =	vand.u32 $0xFFFF0000, v6;
	v6 =	vand.u32 $0xFFFF0000, v8;
	[tilespmem:s14+$0x440] =	vst v2;
	v2 =	vadd.f32 v4, v3  }
0x389: {  	v1 =	vadd.f32 v6, v1;
	v3 =	vld [tilespmem:s10+$0x290];
	v4 =	vshll.u32 v0, $0x10;
	v6 =	vshll.u32 v9, $0x10;
	[tilespmem:s15+$0x40] =	vst v5  }
0x38a: {  	v0 =	vand.u32 $0xFFFF0000, v0;
	v4 =	vadd.f32 v6, v4;
	v6 =	vand.u32 $0xFFFF0000, v9;
	v5 =	vld [tilespmem:s5+$0xDA90];
	[tilespmem:s15+$0x50] =	vst v2  }
0x38b: {  	[tilespmem:s14+$0x450] =	vst v1;
	v0 =	vadd.f32 v6, v0;
	v1 =	vld [tilespmem:s2+$0x230]  }
0x38c: {  	[tilespmem:s1+$0x20] =	vst v4;
	v2 =	vld [tilespmem:s0+$0xDA30]  }
0x38d: {  	v4 =	vld [tilespmem:s25+$0x270];
	[tilespmem:s1+$0x30] =	vst v0  }
0x38e: {  	v0 =	vld [tilespmem:s30+$0x220];
	v6 =	vshll.u32 v3, $0x10  }
0x38f: {  	v8 =	vld [tilespmem:s22+$0xDA20];
	v3 =	vand.u32 $0xFFFF0000, v3;
	v7 =	vshll.u32 v5, $0x10;
	v5 =	vand.u32 $0xFFFF0000, v5  }
0x390: {  	s23 =	simm.s32 $0x150;
	v6 =	vadd.f32 v7, v6;
	v7 =	vld [tilespmem:s12+$0xDA70];
	v3 =	vadd.f32 v5, v3;
	v9 =	vshll.u32 v1, $0x10  }
0x391: {  	v5 =	vld [tilespmem:s23+$0x0];
	v10 =	vshll.u32 v2, $0x10;
	v1 =	vand.u32 $0xFFFF0000, v1;
	v2 =	vand.u32 $0xFFFF0000, v2  }
0x392: {  	v1 =	vadd.f32 v2, v1;
	[tilespmem:s3+$0x820] =	vst v6  }
0x393: {  	v6 =	vadd.f32 v10, v9;
	[tilespmem:s3+$0x830] =	vst v3;
	v3 =	vshll.u32 v4, $0x10;
	v9 =	vshll.u32 v0, $0x10  }
0x394: {  	v10 =	vshll.u32 v8, $0x10;
	v0 =	vand.u32 $0xFFFF0000, v0;
	v8 =	vand.u32 $0xFFFF0000, v8;
	v2 =	vld [tilespmem:s10+$0x2A0];
	[tilespmem:s15+$0x70] =	vst v1  }
0x395: {  	v4 =	vand.u32 $0xFFFF0000, v4;
	v9 =	vadd.f32 v10, v9;
	v0 =	vadd.f32 v8, v0;
	[tilespmem:s15+$0x60] =	vst v6;
	v6 =	vld [tilespmem:s5+$0xDAA0]  }
0x396: {  	v1 =	vshll.u32 v7, $0x10;
	v8 =	vmul.u32 $0x6, v5;
	(v2sf) =	vpush v5, $0x1;
	v10 =	vld [tilespmem:s2+$0x240]  }
0x397: {  	v7 =	vand.u32 $0xFFFF0000, v7;
	[tilespmem:s1+$0x40] =	vst v9;
	v1 =	vadd.f32 v1, v3;
	(v2sf) =	vpush v5, $0x4;
	v3 =	vld [tilespmem:s0+$0xDA40]  }
0x398: {  	[tilespmem:s1+$0x50] =	vst v0;
	v4 =	vadd.f32 v7, v4;
	(v2sf) =	vpush v8, $0x0  }
0x399: {  	v7 =	vld [tilespmem:s23+$0xFFFFFFF0];
	(v2sf) =	vpush v8, $0x3;
	v0 =	vshll.u32 v2, $0x10;
	[tilespmem:s14+$0x460] =	vst v1;
	v1 =	vand.u32 $0xFFFF0000, v2  }
0x39a: {  	v9 =	vld [tilespmem:s30+$0x230];
	v8 =	vshll.u32 v6, $0x10;
	v2 =	vand.u32 $0xFFFF0000, v6;
	(v2sf) =	vpush v5, $0x2  }
0x39b: {  	v6 =	vld [tilespmem:s22+$0xDA30];
	v0 =	vadd.f32 v8, v0;
	v1 =	vadd.f32 v2, v1  }
0x39c: {  	[tilespmem:s14+$0x470] =	vst v4;
	(v2sf) =	vpush v5, $0x5;
	v4 =	vshll.u32 v10, $0x10;
	v5 =	vshll.u32 v3, $0x10  }
0x39d: {  	v2 =	vld [tilespmem:s25+$0x280];
	v3 =	vand.u32 $0xFFFF0000, v3;
	[tilespmem:s3+$0x840] =	vst v0;
	v0 =	vadd.f32 v5, v4;
	v4 =	vand.u32 $0xFFFF0000, v10  }
0x39e: {  	v8 =	vld [tilespmem:s12+$0xDA80];
	[tilespmem:s3+$0x850] =	vst v1;
	v1 =	vadd.f32 v3, v4  }
0x39f: {  	v3 =	vmul.u32 $0x6, v7;
	v4 =	vshll.u32 v9, $0x10;
	v5 =	vld [tilespmem:s10+$0x2B0];
	[tilespmem:s15+$0x400] =	vst v0  }
0x3a0: {  	v9 =	vand.u32 $0xFFFF0000, v9;
	v10 =	vld [tilespmem:s5+$0xDAB0];
	v0 =	vshll.u32 v6, $0x10;
	v6 =	vand.u32 $0xFFFF0000, v6;
	[tilespmem:s15+$0x410] =	vst v1  }
0x3a1: {  	v0 =	vadd.f32 v0, v4;
	v1 =	vadd.f32 v6, v9;
	v6 =	vld [tilespmem:s2+$0x250]  }
0x3a2: {  	v4 =	vshll.u32 v2, $0x10;
	(v2sf) =	vpush v3, $0x0;
	v11 =	vld [tilespmem:s0+$0xDA50]  }
0x3a3: {  	v9 =	vshll.u32 v8, $0x10;
	v2 =	vand.u32 $0xFFFF0000, v2;
	(v2sf) =	vpush v3, $0x3;
	[tilespmem:s1+$0x60] =	vst v0  }
0x3a4: {  	v3 =	vadd.f32 v9, v4;
	v0 =	vand.u32 $0xFFFF0000, v8;
	[tilespmem:s1+$0x70] =	vst v1;
	(v2sf) =	vpush v7, $0x1  }
0x3a5: {  	v0 =	vadd.f32 v0, v2;
	v1 =	vld [tilespmem:s30+$0x240];
	v2 =	vshll.u32 v5, $0x10;
	v4 =	vshll.u32 v10, $0x10;
	s24 =	spop (v2sf)  }
0x3a6: {  	v8 =	vld [tilespmem:s22+$0xDA40];
	[tilespmem:s14+$0x800] =	vst v3;
	v3 =	vand.u32 $0xFFFF0000, v5;
	v2 =	vadd.f32 v4, v2;
	v4 =	vand.u32 $0xFFFF0000, v10;
	s26 =	spop (v2sf)  }
0x3a7: {  	[tilespmem:s14+$0x810] =	vst v0;
	v0 =	vadd.f32 v4, v3;
	v3 =	vshll.u32 v6, $0x10;
	v4 =	vshll.u32 v11, $0x10;
	s9 =	spop (v2sf)  }
0x3a8: {  	v5 =	vld [tilespmem:s25+$0x290];
	[tilespmem:s3+$0x860] =	vst v2;
	v2 =	vadd.f32 v4, v3;
	v3 =	vand.u32 $0xFFFF0000, v6;
	v4 =	vand.u32 $0xFFFF0000, v11;
	s11 =	spop (v2sf);
	s6 =	sadd.s32 s24, s9  }
0x3a9: {  	(v2sf) =	vpush v7, $0x4;
	v6 =	vld [tilespmem:s12+$0xDA90];
	[tilespmem:s3+$0x870] =	vst v0;
	v0 =	vadd.f32 v4, v3;
	s13 =	smul.u32 $0x6, s6;
	s16 =	sadd.s32 s26, s11  }
0x3aa: {  	(v2sf) =	vpush v7, $0x2;
	v3 =	vld [tilespmem:s10+$0x2C0];
	s17 =	spop (v2sf);
	[tilespmem:s15+$0x420] =	vst v2;
	s6 =	smul.u32 $0x6, s16  }
0x3ab: {  	(v2sf) =	vpush v7, $0x5;
	v4 =	vshll.u32 v8, $0x10;
	v7 =	vld [tilespmem:s5+$0xDAC0];
	v2 =	vshll.u32 v1, $0x10;
	s18 =	spop (v2sf);
	[tilespmem:s15+$0x430] =	vst v0;
	s3 =	sadd.s32 s17, s13  }
0x3ac: {  	v1 =	vand.u32 $0xFFFF0000, v1;
	v0 =	vadd.f32 v4, v2;
	v2 =	vand.u32 $0xFFFF0000, v8;
	v4 =	vld [tilespmem:s2+$0x260];
	s6 =	sadd.s32 s18, s6;
	s3 =	sshll.u32 s3, $0xA  }
0x3ad: {  	v1 =	vadd.f32 v2, v1;
	v2 =	vld [tilespmem:s0+$0xDA60];
	s9 =	sshra.s32 s3, $0x2;
	s19 =	sshll.u32 s6, $0xA  }
0x3ae: {  	v8 =	vshll.u32 v5, $0x10;
	[tilespmem:s1+$0x400] =	vst v0;
	v0 =	vshll.u32 v6, $0x10;
	v9 =	vld [tilespmem:s9+$0x200];
	s6 =	sshra.s32 s19, $0x2  }
0x3af: {  	s20 =	sand.u32 $0x7, s4;
	v5 =	vand.u32 $0xFFFF0000, v5;
	v6 =	vand.u32 $0xFFFF0000, v6;
	[tilespmem:s1+$0x410] =	vst v1;
	v0 =	vadd.f32 v0, v8;
	v1 =	vld [tilespmem:s6+$0xDA00]  }
0x3b0: {  	v5 =	vadd.f32 v6, v5;
	s3 =	sshll.u32 s20, $0x7;
	v8 =	vshll.u32 v3, $0x10;
	v10 =	vshll.u32 v7, $0x10  }
0x3b1: {  	v3 =	vand.u32 $0xFFFF0000, v3;
	v7 =	vand.u32 $0xFFFF0000, v7;
	v6 =	vld [tilespmem:s30+$0x250];
	s7 =	sadd.s32 $0x80, s3;
	[tilespmem:s14+$0x820] =	vst v0;
	v0 =	vadd.f32 v10, v8  }
0x3b2: {  	v3 =	vadd.f32 v7, v3;
	v8 =	vld [tilespmem:s22+$0xDA50];
	[tilespmem:s14+$0x830] =	vst v5;
	s3 =	sor.u32 $0xC00, s7;
	v5 =	vshll.u32 v4, $0x10;
	v7 =	vshll.u32 v2, $0x10  }
0x3b3: {  	s23 =	simm.s32 $0x800;
	s21 =	sor.u32 $0xC10, s7;
	v4 =	vand.u32 $0xFFFF0000, v4;
	v2 =	vand.u32 $0xFFFF0000, v2;
	[tilespmem:s3+$0x1D200] =	vst v0;
	v0 =	vadd.f32 v7, v5  }
0x3b4: {  	s24 =	sand.u32 $0x1000, s23;
	s16 =	simm.s32 $0x280;
	v2 =	vadd.f32 v2, v4;
	[tilespmem:s21+$0x1D200] =	vst v3;
	v3 =	vshll.u32 v9, $0x10;
	v4 =	vshll.u32 v1, $0x10  }
0x3b5: {  	s8 =	sadd.s32 $0x1D200, s24;
	s26 =	sand.u32 $0x380, s16;
	[tilespmem:s15+$0x440] =	vst v0;
	v1 =	vand.u32 $0xFFFF0000, v1;
	v0 =	vadd.f32 v4, v3;
	v3 =	vand.u32 $0xFFFF0000, v9  }
0x3b6: {  	s16 =	sadd.s32 s26, s8;
	[tilespmem:s15+$0x450] =	vst v2;
	v1 =	vadd.f32 v1, v3  }
0x3b7: {  	v2 =	vshll.u32 v8, $0x10;
	v4 =	vshll.u32 v6, $0x10;
	[tilespmem:s16+$0x0] =	vst v0  }
0x3b8: {  	v0 =	vadd.f32 v2, v4;
	[tilespmem:s16+$0x10] =	vst v1  }
0x3b9: {  	v1 =	vld [tilespmem:s9+$0x210]  }
0x3ba: {  	[tilespmem:s1+$0x420] =	vst v0;
	v0 =	vld [tilespmem:s6+$0xDA10];
	_ =	sdelay $0x4  }
0x3bb: {  	s11 =	spop (v2sf);
	v4 =	vshll.u32 v1, $0x10;
	v11 =	vshll.u32 v0, $0x10  }
0x3bc: {  	s17 =	spop (v2sf);
	v1 =	vand.u32 $0xFFFF0000, v1;
	v0 =	vand.u32 $0xFFFF0000, v0;
	v4 =	vadd.f32 v11, v4  }
0x3bd: {  	v10 =	vld [tilespmem:s25+$0x2A0];
	s18 =	spop (v2sf);
	v0 =	vadd.f32 v0, v1  }
0x3be: {  	v5 =	vld [tilespmem:s12+$0xDAA0];
	s13 =	spop (v2sf);
	[tilespmem:s16+$0x20] =	vst v4  }
0x3bf: {  	v7 =	vld [tilespmem:s10+$0x2D0];
	s3 =	sadd.s32 s13, s17;
	[tilespmem:s16+$0x30] =	vst v0  }
0x3c0: {  	s11 =	sadd.s32 s18, s11;
	s3 =	smul.u32 $0x6, s3;
	s19 =	spop (v2sf);
	v0 =	vld [tilespmem:s9+$0x220]  }
0x3c1: {  	s11 =	smul.u32 $0x6, s11;
	s20 =	spop (v2sf);
	v1 =	vld [tilespmem:s6+$0xDA20]  }
0x3c2: {  	v9 =	vld [tilespmem:s5+$0xDAD0];
	s3 =	sadd.s32 s20, s3  }
0x3c3: {  	v3 =	vld [tilespmem:s2+$0x270];
	s11 =	sadd.s32 s19, s11;
	s19 =	sshll.u32 s3, $0xA;
	s3 =	simm.s32 $0x170  }
0x3c4: {  	v13 =	vld [tilespmem:s3+$0x0];
	v4 =	vand.u32 $0xFFFF0000, v6;
	v6 =	vand.u32 $0xFFFF0000, v8  }
0x3c5: {  	v2 =	vld [tilespmem:s0+$0xDA70];
	s11 =	sshll.u32 s11, $0xA;
	s23 =	sshra.s32 s19, $0x2;
	v8 =	vshll.u32 v5, $0x10;
	v4 =	vadd.f32 v6, v4;
	v6 =	vshll.u32 v10, $0x10  }
0x3c6: {  	s21 =	sshra.s32 s11, $0x2;
	v14 =	vld [tilespmem:s23+$0xDA00];
	v6 =	vadd.f32 v8, v6;
	v8 =	vshll.u32 v0, $0x10;
	v12 =	vshll.u32 v1, $0x10  }
0x3c7: {  	v11 =	vld [tilespmem:s21+$0x200];
	v0 =	vand.u32 $0xFFFF0000, v0;
	v1 =	vand.u32 $0xFFFF0000, v1;
	v8 =	vadd.f32 v12, v8  }
0x3c8: {  	v15 =	vshll.u32 v9, $0x10;
	v12 =	vshll.u32 v7, $0x10;
	v0 =	vadd.f32 v1, v0  }
0x3c9: {  	(v2sf) =	vpush v13, $0x1;
	v1 =	vadd.f32 v15, v12;
	v12 =	vshll.u32 v3, $0x10;
	[tilespmem:s16+$0x40] =	vst v8  }
0x3ca: {  	v15 =	vshll.u32 v2, $0x10;
	v3 =	vand.u32 $0xFFFF0000, v3;
	v2 =	vand.u32 $0xFFFF0000, v2;
	[tilespmem:s16+$0x50] =	vst v0  }
0x3cb: {  	[tilespmem:s1+$0x430] =	vst v4;
	v8 =	vadd.f32 v15, v12;
	v0 =	vadd.f32 v2, v3;
	v3 =	vmul.u32 $0x6, v13;
	v2 =	vld [tilespmem:s9+$0x230]  }
0x3cc: {  	(v2sf) =	vpush v13, $0x4;
	v4 =	vshll.u32 v11, $0x10;
	[tilespmem:s14+$0x840] =	vst v6;
	v12 =	vshll.u32 v14, $0x10;
	v15 =	vld [tilespmem:s6+$0xDA30]  }
0x3cd: {  	s20 =	simm.s32 $0x200;
	v16 =	vld [tilespmem:s30+$0x260];
	v4 =	vadd.f32 v12, v4;
	[tilespmem:s15+$0x460] =	vst v8;
	(v2sf) =	vpush v3, $0x0  }
0x3ce: {  	s24 =	sor.u32 $0xC20, s7;
	s11 =	sand.u32 $0x300, s20;
	v8 =	vld [tilespmem:s22+$0xDA60];
	[tilespmem:s15+$0x470] =	vst v0;
	v0 =	vand.u32 $0xFFFF0000, v11;
	v11 =	vand.u32 $0xFFFF0000, v14;
	(v2sf) =	vpush v3, $0x3  }
0x3cf: {  	s8 =	sadd.s32 s11, s8;
	[tilespmem:s24+$0x1D200] =	vst v1;
	v3 =	vand.u32 $0xFFFF0000, v7;
	v7 =	vand.u32 $0xFFFF0000, v9;
	v6 =	vld [tilespmem:s2+$0x280];
	v0 =	vadd.f32 v11, v0  }
0x3d0: {  	[tilespmem:s8+$0x0] =	vst v4;
	v3 =	vadd.f32 v7, v3;
	v7 =	vld [tilespmem:s0+$0xDA80];
	(v2sf) =	vpush v13, $0x2  }
0x3d1: {  	s26 =	sor.u32 $0xC30, s7;
	[tilespmem:s8+$0x10] =	vst v0;
	(v2sf) =	vpush v13, $0x5;
	v0 =	vshll.u32 v2, $0x10;
	v4 =	vshll.u32 v15, $0x10  }
0x3d2: {  	v1 =	vld [tilespmem:s21+$0x210];
	v2 =	vand.u32 $0xFFFF0000, v2;
	[tilespmem:s26+$0x1D200] =	vst v3;
	v0 =	vadd.f32 v4, v0;
	v4 =	vand.u32 $0xFFFF0000, v15  }
0x3d3: {  	v5 =	vand.u32 $0xFFFF0000, v5;
	v9 =	vand.u32 $0xFFFF0000, v10;
	v3 =	vld [tilespmem:s23+$0xDA10];
	v2 =	vadd.f32 v4, v2  }
0x3d4: {  	v10 =	vshll.u32 v8, $0x10;
	v4 =	vadd.f32 v5, v9;
	v5 =	vld [tilespmem:s10+$0x2E0];
	v9 =	vshll.u32 v16, $0x10;
	[tilespmem:s16+$0x60] =	vst v0  }
0x3d5: {  	v0 =	vld [tilespmem:s5+$0xDAE0];
	v9 =	vadd.f32 v10, v9;
	v10 =	vshll.u32 v6, $0x10;
	v11 =	vshll.u32 v7, $0x10;
	[tilespmem:s16+$0x70] =	vst v2  }
0x3d6: {  	[tilespmem:s14+$0x850] =	vst v4;
	v2 =	vadd.f32 v11, v10;
	v4 =	vand.u32 $0xFFFF0000, v6;
	v6 =	vand.u32 $0xFFFF0000, v7;
	v7 =	vld [tilespmem:s9+$0x240]  }
0x3d7: {  	v8 =	vand.u32 $0xFFFF0000, v8;
	v10 =	vand.u32 $0xFFFF0000, v16;
	[tilespmem:s1+$0x440] =	vst v9;
	v4 =	vadd.f32 v6, v4;
	v6 =	vld [tilespmem:s6+$0xDA40]  }
0x3d8: {  	v9 =	vld [tilespmem:s25+$0x2B0];
	v8 =	vadd.f32 v8, v10;
	[tilespmem:s15+$0x800] =	vst v2;
	v2 =	vshll.u32 v1, $0x10;
	v10 =	vshll.u32 v3, $0x10  }
0x3d9: {  	v11 =	vld [tilespmem:s12+$0xDAB0];
	v1 =	vand.u32 $0xFFFF0000, v1;
	v3 =	vand.u32 $0xFFFF0000, v3;
	[tilespmem:s15+$0x810] =	vst v4;
	v2 =	vadd.f32 v10, v2  }
0x3da: {  	v4 =	vshll.u32 v5, $0x10;
	[tilespmem:s1+$0x450] =	vst v8;
	v1 =	vadd.f32 v3, v1;
	v10 =	vshll.u32 v0, $0x10;
	v8 =	vld [tilespmem:s2+$0x290]  }
0x3db: {  	s11 =	spop (v2sf);
	v3 =	vadd.f32 v10, v4;
	v4 =	vand.u32 $0xFFFF0000, v5;
	v5 =	vld [tilespmem:s0+$0xDA90];
	[tilespmem:s8+$0x20] =	vst v2  }
0x3dc: {  	s13 =	spop (v2sf);
	v0 =	vand.u32 $0xFFFF0000, v0;
	v2 =	vld [tilespmem:s30+$0x270];
	[tilespmem:s8+$0x30] =	vst v1;
	v1 =	vshll.u32 v7, $0x10;
	v10 =	vshll.u32 v6, $0x10  }
0x3dd: {  	v12 =	vld [tilespmem:s21+$0x220];
	v7 =	vand.u32 $0xFFFF0000, v7;
	v6 =	vand.u32 $0xFFFF0000, v6;
	v0 =	vadd.f32 v0, v4;
	s19 =	spop (v2sf)  }
0x3de: {  	v4 =	vshll.u32 v9, $0x10;
	v1 =	vadd.f32 v10, v1;
	v10 =	vld [tilespmem:s23+$0xDA20];
	v6 =	vadd.f32 v6, v7;
	s20 =	spop (v2sf);
	s11 =	sadd.s32 s11, s19  }
0x3df: {  	v7 =	vand.u32 $0xFFFF0000, v9;
	v9 =	vshll.u32 v11, $0x10;
	v11 =	vand.u32 $0xFFFF0000, v11;
	s11 =	smul.u32 $0x6, s11;
	s17 =	sadd.s32 s13, s20  }
0x3e0: {  	v13 =	vld [tilespmem:s22+$0xDA70];
	[tilespmem:s16+$0x400] =	vst v1;
	s24 =	spop (v2sf);
	v1 =	vadd.f32 v9, v4;
	v4 =	vshll.u32 v8, $0x10;
	s17 =	smul.u32 $0x6, s17;
	v9 =	vshll.u32 v5, $0x10  }
0x3e1: {  	v14 =	vld [tilespmem:s3+$0xFFFFFFF0];
	[tilespmem:s16+$0x410] =	vst v6;
	v6 =	vand.u32 $0xFFFF0000, v8;
	s13 =	sor.u32 $0xC40, s7;
	s26 =	spop (v2sf);
	v5 =	vand.u32 $0xFFFF0000, v5;
	s11 =	sadd.s32 s24, s11;
	v4 =	vadd.f32 v9, v4  }
0x3e2: {  	v7 =	vadd.f32 v11, v7;
	v8 =	vld [tilespmem:s9+$0x250];
	[tilespmem:s13+$0x1D200] =	vst v3;
	v5 =	vadd.f32 v5, v6;
	v9 =	vshll.u32 v2, $0x10;
	s3 =	sadd.s32 s26, s17;
	s11 =	sshll.u32 s11, $0xA  }
0x3e3: {  	v6 =	vld [tilespmem:s6+$0xDA50];
	v2 =	vand.u32 $0xFFFF0000, v2;
	v11 =	vshll.u32 v10, $0x10;
	s11 =	sshra.s32 s11, $0x2;
	s3 =	sshll.u32 s3, $0xA;
	[tilespmem:s15+$0x820] =	vst v4;
	v4 =	vshll.u32 v12, $0x10  }
0x3e4: {  	v10 =	vand.u32 $0xFFFF0000, v10;
	[tilespmem:s15+$0x830] =	vst v5;
	v5 =	vand.u32 $0xFFFF0000, v12;
	v15 =	vld [tilespmem:s11+$0x200];
	s3 =	sshra.s32 s3, $0x2;
	v4 =	vadd.f32 v11, v4  }
0x3e5: {  	[tilespmem:s14+$0x870] =	vst v7;
	v5 =	vadd.f32 v10, v5;
	v10 =	vshll.u32 v13, $0x10;
	v13 =	vand.u32 $0xFFFF0000, v13;
	v11 =	vld [tilespmem:s3+$0xDA00]  }
0x3e6: {  	v2 =	vadd.f32 v13, v2;
	[tilespmem:s8+$0x40] =	vst v4  }
0x3e7: {  	s18 =	sor.u32 $0xC50, s7;
	v12 =	vld [tilespmem:s0+$0xDAA0];
	v4 =	vadd.f32 v10, v9;
	v9 =	vmul.u32 $0x6, v14;
	[tilespmem:s8+$0x50] =	vst v5;
	v5 =	vshll.u32 v8, $0x10  }
0x3e8: {  	[tilespmem:s18+$0x1D200] =	vst v0;
	v3 =	vld [tilespmem:s2+$0x2A0];
	v10 =	vshll.u32 v6, $0x10;
	v8 =	vand.u32 $0xFFFF0000, v8;
	v6 =	vand.u32 $0xFFFF0000, v6  }
0x3e9: {  	s19 =	simm.s32 $0xC00;
	[tilespmem:s14+$0x860] =	vst v1;
	v0 =	vld [tilespmem:s21+$0x230];
	v5 =	vadd.f32 v10, v5;
	v6 =	vadd.f32 v6, v8  }
0x3ea: {  	s20 =	simm.s32 $0x380;
	s17 =	sand.u32 $0x1000, s19;
	v1 =	vld [tilespmem:s23+$0xDA30];
	[tilespmem:s1+$0x470] =	vst v2;
	(v2sf) =	vpush v9, $0x0;
	v8 =	vshll.u32 v15, $0x10;
	v10 =	vshll.u32 v11, $0x10  }
0x3eb: {  	s24 =	sand.u32 $0x380, s20;
	v13 =	vld [tilespmem:s10+$0x2F0];
	s10 =	sadd.s32 $0x1D200, s17;
	[tilespmem:s16+$0x420] =	vst v5;
	v5 =	vadd.f32 v10, v8;
	v8 =	vand.u32 $0xFFFF0000, v15;
	v10 =	vand.u32 $0xFFFF0000, v11  }
0x3ec: {  	v45 =	vshll.u32 v12, $0x10;
	[tilespmem:s16+$0x430] =	vst v6;
	(v2sf) =	vpush v9, $0x3;
	v11 =	vld [tilespmem:s5+$0xDAF0];
	s5 =	sadd.s32 s24, s10;
	v6 =	vadd.f32 v10, v8  }
0x3ed: {  	(v2sf) =	vpush v14, $0x1;
	v15 =	vshll.u32 v3, $0x10;
	v10 =	vand.u32 $0xFFFF0000, v12;
	v12 =	vld [tilespmem:s9+$0x260];
	[tilespmem:s5+$0x0] =	vst v5  }
0x3ee: {  	v3 =	vand.u32 $0xFFFF0000, v3;
	(v2sf) =	vpush v14, $0x4;
	v8 =	vadd.f32 v45, v15;
	v5 =	vld [tilespmem:s6+$0xDA60];
	[tilespmem:s5+$0x10] =	vst v6  }
0x3ef: {  	[tilespmem:s1+$0x460] =	vst v4;
	v4 =	vshll.u32 v0, $0x10;
	v3 =	vadd.f32 v10, v3;
	v6 =	vshll.u32 v1, $0x10;
	v9 =	vld [tilespmem:s11+$0x210]  }
0x3f0: {  	v0 =	vand.u32 $0xFFFF0000, v0;
	v1 =	vand.u32 $0xFFFF0000, v1;
	[tilespmem:s15+$0x840] =	vst v8;
	v2 =	vadd.f32 v6, v4;
	v4 =	vld [tilespmem:s3+$0xDA10]  }
0x3f1: {  	v15 =	vld [tilespmem:s22+$0xDA80];
	(v2sf) =	vpush v14, $0x2;
	v0 =	vadd.f32 v1, v0;
	[tilespmem:s15+$0x850] =	vst v3  }
0x3f2: {  	v10 =	vshll.u32 v13, $0x10;
	(v2sf) =	vpush v14, $0x5;
	v6 =	vld [tilespmem:s30+$0x280];
	[tilespmem:s8+$0x60] =	vst v2  }
0x3f3: {  	v7 =	vshll.u32 v11, $0x10;
	v14 =	vld [tilespmem:s2+$0x2B0];
	v1 =	vshll.u32 v12, $0x10;
	[tilespmem:s8+$0x70] =	vst v0;
	v3 =	vshll.u32 v5, $0x10  }
0x3f4: {  	v2 =	vand.u32 $0xFFFF0000, v12;
	v46 =	vld [tilespmem:s23+$0xDA40];
	v1 =	vadd.f32 v3, v1;
	v3 =	vand.u32 $0xFFFF0000, v5  }
0x3f5: {  	v5 =	vld [tilespmem:s0+$0xDAB0];
	v0 =	vadd.f32 v3, v2;
	v2 =	vshll.u32 v9, $0x10;
	v3 =	vshll.u32 v4, $0x10  }
0x3f6: {  	[tilespmem:s16+$0x440] =	vst v1;
	v1 =	vadd.f32 v3, v2;
	v2 =	vand.u32 $0xFFFF0000, v9;
	v3 =	vand.u32 $0xFFFF0000, v4  }
0x3f7: {  	v12 =	vld [tilespmem:s21+$0x240];
	v4 =	vshll.u32 v6, $0x10;
	v9 =	vshll.u32 v15, $0x10;
	[tilespmem:s16+$0x450] =	vst v0;
	v2 =	vadd.f32 v3, v2  }
0x3f8: {  	v3 =	vand.u32 $0xFFFF0000, v6;
	v6 =	vand.u32 $0xFFFF0000, v15;
	v4 =	vadd.f32 v9, v4;
	v9 =	vld [tilespmem:s9+$0x270];
	[tilespmem:s5+$0x20] =	vst v1  }
0x3f9: {  	v0 =	vadd.f32 v7, v10;
	v1 =	vand.u32 $0xFFFF0000, v13;
	v3 =	vadd.f32 v6, v3;
	v6 =	vld [tilespmem:s6+$0xDA70];
	[tilespmem:s5+$0x30] =	vst v2  }
0x3fa: {  	v13 =	vshll.u32 v46, $0x10;
	[tilespmem:s1+$0x800] =	vst v4;
	v4 =	vshll.u32 v14, $0x10;
	v7 =	vshll.u32 v5, $0x10;
	v10 =	vld [tilespmem:s11+$0x220]  }
0x3fb: {  	v5 =	vand.u32 $0xFFFF0000, v5;
	[tilespmem:s1+$0x810] =	vst v3;
	v3 =	vadd.f32 v7, v4;
	v4 =	vand.u32 $0xFFFF0000, v14;
	v7 =	vld [tilespmem:s3+$0xDA20]  }
0x3fc: {  	v2 =	vand.u32 $0xFFFF0000, v11;
	v11 =	vld [tilespmem:s30+$0x290];
	v4 =	vadd.f32 v5, v4;
	v5 =	vshll.u32 v12, $0x10  }
0x3fd: {  	v14 =	vld [tilespmem:s22+$0xDA90];
	[tilespmem:s15+$0x860] =	vst v3;
	v3 =	vadd.f32 v13, v5;
	v5 =	vand.u32 $0xFFFF0000, v12;
	v12 =	vand.u32 $0xFFFF0000, v46  }
0x3fe: {  	v8 =	vld [tilespmem:s25+$0x2C0];
	[tilespmem:s15+$0x870] =	vst v4;
	v4 =	vadd.f32 v12, v5;
	v5 =	vshll.u32 v9, $0x10;
	v12 =	vshll.u32 v6, $0x10  }
0x3ff: {  	s26 =	spop (v2sf);
	v13 =	vld [tilespmem:s12+$0xDAC0];
	v6 =	vand.u32 $0xFFFF0000, v6;
	[tilespmem:s8+$0x400] =	vst v3;
	v3 =	vadd.f32 v12, v5;
	v5 =	vand.u32 $0xFFFF0000, v9  }
0x400: {  	s4 =	sand.u32 $0x3, s4;
	s13 =	spop (v2sf);
	v15 =	vld [tilespmem:s2+$0x2C0];
	[tilespmem:s8+$0x410] =	vst v4;
	v4 =	vadd.f32 v6, v5;
	v5 =	vshll.u32 v10, $0x10;
	v6 =	vshll.u32 v7, $0x10  }
0x401: {  	s4 =	sshll.u32 s4, $0x8;
	s14 =	spop (v2sf);
	v1 =	vadd.f32 v2, v1;
	v9 =	vld [tilespmem:s0+$0xDAC0];
	[tilespmem:s16+$0x460] =	vst v3;
	v3 =	vadd.f32 v6, v5;
	v5 =	vand.u32 $0xFFFF0000, v10  }
0x402: {  	s28 =	sadd.s32 $0x0, s4;
	s19 =	spop (v2sf);
	s15 =	sadd.s32 s14, s26;
	v12 =	vld [tilespmem:s21+$0x250];
	v6 =	vand.u32 $0xFFFF0000, v7;
	v7 =	vshll.u32 v11, $0x10;
	v10 =	vshll.u32 v14, $0x10  }
0x403: {  	s18 =	sor.u32 $0xC00, s28;
	s4 =	smul.u32 $0x6, s15;
	s15 =	sadd.s32 s19, s13;
	v47 =	vld [tilespmem:s23+$0xDA50];
	[tilespmem:s16+$0x470] =	vst v4;
	v4 =	vadd.f32 v6, v5;
	v5 =	vand.u32 $0xFFFF0000, v11;
	v6 =	vand.u32 $0xFFFF0000, v14  }
0x404: {  	s20 =	simm.s32 $0x2;
	v2 =	vshll.u32 v8, $0x10;
	s24 =	spop (v2sf);
	s15 =	smul.u32 $0x6, s15;
	v7 =	vadd.f32 v10, v7;
	v10 =	vld [tilespmem:s9+$0x280];
	[tilespmem:s5+$0x40] =	vst v3;
	v3 =	vadd.f32 v6, v5  }
0x405: {  	s17 =	sand.u32 $0x7, s20;
	s26 =	spop (v2sf);
	s4 =	sadd.s32 s24, s4;
	v5 =	vld [tilespmem:s6+$0xDA80];
	v6 =	vand.u32 $0xFFFF0000, v8;
	v8 =	vand.u32 $0xFFFF0000, v13;
	[tilespmem:s5+$0x50] =	vst v4;
	v4 =	vshll.u32 v13, $0x10  }
0x406: {  	s17 =	sshll.u32 s17, $0x7;
	s4 =	sshll.u32 s4, $0xA;
	s13 =	sadd.s32 s26, s15;
	[tilespmem:s1+$0x820] =	vst v7;
	v11 =	vshll.u32 v9, $0x10;
	v7 =	vld [tilespmem:s11+$0x230];
	v2 =	vadd.f32 v4, v2;
	v4 =	vshll.u32 v15, $0x10  }
0x407: {  	s15 =	sadd.s32 $0x480, s17;
	s20 =	sshra.s32 s4, $0x2;
	s14 =	sshll.u32 s13, $0xA;
	v9 =	vand.u32 $0xFFFF0000, v9;
	[tilespmem:s1+$0x830] =	vst v3;
	v3 =	vld [tilespmem:s3+$0xDA30];
	v4 =	vadd.f32 v11, v4;
	v11 =	vand.u32 $0xFFFF0000, v15  }
0x408: {  	s17 =	sor.u32 $0xC00, s15;
	v6 =	vadd.f32 v8, v6;
	s14 =	sshra.s32 s14, $0x2;
	[tilespmem:s18+$0x1D200] =	vst v2;
	v2 =	vadd.f32 v9, v11;
	v9 =	vld [tilespmem:s20+$0x200]  }
0x409: {  	v8 =	vshll.u32 v12, $0x10;
	v11 =	vld [tilespmem:s14+$0xDA00];
	[tilespmem:s17+$0x1D200] =	vst v4;
	v4 =	vand.u32 $0xFFFF0000, v12;
	v12 =	vshll.u32 v10, $0x10  }
0x40a: {  	v13 =	vld [tilespmem:s30+$0x2A0];
	s18 =	sor.u32 $0xC10, s15;
	v14 =	vshll.u32 v5, $0x10;
	v10 =	vand.u32 $0xFFFF0000, v10;
	v5 =	vand.u32 $0xFFFF0000, v5  }
0x40b: {  	s19 =	sor.u32 $0xC10, s28;
	v15 =	vld [tilespmem:s22+$0xDAA0];
	[tilespmem:s18+$0x1D200] =	vst v2;
	v2 =	vadd.f32 v14, v12;
	v5 =	vadd.f32 v5, v10;
	v10 =	vshll.u32 v7, $0x10  }
0x40c: {  	[tilespmem:s19+$0x1D200] =	vst v6;
	v6 =	vld [tilespmem:s2+$0x2D0];
	v12 =	vshll.u32 v3, $0x10;
	v7 =	vand.u32 $0xFFFF0000, v7;
	v3 =	vand.u32 $0xFFFF0000, v3  }
0x40d: {  	v14 =	vld [tilespmem:s0+$0xDAD0];
	[tilespmem:s16+$0x800] =	vst v2;
	v2 =	vadd.f32 v12, v10;
	v12 =	vshll.u32 v47, $0x10;
	v3 =	vadd.f32 v3, v7  }
0x40e: {  	[tilespmem:s16+$0x810] =	vst v5;
	v5 =	vadd.f32 v12, v8;
	v7 =	vshll.u32 v9, $0x10;
	v8 =	vshll.u32 v11, $0x10  }
0x40f: {  	s24 =	simm.s32 $0x300;
	v16 =	vand.u32 $0xFFFF0000, v47;
	v12 =	vld [tilespmem:s9+$0x290];
	[tilespmem:s5+$0x60] =	vst v2;
	v2 =	vadd.f32 v8, v7  }
0x410: {  	s4 =	sand.u32 $0x300, s24;
	v7 =	vand.u32 $0xFFFF0000, v9;
	v8 =	vand.u32 $0xFFFF0000, v11;
	v9 =	vld [tilespmem:s6+$0xDA90];
	[tilespmem:s5+$0x70] =	vst v3;
	v3 =	vadd.f32 v16, v4  }
0x411: {  	s19 =	sadd.s32 s4, s10;
	v4 =	vshll.u32 v13, $0x10;
	[tilespmem:s8+$0x420] =	vst v5;
	v5 =	vadd.f32 v8, v7;
	v7 =	vld [tilespmem:s11+$0x240];
	v8 =	vshll.u32 v15, $0x10  }
0x412: {  	v11 =	vshll.u32 v6, $0x10;
	v48 =	vshll.u32 v14, $0x10;
	[tilespmem:s19+$0x0] =	vst v2;
	v2 =	vld [tilespmem:s3+$0xDA40];
	v6 =	vand.u32 $0xFFFF0000, v6  }
0x413: {  	v10 =	vld [tilespmem:s25+$0x2D0];
	v14 =	vand.u32 $0xFFFF0000, v14;
	v4 =	vadd.f32 v8, v4;
	v11 =	vadd.f32 v48, v11;
	[tilespmem:s19+$0x10] =	vst v5  }
0x414: {  	s26 =	sor.u32 $0xC20, s15;
	[tilespmem:s8+$0x430] =	vst v3;
	v5 =	vand.u32 $0xFFFF0000, v13;
	v13 =	vand.u32 $0xFFFF0000, v15;
	v3 =	vadd.f32 v14, v6;
	v6 =	vld [tilespmem:s20+$0x210]  }
0x415: {  	s10 =	sor.u32 $0xC30, s15;
	v8 =	vld [tilespmem:s14+$0xDA10];
	v5 =	vadd.f32 v13, v5;
	[tilespmem:s26+$0x1D200] =	vst v11;
	v11 =	vshll.u32 v12, $0x10;
	v14 =	vshll.u32 v9, $0x10  }
0x416: {  	v17 =	vld [tilespmem:s12+$0xDAD0];
	v9 =	vand.u32 $0xFFFF0000, v9;
	[tilespmem:s10+$0x1D200] =	vst v3;
	v3 =	vadd.f32 v14, v11;
	v11 =	vand.u32 $0xFFFF0000, v12  }
0x417: {  	v15 =	vld [tilespmem:s21+$0x260];
	v9 =	vadd.f32 v9, v11;
	v11 =	vshll.u32 v7, $0x10;
	v14 =	vshll.u32 v2, $0x10  }
0x418: {  	v13 =	vld [tilespmem:s23+$0xDA60];
	v7 =	vand.u32 $0xFFFF0000, v7;
	v2 =	vand.u32 $0xFFFF0000, v2;
	[tilespmem:s16+$0x820] =	vst v3;
	v3 =	vadd.f32 v14, v11  }
0x419: {  	v12 =	vld [tilespmem:s2+$0x2E0];
	v11 =	vshll.u32 v10, $0x10;
	v2 =	vadd.f32 v2, v7;
	[tilespmem:s16+$0x830] =	vst v9  }
0x41a: {  	v7 =	vand.u32 $0xFFFF0000, v10;
	v9 =	vshll.u32 v6, $0x10;
	v10 =	vshll.u32 v8, $0x10;
	v14 =	vld [tilespmem:s9+$0x2A0];
	[tilespmem:s5+$0x400] =	vst v3  }
0x41b: {  	v6 =	vand.u32 $0xFFFF0000, v6;
	v8 =	vand.u32 $0xFFFF0000, v8;
	v3 =	vadd.f32 v10, v9;
	v9 =	vld [tilespmem:s6+$0xDAA0];
	[tilespmem:s5+$0x410] =	vst v2  }
0x41c: {  	v6 =	vadd.f32 v8, v6;
	v8 =	vld [tilespmem:s11+$0x250]  }
0x41d: {  	v52 =	vshll.u32 v13, $0x10;
	[tilespmem:s19+$0x20] =	vst v3;
	v3 =	vld [tilespmem:s3+$0xDA50]  }
0x41e: {  	v13 =	vand.u32 $0xFFFF0000, v13;
	v2 =	vshll.u32 v17, $0x10;
	v10 =	vand.u32 $0xFFFF0000, v17  }
0x41f: {  	v49 =	vld [tilespmem:s0+$0xDAE0];
	v2 =	vadd.f32 v2, v11;
	v11 =	vshll.u32 v15, $0x10;
	v7 =	vadd.f32 v10, v7  }
0x420: {  	s13 =	simm.s32 $0x190;
	[tilespmem:s1+$0x840] =	vst v4;
	v50 =	vshll.u32 v12, $0x10;
	v19 =	vshll.u32 v14, $0x10;
	v20 =	vshll.u32 v9, $0x10  }
0x421: {  	v4 =	vld [tilespmem:s13+$0x0];
	[tilespmem:s19+$0x30] =	vst v6;
	v14 =	vand.u32 $0xFFFF0000, v14;
	v9 =	vand.u32 $0xFFFF0000, v9;
	v19 =	vadd.f32 v20, v19  }
0x422: {  	[tilespmem:s1+$0x850] =	vst v5;
	v51 =	vld [tilespmem:s20+$0x220];
	v5 =	vadd.f32 v9, v14;
	v9 =	vshll.u32 v8, $0x10;
	v14 =	vshll.u32 v3, $0x10  }
0x423: {  	v53 =	vld [tilespmem:s14+$0xDA20];
	v8 =	vand.u32 $0xFFFF0000, v8;
	v3 =	vand.u32 $0xFFFF0000, v3;
	[tilespmem:s16+$0x840] =	vst v19;
	v9 =	vadd.f32 v14, v9  }
0x424: {  	v54 =	vld [tilespmem:s30+$0x2B0];
	v10 =	vand.u32 $0xFFFF0000, v12;
	v12 =	vand.u32 $0xFFFF0000, v49;
	[tilespmem:s16+$0x850] =	vst v5;
	v3 =	vadd.f32 v3, v8  }
0x425: {  	v15 =	vand.u32 $0xFFFF0000, v15;
	v10 =	vadd.f32 v12, v10;
	v12 =	vld [tilespmem:s22+$0xDAB0];
	v5 =	vadd.f32 v52, v11;
	[tilespmem:s5+$0x420] =	vst v9  }
0x426: {  	(v2sf) =	vpush v4, $0x1;
	v18 =	vshll.u32 v49, $0x10;
	v8 =	vadd.f32 v13, v15;
	v13 =	vld [tilespmem:s9+$0x2B0];
	[tilespmem:s5+$0x430] =	vst v3  }
0x427: {  	(v2sf) =	vpush v4, $0x4;
	v6 =	vadd.f32 v18, v50;
	v14 =	vmul.u32 $0x6, v4;
	v15 =	vld [tilespmem:s6+$0xDAB0];
	[tilespmem:s8+$0x440] =	vst v5  }
0x428: {  	v11 =	vshll.u32 v51, $0x10;
	v9 =	vshll.u32 v53, $0x10;
	[tilespmem:s8+$0x450] =	vst v8;
	v8 =	vand.u32 $0xFFFF0000, v51;
	v5 =	vld [tilespmem:s11+$0x260]  }
0x429: {  	(v2sf) =	vpush v14, $0x0;
	v3 =	vadd.f32 v9, v11;
	v9 =	vand.u32 $0xFFFF0000, v53;
	v11 =	vld [tilespmem:s3+$0xDA60]  }
0x42a: {  	v55 =	vld [tilespmem:s21+$0x270];
	(v2sf) =	vpush v14, $0x3;
	v8 =	vadd.f32 v9, v8  }
0x42b: {  	v14 =	vshll.u32 v12, $0x10;
	v56 =	vld [tilespmem:s23+$0xDA70];
	v9 =	vshll.u32 v54, $0x10;
	(v2sf) =	vpush v4, $0x2;
	[tilespmem:s19+$0x40] =	vst v3  }
0x42c: {  	s17 =	sor.u32 $0xC40, s15;
	v3 =	vld [tilespmem:s13+$0xFFFFFFF0];
	(v2sf) =	vpush v4, $0x5;
	[tilespmem:s19+$0x50] =	vst v8;
	v4 =	vshll.u32 v13, $0x10;
	v8 =	vshll.u32 v15, $0x10  }
0x42d: {  	s18 =	sor.u32 $0xC50, s15;
	[tilespmem:s17+$0x1D200] =	vst v6;
	v6 =	vld [tilespmem:s20+$0x230];
	v4 =	vadd.f32 v8, v4;
	v8 =	vand.u32 $0xFFFF0000, v13;
	v13 =	vand.u32 $0xFFFF0000, v15  }
0x42e: {  	[tilespmem:s18+$0x1D200] =	vst v10;
	v9 =	vadd.f32 v14, v9;
	v10 =	vld [tilespmem:s14+$0xDA30];
	v8 =	vadd.f32 v13, v8  }
0x42f: {  	v13 =	vshll.u32 v5, $0x10;
	v15 =	vshll.u32 v11, $0x10;
	v5 =	vand.u32 $0xFFFF0000, v5;
	[tilespmem:s16+$0x860] =	vst v4  }
0x430: {  	v11 =	vand.u32 $0xFFFF0000, v11;
	v14 =	vshll.u32 v56, $0x10;
	v4 =	vadd.f32 v15, v13;
	[tilespmem:s16+$0x870] =	vst v8  }
0x431: {  	v5 =	vadd.f32 v11, v5;
	v11 =	vand.u32 $0xFFFF0000, v55;
	v8 =	vshll.u32 v55, $0x10;
	v15 =	vld [tilespmem:s9+$0x2C0]  }
0x432: {  	[tilespmem:s5+$0x440] =	vst v4;
	v4 =	vand.u32 $0xFFFF0000, v56;
	v8 =	vadd.f32 v14, v8;
	v14 =	vmul.u32 $0x6, v3;
	v57 =	vld [tilespmem:s6+$0xDAC0]  }
0x433: {  	s24 =	sor.u32 $0xC20, s28;
	[tilespmem:s5+$0x450] =	vst v5;
	v5 =	vadd.f32 v4, v11;
	v4 =	vshll.u32 v6, $0x10;
	v11 =	vshll.u32 v10, $0x10  }
0x434: {  	s26 =	sor.u32 $0xC30, s28;
	[tilespmem:s24+$0x1D200] =	vst v2;
	v58 =	vld [tilespmem:s11+$0x270];
	v2 =	vadd.f32 v11, v4  }
0x435: {  	[tilespmem:s26+$0x1D200] =	vst v7;
	(v2sf) =	vpush v14, $0x0;
	v11 =	vld [tilespmem:s3+$0xDA70];
	v4 =	vand.u32 $0xFFFF0000, v6;
	v6 =	vand.u32 $0xFFFF0000, v10  }
0x436: {  	v7 =	vld [tilespmem:s0+$0xDAF0];
	[tilespmem:s8+$0x460] =	vst v8;
	(v2sf) =	vpush v14, $0x3;
	v6 =	vadd.f32 v6, v4  }
0x437: {  	s10 =	simm.s32 $0x4;
	v13 =	vld [tilespmem:s2+$0x2F0];
	[tilespmem:s8+$0x470] =	vst v5;
	(v2sf) =	vpush v3, $0x1;
	v5 =	vshll.u32 v15, $0x10;
	v8 =	vshll.u32 v57, $0x10  }
0x438: {  	v59 =	vand.u32 $0xFFFF0000, v54;
	s0 =	sand.u32 $0x7, s10;
	v10 =	vld [tilespmem:s25+$0x2E0];
	[tilespmem:s19+$0x60] =	vst v2;
	(v2sf) =	vpush v3, $0x4;
	v2 =	vadd.f32 v8, v5  }
0x439: {  	s0 =	sshll.u32 s0, $0x7;
	s13 =	spop (v2sf);
	v14 =	vld [tilespmem:s21+$0x280];
	[tilespmem:s19+$0x70] =	vst v6;
	v5 =	vand.u32 $0xFFFF0000, v15;
	v8 =	vand.u32 $0xFFFF0000, v57;
	v6 =	vshll.u32 v58, $0x10  }
0x43a: {  	s17 =	sadd.s32 $0x880, s0;
	s16 =	spop (v2sf);
	v15 =	vld [tilespmem:s23+$0xDA80];
	(v2sf) =	vpush v3, $0x2;
	v5 =	vadd.f32 v8, v5;
	v8 =	vshll.u32 v11, $0x10  }
0x43b: {  	s24 =	sor.u32 $0xC00, s17;
	v61 =	vshll.u32 v7, $0x10;
	v4 =	vld [tilespmem:s12+$0xDAE0];
	s18 =	spop (v2sf);
	(v2sf) =	vpush v3, $0x5;
	v6 =	vadd.f32 v8, v6  }
0x43c: {  	v60 =	vld [tilespmem:s20+$0x240];
	s26 =	spop (v2sf);
	s0 =	sadd.s32 s13, s18;
	s13 =	sor.u32 $0xC10, s17;
	[tilespmem:s24+$0x1D200] =	vst v2;
	v2 =	vand.u32 $0xFFFF0000, v58;
	v8 =	vand.u32 $0xFFFF0000, v11;
	v11 =	vshll.u32 v13, $0x10  }
0x43d: {  	v12 =	vand.u32 $0xFFFF0000, v12;
	v62 =	vld [tilespmem:s14+$0xDA40];
	s0 =	smul.u32 $0x6, s0;
	s4 =	sadd.s32 s16, s26;
	[tilespmem:s13+$0x1D200] =	vst v5;
	v5 =	vadd.f32 v8, v2;
	v2 =	vadd.f32 v61, v11  }
0x43e: {  	s16 =	spop (v2sf);
	v8 =	vand.u32 $0xFFFF0000, v13;
	s4 =	smul.u32 $0x6, s4;
	v11 =	vld [tilespmem:s9+$0x2D0];
	[tilespmem:s5+$0x460] =	vst v6;
	v6 =	vand.u32 $0xFFFF0000, v7;
	v7 =	vadd.f32 v12, v59  }
0x43f: {  	s18 =	spop (v2sf);
	s0 =	sadd.s32 s16, s0;
	v12 =	vld [tilespmem:s6+$0xDAD0];
	[tilespmem:s5+$0x470] =	vst v5;
	v3 =	vadd.f32 v6, v8;
	v5 =	vshll.u32 v14, $0x10;
	v6 =	vshll.u32 v15, $0x10  }
0x440: {  	[tilespmem:s1+$0x860] =	vst v9;
	v9 =	vand.u32 $0xFFFF0000, v14;
	s24 =	sadd.s32 s18, s4;
	s0 =	sshll.u32 s0, $0xA;
	v13 =	vand.u32 $0xFFFF0000, v15;
	v8 =	vld [tilespmem:s11+$0x280];
	v5 =	vadd.f32 v6, v5  }
0x441: {  	s31 =	sshra.s32 s0, $0x2;
	s26 =	sshll.u32 s24, $0xA;
	v6 =	vld [tilespmem:s3+$0xDA80];
	[tilespmem:s1+$0x870] =	vst v7;
	v7 =	vadd.f32 v13, v9  }
0x442: {  	v9 =	vshll.u32 v60, $0x10;
	v13 =	vshll.u32 v62, $0x10;
	v14 =	vld [tilespmem:s31+$0x200];
	s10 =	sshra.s32 s26, $0x2;
	[tilespmem:s8+$0x800] =	vst v5  }
0x443: {  	v5 =	vadd.f32 v13, v9;
	v9 =	vand.u32 $0xFFFF0000, v60;
	v13 =	vand.u32 $0xFFFF0000, v62;
	v15 =	vld [tilespmem:s10+$0xDA00];
	[tilespmem:s8+$0x810] =	vst v7  }
0x444: {  	v7 =	vadd.f32 v13, v9;
	v9 =	vshll.u32 v11, $0x10;
	v13 =	vshll.u32 v12, $0x10;
	v21 =	vld [tilespmem:s21+$0x290]  }
0x445: {  	[tilespmem:s19+$0x400] =	vst v5;
	v5 =	vadd.f32 v13, v9;
	v9 =	vand.u32 $0xFFFF0000, v11;
	v11 =	vand.u32 $0xFFFF0000, v12;
	v12 =	vld [tilespmem:s23+$0xDA90]  }
0x446: {  	s2 =	sor.u32 $0xC20, s17;
	s13 =	sor.u32 $0xC30, s17;
	s4 =	simm.s32 $0x1000;
	v63 =	vld [tilespmem:s30+$0x2C0];
	[tilespmem:s19+$0x410] =	vst v7;
	v7 =	vadd.f32 v11, v9;
	v9 =	vshll.u32 v8, $0x10;
	v11 =	vshll.u32 v6, $0x10  }
0x447: {  	s18 =	simm.s32 $0x480;
	s1 =	sand.u32 $0x1000, s4;
	v13 =	vld [tilespmem:s22+$0xDAC0];
	v8 =	vand.u32 $0xFFFF0000, v8;
	v6 =	vand.u32 $0xFFFF0000, v6;
	s16 =	spop (v2sf);
	[tilespmem:s2+$0x1D200] =	vst v5;
	v5 =	vadd.f32 v11, v9  }
0x448: {  	s24 =	sand.u32 $0x380, s18;
	v9 =	vld [tilespmem:s20+$0x250];
	v11 =	vshll.u32 v14, $0x10;
	v6 =	vadd.f32 v6, v8;
	s0 =	spop (v2sf);
	s2 =	sadd.s32 $0x1D200, s1;
	v22 =	vshll.u32 v15, $0x10;
	[tilespmem:s13+$0x1D200] =	vst v7  }
0x449: {  	v8 =	vand.u32 $0xFFFF0000, v14;
	s26 =	spop (v2sf);
	s13 =	sadd.s32 s24, s2;
	v7 =	vadd.f32 v22, v11;
	v11 =	vand.u32 $0xFFFF0000, v15;
	v14 =	vld [tilespmem:s9+$0x2E0];
	[tilespmem:s5+$0x800] =	vst v5  }
0x44a: {  	s24 =	simm.s32 $0x1;
	[tilespmem:s5+$0x810] =	vst v6;
	v15 =	vshll.u32 v21, $0x10;
	s4 =	sadd.s32 s26, s16;
	s18 =	spop (v2sf);
	v8 =	vadd.f32 v11, v8;
	v11 =	vld [tilespmem:s6+$0xDAE0];
	v23 =	vshll.u32 v12, $0x10  }
0x44b: {  	v17 =	vand.u32 $0xFFFF0000, v21;
	s16 =	sand.u32 $0x3, s24;
	s0 =	sadd.s32 s18, s0;
	v12 =	vand.u32 $0xFFFF0000, v12;
	s1 =	smul.u32 $0x6, s4;
	[tilespmem:s13+$0x0] =	vst v7;
	v7 =	vld [tilespmem:s11+$0x290];
	v15 =	vadd.f32 v23, v15  }
0x44c: {  	v24 =	vshll.u32 v63, $0x10;
	v25 =	vshll.u32 v13, $0x10;
	s26 =	spop (v2sf);
	s16 =	sshll.u32 s16, $0x8;
	v12 =	vadd.f32 v12, v17;
	s0 =	smul.u32 $0x6, s0;
	[tilespmem:s13+$0x10] =	vst v8;
	v8 =	vld [tilespmem:s3+$0xDA90]  }
0x44d: {  	v16 =	vand.u32 $0xFFFF0000, v63;
	v5 =	vshll.u32 v10, $0x10;
	v18 =	vadd.f32 v25, v24;
	s4 =	spop (v2sf);
	s16 =	sadd.s32 $0x400, s16;
	v26 =	vld [tilespmem:s31+$0x210];
	[tilespmem:s8+$0x820] =	vst v15  }
0x44e: {  	v10 =	vand.u32 $0xFFFF0000, v10;
	v6 =	vshll.u32 v4, $0x10;
	v13 =	vand.u32 $0xFFFF0000, v13;
	s1 =	sadd.s32 s26, s1;
	v15 =	vld [tilespmem:s10+$0xDA10];
	s18 =	sadd.s32 s4, s0;
	[tilespmem:s8+$0x830] =	vst v12;
	s0 =	sor.u32 $0xC00, s16  }
0x44f: {  	v4 =	vand.u32 $0xFFFF0000, v4;
	v5 =	vadd.f32 v6, v5;
	v6 =	vld [tilespmem:s14+$0xDA50];
	v13 =	vadd.f32 v13, v16;
	s24 =	sshll.u32 s1, $0xA;
	s4 =	sor.u32 $0xC10, s16;
	[tilespmem:s0+$0x1D200] =	vst v18;
	s0 =	simm.s32 $0x400  }
0x450: {  	v4 =	vadd.f32 v4, v10;
	v10 =	vld [tilespmem:s21+$0x2A0];
	s24 =	sshra.s32 s24, $0x2;
	s26 =	sshll.u32 s18, $0xA;
	v12 =	vshll.u32 v14, $0x10;
	v27 =	vshll.u32 v11, $0x10;
	s18 =	sand.u32 $0x300, s0  }
0x451: {  	s29 =	sshra.s32 s26, $0x2;
	v28 =	vld [tilespmem:s24+$0x200];
	[tilespmem:s4+$0x1D200] =	vst v13;
	v12 =	vadd.f32 v27, v12;
	v29 =	vshll.u32 v7, $0x10;
	s2 =	sadd.s32 s18, s2;
	s18 =	sor.u32 $0xC60, s7;
	v30 =	vshll.u32 v8, $0x10  }
0x452: {  	s26 =	sor.u32 $0xC40, s17;
	v13 =	vld [tilespmem:s29+$0xDA00];
	v7 =	vand.u32 $0xFFFF0000, v7;
	v8 =	vand.u32 $0xFFFF0000, v8;
	[tilespmem:s18+$0x1D200] =	vst v0;
	v16 =	vadd.f32 v30, v29  }
0x453: {  	v35 =	vld [tilespmem:s22+$0xDAD0];
	[tilespmem:s26+$0x1D200] =	vst v12;
	v31 =	vshll.u32 v26, $0x10;
	v32 =	vshll.u32 v15, $0x10;
	v7 =	vadd.f32 v8, v7  }
0x454: {  	v12 =	vld [tilespmem:s23+$0xDAA0];
	v17 =	vand.u32 $0xFFFF0000, v26;
	v15 =	vand.u32 $0xFFFF0000, v15;
	v19 =	vadd.f32 v32, v31;
	[tilespmem:s5+$0x820] =	vst v16  }
0x455: {  	v33 =	vshll.u32 v9, $0x10;
	v34 =	vshll.u32 v6, $0x10;
	v8 =	vld [tilespmem:s30+$0x2D0];
	v15 =	vadd.f32 v15, v17;
	[tilespmem:s5+$0x830] =	vst v7  }
0x456: {  	v6 =	vand.u32 $0xFFFF0000, v6;
	v7 =	vand.u32 $0xFFFF0000, v9;
	v9 =	vadd.f32 v34, v33;
	[tilespmem:s13+$0x20] =	vst v19;
	v36 =	vld [tilespmem:s11+$0x2A0]  }
0x457: {  	v6 =	vadd.f32 v6, v7;
	v7 =	vshll.u32 v28, $0x10;
	v37 =	vshll.u32 v13, $0x10;
	[tilespmem:s13+$0x30] =	vst v15;
	v15 =	vld [tilespmem:s3+$0xDAA0]  }
0x458: {  	v13 =	vand.u32 $0xFFFF0000, v13;
	[tilespmem:s19+$0x420] =	vst v9;
	v7 =	vadd.f32 v37, v7;
	v9 =	vand.u32 $0xFFFF0000, v28;
	v38 =	vld [tilespmem:s31+$0x220]  }
0x459: {  	v39 =	vshll.u32 v10, $0x10;
	v40 =	vshll.u32 v12, $0x10;
	[tilespmem:s19+$0x430] =	vst v6;
	v6 =	vadd.f32 v13, v9;
	v9 =	vld [tilespmem:s10+$0xDA20]  }
0x45a: {  	v10 =	vand.u32 $0xFFFF0000, v10;
	v12 =	vand.u32 $0xFFFF0000, v12;
	v13 =	vadd.f32 v40, v39;
	v41 =	vld [tilespmem:s20+$0x260];
	[tilespmem:s2+$0x0] =	vst v7  }
0x45b: {  	v11 =	vand.u32 $0xFFFF0000, v11;
	v7 =	vadd.f32 v12, v10;
	v10 =	vld [tilespmem:s14+$0xDA60];
	[tilespmem:s2+$0x10] =	vst v6;
	v6 =	vand.u32 $0xFFFF0000, v14  }
0x45c: {  	[tilespmem:s8+$0x840] =	vst v13;
	v12 =	vld [tilespmem:s24+$0x210];
	v6 =	vadd.f32 v11, v6;
	v11 =	vshll.u32 v36, $0x10;
	v13 =	vshll.u32 v15, $0x10  }
0x45d: {  	s4 =	sor.u32 $0xC50, s17;
	[tilespmem:s8+$0x850] =	vst v7;
	v7 =	vld [tilespmem:s29+$0xDA10];
	v14 =	vand.u32 $0xFFFF0000, v15;
	v11 =	vadd.f32 v13, v11;
	v13 =	vand.u32 $0xFFFF0000, v36  }
0x45e: {  	v15 =	vshll.u32 v38, $0x10;
	[tilespmem:s4+$0x1D200] =	vst v6;
	v6 =	vld [tilespmem:s21+$0x2B0];
	v42 =	vshll.u32 v9, $0x10;
	v13 =	vadd.f32 v14, v13  }
0x45f: {  	v43 =	vand.u32 $0xFFFF0000, v38;
	v14 =	vld [tilespmem:s23+$0xDAB0];
	v9 =	vand.u32 $0xFFFF0000, v9;
	v15 =	vadd.f32 v42, v15;
	[tilespmem:s5+$0x840] =	vst v11  }
0x460: {  	v11 =	vshll.u32 v41, $0x10;
	v44 =	vshll.u32 v10, $0x10;
	v45 =	vld [tilespmem:s9+$0x2F0];
	v9 =	vadd.f32 v9, v43;
	[tilespmem:s5+$0x850] =	vst v13  }
0x461: {  	v10 =	vand.u32 $0xFFFF0000, v10;
	v49 =	vld [tilespmem:s6+$0xDAF0];
	v13 =	vand.u32 $0xFFFF0000, v41;
	v11 =	vadd.f32 v44, v11;
	[tilespmem:s13+$0x40] =	vst v15  }
0x462: {  	v15 =	vld [tilespmem:s11+$0x2B0];
	v10 =	vadd.f32 v10, v13;
	v13 =	vshll.u32 v12, $0x10;
	v46 =	vshll.u32 v7, $0x10;
	[tilespmem:s13+$0x50] =	vst v9  }
0x463: {  	v9 =	vld [tilespmem:s3+$0xDAB0];
	v12 =	vand.u32 $0xFFFF0000, v12;
	v7 =	vand.u32 $0xFFFF0000, v7;
	[tilespmem:s19+$0x440] =	vst v11;
	v11 =	vadd.f32 v46, v13  }
0x464: {  	v48 =	vshll.u32 v35, $0x10;
	v13 =	vld [tilespmem:s31+$0x230];
	v7 =	vadd.f32 v7, v12;
	[tilespmem:s19+$0x450] =	vst v10  }
0x465: {  	v47 =	vshll.u32 v8, $0x10;
	v8 =	vand.u32 $0xFFFF0000, v8;
	v12 =	vand.u32 $0xFFFF0000, v35;
	v10 =	vld [tilespmem:s10+$0xDA30];
	[tilespmem:s2+$0x20] =	vst v11  }
0x466: {  	s0 =	sor.u32 $0xC60, s15;
	v8 =	vadd.f32 v12, v8;
	v0 =	vshll.u32 v14, $0x10;
	v11 =	vshll.u32 v6, $0x10;
	v12 =	vld [tilespmem:s20+$0x270];
	[tilespmem:s2+$0x30] =	vst v7  }
0x467: {  	[tilespmem:s0+$0x1D200] =	vst v2;
	s26 =	sor.u32 $0xC70, s7;
	v16 =	vadd.f32 v48, v47;
	v7 =	vld [tilespmem:s24+$0x220];
	v0 =	vadd.f32 v0, v11;
	v50 =	vshll.u32 v15, $0x10  }
0x468: {  	s7 =	sor.u32 $0xC70, s15;
	[tilespmem:s26+$0x1D200] =	vst v1;
	v1 =	vld [tilespmem:s29+$0xDA20];
	v51 =	vshll.u32 v9, $0x10;
	v15 =	vand.u32 $0xFFFF0000, v15;
	v9 =	vand.u32 $0xFFFF0000, v9  }
0x469: {  	s15 =	sor.u32 $0xC40, s28;
	[tilespmem:s7+$0x1D200] =	vst v3;
	s4 =	simm.s32 $0x1B0;
	v11 =	vshll.u32 v13, $0x10;
	v18 =	vadd.f32 v51, v50;
	v9 =	vadd.f32 v9, v15  }
0x46a: {  	[tilespmem:s15+$0x1D200] =	vst v5;
	v2 =	vld [tilespmem:s4+$0x0];
	v15 =	vshll.u32 v49, $0x10;
	v13 =	vand.u32 $0xFFFF0000, v13;
	v52 =	vshll.u32 v10, $0x10  }
0x46b: {  	v10 =	vand.u32 $0xFFFF0000, v10;
	v3 =	vadd.f32 v52, v11;
	v11 =	vshll.u32 v45, $0x10;
	[tilespmem:s5+$0x860] =	vst v18  }
0x46c: {  	v53 =	vld [tilespmem:s14+$0xDA70];
	v10 =	vadd.f32 v10, v13;
	[tilespmem:s5+$0x870] =	vst v9;
	v9 =	vand.u32 $0xFFFF0000, v12;
	v11 =	vadd.f32 v15, v11  }
0x46d: {  	v15 =	vshll.u32 v12, $0x10;
	v12 =	vshll.u32 v7, $0x10;
	v13 =	vshll.u32 v1, $0x10;
	[tilespmem:s13+$0x60] =	vst v3;
	v3 =	vld [tilespmem:s11+$0x2C0]  }
0x46e: {  	s18 =	sor.u32 $0xC20, s16;
	v5 =	vand.u32 $0xFFFF0000, v7;
	v1 =	vand.u32 $0xFFFF0000, v1;
	v12 =	vadd.f32 v13, v12;
	[tilespmem:s13+$0x70] =	vst v10;
	v13 =	vld [tilespmem:s3+$0xDAC0]  }
0x46f: {  	[tilespmem:s18+$0x1D200] =	vst v16;
	(v2sf) =	vpush v2, $0x1;
	v10 =	vmul.u32 $0x6, v2;
	v1 =	vadd.f32 v1, v5;
	v7 =	vld [tilespmem:s31+$0x240]  }
0x470: {  	(v2sf) =	vpush v2, $0x4;
	v54 =	vld [tilespmem:s10+$0xDA40];
	[tilespmem:s2+$0x40] =	vst v12  }
0x471: {  	v5 =	vshll.u32 v53, $0x10;
	(v2sf) =	vpush v10, $0x0;
	v12 =	vld [tilespmem:s4+$0xFFFFFFF0];
	[tilespmem:s2+$0x50] =	vst v1;
	s4 =	simm.s32 $0x6  }
0x472: {  	s0 =	sor.u32 $0xC30, s16;
	s26 =	simm.s32 $0x6;
	v18 =	vand.u32 $0xFFFF0000, v53;
	v5 =	vadd.f32 v5, v15;
	(v2sf) =	vpush v10, $0x3;
	[dreg:$0x4] =	wrdreg s4  }
0x473: {  	s7 =	sand.u32 $0x7, s26;
	v1 =	vadd.f32 v18, v9;
	v10 =	vand.u32 $0xFFFF0000, v14;
	(v2sf) =	vpush v2, $0x2;
	[tilespmem:s0+$0x1D200] =	vst v8  }
0x474: {  	s9 =	sshll.u32 s7, $0x7;
	v8 =	vld [tilespmem:s24+$0x230];
	[tilespmem:s19+$0x460] =	vst v5;
	(v2sf) =	vpush v2, $0x5;
	v2 =	vshll.u32 v3, $0x10;
	v9 =	vshll.u32 v13, $0x10  }
0x475: {  	s5 =	sadd.s32 $0xC80, s9;
	v5 =	vld [tilespmem:s29+$0xDA30];
	[tilespmem:s19+$0x470] =	vst v1;
	v3 =	vand.u32 $0xFFFF0000, v3;
	v2 =	vadd.f32 v9, v2;
	v9 =	vand.u32 $0xFFFF0000, v13  }
0x476: {  	s15 =	sor.u32 $0xC00, s5;
	[tilespmem:s8+$0x860] =	vst v0;
	v55 =	vld [tilespmem:s14+$0xDA80];
	v1 =	vshll.u32 v7, $0x10;
	v14 =	vshll.u32 v54, $0x10;
	v3 =	vadd.f32 v9, v3  }
0x477: {  	s18 =	sor.u32 $0xC10, s5;
	v13 =	vld [tilespmem:s30+$0x2E0];
	v7 =	vand.u32 $0xFFFF0000, v7;
	v1 =	vadd.f32 v14, v1;
	v14 =	vand.u32 $0xFFFF0000, v54;
	[tilespmem:s15+$0x1D200] =	vst v2  }
0x478: {  	v6 =	vand.u32 $0xFFFF0000, v6;
	v9 =	vld [tilespmem:s20+$0x280];
	v7 =	vadd.f32 v14, v7;
	[tilespmem:s18+$0x1D200] =	vst v3  }
0x479: {  	v15 =	vand.u32 $0xFFFF0000, v49;
	v3 =	vadd.f32 v10, v6;
	[tilespmem:s13+$0x400] =	vst v1;
	v6 =	vmul.u32 $0x6, v12;
	v1 =	vld [tilespmem:s11+$0x2D0]  }
0x47a: {  	v10 =	vshll.u32 v8, $0x10;
	v14 =	vshll.u32 v5, $0x10;
	v8 =	vand.u32 $0xFFFF0000, v8;
	[tilespmem:s13+$0x410] =	vst v7;
	v7 =	vld [tilespmem:s3+$0xDAD0]  }
0x47b: {  	v5 =	vand.u32 $0xFFFF0000, v5;
	v0 =	vadd.f32 v14, v10;
	v10 =	vld [tilespmem:s31+$0x250];
	[tilespmem:s8+$0x870] =	vst v3;
	(v2sf) =	vpush v6, $0x0  }
0x47c: {  	v2 =	vand.u32 $0xFFFF0000, v45;
	v3 =	vadd.f32 v5, v8;
	v5 =	vld [tilespmem:s10+$0xDA50];
	[dreg:$0x18] =	wrdreg s22;
	(v2sf) =	vpush v6, $0x3  }
0x47d: {  	v2 =	vadd.f32 v15, v2;
	[tilespmem:s2+$0x60] =	vst v0;
	(v2sf) =	vpush v12, $0x1  }
0x47e: {  	s26 =	sor.u32 $0xC50, s28;
	v56 =	vshll.u32 v55, $0x10;
	v15 =	vshll.u32 v9, $0x10;
	v6 =	vld [tilespmem:s21+$0x2C0];
	[tilespmem:s2+$0x70] =	vst v3;
	(v2sf) =	vpush v12, $0x4  }
0x47f: {  	s0 =	sor.u32 $0xC60, s17;
	s7 =	spop (v2sf);
	[tilespmem:s26+$0x1D200] =	vst v4;
	v3 =	vld [tilespmem:s24+$0x240];
	v0 =	vshll.u32 v1, $0x10;
	v4 =	vshll.u32 v7, $0x10;
	(v2sf) =	vpush v12, $0x2  }
0x480: {  	s4 =	sor.u32 $0xC70, s17;
	[tilespmem:s0+$0x1D200] =	vst v11;
	v11 =	vld [tilespmem:s29+$0xDA40];
	v4 =	vadd.f32 v4, v0;
	v0 =	vand.u32 $0xFFFF0000, v1;
	v1 =	vand.u32 $0xFFFF0000, v7  }
0x481: {  	s17 =	sor.u32 $0xC20, s5;
	[tilespmem:s4+$0x1D200] =	vst v2;
	v2 =	vld [tilespmem:s23+$0xDAC0];
	v7 =	vshll.u32 v10, $0x10;
	v57 =	vshll.u32 v5, $0x10;
	v58 =	vadd.f32 v1, v0  }
0x482: {  	s15 =	spop (v2sf);
	v14 =	vld [tilespmem:s22+$0xDAE0];
	s22 =	sor.u32 $0xC30, s5;
	v10 =	vand.u32 $0xFFFF0000, v10;
	v5 =	vand.u32 $0xFFFF0000, v5;
	v7 =	vadd.f32 v57, v7;
	[tilespmem:s17+$0x1D200] =	vst v4  }
0x483: {  	v0 =	vld [tilespmem:s25+$0x2F0];
	s18 =	spop (v2sf);
	v5 =	vadd.f32 v5, v10;
	v10 =	vadd.f32 v56, v15;
	[tilespmem:s22+$0x1D200] =	vst v58  }
0x484: {  	s26 =	simm.s32 $0x2;
	v4 =	vand.u32 $0xFFFF0000, v9;
	s25 =	spop (v2sf);
	s8 =	sadd.s32 s7, s18;
	v9 =	vand.u32 $0xFFFF0000, v55;
	(v2sf) =	vpush v12, $0x5;
	[tilespmem:s13+$0x420] =	vst v7;
	v7 =	vld [tilespmem:s11+$0x2E0]  }
0x485: {  	s9 =	sand.u32 $0x3, s26;
	s8 =	smul.u32 $0x6, s8;
	s6 =	sadd.s32 s15, s25;
	v4 =	vadd.f32 v9, v4;
	v9 =	vshll.u32 v3, $0x10;
	v12 =	vshll.u32 v11, $0x10;
	[tilespmem:s13+$0x430] =	vst v5;
	v5 =	vld [tilespmem:s3+$0xDAE0]  }
0x486: {  	s9 =	sshll.u32 s9, $0x8;
	v1 =	vld [tilespmem:s12+$0xDAF0];
	v15 =	vshll.u32 v6, $0x10;
	s0 =	spop (v2sf);
	v59 =	vshll.u32 v2, $0x10;
	[tilespmem:s19+$0x800] =	vst v10;
	s6 =	smul.u32 $0x6, s6;
	v9 =	vadd.f32 v12, v9  }
0x487: {  	v6 =	vand.u32 $0xFFFF0000, v6;
	v2 =	vand.u32 $0xFFFF0000, v2;
	s4 =	spop (v2sf);
	v10 =	vld [tilespmem:s31+$0x260];
	s12 =	sadd.s32 s0, s8;
	s8 =	sadd.s32 $0x800, s9;
	[tilespmem:s19+$0x810] =	vst v4;
	v4 =	vadd.f32 v59, v15  }
0x488: {  	v3 =	vand.u32 $0xFFFF0000, v3;
	v11 =	vand.u32 $0xFFFF0000, v11;
	v12 =	vld [tilespmem:s10+$0xDA60];
	v2 =	vadd.f32 v2, v6;
	s6 =	sadd.s32 s4, s6;
	s7 =	sshll.u32 s12, $0xA;
	s15 =	sor.u32 $0xC00, s8;
	[tilespmem:s2+$0x400] =	vst v9  }
0x489: {  	v8 =	vshll.u32 v13, $0x10;
	v6 =	vshll.u32 v14, $0x10;
	v3 =	vadd.f32 v11, v3;
	v15 =	vld [tilespmem:s20+$0x290];
	s17 =	sor.u32 $0xC10, s8;
	s25 =	sshra.s32 s7, $0x2;
	s6 =	sshll.u32 s6, $0xA;
	[tilespmem:s15+$0x1D200] =	vst v4  }
0x48a: {  	s1 =	smov.u32 s20;
	v6 =	vadd.f32 v6, v8;
	v4 =	vld [tilespmem:s25+$0x200];
	s20 =	sshra.s32 s6, $0x2;
	[tilespmem:s17+$0x1D200] =	vst v2;
	v2 =	vshll.u32 v7, $0x10;
	v11 =	vshll.u32 v5, $0x10  }
0x48b: {  	s18 =	sor.u32 $0xC40, s16;
	[tilespmem:s2+$0x410] =	vst v3;
	v8 =	vld [tilespmem:s20+$0xDA00];
	v7 =	vand.u32 $0xFFFF0000, v7;
	v5 =	vand.u32 $0xFFFF0000, v5;
	v2 =	vadd.f32 v11, v2  }
0x48c: {  	s26 =	simm.s32 $0x1400;
	s22 =	sor.u32 $0xC40, s5;
	[tilespmem:s18+$0x1D200] =	vst v6;
	v3 =	vld [tilespmem:s21+$0x2D0];
	v5 =	vadd.f32 v5, v7  }
0x48d: {  	s0 =	sor.u32 $0xC50, s5;
	v9 =	vand.u32 $0xFFFF0000, v14;
	s7 =	smov.u32 s21;
	v14 =	vshll.u32 v12, $0x10;
	v6 =	vld [tilespmem:s23+$0xDAD0];
	s9 =	spop (v2sf);
	v11 =	vshll.u32 v10, $0x10;
	[tilespmem:s22+$0x1D200] =	vst v2  }
0x48e: {  	s18 =	simm.s32 $0x1400;
	v12 =	vand.u32 $0xFFFF0000, v12;
	s21 =	sand.u32 $0x1000, s26;
	v7 =	vld [tilespmem:s14+$0xDA90];
	v10 =	vand.u32 $0xFFFF0000, v10;
	s15 =	spop (v2sf);
	v11 =	vadd.f32 v14, v11;
	[tilespmem:s0+$0x1D200] =	vst v5  }
0x48f: {  	s26 =	sor.u32 $0xC50, s16;
	v14 =	vand.u32 $0xFFFF0000, v15;
	v2 =	vshll.u32 v15, $0x10;
	v15 =	vld [tilespmem:s24+$0x250];
	s17 =	spop (v2sf);
	v5 =	vadd.f32 v12, v10;
	[smem:$0x7CE] =	sst s18  }
0x490: {  	v13 =	vand.u32 $0xFFFF0000, v13;
	s22 =	simm.s32 $0x580;
	s6 =	sadd.s32 s17, s9;
	s18 =	spop (v2sf);
	[tilespmem:s13+$0x440] =	vst v11  }
0x491: {  	v9 =	vadd.f32 v9, v13;
	v10 =	vshll.u32 v4, $0x10;
	s9 =	sadd.s32 $0x1D200, s21;
	s21 =	simm.s32 $0x580;
	v12 =	vshll.u32 v8, $0x10;
	v11 =	vld [tilespmem:s11+$0x2F0];
	[tilespmem:s13+$0x450] =	vst v5;
	s15 =	sadd.s32 s18, s15  }
0x492: {  	v4 =	vand.u32 $0xFFFF0000, v4;
	s22 =	sand.u32 $0x380, s22;
	v8 =	vand.u32 $0xFFFF0000, v8;
	v13 =	vld [tilespmem:s29+$0xDA50];
	v10 =	vadd.f32 v12, v10;
	[smem:$0x7CF] =	sst s21;
	s15 =	smul.u32 $0x6, s15  }
0x493: {  	v4 =	vadd.f32 v8, v4;
	v8 =	vshll.u32 v3, $0x10;
	s0 =	spop (v2sf);
	[tilespmem:s26+$0x1D200] =	vst v9;
	s26 =	smul.u32 $0x6, s6;
	s6 =	sadd.s32 s22, s9;
	v5 =	vld [tilespmem:s31+$0x270];
	v9 =	vshll.u32 v6, $0x10  }
0x494: {  	v3 =	vand.u32 $0xFFFF0000, v3;
	v12 =	vshll.u32 v7, $0x10;
	s18 =	spop (v2sf);
	[tilespmem:s6+$0x0] =	vst v10;
	v10 =	vld [tilespmem:s10+$0xDA70];
	v8 =	vadd.f32 v9, v8  }
0x495: {  	s4 =	sor.u32 $0xC20, s8;
	v7 =	vand.u32 $0xFFFF0000, v7;
	v6 =	vand.u32 $0xFFFF0000, v6;
	v9 =	vld [tilespmem:s3+$0xDAF0];
	[tilespmem:s6+$0x10] =	vst v4;
	s15 =	sadd.s32 s18, s15;
	v4 =	vadd.f32 v12, v2  }
0x496: {  	v3 =	vadd.f32 v6, v3;
	v6 =	vadd.f32 v7, v14;
	s11 =	sadd.s32 s0, s26;
	v7 =	vld [tilespmem:s25+$0x210];
	s26 =	sshll.u32 s15, $0xA;
	[tilespmem:s4+$0x1D200] =	vst v8  }
0x497: {  	v14 =	vld [tilespmem:s20+$0xDA10];
	s21 =	sshll.u32 s11, $0xA;
	v8 =	vshll.u32 v15, $0x10;
	v12 =	vshll.u32 v13, $0x10;
	[tilespmem:s19+$0x820] =	vst v4;
	s26 =	sshra.s32 s26, $0x2  }
0x498: {  	s22 =	sor.u32 $0xC30, s8;
	v4 =	vand.u32 $0xFFFF0000, v15;
	v13 =	vand.u32 $0xFFFF0000, v13;
	[tilespmem:s19+$0x830] =	vst v6;
	s21 =	sshra.s32 s21, $0x2;
	v8 =	vadd.f32 v12, v8;
	v6 =	vld [tilespmem:s26+$0xDA00]  }
0x499: {  	[tilespmem:s22+$0x1D200] =	vst v3;
	v4 =	vadd.f32 v13, v4;
	v12 =	vld [tilespmem:s21+$0x200];
	v13 =	vshll.u32 v5, $0x10;
	v15 =	vshll.u32 v10, $0x10  }
0x49a: {  	v5 =	vand.u32 $0xFFFF0000, v5;
	[tilespmem:s2+$0x420] =	vst v8;
	v10 =	vand.u32 $0xFFFF0000, v10;
	v8 =	vadd.f32 v15, v13  }
0x49b: {  	v60 =	vld [tilespmem:s1+$0x2A0];
	[tilespmem:s2+$0x430] =	vst v4;
	v4 =	vadd.f32 v10, v5;
	v5 =	vshll.u32 v11, $0x10;
	v10 =	vshll.u32 v9, $0x10  }
0x49c: {  	v13 =	vld [tilespmem:s14+$0xDAA0];
	v61 =	vshll.u32 v7, $0x10;
	v62 =	vshll.u32 v14, $0x10;
	v5 =	vadd.f32 v10, v5;
	[tilespmem:s13+$0x460] =	vst v8  }
0x49d: {  	s0 =	sor.u32 $0xC60, s5;
	v7 =	vand.u32 $0xFFFF0000, v7;
	v10 =	vand.u32 $0xFFFF0000, v14;
	v8 =	vadd.f32 v62, v61;
	[tilespmem:s13+$0x470] =	vst v4  }
0x49e: {  	s4 =	simm.s32 $0x500;
	v15 =	vld [tilespmem:s24+$0x260];
	v7 =	vadd.f32 v10, v7;
	[tilespmem:s0+$0x1D200] =	vst v5;
	v4 =	vshll.u32 v12, $0x10;
	v5 =	vshll.u32 v6, $0x10  }
0x49f: {  	s3 =	sand.u32 $0x300, s4;
	v14 =	vld [tilespmem:s29+$0xDA60];
	v4 =	vadd.f32 v5, v4;
	[tilespmem:s6+$0x20] =	vst v8  }
0x4a0: {  	s11 =	smov.u32 s28;
	s9 =	sadd.s32 s3, s9;
	v10 =	vld [tilespmem:s31+$0x280];
	v6 =	vand.u32 $0xFFFF0000, v6;
	v5 =	vand.u32 $0xFFFF0000, v12;
	[tilespmem:s6+$0x30] =	vst v7  }
0x4a1: {  	s15 =	sor.u32 $0xC70, s11;
	v8 =	vld [tilespmem:s10+$0xDA80];
	v12 =	vshll.u32 v60, $0x10;
	v63 =	vshll.u32 v13, $0x10;
	v5 =	vadd.f32 v6, v5;
	[tilespmem:s9+$0x0] =	vst v4  }
0x4a2: {  	v12 =	vadd.f32 v63, v12;
	v4 =	vld [tilespmem:s25+$0x220];
	[dreg:$0x14] =	wrdreg s15  }
0x4a3: {  	v6 =	vand.u32 $0xFFFF0000, v60;
	v7 =	vand.u32 $0xFFFF0000, v13;
	[tilespmem:s9+$0x10] =	vst v5  }
0x4a4: {  	s18 =	sor.u32 $0xC40, s8;
	v6 =	vadd.f32 v7, v6;
	v5 =	vld [tilespmem:s20+$0xDA20];
	[tilespmem:s19+$0x840] =	vst v12  }
0x4a5: {  	v9 =	vand.u32 $0xFFFF0000, v9;
	v7 =	vand.u32 $0xFFFF0000, v11;
	v12 =	vld [tilespmem:s21+$0x210];
	[smem:$0x7D0] =	sst s18  }
0x4a6: {  	s12 =	smov.u32 s24;
	s17 =	sor.u32 $0xC70, s16;
	s22 =	sor.u32 $0xC50, s8;
	v11 =	vshll.u32 v15, $0x10;
	v13 =	vshll.u32 v14, $0x10;
	v7 =	vadd.f32 v9, v7;
	[tilespmem:s19+$0x850] =	vst v6  }
0x4a7: {  	s24 =	sor.u32 $0xC60, s16;
	s16 =	sor.u32 $0xC70, s5;
	v9 =	vadd.f32 v13, v11;
	v11 =	vshll.u32 v10, $0x10;
	v13 =	vshll.u32 v8, $0x10;
	v6 =	vld [tilespmem:s26+$0xDA10];
	[smem:$0x7D1] =	sst s22  }
0x4a8: {  	s4 =	simm.s32 $0x3;
	v11 =	vadd.f32 v13, v11;
	[tilespmem:s16+$0x1D200] =	vst v7  }
0x4a9: {  	s15 =	sor.u32 $0xC60, s8;
	v10 =	vand.u32 $0xFFFF0000, v10;
	v8 =	vand.u32 $0xFFFF0000, v8;
	s16 =	sor.u32 $0xC70, s8;
	s8 =	sand.u32 $0x3, s4;
	[tilespmem:s2+$0x440] =	vst v9  }
0x4aa: {  	v8 =	vadd.f32 v8, v10;
	s22 =	simm.s32 $0x5;
	v7 =	vld [tilespmem:s1+$0x2B0];
	[tilespmem:s13+$0x800] =	vst v11;
	s3 =	sshll.u32 s8, $0x8  }
0x4ab: {  	v14 =	vand.u32 $0xFFFF0000, v14;
	s18 =	simm.s32 $0x5;
	v13 =	vand.u32 $0xFFFF0000, v15;
	v15 =	vld [tilespmem:s14+$0xDAB0];
	[smem:$0x7D2] =	sst s22;
	s3 =	sadd.s32 $0xC00, s3  }
0x4ac: {  	s11 =	simm.s32 $0x4;
	v9 =	vadd.f32 v14, v13;
	s4 =	sand.u32 $0x3, s18;
	[tilespmem:s13+$0x810] =	vst v8;
	s18 =	sor.u32 $0xC00, s3  }
0x4ad: {  	s5 =	sand.u32 $0x3, s11;
	v10 =	vshll.u32 v4, $0x10;
	v8 =	vld [tilespmem:s7+$0x2E0];
	[smem:$0x7D3] =	sst s18  }
0x4ae: {  	s5 =	sshll.u32 s5, $0x8;
	v4 =	vand.u32 $0xFFFF0000, v4;
	v13 =	vshll.u32 v5, $0x10;
	v5 =	vand.u32 $0xFFFF0000, v5;
	s22 =	sor.u32 $0xC20, s3;
	[tilespmem:s2+$0x450] =	vst v9  }
0x4af: {  	s11 =	sadd.s32 $0x1000, s5;
	v10 =	vadd.f32 v13, v10;
	v4 =	vadd.f32 v5, v4;
	s5 =	sor.u32 $0xC30, s3;
	v5 =	vld [tilespmem:s31+$0x290];
	[dreg:$0x1d] =	wrdreg s22  }
0x4b0: {  	[dreg:$0x1b] =	wrdreg s5  }
0x4b1: {  	s18 =	sor.u32 $0xC40, s3;
	[tilespmem:s6+$0x40] =	vst v10  }
0x4b2: {  	s22 =	sor.u32 $0xC50, s3;
	v14 =	vld [tilespmem:s10+$0xDA90];
	[dreg:$0xe] =	wrdreg s18  }
0x4b3: {  	s8 =	sshll.u32 s4, $0x8;
	s0 =	sor.u32 $0xC60, s3;
	[dreg:$0x12] =	wrdreg s22  }
0x4b4: {  	s4 =	sor.u32 $0xC10, s3;
	s3 =	sor.u32 $0xC70, s3;
	[dreg:$0x9] =	wrdreg s0  }
0x4b5: {  	v11 =	vshll.u32 v12, $0x10;
	v13 =	vshll.u32 v6, $0x10;
	[dreg:$0x7] =	wrdreg s3  }
0x4b6: {  	v9 =	vadd.f32 v13, v11;
	s18 =	sor.u32 $0xC00, s11;
	[tilespmem:s6+$0x50] =	vst v4  }
0x4b7: {  	v4 =	vld [tilespmem:s12+$0x270];
	[smem:$0x7D4] =	sst s18  }
0x4b8: {  	s3 =	sadd.s32 $0x1400, s8;
	s8 =	smov.u32 s23;
	s22 =	sor.u32 $0xC10, s11;
	[tilespmem:s9+$0x20] =	vst v9  }
0x4b9: {  	v6 =	vand.u32 $0xFFFF0000, v6;
	v11 =	vand.u32 $0xFFFF0000, v12;
	s23 =	smov.u32 s4;
	s4 =	sor.u32 $0xC20, s11;
	v10 =	vld [tilespmem:s25+$0x230];
	[smem:$0x7D5] =	sst s22  }
0x4ba: {  	v6 =	vadd.f32 v6, v11;
	s5 =	sor.u32 $0xC30, s11;
	[smem:$0x7D6] =	sst s4  }
0x4bb: {  	[smem:$0x7D7] =	sst s5  }
0x4bc: {  	v12 =	vshll.u32 v7, $0x10;
	v11 =	vshll.u32 v15, $0x10;
	s18 =	sor.u32 $0xC40, s11;
	[tilespmem:s9+$0x30] =	vst v6  }
0x4bd: {  	v9 =	vadd.f32 v11, v12;
	s22 =	sor.u32 $0xC50, s11;
	v11 =	vld [tilespmem:s20+$0xDA30];
	[dreg:$0x17] =	wrdreg s18  }
0x4be: {  	s0 =	sor.u32 $0xC60, s11;
	[dreg:$0x10] =	wrdreg s22  }
0x4bf: {  	s4 =	sor.u32 $0xC70, s11;
	[dreg:$0xc] =	wrdreg s0  }
0x4c0: {  	[dreg:$0xa] =	wrdreg s4  }
0x4c1: {  	v2 =	vshll.u32 v0, $0x10;
	s5 =	sor.u32 $0xC00, s3;
	[tilespmem:s19+$0x860] =	vst v9  }
0x4c2: {  	v0 =	vand.u32 $0xFFFF0000, v0;
	v3 =	vshll.u32 v1, $0x10;
	v13 =	vand.u32 $0xFFFF0000, v1;
	s18 =	sor.u32 $0xC10, s3;
	v12 =	vld [tilespmem:s21+$0x220];
	[smem:$0x7D8] =	sst s5  }
0x4c3: {  	v1 =	vadd.f32 v3, v2;
	v2 =	vand.u32 $0xFFFF0000, v7;
	v3 =	vand.u32 $0xFFFF0000, v15;
	s22 =	sor.u32 $0xC20, s3;
	[smem:$0x7D9] =	sst s18  }
0x4c4: {  	v0 =	vadd.f32 v13, v0;
	v6 =	vadd.f32 v3, v2;
	s4 =	sor.u32 $0xC30, s3;
	v13 =	vld [tilespmem:s26+$0xDA20];
	[smem:$0x7DA] =	sst s22  }
0x4c5: {  	[smem:$0x7DB] =	sst s4  }
0x4c6: {  	s5 =	sor.u32 $0xC60, s3;
	[tilespmem:s19+$0x870] =	vst v6  }
0x4c7: {  	v7 =	vshll.u32 v5, $0x10;
	s11 =	smov.u32 s29;
	v3 =	vshll.u32 v8, $0x10;
	v9 =	vshll.u32 v14, $0x10;
	[smem:$0x7DC] =	sst s5  }
0x4c8: {  	s28 =	sor.u32 $0xC60, s28;
	s29 =	sor.u32 $0xC50, s3;
	v2 =	vand.u32 $0xFFFF0000, v8;
	v14 =	vand.u32 $0xFFFF0000, v14;
	v8 =	vadd.f32 v9, v7;
	s18 =	simm.s32 $0xC80;
	v6 =	vld [tilespmem:s11+$0xDA70]  }
0x4c9: {  	v9 =	vand.u32 $0xFFFF0000, v5;
	v7 =	vshll.u32 v4, $0x10;
	v5 =	vand.u32 $0xFFFF0000, v4;
	s22 =	sor.u32 $0xC40, s3;
	s19 =	simm.s32 $0xA;
	v4 =	vld [tilespmem:s8+$0xDAE0];
	[smem:$0x7DD] =	sst s18  }
0x4ca: {  	s4 =	sor.u32 $0xC70, s3;
	v9 =	vadd.f32 v14, v9;
	[smem:$0x7DE] =	sst s19;
	s19 =	simm.s32 $0x1D0  }
.LBB2_8:
0x4cb: {  	[smem:$0x7C6] =	sst s29;
	v14 =	vld [tilespmem:s19+$0x0];
	[tilespmem:s13+$0x820] =	vst v8  }
0x4cc: {  	s18 =	sld [smem:$0x7DC];
	[tilespmem:s13+$0x830] =	vst v9  }
0x4cd: {  	v8 =	vld [tilespmem:s19+$0xFFFFFFF0];
	v9 =	vshll.u32 v12, $0x10;
	[tilespmem:s28+$0x1D200] =	vst v1;
	s0 =	smov.u32 s24;
	s28 =	sld [smem:$0x7D4];
	v15 =	vshll.u32 v10, $0x10  }
0x4ce: {  	s3 =	smov.u32 s15;
	v16 =	vshll.u32 v11, $0x10;
	v10 =	vand.u32 $0xFFFF0000, v10;
	v11 =	vand.u32 $0xFFFF0000, v11;
	[smem:$0x7CA] =	sst s0  }
0x4cf: {  	v54 =	vshll.u32 v13, $0x10;
	[smem:$0x7C8] =	sst s3;
	v15 =	vadd.f32 v16, v15;
	v10 =	vadd.f32 v11, v10  }
0x4d0: {  	s3 =	rddreg [dreg:$0x9];
	v11 =	vld [tilespmem:s31+$0x2A0];
	v1 =	vadd.f32 v54, v9;
	v9 =	vand.u32 $0xFFFF0000, v12;
	v12 =	vand.u32 $0xFFFF0000, v13  }
0x4d1: {  	s0 =	rddreg [dreg:$0x14];
	s5 =	smov.u32 s3;
	v9 =	vadd.f32 v12, v9;
	v12 =	vld [tilespmem:s1+$0x2C0];
	[tilespmem:s6+$0x60] =	vst v15  }
0x4d2: {  	[smem:$0x7C9] =	sst s5;
	(v2sf) =	vpush v14, $0x1;
	v15 =	vmul.u32 $0x6, v14;
	v13 =	vld [tilespmem:s10+$0xDAA0];
	[tilespmem:s6+$0x70] =	vst v10;
	v10 =	vshll.u32 v6, $0x10  }
0x4d3: {  	s24 =	smov.u32 s18;
	s5 =	rddreg [dreg:$0xc];
	[tilespmem:s9+$0x40] =	vst v1;
	(v2sf) =	vpush v14, $0x4;
	v6 =	vand.u32 $0xFFFF0000, v6;
	v55 =	vld [tilespmem:s25+$0x240];
	v1 =	vadd.f32 v10, v7  }
0x4d4: {  	[dreg:$0xc] =	wrdreg s24;
	[tilespmem:s9+$0x50] =	vst v9;
	v9 =	vld [tilespmem:s20+$0xDA40];
	v6 =	vadd.f32 v6, v5;
	(v2sf) =	vpush v15, $0x0  }
0x4d5: {  	s24 =	rddreg [dreg:$0xa];
	v7 =	vmul.u32 $0x6, v8;
	v10 =	vld [tilespmem:s21+$0x230];
	v5 =	vshll.u32 v4, $0x10;
	(v2sf) =	vpush v15, $0x3;
	[tilespmem:s2+$0x460] =	vst v1  }
0x4d6: {  	s15 =	smov.u32 s5;
	s5 =	smov.u32 s17;
	s17 =	rddreg [dreg:$0x7];
	v1 =	vand.u32 $0xFFFF0000, v4;
	(v2sf) =	vpush v14, $0x2;
	v4 =	vld [tilespmem:s26+$0xDA30];
	[tilespmem:s2+$0x470] =	vst v6;
	v6 =	vshll.u32 v11, $0x10  }
0x4d7: {  	[dreg:$0x9] =	wrdreg s15;
	v11 =	vand.u32 $0xFFFF0000, v11;
	(v2sf) =	vpush v14, $0x5;
	v15 =	vshll.u32 v13, $0x10;
	v17 =	vld [tilespmem:s12+$0x280];
	[tilespmem:s0+$0x1D200] =	vst v0  }
0x4d8: {  	s18 =	smov.u32 s17;
	s17 =	rddreg [dreg:$0x18];
	v13 =	vand.u32 $0xFFFF0000, v13;
	(v2sf) =	vpush v7, $0x0;
	v6 =	vadd.f32 v15, v6;
	v15 =	vld [tilespmem:s11+$0xDA80]  }
0x4d9: {  	[dreg:$0x14] =	wrdreg s5;
	s15 =	smov.u32 s16;
	v0 =	vadd.f32 v13, v11;
	v13 =	vshll.u32 v55, $0x10;
	v14 =	vshll.u32 v9, $0x10;
	v57 =	vld [tilespmem:s17+$0xDAF0]  }
0x4da: {  	[smem:$0x7CC] =	sst s15;
	v9 =	vand.u32 $0xFFFF0000, v9;
	v13 =	vadd.f32 v14, v13;
	v14 =	vand.u32 $0xFFFF0000, v55;
	[tilespmem:s13+$0x840] =	vst v6;
	v6 =	vld [tilespmem:s14+$0xDAC0]  }
0x4db: {  	s5 =	smov.u32 s4;
	[smem:$0x7CB] =	sst s18;
	v56 =	vshll.u32 v10, $0x10;
	[tilespmem:s13+$0x850] =	vst v0;
	v0 =	vld [tilespmem:s30+$0x2F0];
	v9 =	vadd.f32 v9, v14;
	v18 =	vshll.u32 v4, $0x10  }
0x4dc: {  	[dreg:$0xa] =	wrdreg s5;
	s15 =	smov.u32 s7;
	v10 =	vand.u32 $0xFFFF0000, v10;
	v14 =	vld [tilespmem:s31+$0x2B0];
	v4 =	vand.u32 $0xFFFF0000, v4;
	[tilespmem:s6+$0x400] =	vst v13;
	v16 =	vadd.f32 v18, v56  }
0x4dd: {  	s18 =	smov.u32 s8;
	[smem:$0x7C7] =	sst s15;
	(v2sf) =	vpush v7, $0x3;
	v13 =	vld [tilespmem:s10+$0xDAB0];
	v4 =	vadd.f32 v4, v10;
	[tilespmem:s6+$0x410] =	vst v9  }
0x4de: {  	s16 =	smov.u32 s13;
	[dreg:$0x18] =	wrdreg s18;
	(v2sf) =	vpush v8, $0x1;
	s13 =	smov.u32 s1;
	v9 =	vshll.u32 v17, $0x10;
	v10 =	vshll.u32 v15, $0x10;
	v58 =	vld [tilespmem:s25+$0x250];
	[tilespmem:s9+$0x60] =	vst v16  }
0x4df: {  	s1 =	smov.u32 s12;
	s12 =	smov.u32 s21;
	s21 =	smov.u32 s26;
	v17 =	vand.u32 $0xFFFF0000, v17;
	v15 =	vand.u32 $0xFFFF0000, v15;
	[tilespmem:s9+$0x70] =	vst v4;
	v4 =	vld [tilespmem:s20+$0xDA50];
	v7 =	vadd.f32 v10, v9  }
0x4e0: {  	s0 =	smov.u32 s24;
	(v2sf) =	vpush v8, $0x4;
	[smem:$0x7C5] =	sst s21;
	v15 =	vadd.f32 v15, v17;
	v10 =	vld [tilespmem:s12+$0x240]  }
0x4e1: {  	v11 =	vshll.u32 v12, $0x10;
	s8 =	smov.u32 s21;
	v9 =	vshll.u32 v6, $0x10;
	v59 =	vld [tilespmem:s21+$0xDA40];
	s24 =	spop (v2sf);
	(v2sf) =	vpush v8, $0x2;
	s21 =	sld [smem:$0x7D2];
	[tilespmem:s2+$0x800] =	vst v7  }
0x4e2: {  	s29 =	smov.u32 s11;
	[dreg:$0x7] =	wrdreg s0;
	v7 =	vshll.u32 v14, $0x10;
	[tilespmem:s2+$0x810] =	vst v15;
	v14 =	vand.u32 $0xFFFF0000, v14;
	s26 =	spop (v2sf);
	v19 =	vshll.u32 v13, $0x10  }
0x4e3: {  	s7 =	smov.u32 s14;
	s11 =	sld [smem:$0x7D3];
	(v2sf) =	vpush v8, $0x5;
	v13 =	vand.u32 $0xFFFF0000, v13;
	v15 =	vld [tilespmem:s1+$0x290];
	v7 =	vadd.f32 v19, v7;
	s0 =	spop (v2sf)  }
0x4e4: {  	v60 =	vld [tilespmem:s29+$0xDA90];
	v13 =	vadd.f32 v13, v14;
	v8 =	vshll.u32 v58, $0x10;
	s4 =	sadd.s32 $0x1, s21;
	v14 =	vshll.u32 v4, $0x10;
	s3 =	sadd.s32 s24, s0;
	s24 =	rddreg [dreg:$0x4]  }
0x4e5: {  	s18 =	smov.u32 s6;
	s5 =	spop (v2sf);
	v4 =	vand.u32 $0xFFFF0000, v4;
	[smem:$0x7D2] =	sst s4;
	[tilespmem:s16+$0x860] =	vst v7;
	v7 =	vadd.f32 v14, v8;
	v8 =	vand.u32 $0xFFFF0000, v58  }
0x4e6: {  	[tilespmem:s16+$0x870] =	vst v13;
	v13 =	vshll.u32 v10, $0x10;
	v14 =	vshll.u32 v59, $0x10;
	s3 =	smul.u32 $0x6, s3;
	s15 =	sadd.s32 s26, s5;
	s16 =	spop (v2sf);
	v4 =	vadd.f32 v4, v8  }
0x4e7: {  	v10 =	vand.u32 $0xFFFF0000, v10;
	s5 =	sadd.s32 $0x2, s24;
	s24 =	smov.u32 s20;
	v8 =	vld [tilespmem:s31+$0x2C0];
	v13 =	vadd.f32 v14, v13;
	v14 =	vand.u32 $0xFFFF0000, v59;
	s6 =	smul.u32 $0x6, s15;
	[tilespmem:s18+$0x420] =	vst v7  }
0x4e8: {  	v9 =	vadd.f32 v9, v11;
	s17 =	spop (v2sf);
	[dreg:$0x4] =	wrdreg s5;
	s5 =	sand.u32 $0x7, s5;
	v10 =	vadd.f32 v14, v10;
	v7 =	vld [tilespmem:s10+$0xDAC0];
	[tilespmem:s18+$0x430] =	vst v4  }
0x4e9: {  	v14 =	vand.u32 $0xFFFF0000, v15;
	s3 =	sadd.s32 s16, s3;
	s14 =	sshll.u32 s5, $0x7;
	s16 =	sld [smem:$0x7DD];
	v4 =	vshll.u32 v15, $0x10;
	[tilespmem:s9+$0x400] =	vst v13;
	v15 =	vshll.u32 v60, $0x10;
	v13 =	vld [tilespmem:s25+$0x260]  }
0x4ea: {  	v3 =	vadd.f32 v5, v3;
	v61 =	vand.u32 $0xFFFF0000, v60;
	s21 =	spop (v2sf);
	s5 =	sld [smem:$0x7DE];
	s6 =	sadd.s32 s17, s6;
	[tilespmem:s9+$0x410] =	vst v10;
	v10 =	vld [tilespmem:s20+$0xDA60];
	v4 =	vadd.f32 v15, v4  }
0x4eb: {  	v12 =	vand.u32 $0xFFFF0000, v12;
	v6 =	vand.u32 $0xFFFF0000, v6;
	s3 =	sshll.u32 s3, $0xA;
	v11 =	vadd.f32 v61, v14;
	s17 =	sand.u32 $0x3, s4;
	s26 =	sshll.u32 s6, $0xA;
	v15 =	vld [tilespmem:s12+$0x250];
	[tilespmem:s11+$0x1D200] =	vst v9  }
0x4ec: {  	v2 =	vadd.f32 v1, v2;
	v5 =	vshll.u32 v57, $0x10;
	v6 =	vadd.f32 v6, v12;
	s20 =	sshra.s32 s3, $0x2;
	s15 =	sshra.s32 s26, $0x2;
	s0 =	sadd.s32 $0x400, s16;
	[tilespmem:s2+$0x820] =	vst v4  }
0x4ed: {  	v14 =	vshll.u32 v0, $0x10;
	v9 =	vld [tilespmem:s20+$0x200];
	s26 =	spop (v2sf);
	v4 =	vshll.u32 v8, $0x10;
	[smem:$0x7DD] =	sst s0;
	s11 =	sadd.s32 s14, s0;
	[tilespmem:s2+$0x830] =	vst v11;
	v12 =	vshll.u32 v7, $0x10  }
0x4ee: {  	s0 =	sadd.s32 $0x2, s5;
	s4 =	sor.u32 $0xC00, s11;
	v7 =	vand.u32 $0xFFFF0000, v7;
	v1 =	vadd.f32 v12, v4;
	v4 =	vand.u32 $0xFFFF0000, v8;
	v8 =	vld [tilespmem:s8+$0xDA50];
	s8 =	spop (v2sf)  }
0x4ef: {  	v62 =	vld [tilespmem:s15+$0xDA00];
	[tilespmem:s23+$0x1D200] =	vst v6;
	v11 =	vshll.u32 v10, $0x10;
	s23 =	sld [smem:$0x7CE];
	v4 =	vadd.f32 v7, v4;
	v7 =	vshll.u32 v13, $0x10;
	s5 =	sadd.s32 s8, s21;
	s21 =	spop (v2sf)  }
0x4f0: {  	s16 =	sor.u32 $0xC10, s11;
	[tilespmem:s4+$0x1D200] =	vst v1;
	v1 =	vadd.f32 v5, v14;
	v5 =	vadd.f32 v11, v7;
	s6 =	sadd.s32 s21, s26;
	s26 =	sld [smem:$0x7D0]  }
0x4f1: {  	v10 =	vand.u32 $0xFFFF0000, v10;
	v12 =	vld [tilespmem:s1+$0x2A0];
	v7 =	vand.u32 $0xFFFF0000, v13;
	s21 =	sld [smem:$0x7CF];
	[tilespmem:s16+$0x1D200] =	vst v4  }
0x4f2: {  	v0 =	vand.u32 $0xFFFF0000, v0;
	s3 =	sshll.u32 s17, $0x8;
	[smem:$0x7DE] =	sst s0;
	v6 =	vand.u32 $0xFFFF0000, v57;
	v7 =	vadd.f32 v10, v7;
	v10 =	vld [tilespmem:s31+$0x2D0];
	[tilespmem:s18+$0x440] =	vst v5  }
0x4f3: {  	p0 =	slt.u32 s0, $0xE;
	v0 =	vadd.f32 v6, v0;
	v6 =	vand.u32 $0xFFFF0000, v9;
	v11 =	vld [tilespmem:s29+$0xDAA0];
	s4 =	sadd.s32 $0x400, s23;
	[tilespmem:s26+$0x1D200] =	vst v3;
	s26 =	sld [smem:$0x7D1]  }
0x4f4: {  	s5 =	smul.u32 $0x6, s5;
	v13 =	vand.u32 $0xFFFF0000, v15;
	v14 =	vshll.u32 v62, $0x10;
	s0 =	sand.u32 $0x1000, s4;
	v3 =	vshll.u32 v9, $0x10;
	s16 =	sadd.s32 $0x100, s21;
	v5 =	vld [tilespmem:s10+$0xDAD0]  }
0x4f5: {  	s8 =	spop (v2sf);
	v4 =	vshll.u32 v15, $0x10;
	s14 =	sadd.s32 $0x1D200, s0;
	v9 =	vand.u32 $0xFFFF0000, v62;
	[tilespmem:s18+$0x450] =	vst v7;
	v3 =	vadd.f32 v14, v3;
	s23 =	sand.u32 $0x380, s16  }
0x4f6: {  	s17 =	smul.u32 $0x6, s6;
	s5 =	sadd.s32 s8, s5;
	v7 =	vld [tilespmem:s13+$0x2D0];
	v6 =	vadd.f32 v9, v6;
	v9 =	vshll.u32 v8, $0x10;
	v8 =	vand.u32 $0xFFFF0000, v8;
	s6 =	sadd.s32 s23, s14;
	[tilespmem:s26+$0x1D200] =	vst v2  }
0x4f7: {  	[smem:$0x7CE] =	sst s4;
	s0 =	smov.u32 s22;
	s22 =	spop (v2sf);
	v14 =	vld [tilespmem:s25+$0x270];
	[tilespmem:s6+$0x0] =	vst v3;
	v2 =	vadd.f32 v9, v4;
	v3 =	vadd.f32 v8, v13  }
0x4f8: {  	s21 =	sshll.u32 s5, $0xA;
	[smem:$0x7CF] =	sst s16;
	s17 =	sadd.s32 s22, s17;
	v8 =	vshll.u32 v12, $0x10;
	v9 =	vand.u32 $0xFFFF0000, v12;
	v4 =	vld [tilespmem:s24+$0xDA70];
	[tilespmem:s6+$0x10] =	vst v6;
	v6 =	vshll.u32 v11, $0x10  }
0x4f9: {  	s23 =	sadd.s32 s3, s4;
	s4 =	sshra.s32 s21, $0x2;
	s8 =	sshll.u32 s17, $0xA;
	v12 =	vld [tilespmem:s7+$0xDAD0];
	[tilespmem:s9+$0x420] =	vst v2;
	v2 =	vadd.f32 v6, v8;
	v6 =	vshll.u32 v10, $0x10;
	v8 =	vshll.u32 v5, $0x10  }
0x4fa: {  	s21 =	sor.u32 $0xC20, s11;
	s26 =	sadd.s32 $0xFFFFFF80, s16;
	s16 =	sor.u32 $0xC00, s23;
	[tilespmem:s9+$0x430] =	vst v3;
	v3 =	vadd.f32 v8, v6  }
0x4fb: {  	s3 =	sor.u32 $0xC30, s23;
	s30 =	sor.u32 $0xC50, s23;
	s5 =	sand.u32 $0x300, s26;
	v13 =	vld [tilespmem:s20+$0x210]  }
0x4fc: {  	s26 =	sshra.s32 s8, $0x2;
	s8 =	sor.u32 $0xC10, s23;
	v15 =	vld [tilespmem:s15+$0xDA10];
	[tilespmem:s21+$0x1D200] =	vst v3;
	s21 =	smov.u32 s28  }
0x4fd: {  	v8 =	vld [tilespmem:s4+$0x200];
	[smem:$0x7D3] =	sst s21;
	s21 =	smov.u32 s4;
	s4 =	sor.u32 $0xC60, s23  }
0x4fe: {  	s17 =	sadd.s32 s5, s14;
	s14 =	sor.u32 $0xC20, s23;
	[smem:$0x7DC] =	sst s4  }
0x4ff: {  	v5 =	vand.u32 $0xFFFF0000, v5;
	s5 =	sor.u32 $0xC40, s23;
	v6 =	vand.u32 $0xFFFF0000, v10;
	s4 =	sor.u32 $0xC70, s23;
	s23 =	sld [smem:$0x7D8]  }
0x500: {  	[tilespmem:s2+$0x840] =	vst v2;
	v2 =	vadd.f32 v5, v6  }
0x501: {  	s22 =	sor.u32 $0xC30, s11  }
0x502: {  	[tilespmem:s22+$0x1D200] =	vst v2;
	s22 =	smov.u32 s23;
	s23 =	smov.u32 s16;
	s16 =	sld [smem:$0x7D5]  }
0x503: {  	_ = 	snop  }
0x504: {  	[smem:$0x7D8] =	sst s23  }
0x505: {  	s23 =	smov.u32 s16;
	s16 =	sld [smem:$0x7D9];
	_ =	sdelay $0x2  }
0x506: {  	[smem:$0x7D4] =	sst s22;
	s22 =	smov.u32 s16  }
0x507: {  	[smem:$0x7D5] =	sst s22  }
0x508: {  	s22 =	smov.u32 s8;
	s8 =	smov.u32 s7;
	s7 =	rddreg [dreg:$0x17]  }
0x509: {  	[smem:$0x7D9] =	sst s22  }
0x50a: {  	s22 =	rddreg [dreg:$0xe]  }
0x50b: {  	s16 =	smov.u32 s22;
	s22 =	smov.u32 s0;
	s0 =	rddreg [dreg:$0x12]  }
0x50c: {  	[smem:$0x7D0] =	sst s16  }
0x50d: {  	v11 =	vand.u32 $0xFFFF0000, v11;
	[dreg:$0x17] =	wrdreg s22  }
0x50e: {  	v9 =	vadd.f32 v11, v9;
	v10 =	vshll.u32 v14, $0x10;
	v11 =	vshll.u32 v4, $0x10;
	s16 =	smov.u32 s7;
	s7 =	smov.u32 s0;
	s0 =	sld [smem:$0x7D6]  }
0x50f: {  	v5 =	vshll.u32 v7, $0x10;
	v6 =	vld [tilespmem:s26+$0xDA00];
	v3 =	vand.u32 $0xFFFF0000, v7;
	v10 =	vadd.f32 v11, v10;
	[dreg:$0xe] =	wrdreg s16  }
0x510: {  	v7 =	vld [tilespmem:s12+$0x260];
	[tilespmem:s2+$0x850] =	vst v9;
	v4 =	vand.u32 $0xFFFF0000, v4;
	v9 =	vshll.u32 v12, $0x10;
	v11 =	vand.u32 $0xFFFF0000, v14;
	s16 =	sld [smem:$0x7C5]  }
0x511: {  	v5 =	vadd.f32 v9, v5;
	v2 =	vadd.f32 v4, v11;
	v4 =	vld [tilespmem:s31+$0x2E0];
	[tilespmem:s18+$0x460] =	vst v10;
	[smem:$0x7D1] =	sst s7  }
0x512: {  	v14 =	vshll.u32 v15, $0x10;
	v11 =	vand.u32 $0xFFFF0000, v12;
	v12 =	vshll.u32 v13, $0x10;
	v10 =	vld [tilespmem:s10+$0xDAE0];
	s22 =	smov.u32 s5;
	s7 =	rddreg [dreg:$0x1d]  }
0x513: {  	v9 =	vadd.f32 v14, v12;
	s5 =	smov.u32 s14;
	v14 =	vld [tilespmem:s16+$0xDA60];
	[tilespmem:s7+$0x1D200] =	vst v5;
	s7 =	smov.u32 s0;
	s0 =	sld [smem:$0x7DA]  }
0x514: {  	[smem:$0x7DA] =	sst s5  }
0x515: {  	v12 =	vand.u32 $0xFFFF0000, v13;
	v13 =	vand.u32 $0xFFFF0000, v15;
	[tilespmem:s18+$0x470] =	vst v2;
	s5 =	sld [smem:$0x7C6]  }
0x516: {  	v2 =	vshll.u32 v8, $0x10;
	v15 =	vshll.u32 v6, $0x10;
	v12 =	vadd.f32 v13, v12;
	v13 =	vld [tilespmem:s25+$0x280];
	[tilespmem:s6+$0x20] =	vst v9;
	[dreg:$0x1d] =	wrdreg s7;
	s7 =	smov.u32 s0  }
0x517: {  	v6 =	vand.u32 $0xFFFF0000, v6;
	v2 =	vadd.f32 v15, v2;
	v5 =	vand.u32 $0xFFFF0000, v8;
	v8 =	vld [tilespmem:s24+$0xDA80];
	[smem:$0x7D6] =	sst s7  }
0x518: {  	v15 =	vshll.u32 v10, $0x10;
	[tilespmem:s6+$0x30] =	vst v12;
	v12 =	vshll.u32 v4, $0x10;
	v5 =	vadd.f32 v6, v5;
	v9 =	vld [tilespmem:s1+$0x2B0];
	s7 =	rddreg [dreg:$0x10]  }
0x519: {  	v3 =	vadd.f32 v11, v3;
	[tilespmem:s17+$0x0] =	vst v2;
	v2 =	vld [tilespmem:s20+$0x220];
	v11 =	vadd.f32 v15, v12;
	s0 =	smov.u32 s7;
	s7 =	smov.u32 s5  }
0x51a: {  	v10 =	vand.u32 $0xFFFF0000, v10;
	v4 =	vand.u32 $0xFFFF0000, v4;
	[tilespmem:s17+$0x10] =	vst v5;
	v5 =	vld [tilespmem:s15+$0xDA20];
	s5 =	sor.u32 $0xC40, s11;
	[dreg:$0x10] =	wrdreg s7  }
0x51b: {  	v6 =	vshll.u32 v7, $0x10;
	v4 =	vadd.f32 v10, v4;
	v15 =	vshll.u32 v14, $0x10;
	s7 =	rddreg [dreg:$0x1b];
	[tilespmem:s5+$0x1D200] =	vst v11  }
0x51c: {  	v10 =	vshll.u32 v13, $0x10;
	v12 =	vld [tilespmem:s21+$0x210];
	v6 =	vadd.f32 v15, v6;
	v15 =	vshll.u32 v8, $0x10;
	s5 =	sor.u32 $0xC50, s11;
	[tilespmem:s7+$0x1D200] =	vst v3  }
0x51d: {  	s14 =	smov.u32 s29;
	v11 =	vand.u32 $0xFFFF0000, v13;
	v8 =	vand.u32 $0xFFFF0000, v8;
	v10 =	vadd.f32 v15, v10;
	[tilespmem:s5+$0x1D200] =	vst v4;
	v3 =	vld [tilespmem:s26+$0xDA10]  }
0x51e: {  	v7 =	vand.u32 $0xFFFF0000, v7;
	v14 =	vand.u32 $0xFFFF0000, v14;
	v13 =	vld [tilespmem:s14+$0xDAB0];
	[tilespmem:s9+$0x440] =	vst v6;
	v6 =	vadd.f32 v8, v11  }
0x51f: {  	s29 =	smov.u32 s30;
	s30 =	sld [smem:$0x7C7];
	v4 =	vadd.f32 v14, v7;
	v8 =	vld [tilespmem:s31+$0x2F0];
	v11 =	vshll.u32 v2, $0x10;
	v14 =	vshll.u32 v5, $0x10;
	[tilespmem:s18+$0x800] =	vst v10  }
0x520: {  	s28 =	smov.u32 s13;
	s7 =	sld [smem:$0x7D7];
	v7 =	vshll.u32 v9, $0x10;
	v10 =	vadd.f32 v14, v11;
	v15 =	vld [tilespmem:s10+$0xDAF0];
	[tilespmem:s18+$0x810] =	vst v6  }
0x521: {  	[dreg:$0x12] =	wrdreg s0;
	v9 =	vand.u32 $0xFFFF0000, v9;
	s31 =	smov.u32 s25;
	s25 =	smov.u32 s20;
	v2 =	vand.u32 $0xFFFF0000, v2;
	v5 =	vand.u32 $0xFFFF0000, v5;
	v6 =	vld [tilespmem:s28+$0x2E0];
	[tilespmem:s9+$0x450] =	vst v4  }
0x522: {  	s20 =	smov.u32 s15;
	s15 =	sld [smem:$0x7C9];
	v11 =	vshll.u32 v12, $0x10;
	v2 =	vadd.f32 v5, v2;
	s10 =	smov.u32 s24;
	v4 =	vld [tilespmem:s31+$0x290];
	[tilespmem:s6+$0x40] =	vst v10;
	v14 =	vshll.u32 v3, $0x10  }
0x523: {  	s0 =	smov.u32 s7;
	s7 =	sld [smem:$0x7DB];
	v3 =	vand.u32 $0xFFFF0000, v3;
	v5 =	vadd.f32 v14, v11;
	v11 =	vand.u32 $0xFFFF0000, v12;
	v14 =	vld [tilespmem:s10+$0xDA90]  }
0x524: {  	s13 =	smov.u32 s18;
	s5 =	sor.u32 $0xC60, s11;
	s24 =	sld [smem:$0x7C8];
	v63 =	vld [tilespmem:s12+$0x270];
	[tilespmem:s6+$0x50] =	vst v2;
	v2 =	vshll.u32 v13, $0x10;
	v13 =	vand.u32 $0xFFFF0000, v13;
	v3 =	vadd.f32 v3, v11  }
0x525: {  	s18 =	sor.u32 $0xC70, s11;
	s11 =	smov.u32 s16;
	s16 =	sld [smem:$0x7CB];
	v10 =	vld [tilespmem:s25+$0x230];
	v2 =	vadd.f32 v2, v7;
	v7 =	vshll.u32 v15, $0x10;
	[tilespmem:s17+$0x20] =	vst v5;
	v5 =	vshll.u32 v8, $0x10  }
.Ltmp7:
0x526: {  	[dreg:$0x1b] =	wrdreg s0;
	s0 =	smov.u32 s7;
	v11 =	vld [tilespmem:s20+$0xDA30];
	[tilespmem:s17+$0x30] =	vst v3;
	v5 =	vadd.f32 v7, v5;
	v3 =	vand.u32 $0xFFFF0000, v8;
	v7 =	vand.u32 $0xFFFF0000, v15;
	(pc) =	sbr.rel @p0 .LBB2_8-.Ltmp7, $4  }
0x527: {  	s7 =	smov.u32 s3;
	[smem:$0x7D7] =	sst s0;
	v15 =	vadd.f32 v13, v9;
	v8 =	vshll.u32 v4, $0x10;
	v4 =	vand.u32 $0xFFFF0000, v4;
	v12 =	vld [tilespmem:s21+$0x220];
	[tilespmem:s2+$0x860] =	vst v2  }
0x528: {  	[smem:$0x7DB] =	sst s7;
	v7 =	vadd.f32 v7, v3;
	v3 =	vshll.u32 v6, $0x10;
	v13 =	vld [tilespmem:s26+$0xDA20];
	v9 =	vshll.u32 v14, $0x10;
	[tilespmem:s5+$0x1D200] =	vst v5  }
0x529: {  	s19 =	sadd.s32 $0x20, s19;
	s7 =	smov.u32 s28;
	s28 =	sld [smem:$0x7CA];
	v2 =	vand.u32 $0xFFFF0000, v6;
	v6 =	vld [tilespmem:s11+$0xDA70];
	[tilespmem:s2+$0x870] =	vst v15;
	v8 =	vadd.f32 v9, v8;
	v9 =	vand.u32 $0xFFFF0000, v14  }
0x52a: {  	v5 =	vand.u32 $0xFFFF0000, v63;
	s2 =	smov.u32 s9;
	s9 =	smov.u32 s17;
	s17 =	sld [smem:$0x7CC];
	[tilespmem:s18+$0x1D200] =	vst v7;
	v7 =	vshll.u32 v63, $0x10;
	v9 =	vadd.f32 v9, v4;
	v4 =	vld [tilespmem:s8+$0xDAE0]  }
0x52b: {  	v57 =	vshll.u32 v10, $0x10;
	v59 =	vand.u32 $0xFFFF0000, v10;
	v60 =	vand.u32 $0xFFFF0000, v11  }
0x52c: {  	v58 =	vshll.u32 v11, $0x10;
	v14 =	vshll.u32 v12, $0x10;
	v10 =	vadd.f32 v60, v59  }
0x52d: {  	v15 =	vshll.u32 v13, $0x10;
	v56 =	vand.u32 $0xFFFF0000, v13;
	v13 =	vadd.f32 v58, v57  }
0x52e: {  	v55 =	vand.u32 $0xFFFF0000, v12;
	v14 =	vadd.f32 v15, v14;
	[tilespmem:s6+$0x70] =	vst v10  }
0x52f: {  	v12 =	vadd.f32 v56, v55;
	[tilespmem:s6+$0x60] =	vst v13  }
0x530: {  	[tilespmem:s9+$0x40] =	vst v14;
	v10 =	vld [tilespmem:s25+$0x240]  }
0x531: {  	[tilespmem:s9+$0x50] =	vst v12;
	v13 =	vld [tilespmem:s20+$0xDA40]  }
0x532: {  	v61 =	vld [tilespmem:s21+$0x230]  }
0x533: {  	v12 =	vld [tilespmem:s26+$0xDA30];
	_ =	sdelay $0x3  }
0x534: {  	v18 =	vshll.u32 v10, $0x10  }
0x535: {  	v19 =	vshll.u32 v13, $0x10;
	v62 =	vshll.u32 v61, $0x10;
	v63 =	vshll.u32 v12, $0x10  }
0x536: {  	v11 =	vand.u32 $0xFFFF0000, v61;
	v12 =	vand.u32 $0xFFFF0000, v12;
	v14 =	vadd.f32 v63, v62  }
0x537: {  	v10 =	vand.u32 $0xFFFF0000, v10;
	v13 =	vand.u32 $0xFFFF0000, v13;
	v11 =	vadd.f32 v12, v11  }
0x538: {  	v10 =	vadd.f32 v13, v10;
	[tilespmem:s9+$0x60] =	vst v14  }
0x539: {  	v12 =	vadd.f32 v19, v18;
	[tilespmem:s9+$0x70] =	vst v11  }
0x53a: {  	[tilespmem:s6+$0x410] =	vst v10;
	v11 =	vld [tilespmem:s21+$0x240]  }
0x53b: {  	[tilespmem:s6+$0x400] =	vst v12;
	v20 =	vld [tilespmem:s26+$0xDA40]  }
0x53c: {  	v10 =	vld [tilespmem:s25+$0x250]  }
0x53d: {  	v21 =	vld [tilespmem:s20+$0xDA50];
	_ =	sdelay $0x2  }
0x53e: {  	v22 =	vshll.u32 v11, $0x10;
	v23 =	vshll.u32 v20, $0x10  }
0x53f: {  	v11 =	vand.u32 $0xFFFF0000, v11;
	v12 =	vand.u32 $0xFFFF0000, v20;
	v14 =	vadd.f32 v23, v22  }
0x540: {  	v24 =	vshll.u32 v10, $0x10;
	v25 =	vshll.u32 v21, $0x10;
	v11 =	vadd.f32 v12, v11  }
0x541: {  	v10 =	vand.u32 $0xFFFF0000, v10;
	v13 =	vand.u32 $0xFFFF0000, v21;
	v12 =	vadd.f32 v25, v24;
	[tilespmem:s9+$0x400] =	vst v14  }
0x542: {  	v10 =	vadd.f32 v13, v10;
	[tilespmem:s9+$0x410] =	vst v11  }
0x543: {  	[tilespmem:s6+$0x420] =	vst v12;
	v11 =	vld [tilespmem:s21+$0x250]  }
0x544: {  	[tilespmem:s6+$0x430] =	vst v10;
	v26 =	vld [tilespmem:s26+$0xDA50]  }
0x545: {  	v10 =	vld [tilespmem:s25+$0x260]  }
0x546: {  	v27 =	vld [tilespmem:s20+$0xDA60];
	_ =	sdelay $0x2  }
0x547: {  	v28 =	vshll.u32 v11, $0x10;
	v29 =	vshll.u32 v26, $0x10  }
0x548: {  	v11 =	vand.u32 $0xFFFF0000, v11;
	v12 =	vand.u32 $0xFFFF0000, v26;
	v14 =	vadd.f32 v29, v28  }
0x549: {  	v30 =	vshll.u32 v10, $0x10;
	v31 =	vshll.u32 v27, $0x10;
	v11 =	vadd.f32 v12, v11  }
0x54a: {  	v10 =	vand.u32 $0xFFFF0000, v10;
	v13 =	vand.u32 $0xFFFF0000, v27;
	v12 =	vadd.f32 v31, v30;
	[tilespmem:s9+$0x420] =	vst v14  }
0x54b: {  	v10 =	vadd.f32 v13, v10;
	[tilespmem:s9+$0x430] =	vst v11  }
0x54c: {  	[tilespmem:s6+$0x440] =	vst v12;
	v11 =	vld [tilespmem:s21+$0x260]  }
0x54d: {  	[tilespmem:s6+$0x450] =	vst v10;
	v32 =	vld [tilespmem:s26+$0xDA60]  }
0x54e: {  	v10 =	vld [tilespmem:s25+$0x270]  }
0x54f: {  	v33 =	vld [tilespmem:s20+$0xDA70];
	_ =	sdelay $0x2  }
0x550: {  	v34 =	vshll.u32 v11, $0x10;
	v35 =	vshll.u32 v32, $0x10  }
0x551: {  	v11 =	vand.u32 $0xFFFF0000, v11;
	v12 =	vand.u32 $0xFFFF0000, v32;
	v14 =	vadd.f32 v35, v34  }
0x552: {  	v36 =	vshll.u32 v10, $0x10;
	v37 =	vshll.u32 v33, $0x10;
	v11 =	vadd.f32 v12, v11  }
0x553: {  	v10 =	vand.u32 $0xFFFF0000, v10;
	v13 =	vand.u32 $0xFFFF0000, v33;
	v12 =	vadd.f32 v37, v36;
	[tilespmem:s9+$0x440] =	vst v14  }
0x554: {  	v10 =	vadd.f32 v13, v10;
	[tilespmem:s9+$0x450] =	vst v11  }
0x555: {  	[tilespmem:s6+$0x460] =	vst v12;
	v11 =	vld [tilespmem:s21+$0x270]  }
0x556: {  	v39 =	vshll.u32 v6, $0x10;
	[tilespmem:s6+$0x470] =	vst v10;
	v38 =	vld [tilespmem:s26+$0xDA70]  }
0x557: {  	v41 =	vand.u32 $0xFFFF0000, v6;
	v7 =	vadd.f32 v39, v7;
	v10 =	vld [tilespmem:s25+$0x280]  }
0x558: {  	v5 =	vadd.f32 v41, v5;
	v40 =	vld [tilespmem:s20+$0xDA80]  }
0x559: {  	[tilespmem:s2+$0x460] =	vst v7  }
0x55a: {  	[tilespmem:s2+$0x470] =	vst v5  }
0x55b: {  	[tilespmem:s13+$0x820] =	vst v8;
	v49 =	vld [tilespmem:s12+$0x280];
	v43 =	vshll.u32 v11, $0x10;
	v44 =	vshll.u32 v38, $0x10  }
0x55c: {  	[tilespmem:s13+$0x830] =	vst v9;
	v52 =	vld [tilespmem:s11+$0xDA80];
	v46 =	vand.u32 $0xFFFF0000, v11;
	v47 =	vand.u32 $0xFFFF0000, v38;
	v6 =	vadd.f32 v44, v43  }
0x55d: {  	v42 =	vld [tilespmem:s31+$0x2A0];
	v50 =	vshll.u32 v10, $0x10;
	v51 =	vshll.u32 v40, $0x10;
	v48 =	vadd.f32 v47, v46  }
0x55e: {  	v45 =	vld [tilespmem:s10+$0xDAA0];
	v10 =	vand.u32 $0xFFFF0000, v10;
	v53 =	vand.u32 $0xFFFF0000, v40;
	v9 =	vadd.f32 v51, v50;
	[tilespmem:s9+$0x460] =	vst v6  }
0x55f: {  	v54 =	vadd.f32 v53, v10;
	[tilespmem:s9+$0x470] =	vst v48  }
0x560: {  	[tilespmem:s6+$0x800] =	vst v9;
	v55 =	vld [tilespmem:s21+$0x280]  }
0x561: {  	v62 =	vshll.u32 v49, $0x10;
	v63 =	vshll.u32 v52, $0x10;
	[tilespmem:s6+$0x810] =	vst v54;
	v58 =	vld [tilespmem:s26+$0xDA80]  }
0x562: {  	v17 =	vand.u32 $0xFFFF0000, v49;
	v18 =	vadd.f32 v63, v62;
	v6 =	vand.u32 $0xFFFF0000, v52;
	v61 =	vld [tilespmem:s25+$0x290]  }
0x563: {  	v8 =	vand.u32 $0xFFFF0000, v42;
	v59 =	vand.u32 $0xFFFF0000, v45;
	v16 =	vld [tilespmem:s20+$0xDA90];
	v5 =	vadd.f32 v6, v17  }
0x564: {  	v56 =	vshll.u32 v42, $0x10;
	v57 =	vshll.u32 v45, $0x10;
	v60 =	vadd.f32 v59, v8;
	[tilespmem:s2+$0x800] =	vst v18  }
0x565: {  	v11 =	vadd.f32 v57, v56;
	[tilespmem:s2+$0x810] =	vst v5  }
0x566: {  	[tilespmem:s13+$0x850] =	vst v60;
	v25 =	vld [tilespmem:s12+$0x290];
	v20 =	vshll.u32 v55, $0x10;
	v21 =	vshll.u32 v58, $0x10  }
0x567: {  	[tilespmem:s13+$0x840] =	vst v11;
	v28 =	vld [tilespmem:s11+$0xDA90];
	v23 =	vand.u32 $0xFFFF0000, v55;
	v9 =	vand.u32 $0xFFFF0000, v58;
	v6 =	vadd.f32 v21, v20  }
0x568: {  	v19 =	vld [tilespmem:s31+$0x2B0];
	v26 =	vshll.u32 v61, $0x10;
	v27 =	vshll.u32 v16, $0x10;
	v24 =	vadd.f32 v9, v23  }
0x569: {  	v22 =	vld [tilespmem:s10+$0xDAB0];
	v8 =	vand.u32 $0xFFFF0000, v61;
	v29 =	vand.u32 $0xFFFF0000, v16;
	v9 =	vadd.f32 v27, v26;
	[tilespmem:s9+$0x800] =	vst v6  }
0x56a: {  	v30 =	vadd.f32 v29, v8;
	[tilespmem:s9+$0x810] =	vst v24  }
0x56b: {  	[tilespmem:s6+$0x820] =	vst v9;
	v31 =	vld [tilespmem:s21+$0x290]  }
0x56c: {  	[tilespmem:s6+$0x830] =	vst v30;
	v38 =	vshll.u32 v25, $0x10;
	v39 =	vshll.u32 v28, $0x10;
	v34 =	vld [tilespmem:s26+$0xDA90]  }
0x56d: {  	v41 =	vand.u32 $0xFFFF0000, v25;
	v6 =	vand.u32 $0xFFFF0000, v28;
	v37 =	vld [tilespmem:s25+$0x2A0];
	v42 =	vadd.f32 v39, v38  }
0x56e: {  	v32 =	vshll.u32 v19, $0x10;
	v33 =	vshll.u32 v22, $0x10;
	v40 =	vld [tilespmem:s20+$0xDAA0];
	v5 =	vadd.f32 v6, v41  }
0x56f: {  	v11 =	vand.u32 $0xFFFF0000, v19;
	v35 =	vand.u32 $0xFFFF0000, v22;
	v10 =	vadd.f32 v33, v32;
	[tilespmem:s2+$0x820] =	vst v42  }
0x570: {  	v36 =	vadd.f32 v35, v11;
	[tilespmem:s2+$0x830] =	vst v5  }
0x571: {  	[tilespmem:s13+$0x860] =	vst v10;
	v50 =	vld [tilespmem:s12+$0x2A0];
	v44 =	vshll.u32 v31, $0x10;
	v45 =	vshll.u32 v34, $0x10  }
0x572: {  	[tilespmem:s13+$0x870] =	vst v36;
	v53 =	vld [tilespmem:s11+$0xDAA0];
	v47 =	vand.u32 $0xFFFF0000, v31;
	v48 =	vand.u32 $0xFFFF0000, v34;
	v6 =	vadd.f32 v45, v44  }
0x573: {  	v43 =	vld [tilespmem:s31+$0x2C0];
	v51 =	vshll.u32 v37, $0x10;
	v52 =	vshll.u32 v40, $0x10;
	v49 =	vadd.f32 v48, v47  }
0x574: {  	v46 =	vld [tilespmem:s10+$0xDAC0];
	v54 =	vand.u32 $0xFFFF0000, v37;
	v55 =	vand.u32 $0xFFFF0000, v40;
	v8 =	vadd.f32 v52, v51;
	[tilespmem:s9+$0x820] =	vst v6  }
0x575: {  	v56 =	vadd.f32 v55, v54;
	s3 =	rddreg [dreg:$0x4];
	[tilespmem:s9+$0x830] =	vst v49  }
0x576: {  	v57 =	vld [tilespmem:s21+$0x2A0];
	s0 =	sld [smem:$0x7DD];
	[tilespmem:s6+$0x840] =	vst v8  }
0x577: {  	v16 =	vshll.u32 v50, $0x10;
	v17 =	vshll.u32 v53, $0x10;
	s3 =	sadd.s32 $0x2, s3;
	v60 =	vld [tilespmem:s26+$0xDAA0];
	[tilespmem:s6+$0x850] =	vst v56  }
0x578: {  	v19 =	vand.u32 $0xFFFF0000, v50;
	v6 =	vand.u32 $0xFFFF0000, v53;
	v20 =	vadd.f32 v17, v16;
	s18 =	sand.u32 $0x7, s3;
	v63 =	vld [tilespmem:s25+$0x2B0]  }
0x579: {  	s13 =	smov.u32 s4;
	v58 =	vshll.u32 v43, $0x10;
	v59 =	vshll.u32 v46, $0x10;
	v5 =	vadd.f32 v6, v19;
	v18 =	vld [tilespmem:s20+$0xDAB0];
	s4 =	sshll.u32 s18, $0x7;
	s0 =	sadd.s32 $0x400, s0  }
0x57a: {  	v10 =	vand.u32 $0xFFFF0000, v43;
	v61 =	vand.u32 $0xFFFF0000, v46;
	v11 =	vadd.f32 v59, v58;
	[tilespmem:s2+$0x840] =	vst v20;
	s4 =	sadd.s32 s4, s0  }
0x57b: {  	v62 =	vadd.f32 v61, v10;
	[tilespmem:s2+$0x850] =	vst v5;
	s5 =	sor.u32 $0xC00, s4  }
0x57c: {  	v27 =	vld [tilespmem:s12+$0x2B0];
	s19 =	sor.u32 $0xC10, s4;
	v22 =	vshll.u32 v57, $0x10;
	v23 =	vshll.u32 v60, $0x10;
	[tilespmem:s5+$0x1D200] =	vst v11  }
0x57d: {  	v30 =	vld [tilespmem:s11+$0xDAB0];
	v25 =	vand.u32 $0xFFFF0000, v57;
	v8 =	vand.u32 $0xFFFF0000, v60;
	v6 =	vadd.f32 v23, v22;
	[tilespmem:s19+$0x1D200] =	vst v62  }
0x57e: {  	v26 =	vadd.f32 v8, v25;
	v28 =	vshll.u32 v63, $0x10;
	v29 =	vshll.u32 v18, $0x10;
	v21 =	vld [tilespmem:s31+$0x2D0]  }
0x57f: {  	v31 =	vand.u32 $0xFFFF0000, v63;
	v32 =	vand.u32 $0xFFFF0000, v18;
	v8 =	vadd.f32 v29, v28;
	v24 =	vld [tilespmem:s10+$0xDAD0];
	[tilespmem:s9+$0x840] =	vst v6  }
0x580: {  	v33 =	vadd.f32 v32, v31;
	[tilespmem:s9+$0x850] =	vst v26  }
0x581: {  	v34 =	vld [tilespmem:s21+$0x2B0];
	[tilespmem:s6+$0x860] =	vst v8  }
0x582: {  	v37 =	vld [tilespmem:s26+$0xDAB0];
	[tilespmem:s6+$0x870] =	vst v33  }
0x583: {  	v7 =	vand.u32 $0xFFFF0000, v27;
	v6 =	vand.u32 $0xFFFF0000, v30;
	v40 =	vld [tilespmem:s25+$0x2C0]  }
0x584: {  	v6 =	vadd.f32 v6, v7;
	v43 =	vld [tilespmem:s20+$0xDAC0];
	v35 =	vshll.u32 v21, $0x10;
	v36 =	vshll.u32 v24, $0x10  }
0x585: {  	[tilespmem:s28+$0x1D200] =	vst v1;
	v11 =	vand.u32 $0xFFFF0000, v21;
	v39 =	vand.u32 $0xFFFF0000, v24;
	v10 =	vadd.f32 v36, v35  }
0x586: {  	s18 =	sor.u32 $0xC20, s4;
	v41 =	vshll.u32 v27, $0x10;
	v42 =	vshll.u32 v30, $0x10;
	[tilespmem:s2+$0x870] =	vst v6;
	v11 =	vadd.f32 v39, v11  }
0x587: {  	v38 =	vld [tilespmem:s1+$0x2C0];
	s3 =	sadd.s32 $0x2, s3;
	s19 =	sor.u32 $0xC30, s4;
	v46 =	vshll.u32 v34, $0x10;
	v47 =	vshll.u32 v37, $0x10;
	[tilespmem:s18+$0x1D200] =	vst v10;
	v10 =	vadd.f32 v42, v41  }
0x588: {  	v44 =	vld [tilespmem:s14+$0xDAC0];
	s6 =	sand.u32 $0x7, s3;
	v9 =	vand.u32 $0xFFFF0000, v34;
	v8 =	vand.u32 $0xFFFF0000, v37;
	v7 =	vadd.f32 v47, v46;
	[tilespmem:s19+$0x1D200] =	vst v11  }
0x589: {  	v48 =	vadd.f32 v8, v9;
	v50 =	vshll.u32 v40, $0x10;
	v51 =	vshll.u32 v43, $0x10;
	s18 =	sadd.s32 $0x400, s0;
	v45 =	vld [tilespmem:s31+$0x2E0];
	[tilespmem:s2+$0x860] =	vst v10;
	s2 =	sshll.u32 s6, $0x7  }
0x58a: {  	v54 =	vand.u32 $0xFFFF0000, v40;
	v55 =	vand.u32 $0xFFFF0000, v43;
	v53 =	vadd.f32 v51, v50;
	[tilespmem:s9+$0x860] =	vst v7;
	v16 =	vld [tilespmem:s10+$0xDAE0];
	s2 =	sadd.s32 s2, s18  }
0x58b: {  	v9 =	vadd.f32 v55, v54;
	[tilespmem:s9+$0x870] =	vst v48;
	s3 =	sor.u32 $0xC00, s2  }
0x58c: {  	s19 =	sor.u32 $0xC10, s2;
	[tilespmem:s3+$0x1D200] =	vst v53  }
0x58d: {  	[tilespmem:s19+$0x1D200] =	vst v9  }
0x58e: {  	v56 =	vshll.u32 v38, $0x10;
	v57 =	vshll.u32 v44, $0x10;
	s28 =	sld [smem:$0x7D3]  }
0x58f: {  	v1 =	vadd.f32 v57, v56;
	v49 =	vld [tilespmem:s12+$0x2C0];
	v59 =	vshll.u32 v45, $0x10;
	v60 =	vshll.u32 v16, $0x10  }
0x590: {  	v52 =	vld [tilespmem:s11+$0xDAC0];
	v62 =	vand.u32 $0xFFFF0000, v45;
	v63 =	vand.u32 $0xFFFF0000, v16;
	v7 =	vadd.f32 v60, v59  }
0x591: {  	v17 =	vand.u32 $0xFFFF0000, v44;
	s0 =	sor.u32 $0xC40, s4;
	v16 =	vand.u32 $0xFFFF0000, v38;
	v9 =	vadd.f32 v63, v62;
	[tilespmem:s28+$0x1D200] =	vst v1  }
0x592: {  	s5 =	sor.u32 $0xC50, s4;
	[tilespmem:s0+$0x1D200] =	vst v7;
	v1 =	vadd.f32 v17, v16  }
0x593: {  	[tilespmem:s5+$0x1D200] =	vst v9  }
0x594: {  	[tilespmem:s23+$0x1D200] =	vst v1  }
0x595: {  	v19 =	vshll.u32 v49, $0x10;
	v20 =	vshll.u32 v52, $0x10;
	s0 =	sld [smem:$0x7D4]  }
0x596: {  	v5 =	vadd.f32 v20, v19  }
0x597: {  	v58 =	vld [tilespmem:s21+$0x2C0]  }
0x598: {  	v61 =	vld [tilespmem:s26+$0xDAC0];
	[tilespmem:s0+$0x1D200] =	vst v5  }
0x599: {  	v8 =	vand.u32 $0xFFFF0000, v49;
	v6 =	vand.u32 $0xFFFF0000, v52;
	s0 =	sld [smem:$0x7D5]  }
0x59a: {  	v6 =	vadd.f32 v6, v8;
	_ =	sdelay $0x1  }
0x59b: {  	v18 =	vld [tilespmem:s25+$0x2D0];
	[tilespmem:s0+$0x1D200] =	vst v6  }
0x59c: {  	v21 =	vld [tilespmem:s20+$0xDAD0];
	v23 =	vshll.u32 v58, $0x10;
	v24 =	vshll.u32 v61, $0x10;
	s0 =	sld [smem:$0x7D8]  }
0x59d: {  	v7 =	vadd.f32 v24, v23;
	_ =	sdelay $0x1  }
0x59e: {  	[tilespmem:s0+$0x1D200] =	vst v7  }
0x59f: {  	v26 =	vand.u32 $0xFFFF0000, v58;
	v27 =	vand.u32 $0xFFFF0000, v61;
	s0 =	sld [smem:$0x7D9]  }
0x5a0: {  	v29 =	vadd.f32 v27, v26;
	v31 =	vshll.u32 v18, $0x10;
	v32 =	vshll.u32 v21, $0x10  }
0x5a1: {  	v9 =	vadd.f32 v32, v31  }
0x5a2: {  	s6 =	sor.u32 $0xC20, s2;
	v34 =	vand.u32 $0xFFFF0000, v18;
	v35 =	vand.u32 $0xFFFF0000, v21;
	[tilespmem:s0+$0x1D200] =	vst v29  }
0x5a3: {  	v10 =	vadd.f32 v35, v34;
	s3 =	rddreg [dreg:$0x14];
	[tilespmem:s6+$0x1D200] =	vst v9  }
0x5a4: {  	s9 =	sor.u32 $0xC30, s2;
	[tilespmem:s3+$0x1D200] =	vst v0  }
0x5a5: {  	[tilespmem:s9+$0x1D200] =	vst v10  }
0x5a6: {  	v36 =	vshll.u32 v4, $0x10;
	v25 =	vld [tilespmem:s1+$0x2D0];
	s0 =	sld [smem:$0x7D0]  }
0x5a7: {  	v28 =	vld [tilespmem:s14+$0xDAD0];
	v0 =	vadd.f32 v36, v3;
	_ =	sdelay $0x1  }
0x5a8: {  	[tilespmem:s0+$0x1D200] =	vst v0  }
0x5a9: {  	v38 =	vand.u32 $0xFFFF0000, v4;
	s0 =	sld [smem:$0x7D1]  }
0x5aa: {  	v2 =	vadd.f32 v38, v2  }
0x5ab: {  	v41 =	vshll.u32 v25, $0x10;
	v42 =	vshll.u32 v28, $0x10;
	v30 =	vld [tilespmem:s12+$0x2D0]  }
0x5ac: {  	v4 =	vadd.f32 v42, v41;
	v33 =	vld [tilespmem:s11+$0xDAD0];
	[tilespmem:s0+$0x1D200] =	vst v2  }
0x5ad: {  	v43 =	vand.u32 $0xFFFF0000, v25;
	v44 =	vand.u32 $0xFFFF0000, v28;
	s0 =	rddreg [dreg:$0x1d]  }
0x5ae: {  	v0 =	vadd.f32 v44, v43;
	[tilespmem:s0+$0x1D200] =	vst v4  }
0x5af: {  	s0 =	rddreg [dreg:$0x1b]  }
0x5b0: {  	s3 =	rddreg [dreg:$0x18];
	[tilespmem:s0+$0x1D200] =	vst v0  }
0x5b1: {  	v46 =	vshll.u32 v30, $0x10;
	v47 =	vshll.u32 v33, $0x10;
	s0 =	sld [smem:$0x7D6]  }
0x5b2: {  	v22 =	vld [tilespmem:s31+$0x2F0];
	v2 =	vadd.f32 v47, v46  }
0x5b3: {  	v37 =	vld [tilespmem:s21+$0x2D0]  }
0x5b4: {  	v39 =	vld [tilespmem:s26+$0xDAD0];
	[tilespmem:s0+$0x1D200] =	vst v2  }
0x5b5: {  	v40 =	vld [tilespmem:s10+$0xDAF0];
	v50 =	vand.u32 $0xFFFF0000, v30;
	v51 =	vand.u32 $0xFFFF0000, v33;
	s0 =	sld [smem:$0x7D7]  }
0x5b6: {  	v53 =	vadd.f32 v51, v50;
	v45 =	vld [tilespmem:s25+$0x2E0]  }
0x5b7: {  	v48 =	vld [tilespmem:s20+$0xDAE0]  }
0x5b8: {  	[tilespmem:s0+$0x1D200] =	vst v53  }
0x5b9: {  	v54 =	vshll.u32 v37, $0x10;
	v55 =	vshll.u32 v39, $0x10;
	s0 =	sld [smem:$0x7DA]  }
0x5ba: {  	v49 =	vld [tilespmem:s30+$0x2F0];
	v4 =	vadd.f32 v55, v54  }
0x5bb: {  	v58 =	vshll.u32 v22, $0x10;
	v59 =	vshll.u32 v40, $0x10;
	v52 =	vld [tilespmem:s3+$0xDAF0]  }
0x5bc: {  	v61 =	vshll.u32 v45, $0x10;
	v62 =	vshll.u32 v48, $0x10;
	v0 =	vadd.f32 v59, v58;
	v56 =	vld [tilespmem:s1+$0x2E0];
	[tilespmem:s0+$0x1D200] =	vst v4  }
0x5bd: {  	s10 =	sor.u32 $0xC60, s4;
	v57 =	vand.u32 $0xFFFF0000, v37;
	v3 =	vand.u32 $0xFFFF0000, v39;
	v13 =	vadd.f32 v62, v61;
	v60 =	vld [tilespmem:s14+$0xDAE0];
	s0 =	sld [smem:$0x7DB]  }
0x5be: {  	s18 =	sor.u32 $0xC40, s2;
	v3 =	vadd.f32 v3, v57;
	v14 =	vand.u32 $0xFFFF0000, v45;
	v15 =	vand.u32 $0xFFFF0000, v48;
	[tilespmem:s10+$0x1D200] =	vst v0  }
0x5bf: {  	v17 =	vand.u32 $0xFFFF0000, v22;
	v18 =	vand.u32 $0xFFFF0000, v40;
	v63 =	vld [tilespmem:s12+$0x2E0];
	v4 =	vadd.f32 v15, v14;
	[tilespmem:s18+$0x1D200] =	vst v13  }
0x5c0: {  	s19 =	sor.u32 $0xC50, s2;
	v20 =	vshll.u32 v49, $0x10;
	v21 =	vshll.u32 v52, $0x10;
	v16 =	vld [tilespmem:s11+$0xDAE0];
	v0 =	vadd.f32 v18, v17;
	[tilespmem:s0+$0x1D200] =	vst v3  }
0x5c1: {  	s23 =	sor.u32 $0xC70, s4;
	[tilespmem:s19+$0x1D200] =	vst v4;
	v3 =	vadd.f32 v21, v20;
	v19 =	vld [tilespmem:s21+$0x2E0]  }
0x5c2: {  	v23 =	vshll.u32 v56, $0x10;
	v24 =	vshll.u32 v60, $0x10;
	[tilespmem:s23+$0x1D200] =	vst v0;
	v22 =	vld [tilespmem:s26+$0xDAE0]  }
0x5c3: {  	v4 =	vadd.f32 v24, v23;
	[tilespmem:s24+$0x1D200] =	vst v3  }
0x5c4: {  	v2 =	vand.u32 $0xFFFF0000, v56;
	v26 =	vand.u32 $0xFFFF0000, v60;
	v25 =	vld [tilespmem:s25+$0x2F0];
	s0 =	rddreg [dreg:$0xe]  }
0x5c5: {  	v2 =	vadd.f32 v26, v2;
	v27 =	vld [tilespmem:s20+$0xDAF0];
	[tilespmem:s0+$0x1D200] =	vst v4  }
0x5c6: {  	v30 =	vld [tilespmem:s7+$0x2F0];
	v28 =	vshll.u32 v63, $0x10;
	v29 =	vshll.u32 v16, $0x10;
	s0 =	rddreg [dreg:$0x12]  }
0x5c7: {  	v33 =	vld [tilespmem:s8+$0xDAF0];
	v32 =	vadd.f32 v29, v28;
	[tilespmem:s0+$0x1D200] =	vst v2;
	v35 =	vshll.u32 v19, $0x10;
	v36 =	vshll.u32 v22, $0x10  }
0x5c8: {  	v39 =	vand.u32 $0xFFFF0000, v49;
	v5 =	vand.u32 $0xFFFF0000, v52;
	s0 =	rddreg [dreg:$0x17];
	v4 =	vadd.f32 v36, v35  }
0x5c9: {  	v31 =	vand.u32 $0xFFFF0000, v63;
	v7 =	vand.u32 $0xFFFF0000, v16;
	v2 =	vadd.f32 v5, v39;
	[tilespmem:s0+$0x1D200] =	vst v32  }
0x5ca: {  	v34 =	vadd.f32 v7, v31;
	v41 =	vshll.u32 v25, $0x10;
	v42 =	vshll.u32 v27, $0x10;
	v37 =	vld [tilespmem:s1+$0x2F0];
	s0 =	rddreg [dreg:$0x10];
	[tilespmem:s22+$0x1D200] =	vst v4  }
0x5cb: {  	v43 =	vadd.f32 v42, v41;
	v6 =	vand.u32 $0xFFFF0000, v19;
	v1 =	vand.u32 $0xFFFF0000, v22;
	v38 =	vld [tilespmem:s14+$0xDAF0];
	[tilespmem:s17+$0x1D200] =	vst v2  }
0x5cc: {  	v44 =	vshll.u32 v30, $0x10;
	v45 =	vshll.u32 v33, $0x10;
	s25 =	sor.u32 $0xC60, s2;
	v1 =	vadd.f32 v1, v6;
	[tilespmem:s0+$0x1D200] =	vst v34  }
0x5cd: {  	v0 =	vand.u32 $0xFFFF0000, v25;
	v3 =	vand.u32 $0xFFFF0000, v27;
	[tilespmem:s25+$0x1D200] =	vst v43;
	v2 =	vadd.f32 v45, v44;
	v40 =	vld [tilespmem:s12+$0x2F0]  }
0x5ce: {  	v48 =	vand.u32 $0xFFFF0000, v30;
	v9 =	vand.u32 $0xFFFF0000, v33;
	v0 =	vadd.f32 v3, v0;
	[tilespmem:s29+$0x1D200] =	vst v1;
	v8 =	vld [tilespmem:s11+$0xDAF0]  }
0x5cf: {  	v49 =	vadd.f32 v9, v48;
	v47 =	vld [tilespmem:s26+$0xDAF0];
	s26 =	sor.u32 $0xC70, s2;
	[tilespmem:s15+$0x1D200] =	vst v2  }
0x5d0: {  	[tilespmem:s26+$0x1D200] =	vst v0;
	v50 =	vshll.u32 v37, $0x10;
	v51 =	vshll.u32 v38, $0x10  }
0x5d1: {  	[tilespmem:s16+$0x1D200] =	vst v49;
	v4 =	vadd.f32 v51, v50  }
0x5d2: {  	v52 =	vand.u32 $0xFFFF0000, v37;
	v7 =	vand.u32 $0xFFFF0000, v38;
	s0 =	rddreg [dreg:$0x9]  }
0x5d3: {  	v53 =	vadd.f32 v7, v52;
	[tilespmem:s0+$0x1D200] =	vst v4  }
0x5d4: {  	v54 =	vshll.u32 v40, $0x10;
	v55 =	vshll.u32 v8, $0x10;
	s0 =	rddreg [dreg:$0x7]  }
0x5d5: {  	v46 =	vld [tilespmem:s21+$0x2F0];
	v2 =	vadd.f32 v55, v54;
	[tilespmem:s0+$0x1D200] =	vst v53  }
0x5d6: {  	v56 =	vand.u32 $0xFFFF0000, v40;
	v57 =	vand.u32 $0xFFFF0000, v8;
	s0 =	rddreg [dreg:$0xc]  }
0x5d7: {  	v58 =	vadd.f32 v57, v56;
	[tilespmem:s0+$0x1D200] =	vst v2  }
0x5d8: {  	s0 =	rddreg [dreg:$0xa]  }
0x5d9: {  	[tilespmem:s0+$0x1D200] =	vst v58  }
0x5da: {  	v59 =	vshll.u32 v46, $0x10;
	v60 =	vshll.u32 v47, $0x10;
	s0 =	sld [smem:$0x7DC]  }
0x5db: {  	v61 =	vand.u32 $0xFFFF0000, v46;
	v1 =	vand.u32 $0xFFFF0000, v47;
	v62 =	vadd.f32 v60, v59  }
0x5dc: {  	v63 =	vadd.f32 v1, v61  }
0x5dd: {  	[tilespmem:s0+$0x1D200] =	vst v62  }
0x5de: {  	s0 =	sld [smem:$0x7CD];
	[tilespmem:s13+$0x1D200] =	vst v63  }
0x5df: {  	s28 =	sld [smem:$0x7FA];
	_ =	sdelay $0x1  }
0x5e0: {  	s30 =	simm.s32 $0x1D200;
	s31 =	sld [smem:$0x7F6];
	s0 =	sshll.u32 s0, $0xF  }
0x5e1: {  	s29 =	simm.s32 $0x0;
	s5 =	sld [smem:$0x7FD];
	s0 =	sadd.s32 s0, s28  }
0x5e2: {  	[hbm4b:s0+s29] =	stream.linear.scatter [tilespmem:s30], [sflag:$0x4], $0x2000, $0x38;
	[tilespmem:$0x1F200] =	vst v63  }
.Ltmp8:
0x5e3: {  	s1 =	sld [smem:$0x7F8];
	s0 =	sadd.s32 $0x3, s31;
	(pc) =	sbr.rel .LBB2_10-.Ltmp8, $4  }
0x5e4: {  	p0 =	sge.u32 s0, s5  }
0x5e5: {  	s3 =	sld [smem:$0x7F5];
	s0 =	sshll.u32 @!p0 s0, $0xA  }
0x5e6: {  	s2 =	simm.s32 @!p0 $0x100;
	s0 =	sadd.s32 @!p0 s0, s1;
	s1 =	simm.s32 @!p0 $0x0  }
0x5e7: {  	[tilespmem:s2], [sflag:$0x2] =	stream.linear.gather @!p0 [hbm4b:s0+s1], $0x100, $0x38;
	[tilespmem:$0x1F200] =	vst v63  }
.LBB2_12:
0x5e8: {  	_ =	sfence.sel $0x180000  }
0x5e9: {  	[bflag:$0x0] =	sbarrier.arrive $0xFFFF  }
0x5ea: {  	_ =	strace $0x90000047  }
0x5eb: {  	s0 =	stileid.u32;
	[bflag:$0x2] =	sbarrier.arrive $0xFFFF  }
0x5ec: {  	p0 =	sne.s32 s0, $0x0;
	s0 =	rddreg [dreg:$0x2]  }
0x5ed: {  	s0 =	sadd.s32 @!p0 $0x100000, s0  }
0x5ee: {  	[sflag:s0] =	ssyncadd.tile.s32 @!p0 $0x1;
	_ =	shalt  }
.Lfunc_end2:
_tile_overlayer_lowered:
.L_overlay_start_2:
0x5ef: {  	(tag) =	ssettag $0x2  }
0x5f0: {  	s0 =	rddreg [dreg:$0x0];
	s2 =	stileid.u32  }
0x5f1: {  	s1 =	rddreg [dreg:$0x1];
	p0 =	sne.s32 s2, $0x0  }
0x5f2: {  	s3 =	rddreg [dreg:$0x2];
	[bflag:$0x3] =	sbarrier.arrive $0xFFFF;
	s2 =	simm.s32 @!p0 $0x1C05  }
0x5f3: {  	[timem:s3], [sflag:s2] =	dma.local @!p0 [hbm:s0], s1  }
0x5f4: {  	s0 =	simm.s32 @!p0 $0x5  }
0x5f5: {  	_ =	swait.ge @!p0 [sflag:s0], s1  }
0x5f6: {  	s1 =	ssub.s32 @!p0 $0x0, s1;
	[sflag:s0] =	ssyncset.done @!p0 $0x0  }
0x5f7: {  	[sflag:s0] =	ssyncadd.s32 @!p0 s1  }
0x5f8: {  	[bflag:$0x3] =	sbarrier.arrive $0xFFFF  }
0x5f9: {  	_ =	shalt  }

</sc_bundles>
